<compile_context>
chip_gen: v7x
topology: tpu7x:2x2x1
jax: 0.10.2.dev20260603
libtpu: 0.0.44.dev20260713+nightly
codegen_flags: <defaults>
</compile_context>

<pallas_src>
import functools
import math

import jax
import jax.numpy as jnp
import numpy as np
from jax import lax
from jax.experimental import pallas as pl
from jax.experimental.pallas import tpu as pltpu
from jax.experimental.pallas import tpu_sc as plsc

NC = 2
NS = 16
NW = NC * NS
LANES = 16
CHUNK = 64
LOG2 = math.log(2.0)
AVG_DEG = 32.0
BE = 1024
BN = 1000


def _ssp(x):
    return jnp.maximum(x, 0.0) + jnp.log(1.0 + jnp.exp(-jnp.abs(x))) - LOG2



def _edge_w_body(es_ref, ea_ref, w1_ref, w2_ref, out_ref):
    h = jnp.dot(es_ref[...], w1_ref[...], preferred_element_type=jnp.float32)
    hb = h.astype(jnp.bfloat16)
    sspb = (jnp.maximum(hb, jnp.bfloat16(0.0))
            + jnp.log(jnp.bfloat16(1.0) + jnp.exp(-jnp.abs(hb)))
            - jnp.bfloat16(LOG2))
    w = jnp.dot(sspb, w2_ref[...].astype(jnp.bfloat16),
                preferred_element_type=jnp.float32)
    w = w * ea_ref[...]
    D = w.shape[1]
    lo = lax.bitcast_convert_type(w[:, :D // 2].astype(jnp.bfloat16),
                                  jnp.uint16).astype(jnp.int32)
    hi = lax.bitcast_convert_type(w[:, D // 2:].astype(jnp.bfloat16),
                                  jnp.uint16).astype(jnp.int32)
    out_ref[...] = lo | (hi << 16)


def _edge_w(es, ea, W1, W2):
    E_pad, DE = es.shape
    H, D = W2.shape
    return pl.pallas_call(
        _edge_w_body,
        grid=(E_pad // BE,),
        in_specs=[
            pl.BlockSpec((BE, DE), lambda e: (e, 0)),
            pl.BlockSpec((BE, 1), lambda e: (e, 0)),
            pl.BlockSpec((DE, H), lambda e: (0, 0)),
            pl.BlockSpec((H, D), lambda e: (0, 0)),
        ],
        out_specs=pl.BlockSpec((BE, D // 2), lambda e: (e, 0)),
        out_shape=jax.ShapeDtypeStruct((E_pad, D // 2), jnp.int32),
    )(es, ea, W1, W2)



def _node_mm_body(x_ref, attr_ref, wsc_ref, wl1_ref, sc_ref, feat_ref):
    y = x_ref[...] * attr_ref[...]
    sc_ref[...] = jnp.dot(y, wsc_ref[...], preferred_element_type=jnp.float32)
    feat_ref[...] = jnp.dot(y, wl1_ref[...], preferred_element_type=jnp.float32)


def _node_mm(x, attr, Wsc, Wl1):
    N, D = x.shape
    return pl.pallas_call(
        _node_mm_body,
        grid=(N // BN,),
        in_specs=[
            pl.BlockSpec((BN, D), lambda n: (n, 0)),
            pl.BlockSpec((BN, 1), lambda n: (n, 0)),
            pl.BlockSpec((D, D), lambda n: (0, 0)),
            pl.BlockSpec((D, D), lambda n: (0, 0)),
        ],
        out_specs=[
            pl.BlockSpec((BN, D), lambda n: (n, 0)),
            pl.BlockSpec((BN, D), lambda n: (n, 0)),
        ],
        out_shape=[
            jax.ShapeDtypeStruct((N, D), jnp.float32),
            jax.ShapeDtypeStruct((N, D), jnp.float32),
        ],
    )(x, attr, Wsc, Wl1)



def _update_body(p_ref, sc_ref, attr_ref, wl2_ref, x_ref):
    agg = (p_ref[0] + p_ref[1]) * (1.0 / math.sqrt(AVG_DEG))
    conv = jnp.dot(agg * attr_ref[...], wl2_ref[...],
                   preferred_element_type=jnp.float32)
    x_ref[...] = _ssp(sc_ref[...] + conv)


def _update(parts, sc, attr, Wl2):
    N, D = sc.shape
    return pl.pallas_call(
        _update_body,
        grid=(N // BN,),
        in_specs=[
            pl.BlockSpec((NC, BN, D), lambda n: (0, n, 0)),
            pl.BlockSpec((BN, D), lambda n: (n, 0)),
            pl.BlockSpec((BN, 1), lambda n: (n, 0)),
            pl.BlockSpec((D, D), lambda n: (0, 0)),
        ],
        out_specs=pl.BlockSpec((BN, D), lambda n: (n, 0)),
        out_shape=jax.ShapeDtypeStruct((N, D), jnp.float32),
    )(parts, sc, attr, Wl2)



def _sc_gather_scatter(feat, w_e, src, dst, zeros):
    N, D = feat.shape
    E_pad = src.shape[0]
    N_pad = zeros.shape[0]
    EPW = E_pad // NW
    n_chunks = EPW // CHUNK
    RPS = N_pad // NS
    mesh = plsc.VectorSubcoreMesh(core_axis_name="c", subcore_axis_name="s")

    @functools.partial(
        pl.kernel,
        out_type=jax.ShapeDtypeStruct((NC, N_pad, D), jnp.float32),
        mesh=mesh,
        scratch_types=[
            pltpu.VMEM_SHARED((N_pad, D), jnp.float32),
            pltpu.VMEM((CHUNK,), jnp.int32),
            pltpu.VMEM((CHUNK,), jnp.int32),
            pltpu.VMEM((CHUNK,), jnp.int32),
            pltpu.VMEM((CHUNK,), jnp.int32),
            pltpu.VMEM((CHUNK, D), jnp.float32),
            pltpu.VMEM((CHUNK, D), jnp.float32),
            pltpu.VMEM((CHUNK, D // 2), jnp.int32),
            pltpu.VMEM((CHUNK, D // 2), jnp.int32),
            pltpu.VMEM((CHUNK, D), jnp.float32),
            pltpu.VMEM((CHUNK, D), jnp.float32),
            pltpu.SemaphoreType.DMA,
            pltpu.SemaphoreType.DMA,
            pltpu.SemaphoreType.DMA,
            pltpu.SemaphoreType.DMA,
            pltpu.SemaphoreType.DMA,
            pltpu.SemaphoreType.DMA,
            pltpu.SemaphoreType.DMA,
            pltpu.SemaphoreType.DMA,
        ],
    )
    def k(feat_hbm, w_hbm, src_hbm, dst_hbm, zeros_hbm, out_hbm,
          acc_sh, si0, si1, di0, di1, rows0, rows1, w0, w1, p0, p1,
          i0, i1, d0, d1, g0, g1, s0, s1):
        c = lax.axis_index("c")
        s = lax.axis_index("s")
        wid = s * NC + c
        pltpu.sync_copy(zeros_hbm.at[pl.ds(s * RPS, RPS)],
                        acc_sh.at[pl.ds(s * RPS, RPS)])
        plsc.subcore_barrier()
        base0 = wid * EPW

        SI = (si0, si1)
        DI = (di0, di1)
        ROWS = (rows0, rows1)
        W = (w0, w1)
        P = (p0, p1)
        ISEM = (i0, i1)
        DSEM = (d0, d1)
        GSEM = (g0, g1)
        SSEM = (s0, s1)

        def issue_si(kk, b):
            pltpu.async_copy(src_hbm.at[pl.ds(base0 + kk * CHUNK, CHUNK)],
                             SI[b], ISEM[b])

        def wait_si(b):
            pltpu.make_async_copy(src_hbm.at[pl.ds(0, CHUNK)], SI[b],
                                  ISEM[b]).wait()

        def issue_di(kk, b):
            pltpu.async_copy(dst_hbm.at[pl.ds(base0 + kk * CHUNK, CHUNK)],
                             DI[b], DSEM[b])

        def wait_di(b):
            pltpu.make_async_copy(dst_hbm.at[pl.ds(0, CHUNK)], DI[b],
                                  DSEM[b]).wait()

        def issue_gather(kk, b):
            pltpu.async_copy(feat_hbm.at[SI[b]], ROWS[b], GSEM[b])
            pltpu.async_copy(w_hbm.at[pl.ds(base0 + kk * CHUNK, CHUNK)],
                             W[b], GSEM[b])

        def wait_gather(b):
            pltpu.make_async_copy(feat_hbm.at[pl.ds(0, CHUNK)], ROWS[b],
                                  GSEM[b]).wait()
            pltpu.make_async_copy(w_hbm.at[pl.ds(0, CHUNK)], W[b],
                                  GSEM[b]).wait()

        def issue_scatter(b):
            pltpu.async_copy(P[b], acc_sh.at[DI[b]], SSEM[b], add=True)

        def wait_scatter(b):
            pltpu.make_async_copy(P[b], acc_sh.at[DI[b]], SSEM[b]).wait()

        def mul(b):
            rows_b, w_b, p_b = ROWS[b], W[b], P[b]

            @plsc.parallel_loop(0, CHUNK, unroll=4)
            def row_body(r):
                for g in range(D // (2 * LANES)):
                    wv = w_b[r, pl.ds(g * LANES, LANES)]
                    wa = lax.bitcast_convert_type(wv << 16, jnp.float32)
                    wb = lax.bitcast_convert_type(wv & jnp.int32(-65536),
                                                  jnp.float32)
                    sla = pl.ds(g * 2 * LANES, LANES)
                    slb = pl.ds(g * 2 * LANES + LANES, LANES)
                    p_b[r, sla] = rows_b[r, sla] * wa
                    p_b[r, slb] = rows_b[r, slb] * wb

        pltpu.sync_copy(src_hbm.at[pl.ds(base0, CHUNK)], si0)
        pltpu.sync_copy(src_hbm.at[pl.ds(base0 + CHUNK, CHUNK)], si1)
        issue_di(0, 0)
        issue_di(1, 1)
        issue_gather(0, 0)

        def pair_body(t, carry):
            for b in (0, 1):
                kk = 2 * t + b

                @pl.when(kk < n_chunks)
                def _():
                    @pl.when(kk + 1 < n_chunks)
                    def _():
                        issue_gather(kk + 1, 1 - b)

                    @pl.when(kk + 2 < n_chunks)
                    def _():
                        issue_si(kk + 2, b)

                    wait_gather(b)

                    @pl.when(kk >= 2)
                    def _():
                        wait_scatter(b)
                        issue_di(kk, b)

                    mul(b)
                    wait_di(b)
                    issue_scatter(b)

                    @pl.when(kk + 2 < n_chunks)
                    def _():
                        wait_si(b)

            return carry

        lax.fori_loop(0, (n_chunks + 1) // 2, pair_body, 0)
        wait_scatter((n_chunks - 2) % 2)
        wait_scatter((n_chunks - 1) % 2)
        plsc.subcore_barrier()
        pltpu.sync_copy(acc_sh.at[pl.ds(s * RPS, RPS)],
                        out_hbm.at[c, pl.ds(s * RPS, RPS)])

    return k(feat, w_e, src, dst, zeros)



def kernel(node_input, node_attr, edge_src, edge_dst, edge_attr, edge_scalars,
           W_sc, W_lin1, W_lin2, W_fc1, W_fc2):
    N, D = node_input.shape
    E = edge_src.shape[0]
    L = W_sc.shape[0]
    EPW = ((E + NW - 1) // NW + CHUNK - 1) // CHUNK * CHUNK
    E_pad = EPW * NW
    pe = E_pad - E
    src = jnp.pad(edge_src.astype(jnp.int32), (0, pe))
    dst = jnp.pad(edge_dst.astype(jnp.int32), (0, pe))
    ea = jnp.pad(edge_attr.astype(jnp.float32), ((0, pe), (0, 0)))
    es = jnp.pad(edge_scalars.astype(jnp.float32), ((0, pe), (0, 0)))
    N_pad = (N + 8 * NS - 1) // (8 * NS) * (8 * NS)
    zeros = jnp.zeros((N_pad, D), jnp.float32)

    perm = jnp.asarray(
        np.arange(D).reshape(D // 32, 2, 16).transpose(1, 0, 2).reshape(D))
    w_layers = [_edge_w(es, ea, W_fc1[i], W_fc2[i][:, perm]) for i in range(L)]

    x = node_input.astype(jnp.float32)
    attr = node_attr.astype(jnp.float32)
    for i in range(L):
        sc, feat = _node_mm(x, attr, W_sc[i], W_lin1[i])
        parts = _sc_gather_scatter(feat, w_layers[i], src, dst, zeros)
        x = _update(parts, sc, attr, W_lin2[i])
    return x

# --- scband reference (transcript-rebuilt; emitter-appended) ---
"""Pipeline reference for scband-message-passing-61383672594925 (READ-ONLY COPY).

The authoritative reference and input builder live on the scoring server;
editing this copy changes nothing except your own understanding.
"""

import jax, jax.numpy as jnp
import numpy as np

N = 10000
E = 320000
D = 128
DE = 16
H = 64
L = 3
AVG_DEG = 32.0


def ssp(x):
    # shift_softplus
    return jax.nn.softplus(x) - jnp.log(2.0)


def setup_inputs(seed: int = 0) -> dict:
    key = jax.random.key(seed)
    ks = jax.random.split(key, 12)
    node_input = jax.random.normal(ks[0], (N, D), dtype=jnp.float32)
    node_attr = jnp.ones((N, 1), dtype=jnp.float32)
    edge_src = jax.random.randint(ks[1], (E,), 0, N)
    edge_dst = jax.random.randint(ks[2], (E,), 0, N)
    edge_attr = jax.random.normal(ks[3], (E, 1), dtype=jnp.float32)
    edge_scalars = jax.random.normal(ks[4], (E, DE), dtype=jnp.float32)
    # learned parameters per layer (all-scalar irreps => tensor products reduce to
    # elementwise multiply + linear maps; Gate reduces to scalar activation ssp)
    W_sc = jax.random.normal(ks[5], (L, D, D), dtype=jnp.float32) / jnp.sqrt(float(D))
    W_lin1 = jax.random.normal(ks[6], (L, D, D), dtype=jnp.float32) / jnp.sqrt(float(D))
    W_lin2 = jax.random.normal(ks[7], (L, D, D), dtype=jnp.float32) / jnp.sqrt(float(D))
    W_fc1 = jax.random.normal(ks[8], (L, DE, H), dtype=jnp.float32) / jnp.sqrt(float(DE))
    W_fc2 = jax.random.normal(ks[9], (L, H, D), dtype=jnp.float32) / jnp.sqrt(float(H))
    return {
        "node_input": node_input,
        "node_attr": node_attr,
        "edge_src": edge_src,
        "edge_dst": edge_dst,
        "edge_attr": edge_attr,
        "edge_scalars": edge_scalars,
        "W_sc": W_sc,
        "W_lin1": W_lin1,
        "W_lin2": W_lin2,
        "W_fc1": W_fc1,
        "W_fc2": W_fc2,
    }


def reference(node_input, node_attr, edge_src, edge_dst, edge_attr, edge_scalars,
              W_sc, W_lin1, W_lin2, W_fc1, W_fc2):
    x = node_input
    for i in range(L):
        # self-connection: FullyConnectedTensorProduct(node, node_attr) on scalars
        sc = (x * node_attr) @ W_sc[i]
        # lin1
        feat = (x * node_attr) @ W_lin1[i]
        # per-edge weights from FC on edge_scalars (ssp nonlinearity)
        w = ssp(edge_scalars @ W_fc1[i]) @ W_fc2[i]
        # tensor product with edge_attr (0e): elementwise, weighted; gather by src
        edge_feat = feat[edge_src] * edge_attr * w
        # scatter-add to destination nodes, normalized by sqrt(avg num neighbors)
        agg = jnp.zeros((N, D), dtype=feat.dtype).at[edge_dst].add(edge_feat)
        agg = agg / jnp.sqrt(AVG_DEG)
        # lin2
        conv = (agg * node_attr) @ W_lin2[i]
        # Gate with only scalar irreps => plain ssp activation
        x = ssp(sc + conv)
    return x

if __name__ == "__main__":
    import jax
    _d = setup_inputs()
    print(jax.jit(kernel)(*tuple(_d.values())))

</pallas_src>

<mosaic_0001>
#map = affine_map<(d0, d1) -> (0, 0)>
#map1 = affine_map<(d0, d1) -> (0)>
#map2 = affine_map<(d0, d1) -> (0, 0, 0)>
module attributes {stable_mosaic.version = 14 : i64} {
  func.func @k(%arg0: i32, %arg1: i32, %arg2: memref<10000x128xf32, #tpu.memory_space<hbm>>, %arg3: memref<321536x64xi32, #tpu.memory_space<hbm>>, %arg4: memref<321536xi32, #tpu.memory_space<hbm>>, %arg5: memref<321536xi32, #tpu.memory_space<hbm>>, %arg6: memref<10112x128xf32, #tpu.memory_space<hbm>>, %arg7: memref<2x10112x128xf32, #tpu.memory_space<hbm>>, %arg8: memref<10112x128xf32, #tpu.memory_space<vmem_shared>>, %arg9: memref<64xi32, #tpu.memory_space<vmem>>, %arg10: memref<64xi32, #tpu.memory_space<vmem>>, %arg11: memref<64xi32, #tpu.memory_space<vmem>>, %arg12: memref<64xi32, #tpu.memory_space<vmem>>, %arg13: memref<64x128xf32, #tpu.memory_space<vmem>>, %arg14: memref<64x128xf32, #tpu.memory_space<vmem>>, %arg15: memref<64x64xi32, #tpu.memory_space<vmem>>, %arg16: memref<64x64xi32, #tpu.memory_space<vmem>>, %arg17: memref<64x128xf32, #tpu.memory_space<vmem>>, %arg18: memref<64x128xf32, #tpu.memory_space<vmem>>, %arg19: memref<!tpu.dma_semaphore, #tpu.memory_space<semaphore_mem>>, %arg20: memref<!tpu.dma_semaphore, #tpu.memory_space<semaphore_mem>>, %arg21: memref<!tpu.dma_semaphore, #tpu.memory_space<semaphore_mem>>, %arg22: memref<!tpu.dma_semaphore, #tpu.memory_space<semaphore_mem>>, %arg23: memref<!tpu.dma_semaphore, #tpu.memory_space<semaphore_mem>>, %arg24: memref<!tpu.dma_semaphore, #tpu.memory_space<semaphore_mem>>, %arg25: memref<!tpu.dma_semaphore, #tpu.memory_space<semaphore_mem>>, %arg26: memref<!tpu.dma_semaphore, #tpu.memory_space<semaphore_mem>>) attributes {dimension_semantics = [#tpu.dimension_semantics<core_parallel>, #tpu.dimension_semantics<subcore_parallel>], iteration_bounds = array<i64: 2, 16>, scalar_prefetch = 0 : i64, scratch_operands = 19 : i64, tpu.core_type = #tpu.core_type<sc_vector_subcore>, window_params = [{transform_indices = #map}, {transform_indices = #map}, {transform_indices = #map1}, {transform_indices = #map1}, {transform_indices = #map}, {transform_indices = #map2}]} {
    %mul3A = arith.constant 2 : i32
    %mul3A_0 = arith.muli %arg1, %mul3A : i32
    %add3A = arith.addi %mul3A_0, %arg0 : i32
    %mul3A_1 = arith.constant 632 : i32
    %mul3A_2 = arith.muli %arg1, %mul3A_1 : i32
    %mul3A_3 = arith.constant 632 : i32
    %mul3A_4 = arith.muli %arg1, %mul3A_3 : i32
    "tpu.region"() ({
      %run_scoped3A = tpu.sem_alloc : memref<!tpu.dma_semaphore, #tpu.memory_space<semaphore_mem>>
      %dma_start3A_40 = arith.constant 0 : i32
      %dma_start3A_41 = tpu.memref_slice %arg8[%mul3A_4, %dma_start3A_40] : memref<10112x128xf32, #tpu.memory_space<vmem_shared>> -> memref<632x128xf32, #tpu.memory_space<vmem_shared>>
      %dma_start3A_42 = arith.constant 0 : i32
      %dma_start3A_43 = tpu.memref_slice %arg6[%mul3A_2, %dma_start3A_42] : memref<10112x128xf32, #tpu.memory_space<hbm>> -> memref<632x128xf32, #tpu.memory_space<hbm>>
      tpu.enqueue_dma source(%dma_start3A_43 : memref<632x128xf32, #tpu.memory_space<hbm>>) target(%dma_start3A_41 : memref<632x128xf32, #tpu.memory_space<vmem_shared>>) target_semaphore(%run_scoped3A : memref<!tpu.dma_semaphore, #tpu.memory_space<semaphore_mem>>)
      %dma_wait3A_44 = arith.constant 0 : i32
      %dma_wait3A_45 = tpu.memref_slice %arg8[%mul3A_4, %dma_wait3A_44] : memref<10112x128xf32, #tpu.memory_space<vmem_shared>> -> memref<632x128xf32, #tpu.memory_space<vmem_shared>>
      %dma_wait3A_46 = arith.constant 0 : i32
      %dma_wait3A_47 = tpu.memref_slice %arg6[%mul3A_2, %dma_wait3A_46] : memref<10112x128xf32, #tpu.memory_space<hbm>> -> memref<632x128xf32, #tpu.memory_space<hbm>>
      tpu.wait_dma2 semaphore(%run_scoped3A : memref<!tpu.dma_semaphore, #tpu.memory_space<semaphore_mem>>) src(%dma_wait3A_47 : memref<632x128xf32, #tpu.memory_space<hbm>>) dst(%dma_wait3A_45 : memref<632x128xf32, #tpu.memory_space<vmem_shared>>)
      tpu.yield
    }) : () -> ()
    %barrier3A = arith.constant 0 : index
    tpu.barrier barrier_id(%barrier3A)
    %mul3A_5 = arith.constant 10048 : i32
    %mul3A_6 = arith.muli %add3A, %mul3A_5 : i32
    "tpu.region"() ({
      %run_scoped3A = tpu.sem_alloc : memref<!tpu.dma_semaphore, #tpu.memory_space<semaphore_mem>>
      %dma_start3A_40 = tpu.memref_slice %arg4[%mul3A_6] : memref<321536xi32, #tpu.memory_space<hbm>> -> memref<64xi32, #tpu.memory_space<hbm>>
      %dma_start3A_41 = tpu.memref_slice %arg4[%mul3A_6] : memref<321536xi32, #tpu.memory_space<hbm>> -> memref<64xi32, #tpu.memory_space<hbm>>
      tpu.enqueue_dma source(%dma_start3A_41 : memref<64xi32, #tpu.memory_space<hbm>>) target(%arg9 : memref<64xi32, #tpu.memory_space<vmem>>) target_semaphore(%run_scoped3A : memref<!tpu.dma_semaphore, #tpu.memory_space<semaphore_mem>>)
      %dma_wait3A_42 = tpu.memref_slice %arg4[%mul3A_6] : memref<321536xi32, #tpu.memory_space<hbm>> -> memref<64xi32, #tpu.memory_space<hbm>>
      %dma_wait3A_43 = tpu.memref_slice %arg4[%mul3A_6] : memref<321536xi32, #tpu.memory_space<hbm>> -> memref<64xi32, #tpu.memory_space<hbm>>
      tpu.wait_dma2 semaphore(%run_scoped3A : memref<!tpu.dma_semaphore, #tpu.memory_space<semaphore_mem>>) src(%dma_wait3A_43 : memref<64xi32, #tpu.memory_space<hbm>>) dst(%arg9 : memref<64xi32, #tpu.memory_space<vmem>>)
      tpu.yield
    }) : () -> ()
    %add3A_7 = arith.constant 64 : i32
    %add3A_8 = arith.addi %mul3A_6, %add3A_7 : i32
    "tpu.region"() ({
      %run_scoped3A = tpu.sem_alloc : memref<!tpu.dma_semaphore, #tpu.memory_space<semaphore_mem>>
      %dma_start3A_40 = tpu.memref_slice %arg4[%add3A_8] : memref<321536xi32, #tpu.memory_space<hbm>> -> memref<64xi32, #tpu.memory_space<hbm>>
      %dma_start3A_41 = tpu.memref_slice %arg4[%add3A_8] : memref<321536xi32, #tpu.memory_space<hbm>> -> memref<64xi32, #tpu.memory_space<hbm>>
      tpu.enqueue_dma source(%dma_start3A_41 : memref<64xi32, #tpu.memory_space<hbm>>) target(%arg10 : memref<64xi32, #tpu.memory_space<vmem>>) target_semaphore(%run_scoped3A : memref<!tpu.dma_semaphore, #tpu.memory_space<semaphore_mem>>)
      %dma_wait3A_42 = tpu.memref_slice %arg4[%add3A_8] : memref<321536xi32, #tpu.memory_space<hbm>> -> memref<64xi32, #tpu.memory_space<hbm>>
      %dma_wait3A_43 = tpu.memref_slice %arg4[%add3A_8] : memref<321536xi32, #tpu.memory_space<hbm>> -> memref<64xi32, #tpu.memory_space<hbm>>
      tpu.wait_dma2 semaphore(%run_scoped3A : memref<!tpu.dma_semaphore, #tpu.memory_space<semaphore_mem>>) src(%dma_wait3A_43 : memref<64xi32, #tpu.memory_space<hbm>>) dst(%arg10 : memref<64xi32, #tpu.memory_space<vmem>>)
      tpu.yield
    }) : () -> ()
    %add3A_9 = arith.constant 0 : i32
    %add3A_10 = arith.addi %mul3A_6, %add3A_9 : i32
    %dma_start3A = tpu.memref_slice %arg5[%add3A_10] : memref<321536xi32, #tpu.memory_space<hbm>> -> memref<64xi32, #tpu.memory_space<hbm>>
    %dma_start3A_11 = tpu.memref_slice %arg5[%add3A_10] : memref<321536xi32, #tpu.memory_space<hbm>> -> memref<64xi32, #tpu.memory_space<hbm>>
    tpu.enqueue_dma source(%dma_start3A_11 : memref<64xi32, #tpu.memory_space<hbm>>) target(%arg11 : memref<64xi32, #tpu.memory_space<vmem>>) target_semaphore(%arg21 : memref<!tpu.dma_semaphore, #tpu.memory_space<semaphore_mem>>)
    %add3A_12 = arith.constant 64 : i32
    %add3A_13 = arith.addi %mul3A_6, %add3A_12 : i32
    %dma_start3A_14 = tpu.memref_slice %arg5[%add3A_13] : memref<321536xi32, #tpu.memory_space<hbm>> -> memref<64xi32, #tpu.memory_space<hbm>>
    %dma_start3A_15 = tpu.memref_slice %arg5[%add3A_13] : memref<321536xi32, #tpu.memory_space<hbm>> -> memref<64xi32, #tpu.memory_space<hbm>>
    tpu.enqueue_dma source(%dma_start3A_15 : memref<64xi32, #tpu.memory_space<hbm>>) target(%arg12 : memref<64xi32, #tpu.memory_space<vmem>>) target_semaphore(%arg22 : memref<!tpu.dma_semaphore, #tpu.memory_space<semaphore_mem>>)
    %dma_start3A_16 = arith.constant 0 : i32
    %dma_start3A_17 = arith.constant 0 : i32
    %dma_start3A_18 = tpu.memref_slice %arg2[%dma_start3A_16, %dma_start3A_17] : memref<10000x128xf32, #tpu.memory_space<hbm>> -> memref<10000x128xf32, #tpu.memory_space<hbm>>
    tpu.enqueue_indirect_dma source(%dma_start3A_18 : memref<10000x128xf32, #tpu.memory_space<hbm>>) target(%arg13 : memref<64x128xf32, #tpu.memory_space<vmem>>) offsets(%arg9 : memref<64xi32, #tpu.memory_space<vmem>>) semaphore(%arg23 : memref<!tpu.dma_semaphore, #tpu.memory_space<semaphore_mem>>)
    %add3A_19 = arith.constant 0 : i32
    %add3A_20 = arith.addi %mul3A_6, %add3A_19 : i32
    %dma_start3A_21 = arith.constant 0 : i32
    %dma_start3A_22 = tpu.memref_slice %arg3[%add3A_20, %dma_start3A_21] : memref<321536x64xi32, #tpu.memory_space<hbm>> -> memref<64x64xi32, #tpu.memory_space<hbm>>
    %dma_start3A_23 = arith.constant 0 : i32
    %dma_start3A_24 = tpu.memref_slice %arg3[%add3A_20, %dma_start3A_23] : memref<321536x64xi32, #tpu.memory_space<hbm>> -> memref<64x64xi32, #tpu.memory_space<hbm>>
    tpu.enqueue_dma source(%dma_start3A_24 : memref<64x64xi32, #tpu.memory_space<hbm>>) target(%arg15 : memref<64x64xi32, #tpu.memory_space<vmem>>) target_semaphore(%arg23 : memref<!tpu.dma_semaphore, #tpu.memory_space<semaphore_mem>>)
    %scan3A = arith.constant 0 : i32
    %scan3A_25 = arith.constant 0 : i32
    %scan3A_26 = arith.constant 79 : i32
    %scan3A_27 = arith.addi %scan3A_25, %scan3A_26 : i32
    %scan3A_28 = arith.constant 1 : i32
    scf.for %scan3A_40 = %scan3A_25 to %scan3A_27 step %scan3A_28  : i32 {
      %mul3A_41 = arith.constant 2 : i32
      %mul3A_42 = arith.muli %mul3A_41, %scan3A_40 : i32
      %add3A_43 = arith.constant 0 : i32
      %add3A_44 = arith.addi %mul3A_42, %add3A_43 : i32
      %lt3A = arith.constant 157 : i32
      %lt3A_45 = arith.cmpi slt, %add3A_44, %lt3A : i32
      %convert_element_type3A = arith.extui %lt3A_45 : i1 to i32
      %cond3A = arith.constant 0 : i32
      %cond3A_46 = arith.cmpi ne, %convert_element_type3A, %cond3A : i32
      scf.if %cond3A_46 {
        %add3A_56 = arith.constant 1 : i32
        %add3A_57 = arith.addi %add3A_44, %add3A_56 : i32
        %lt3A_58 = arith.constant 157 : i32
        %lt3A_59 = arith.cmpi slt, %add3A_57, %lt3A_58 : i32
        %convert_element_type3A_60 = arith.extui %lt3A_59 : i1 to i32
        %cond3A_61 = arith.constant 0 : i32
        %cond3A_62 = arith.cmpi ne, %convert_element_type3A_60, %cond3A_61 : i32
        scf.if %cond3A_62 {
          %add3A_102 = arith.constant 1 : i32
          %add3A_103 = arith.addi %add3A_44, %add3A_102 : i32
          %dma_start3A_104 = arith.constant 0 : i32
          %dma_start3A_105 = arith.constant 0 : i32
          %dma_start3A_106 = tpu.memref_slice %arg2[%dma_start3A_104, %dma_start3A_105] : memref<10000x128xf32, #tpu.memory_space<hbm>> -> memref<10000x128xf32, #tpu.memory_space<hbm>>
          tpu.enqueue_indirect_dma source(%dma_start3A_106 : memref<10000x128xf32, #tpu.memory_space<hbm>>) target(%arg14 : memref<64x128xf32, #tpu.memory_space<vmem>>) offsets(%arg10 : memref<64xi32, #tpu.memory_space<vmem>>) semaphore(%arg24 : memref<!tpu.dma_semaphore, #tpu.memory_space<semaphore_mem>>)
          %mul3A_107 = arith.constant 64 : i32
          %mul3A_108 = arith.muli %add3A_103, %mul3A_107 : i32
          %add3A_109 = arith.addi %mul3A_6, %mul3A_108 : i32
          %dma_start3A_110 = arith.constant 0 : i32
          %dma_start3A_111 = tpu.memref_slice %arg3[%add3A_109, %dma_start3A_110] : memref<321536x64xi32, #tpu.memory_space<hbm>> -> memref<64x64xi32, #tpu.memory_space<hbm>>
          %dma_start3A_112 = arith.constant 0 : i32
          %dma_start3A_113 = tpu.memref_slice %arg3[%add3A_109, %dma_start3A_112] : memref<321536x64xi32, #tpu.memory_space<hbm>> -> memref<64x64xi32, #tpu.memory_space<hbm>>
          tpu.enqueue_dma source(%dma_start3A_113 : memref<64x64xi32, #tpu.memory_space<hbm>>) target(%arg16 : memref<64x64xi32, #tpu.memory_space<vmem>>) target_semaphore(%arg24 : memref<!tpu.dma_semaphore, #tpu.memory_space<semaphore_mem>>)
        } else {
        }
        %add3A_63 = arith.constant 2 : i32
        %add3A_64 = arith.addi %add3A_44, %add3A_63 : i32
        %lt3A_65 = arith.constant 157 : i32
        %lt3A_66 = arith.cmpi slt, %add3A_64, %lt3A_65 : i32
        %convert_element_type3A_67 = arith.extui %lt3A_66 : i1 to i32
        %cond3A_68 = arith.constant 0 : i32
        %cond3A_69 = arith.cmpi ne, %convert_element_type3A_67, %cond3A_68 : i32
        scf.if %cond3A_69 {
          %add3A_102 = arith.constant 2 : i32
          %add3A_103 = arith.addi %add3A_44, %add3A_102 : i32
          %mul3A_104 = arith.constant 64 : i32
          %mul3A_105 = arith.muli %add3A_103, %mul3A_104 : i32
          %add3A_106 = arith.addi %mul3A_6, %mul3A_105 : i32
          %dma_start3A_107 = tpu.memref_slice %arg4[%add3A_106] : memref<321536xi32, #tpu.memory_space<hbm>> -> memref<64xi32, #tpu.memory_space<hbm>>
          %dma_start3A_108 = tpu.memref_slice %arg4[%add3A_106] : memref<321536xi32, #tpu.memory_space<hbm>> -> memref<64xi32, #tpu.memory_space<hbm>>
          tpu.enqueue_dma source(%dma_start3A_108 : memref<64xi32, #tpu.memory_space<hbm>>) target(%arg9 : memref<64xi32, #tpu.memory_space<vmem>>) target_semaphore(%arg19 : memref<!tpu.dma_semaphore, #tpu.memory_space<semaphore_mem>>)
        } else {
        }
        %dma_wait3A_70 = arith.constant 0 : i32
        %dma_wait3A_71 = arith.constant 0 : i32
        %dma_wait3A_72 = tpu.memref_slice %arg2[%dma_wait3A_70, %dma_wait3A_71] : memref<10000x128xf32, #tpu.memory_space<hbm>> -> memref<64x128xf32, #tpu.memory_space<hbm>>
        %dma_wait3A_73 = arith.constant 0 : i32
        %dma_wait3A_74 = arith.constant 0 : i32
        %dma_wait3A_75 = tpu.memref_slice %arg2[%dma_wait3A_73, %dma_wait3A_74] : memref<10000x128xf32, #tpu.memory_space<hbm>> -> memref<64x128xf32, #tpu.memory_space<hbm>>
        tpu.wait_dma2 semaphore(%arg23 : memref<!tpu.dma_semaphore, #tpu.memory_space<semaphore_mem>>) src(%dma_wait3A_75 : memref<64x128xf32, #tpu.memory_space<hbm>>) dst(%arg13 : memref<64x128xf32, #tpu.memory_space<vmem>>)
        %dma_wait3A_76 = arith.constant 0 : i32
        %dma_wait3A_77 = arith.constant 0 : i32
        %dma_wait3A_78 = tpu.memref_slice %arg3[%dma_wait3A_76, %dma_wait3A_77] : memref<321536x64xi32, #tpu.memory_space<hbm>> -> memref<64x64xi32, #tpu.memory_space<hbm>>
        %dma_wait3A_79 = arith.constant 0 : i32
        %dma_wait3A_80 = arith.constant 0 : i32
        %dma_wait3A_81 = tpu.memref_slice %arg3[%dma_wait3A_79, %dma_wait3A_80] : memref<321536x64xi32, #tpu.memory_space<hbm>> -> memref<64x64xi32, #tpu.memory_space<hbm>>
        tpu.wait_dma2 semaphore(%arg23 : memref<!tpu.dma_semaphore, #tpu.memory_space<semaphore_mem>>) src(%dma_wait3A_81 : memref<64x64xi32, #tpu.memory_space<hbm>>) dst(%arg15 : memref<64x64xi32, #tpu.memory_space<vmem>>)
        %ge3A = arith.constant 2 : i32
        %ge3A_82 = arith.cmpi sge, %add3A_44, %ge3A : i32
        %convert_element_type3A_83 = arith.extui %ge3A_82 : i1 to i32
        %cond3A_84 = arith.constant 0 : i32
        %cond3A_85 = arith.cmpi ne, %convert_element_type3A_83, %cond3A_84 : i32
        scf.if %cond3A_85 {
          %dma_wait3A_102 = arith.constant 0 : i32
          %dma_wait3A_103 = arith.constant 0 : i32
          %dma_wait3A_104 = tpu.memref_slice %arg8[%dma_wait3A_102, %dma_wait3A_103] : memref<10112x128xf32, #tpu.memory_space<vmem_shared>> -> memref<10112x128xf32, #tpu.memory_space<vmem_shared>>
          tpu.wait_indirect_dma semaphore(%arg25 : memref<!tpu.dma_semaphore, #tpu.memory_space<semaphore_mem>>) src(%arg17 : memref<64x128xf32, #tpu.memory_space<vmem>>) dst(%dma_wait3A_104 : memref<10112x128xf32, #tpu.memory_space<vmem_shared>>)
          %mul3A_105 = arith.constant 64 : i32
          %mul3A_106 = arith.muli %add3A_44, %mul3A_105 : i32
          %add3A_107 = arith.addi %mul3A_6, %mul3A_106 : i32
          %dma_start3A_108 = tpu.memref_slice %arg5[%add3A_107] : memref<321536xi32, #tpu.memory_space<hbm>> -> memref<64xi32, #tpu.memory_space<hbm>>
          %dma_start3A_109 = tpu.memref_slice %arg5[%add3A_107] : memref<321536xi32, #tpu.memory_space<hbm>> -> memref<64xi32, #tpu.memory_space<hbm>>
          tpu.enqueue_dma source(%dma_start3A_109 : memref<64xi32, #tpu.memory_space<hbm>>) target(%arg11 : memref<64xi32, #tpu.memory_space<vmem>>) target_semaphore(%arg21 : memref<!tpu.dma_semaphore, #tpu.memory_space<semaphore_mem>>)
        } else {
        }
        %parallel_loop3A = arith.constant 0 : i32
        %parallel_loop3A_86 = arith.constant 64 : i32
        %parallel_loop3A_87 = arith.constant 1 : i32
        scf.for %parallel_loop3A_102 = %parallel_loop3A to %parallel_loop3A_86 step %parallel_loop3A_87  : i32 {
          %parallel_loop3A_103 = arith.index_cast %parallel_loop3A_102 : i32 to index
          %parallel_loop3A_104 = arith.constant 0 : index
          %parallel_loop3A_105 = tpu.vector_load %arg15[%parallel_loop3A_103, %parallel_loop3A_104] {strides = array<i32>} : memref<64x64xi32, #tpu.memory_space<vmem>>, vector<1x16xi32>,
          %parallel_loop3A_106 = vector.shape_cast %parallel_loop3A_105 : vector<1x16xi32> to vector<16xi32>
          %parallel_loop3A_107 = arith.constant 16 : i32
          %parallel_loop3A_108 = vector.broadcast %parallel_loop3A_107 : i32 to vector<16xi32>
          %parallel_loop3A_109 = arith.shli %parallel_loop3A_106, %parallel_loop3A_108 : vector<16xi32>
          %parallel_loop3A_110 = tpu.bitcast %parallel_loop3A_109 : vector<16xi32> -> vector<16xf32>
          %parallel_loop3A_111 = arith.constant -65536 : i32
          %parallel_loop3A_112 = vector.broadcast %parallel_loop3A_111 : i32 to vector<16xi32>
          %parallel_loop3A_113 = arith.andi %parallel_loop3A_106, %parallel_loop3A_112 : vector<16xi32>
          %parallel_loop3A_114 = tpu.bitcast %parallel_loop3A_113 : vector<16xi32> -> vector<16xf32>
          %parallel_loop3A_115 = arith.index_cast %parallel_loop3A_102 : i32 to index
          %parallel_loop3A_116 = arith.constant 0 : index
          %parallel_loop3A_117 = tpu.vector_load %arg13[%parallel_loop3A_115, %parallel_loop3A_116] {strides = array<i32>} : memref<64x128xf32, #tpu.memory_space<vmem>>, vector<1x16xf32>,
          %parallel_loop3A_118 = vector.shape_cast %parallel_loop3A_117 : vector<1x16xf32> to vector<16xf32>
          %parallel_loop3A_119 = arith.mulf %parallel_loop3A_118, %parallel_loop3A_110 : vector<16xf32>
          %parallel_loop3A_120 = arith.index_cast %parallel_loop3A_102 : i32 to index
          %parallel_loop3A_121 = arith.constant 0 : index
          %parallel_loop3A_122 = tpu.vector_load %arg17[%parallel_loop3A_120, %parallel_loop3A_121] {strides = array<i32>} : memref<64x128xf32, #tpu.memory_space<vmem>>, vector<1x16xf32>,
          %parallel_loop3A_123 = vector.shape_cast %parallel_loop3A_122 : vector<1x16xf32> to vector<16xf32>
          %parallel_loop3A_124 = vector.shape_cast %parallel_loop3A_119 : vector<16xf32> to vector<1x16xf32>
          tpu.vector_store %arg17[%parallel_loop3A_120, %parallel_loop3A_121], %parallel_loop3A_124 {strides = array<i32>} : memref<64x128xf32, #tpu.memory_space<vmem>>, vector<1x16xf32>,
          %parallel_loop3A_125 = arith.index_cast %parallel_loop3A_102 : i32 to index
          %parallel_loop3A_126 = arith.constant 16 : index
          %parallel_loop3A_127 = tpu.vector_load %arg13[%parallel_loop3A_125, %parallel_loop3A_126] {strides = array<i32>} : memref<64x128xf32, #tpu.memory_space<vmem>>, vector<1x16xf32>,
          %parallel_loop3A_128 = vector.shape_cast %parallel_loop3A_127 : vector<1x16xf32> to vector<16xf32>
          %parallel_loop3A_129 = arith.mulf %parallel_loop3A_128, %parallel_loop3A_114 : vector<16xf32>
          %parallel_loop3A_130 = arith.index_cast %parallel_loop3A_102 : i32 to index
          %parallel_loop3A_131 = arith.constant 16 : index
          %parallel_loop3A_132 = tpu.vector_load %arg17[%parallel_loop3A_130, %parallel_loop3A_131] {strides = array<i32>} : memref<64x128xf32, #tpu.memory_space<vmem>>, vector<1x16xf32>,
          %parallel_loop3A_133 = vector.shape_cast %parallel_loop3A_132 : vector<1x16xf32> to vector<16xf32>
          %parallel_loop3A_134 = vector.shape_cast %parallel_loop3A_129 : vector<16xf32> to vector<1x16xf32>
          tpu.vector_store %arg17[%parallel_loop3A_130, %parallel_loop3A_131], %parallel_loop3A_134 {strides = array<i32>} : memref<64x128xf32, #tpu.memory_space<vmem>>, vector<1x16xf32>,
          %parallel_loop3A_135 = arith.index_cast %parallel_loop3A_102 : i32 to index
          %parallel_loop3A_136 = arith.constant 16 : index
          %parallel_loop3A_137 = tpu.vector_load %arg15[%parallel_loop3A_135, %parallel_loop3A_136] {strides = array<i32>} : memref<64x64xi32, #tpu.memory_space<vmem>>, vector<1x16xi32>,
          %parallel_loop3A_138 = vector.shape_cast %parallel_loop3A_137 : vector<1x16xi32> to vector<16xi32>
          %parallel_loop3A_139 = arith.constant 16 : i32
          %parallel_loop3A_140 = vector.broadcast %parallel_loop3A_139 : i32 to vector<16xi32>
          %parallel_loop3A_141 = arith.shli %parallel_loop3A_138, %parallel_loop3A_140 : vector<16xi32>
          %parallel_loop3A_142 = tpu.bitcast %parallel_loop3A_141 : vector<16xi32> -> vector<16xf32>
          %parallel_loop3A_143 = arith.constant -65536 : i32
          %parallel_loop3A_144 = vector.broadcast %parallel_loop3A_143 : i32 to vector<16xi32>
          %parallel_loop3A_145 = arith.andi %parallel_loop3A_138, %parallel_loop3A_144 : vector<16xi32>
          %parallel_loop3A_146 = tpu.bitcast %parallel_loop3A_145 : vector<16xi32> -> vector<16xf32>
          %parallel_loop3A_147 = arith.index_cast %parallel_loop3A_102 : i32 to index
          %parallel_loop3A_148 = arith.constant 32 : index
          %parallel_loop3A_149 = tpu.vector_load %arg13[%parallel_loop3A_147, %parallel_loop3A_148] {strides = array<i32>} : memref<64x128xf32, #tpu.memory_space<vmem>>, vector<1x16xf32>,
          %parallel_loop3A_150 = vector.shape_cast %parallel_loop3A_149 : vector<1x16xf32> to vector<16xf32>
          %parallel_loop3A_151 = arith.mulf %parallel_loop3A_150, %parallel_loop3A_142 : vector<16xf32>
          %parallel_loop3A_152 = arith.index_cast %parallel_loop3A_102 : i32 to index
          %parallel_loop3A_153 = arith.constant 32 : index
          %parallel_loop3A_154 = tpu.vector_load %arg17[%parallel_loop3A_152, %parallel_loop3A_153] {strides = array<i32>} : memref<64x128xf32, #tpu.memory_space<vmem>>, vector<1x16xf32>,
          %parallel_loop3A_155 = vector.shape_cast %parallel_loop3A_154 : vector<1x16xf32> to vector<16xf32>
          %parallel_loop3A_156 = vector.shape_cast %parallel_loop3A_151 : vector<16xf32> to vector<1x16xf32>
          tpu.vector_store %arg17[%parallel_loop3A_152, %parallel_loop3A_153], %parallel_loop3A_156 {strides = array<i32>} : memref<64x128xf32, #tpu.memory_space<vmem>>, vector<1x16xf32>,
          %parallel_loop3A_157 = arith.index_cast %parallel_loop3A_102 : i32 to index
          %parallel_loop3A_158 = arith.constant 48 : index
          %parallel_loop3A_159 = tpu.vector_load %arg13[%parallel_loop3A_157, %parallel_loop3A_158] {strides = array<i32>} : memref<64x128xf32, #tpu.memory_space<vmem>>, vector<1x16xf32>,
          %parallel_loop3A_160 = vector.shape_cast %parallel_loop3A_159 : vector<1x16xf32> to vector<16xf32>
          %parallel_loop3A_161 = arith.mulf %parallel_loop3A_160, %parallel_loop3A_146 : vector<16xf32>
          %parallel_loop3A_162 = arith.index_cast %parallel_loop3A_102 : i32 to index
          %parallel_loop3A_163 = arith.constant 48 : index
          %parallel_loop3A_164 = tpu.vector_load %arg17[%parallel_loop3A_162, %parallel_loop3A_163] {strides = array<i32>} : memref<64x128xf32, #tpu.memory_space<vmem>>, vector<1x16xf32>,
          %parallel_loop3A_165 = vector.shape_cast %parallel_loop3A_164 : vector<1x16xf32> to vector<16xf32>
          %parallel_loop3A_166 = vector.shape_cast %parallel_loop3A_161 : vector<16xf32> to vector<1x16xf32>
          tpu.vector_store %arg17[%parallel_loop3A_162, %parallel_loop3A_163], %parallel_loop3A_166 {strides = array<i32>} : memref<64x128xf32, #tpu.memory_space<vmem>>, vector<1x16xf32>,
          %parallel_loop3A_167 = arith.index_cast %parallel_loop3A_102 : i32 to index
          %parallel_loop3A_168 = arith.constant 32 : index
          %parallel_loop3A_169 = tpu.vector_load %arg15[%parallel_loop3A_167, %parallel_loop3A_168] {strides = array<i32>} : memref<64x64xi32, #tpu.memory_space<vmem>>, vector<1x16xi32>,
          %parallel_loop3A_170 = vector.shape_cast %parallel_loop3A_169 : vector<1x16xi32> to vector<16xi32>
          %parallel_loop3A_171 = arith.constant 16 : i32
          %parallel_loop3A_172 = vector.broadcast %parallel_loop3A_171 : i32 to vector<16xi32>
          %parallel_loop3A_173 = arith.shli %parallel_loop3A_170, %parallel_loop3A_172 : vector<16xi32>
          %parallel_loop3A_174 = tpu.bitcast %parallel_loop3A_173 : vector<16xi32> -> vector<16xf32>
          %parallel_loop3A_175 = arith.constant -65536 : i32
          %parallel_loop3A_176 = vector.broadcast %parallel_loop3A_175 : i32 to vector<16xi32>
          %parallel_loop3A_177 = arith.andi %parallel_loop3A_170, %parallel_loop3A_176 : vector<16xi32>
          %parallel_loop3A_178 = tpu.bitcast %parallel_loop3A_177 : vector<16xi32> -> vector<16xf32>
          %parallel_loop3A_179 = arith.index_cast %parallel_loop3A_102 : i32 to index
          %parallel_loop3A_180 = arith.constant 64 : index
          %parallel_loop3A_181 = tpu.vector_load %arg13[%parallel_loop3A_179, %parallel_loop3A_180] {strides = array<i32>} : memref<64x128xf32, #tpu.memory_space<vmem>>, vector<1x16xf32>,
          %parallel_loop3A_182 = vector.shape_cast %parallel_loop3A_181 : vector<1x16xf32> to vector<16xf32>
          %parallel_loop3A_183 = arith.mulf %parallel_loop3A_182, %parallel_loop3A_174 : vector<16xf32>
          %parallel_loop3A_184 = arith.index_cast %parallel_loop3A_102 : i32 to index
          %parallel_loop3A_185 = arith.constant 64 : index
          %parallel_loop3A_186 = tpu.vector_load %arg17[%parallel_loop3A_184, %parallel_loop3A_185] {strides = array<i32>} : memref<64x128xf32, #tpu.memory_space<vmem>>, vector<1x16xf32>,
          %parallel_loop3A_187 = vector.shape_cast %parallel_loop3A_186 : vector<1x16xf32> to vector<16xf32>
          %parallel_loop3A_188 = vector.shape_cast %parallel_loop3A_183 : vector<16xf32> to vector<1x16xf32>
          tpu.vector_store %arg17[%parallel_loop3A_184, %parallel_loop3A_185], %parallel_loop3A_188 {strides = array<i32>} : memref<64x128xf32, #tpu.memory_space<vmem>>, vector<1x16xf32>,
          %parallel_loop3A_189 = arith.index_cast %parallel_loop3A_102 : i32 to index
          %parallel_loop3A_190 = arith.constant 80 : index
          %parallel_loop3A_191 = tpu.vector_load %arg13[%parallel_loop3A_189, %parallel_loop3A_190] {strides = array<i32>} : memref<64x128xf32, #tpu.memory_space<vmem>>, vector<1x16xf32>,
          %parallel_loop3A_192 = vector.shape_cast %parallel_loop3A_191 : vector<1x16xf32> to vector<16xf32>
          %parallel_loop3A_193 = arith.mulf %parallel_loop3A_192, %parallel_loop3A_178 : vector<16xf32>
          %parallel_loop3A_194 = arith.index_cast %parallel_loop3A_102 : i32 to index
          %parallel_loop3A_195 = arith.constant 80 : index
          %parallel_loop3A_196 = tpu.vector_load %arg17[%parallel_loop3A_194, %parallel_loop3A_195] {strides = array<i32>} : memref<64x128xf32, #tpu.memory_space<vmem>>, vector<1x16xf32>,
          %parallel_loop3A_197 = vector.shape_cast %parallel_loop3A_196 : vector<1x16xf32> to vector<16xf32>
          %parallel_loop3A_198 = vector.shape_cast %parallel_loop3A_193 : vector<16xf32> to vector<1x16xf32>
          tpu.vector_store %arg17[%parallel_loop3A_194, %parallel_loop3A_195], %parallel_loop3A_198 {strides = array<i32>} : memref<64x128xf32, #tpu.memory_space<vmem>>, vector<1x16xf32>,
          %parallel_loop3A_199 = arith.index_cast %parallel_loop3A_102 : i32 to index
          %parallel_loop3A_200 = arith.constant 48 : index
          %parallel_loop3A_201 = tpu.vector_load %arg15[%parallel_loop3A_199, %parallel_loop3A_200] {strides = array<i32>} : memref<64x64xi32, #tpu.memory_space<vmem>>, vector<1x16xi32>,
          %parallel_loop3A_202 = vector.shape_cast %parallel_loop3A_201 : vector<1x16xi32> to vector<16xi32>
          %parallel_loop3A_203 = arith.constant 16 : i32
          %parallel_loop3A_204 = vector.broadcast %parallel_loop3A_203 : i32 to vector<16xi32>
          %parallel_loop3A_205 = arith.shli %parallel_loop3A_202, %parallel_loop3A_204 : vector<16xi32>
          %parallel_loop3A_206 = tpu.bitcast %parallel_loop3A_205 : vector<16xi32> -> vector<16xf32>
          %parallel_loop3A_207 = arith.constant -65536 : i32
          %parallel_loop3A_208 = vector.broadcast %parallel_loop3A_207 : i32 to vector<16xi32>
          %parallel_loop3A_209 = arith.andi %parallel_loop3A_202, %parallel_loop3A_208 : vector<16xi32>
          %parallel_loop3A_210 = tpu.bitcast %parallel_loop3A_209 : vector<16xi32> -> vector<16xf32>
          %parallel_loop3A_211 = arith.index_cast %parallel_loop3A_102 : i32 to index
          %parallel_loop3A_212 = arith.constant 96 : index
          %parallel_loop3A_213 = tpu.vector_load %arg13[%parallel_loop3A_211, %parallel_loop3A_212] {strides = array<i32>} : memref<64x128xf32, #tpu.memory_space<vmem>>, vector<1x16xf32>,
          %parallel_loop3A_214 = vector.shape_cast %parallel_loop3A_213 : vector<1x16xf32> to vector<16xf32>
          %parallel_loop3A_215 = arith.mulf %parallel_loop3A_214, %parallel_loop3A_206 : vector<16xf32>
          %parallel_loop3A_216 = arith.index_cast %parallel_loop3A_102 : i32 to index
          %parallel_loop3A_217 = arith.constant 96 : index
          %parallel_loop3A_218 = tpu.vector_load %arg17[%parallel_loop3A_216, %parallel_loop3A_217] {strides = array<i32>} : memref<64x128xf32, #tpu.memory_space<vmem>>, vector<1x16xf32>,
          %parallel_loop3A_219 = vector.shape_cast %parallel_loop3A_218 : vector<1x16xf32> to vector<16xf32>
          %parallel_loop3A_220 = vector.shape_cast %parallel_loop3A_215 : vector<16xf32> to vector<1x16xf32>
          tpu.vector_store %arg17[%parallel_loop3A_216, %parallel_loop3A_217], %parallel_loop3A_220 {strides = array<i32>} : memref<64x128xf32, #tpu.memory_space<vmem>>, vector<1x16xf32>,
          %parallel_loop3A_221 = arith.index_cast %parallel_loop3A_102 : i32 to index
          %parallel_loop3A_222 = arith.constant 112 : index
          %parallel_loop3A_223 = tpu.vector_load %arg13[%parallel_loop3A_221, %parallel_loop3A_222] {strides = array<i32>} : memref<64x128xf32, #tpu.memory_space<vmem>>, vector<1x16xf32>,
          %parallel_loop3A_224 = vector.shape_cast %parallel_loop3A_223 : vector<1x16xf32> to vector<16xf32>
          %parallel_loop3A_225 = arith.mulf %parallel_loop3A_224, %parallel_loop3A_210 : vector<16xf32>
          %parallel_loop3A_226 = arith.index_cast %parallel_loop3A_102 : i32 to index
          %parallel_loop3A_227 = arith.constant 112 : index
          %parallel_loop3A_228 = tpu.vector_load %arg17[%parallel_loop3A_226, %parallel_loop3A_227] {strides = array<i32>} : memref<64x128xf32, #tpu.memory_space<vmem>>, vector<1x16xf32>,
          %parallel_loop3A_229 = vector.shape_cast %parallel_loop3A_228 : vector<1x16xf32> to vector<16xf32>
          %parallel_loop3A_230 = vector.shape_cast %parallel_loop3A_225 : vector<16xf32> to vector<1x16xf32>
          tpu.vector_store %arg17[%parallel_loop3A_226, %parallel_loop3A_227], %parallel_loop3A_230 {strides = array<i32>} : memref<64x128xf32, #tpu.memory_space<vmem>>, vector<1x16xf32>,
        } {sc.loop_unroll_factor = 4 : i64, sc.parallel_access}
        %dma_wait3A_88 = arith.constant 0 : i32
        %dma_wait3A_89 = tpu.memref_slice %arg5[%dma_wait3A_88] : memref<321536xi32, #tpu.memory_space<hbm>> -> memref<64xi32, #tpu.memory_space<hbm>>
        %dma_wait3A_90 = arith.constant 0 : i32
        %dma_wait3A_91 = tpu.memref_slice %arg5[%dma_wait3A_90] : memref<321536xi32, #tpu.memory_space<hbm>> -> memref<64xi32, #tpu.memory_space<hbm>>
        tpu.wait_dma2 semaphore(%arg21 : memref<!tpu.dma_semaphore, #tpu.memory_space<semaphore_mem>>) src(%dma_wait3A_91 : memref<64xi32, #tpu.memory_space<hbm>>) dst(%arg11 : memref<64xi32, #tpu.memory_space<vmem>>)
        %dma_start3A_92 = arith.constant 0 : i32
        %dma_start3A_93 = arith.constant 0 : i32
        %dma_start3A_94 = tpu.memref_slice %arg8[%dma_start3A_92, %dma_start3A_93] : memref<10112x128xf32, #tpu.memory_space<vmem_shared>> -> memref<10112x128xf32, #tpu.memory_space<vmem_shared>>
        tpu.enqueue_indirect_dma source(%arg17 : memref<64x128xf32, #tpu.memory_space<vmem>>) target(%dma_start3A_94 : memref<10112x128xf32, #tpu.memory_space<vmem_shared>>) offsets(%arg11 : memref<64xi32, #tpu.memory_space<vmem>>) semaphore(%arg25 : memref<!tpu.dma_semaphore, #tpu.memory_space<semaphore_mem>>) {add = true}
        %add3A_95 = arith.constant 2 : i32
        %add3A_96 = arith.addi %add3A_44, %add3A_95 : i32
        %lt3A_97 = arith.constant 157 : i32
        %lt3A_98 = arith.cmpi slt, %add3A_96, %lt3A_97 : i32
        %convert_element_type3A_99 = arith.extui %lt3A_98 : i1 to i32
        %cond3A_100 = arith.constant 0 : i32
        %cond3A_101 = arith.cmpi ne, %convert_element_type3A_99, %cond3A_100 : i32
        scf.if %cond3A_101 {
          %dma_wait3A_102 = arith.constant 0 : i32
          %dma_wait3A_103 = tpu.memref_slice %arg4[%dma_wait3A_102] : memref<321536xi32, #tpu.memory_space<hbm>> -> memref<64xi32, #tpu.memory_space<hbm>>
          %dma_wait3A_104 = arith.constant 0 : i32
          %dma_wait3A_105 = tpu.memref_slice %arg4[%dma_wait3A_104] : memref<321536xi32, #tpu.memory_space<hbm>> -> memref<64xi32, #tpu.memory_space<hbm>>
          tpu.wait_dma2 semaphore(%arg19 : memref<!tpu.dma_semaphore, #tpu.memory_space<semaphore_mem>>) src(%dma_wait3A_105 : memref<64xi32, #tpu.memory_space<hbm>>) dst(%arg9 : memref<64xi32, #tpu.memory_space<vmem>>)
        } else {
        }
      } else {
      }
      %mul3A_47 = arith.constant 2 : i32
      %mul3A_48 = arith.muli %mul3A_47, %scan3A_40 : i32
      %add3A_49 = arith.constant 1 : i32
      %add3A_50 = arith.addi %mul3A_48, %add3A_49 : i32
      %lt3A_51 = arith.constant 157 : i32
      %lt3A_52 = arith.cmpi slt, %add3A_50, %lt3A_51 : i32
      %convert_element_type3A_53 = arith.extui %lt3A_52 : i1 to i32
      %cond3A_54 = arith.constant 0 : i32
      %cond3A_55 = arith.cmpi ne, %convert_element_type3A_53, %cond3A_54 : i32
      scf.if %cond3A_55 {
        %add3A_56 = arith.constant 1 : i32
        %add3A_57 = arith.addi %add3A_50, %add3A_56 : i32
        %lt3A_58 = arith.constant 157 : i32
        %lt3A_59 = arith.cmpi slt, %add3A_57, %lt3A_58 : i32
        %convert_element_type3A_60 = arith.extui %lt3A_59 : i1 to i32
        %cond3A_61 = arith.constant 0 : i32
        %cond3A_62 = arith.cmpi ne, %convert_element_type3A_60, %cond3A_61 : i32
        scf.if %cond3A_62 {
          %add3A_102 = arith.constant 1 : i32
          %add3A_103 = arith.addi %add3A_50, %add3A_102 : i32
          %dma_start3A_104 = arith.constant 0 : i32
          %dma_start3A_105 = arith.constant 0 : i32
          %dma_start3A_106 = tpu.memref_slice %arg2[%dma_start3A_104, %dma_start3A_105] : memref<10000x128xf32, #tpu.memory_space<hbm>> -> memref<10000x128xf32, #tpu.memory_space<hbm>>
          tpu.enqueue_indirect_dma source(%dma_start3A_106 : memref<10000x128xf32, #tpu.memory_space<hbm>>) target(%arg13 : memref<64x128xf32, #tpu.memory_space<vmem>>) offsets(%arg9 : memref<64xi32, #tpu.memory_space<vmem>>) semaphore(%arg23 : memref<!tpu.dma_semaphore, #tpu.memory_space<semaphore_mem>>)
          %mul3A_107 = arith.constant 64 : i32
          %mul3A_108 = arith.muli %add3A_103, %mul3A_107 : i32
          %add3A_109 = arith.addi %mul3A_6, %mul3A_108 : i32
          %dma_start3A_110 = arith.constant 0 : i32
          %dma_start3A_111 = tpu.memref_slice %arg3[%add3A_109, %dma_start3A_110] : memref<321536x64xi32, #tpu.memory_space<hbm>> -> memref<64x64xi32, #tpu.memory_space<hbm>>
          %dma_start3A_112 = arith.constant 0 : i32
          %dma_start3A_113 = tpu.memref_slice %arg3[%add3A_109, %dma_start3A_112] : memref<321536x64xi32, #tpu.memory_space<hbm>> -> memref<64x64xi32, #tpu.memory_space<hbm>>
          tpu.enqueue_dma source(%dma_start3A_113 : memref<64x64xi32, #tpu.memory_space<hbm>>) target(%arg15 : memref<64x64xi32, #tpu.memory_space<vmem>>) target_semaphore(%arg23 : memref<!tpu.dma_semaphore, #tpu.memory_space<semaphore_mem>>)
        } else {
        }
        %add3A_63 = arith.constant 2 : i32
        %add3A_64 = arith.addi %add3A_50, %add3A_63 : i32
        %lt3A_65 = arith.constant 157 : i32
        %lt3A_66 = arith.cmpi slt, %add3A_64, %lt3A_65 : i32
        %convert_element_type3A_67 = arith.extui %lt3A_66 : i1 to i32
        %cond3A_68 = arith.constant 0 : i32
        %cond3A_69 = arith.cmpi ne, %convert_element_type3A_67, %cond3A_68 : i32
        scf.if %cond3A_69 {
          %add3A_102 = arith.constant 2 : i32
          %add3A_103 = arith.addi %add3A_50, %add3A_102 : i32
          %mul3A_104 = arith.constant 64 : i32
          %mul3A_105 = arith.muli %add3A_103, %mul3A_104 : i32
          %add3A_106 = arith.addi %mul3A_6, %mul3A_105 : i32
          %dma_start3A_107 = tpu.memref_slice %arg4[%add3A_106] : memref<321536xi32, #tpu.memory_space<hbm>> -> memref<64xi32, #tpu.memory_space<hbm>>
          %dma_start3A_108 = tpu.memref_slice %arg4[%add3A_106] : memref<321536xi32, #tpu.memory_space<hbm>> -> memref<64xi32, #tpu.memory_space<hbm>>
          tpu.enqueue_dma source(%dma_start3A_108 : memref<64xi32, #tpu.memory_space<hbm>>) target(%arg10 : memref<64xi32, #tpu.memory_space<vmem>>) target_semaphore(%arg20 : memref<!tpu.dma_semaphore, #tpu.memory_space<semaphore_mem>>)
        } else {
        }
        %dma_wait3A_70 = arith.constant 0 : i32
        %dma_wait3A_71 = arith.constant 0 : i32
        %dma_wait3A_72 = tpu.memref_slice %arg2[%dma_wait3A_70, %dma_wait3A_71] : memref<10000x128xf32, #tpu.memory_space<hbm>> -> memref<64x128xf32, #tpu.memory_space<hbm>>
        %dma_wait3A_73 = arith.constant 0 : i32
        %dma_wait3A_74 = arith.constant 0 : i32
        %dma_wait3A_75 = tpu.memref_slice %arg2[%dma_wait3A_73, %dma_wait3A_74] : memref<10000x128xf32, #tpu.memory_space<hbm>> -> memref<64x128xf32, #tpu.memory_space<hbm>>
        tpu.wait_dma2 semaphore(%arg24 : memref<!tpu.dma_semaphore, #tpu.memory_space<semaphore_mem>>) src(%dma_wait3A_75 : memref<64x128xf32, #tpu.memory_space<hbm>>) dst(%arg14 : memref<64x128xf32, #tpu.memory_space<vmem>>)
        %dma_wait3A_76 = arith.constant 0 : i32
        %dma_wait3A_77 = arith.constant 0 : i32
        %dma_wait3A_78 = tpu.memref_slice %arg3[%dma_wait3A_76, %dma_wait3A_77] : memref<321536x64xi32, #tpu.memory_space<hbm>> -> memref<64x64xi32, #tpu.memory_space<hbm>>
        %dma_wait3A_79 = arith.constant 0 : i32
        %dma_wait3A_80 = arith.constant 0 : i32
        %dma_wait3A_81 = tpu.memref_slice %arg3[%dma_wait3A_79, %dma_wait3A_80] : memref<321536x64xi32, #tpu.memory_space<hbm>> -> memref<64x64xi32, #tpu.memory_space<hbm>>
        tpu.wait_dma2 semaphore(%arg24 : memref<!tpu.dma_semaphore, #tpu.memory_space<semaphore_mem>>) src(%dma_wait3A_81 : memref<64x64xi32, #tpu.memory_space<hbm>>) dst(%arg16 : memref<64x64xi32, #tpu.memory_space<vmem>>)
        %ge3A = arith.constant 2 : i32
        %ge3A_82 = arith.cmpi sge, %add3A_50, %ge3A : i32
        %convert_element_type3A_83 = arith.extui %ge3A_82 : i1 to i32
        %cond3A_84 = arith.constant 0 : i32
        %cond3A_85 = arith.cmpi ne, %convert_element_type3A_83, %cond3A_84 : i32
        scf.if %cond3A_85 {
          %dma_wait3A_102 = arith.constant 0 : i32
          %dma_wait3A_103 = arith.constant 0 : i32
          %dma_wait3A_104 = tpu.memref_slice %arg8[%dma_wait3A_102, %dma_wait3A_103] : memref<10112x128xf32, #tpu.memory_space<vmem_shared>> -> memref<10112x128xf32, #tpu.memory_space<vmem_shared>>
          tpu.wait_indirect_dma semaphore(%arg26 : memref<!tpu.dma_semaphore, #tpu.memory_space<semaphore_mem>>) src(%arg18 : memref<64x128xf32, #tpu.memory_space<vmem>>) dst(%dma_wait3A_104 : memref<10112x128xf32, #tpu.memory_space<vmem_shared>>)
          %mul3A_105 = arith.constant 64 : i32
          %mul3A_106 = arith.muli %add3A_50, %mul3A_105 : i32
          %add3A_107 = arith.addi %mul3A_6, %mul3A_106 : i32
          %dma_start3A_108 = tpu.memref_slice %arg5[%add3A_107] : memref<321536xi32, #tpu.memory_space<hbm>> -> memref<64xi32, #tpu.memory_space<hbm>>
          %dma_start3A_109 = tpu.memref_slice %arg5[%add3A_107] : memref<321536xi32, #tpu.memory_space<hbm>> -> memref<64xi32, #tpu.memory_space<hbm>>
          tpu.enqueue_dma source(%dma_start3A_109 : memref<64xi32, #tpu.memory_space<hbm>>) target(%arg12 : memref<64xi32, #tpu.memory_space<vmem>>) target_semaphore(%arg22 : memref<!tpu.dma_semaphore, #tpu.memory_space<semaphore_mem>>)
        } else {
        }
        %parallel_loop3A = arith.constant 0 : i32
        %parallel_loop3A_86 = arith.constant 64 : i32
        %parallel_loop3A_87 = arith.constant 1 : i32
        scf.for %parallel_loop3A_102 = %parallel_loop3A to %parallel_loop3A_86 step %parallel_loop3A_87  : i32 {
          %parallel_loop3A_103 = arith.index_cast %parallel_loop3A_102 : i32 to index
          %parallel_loop3A_104 = arith.constant 0 : index
          %parallel_loop3A_105 = tpu.vector_load %arg16[%parallel_loop3A_103, %parallel_loop3A_104] {strides = array<i32>} : memref<64x64xi32, #tpu.memory_space<vmem>>, vector<1x16xi32>,
          %parallel_loop3A_106 = vector.shape_cast %parallel_loop3A_105 : vector<1x16xi32> to vector<16xi32>
          %parallel_loop3A_107 = arith.constant 16 : i32
          %parallel_loop3A_108 = vector.broadcast %parallel_loop3A_107 : i32 to vector<16xi32>
          %parallel_loop3A_109 = arith.shli %parallel_loop3A_106, %parallel_loop3A_108 : vector<16xi32>
          %parallel_loop3A_110 = tpu.bitcast %parallel_loop3A_109 : vector<16xi32> -> vector<16xf32>
          %parallel_loop3A_111 = arith.constant -65536 : i32
          %parallel_loop3A_112 = vector.broadcast %parallel_loop3A_111 : i32 to vector<16xi32>
          %parallel_loop3A_113 = arith.andi %parallel_loop3A_106, %parallel_loop3A_112 : vector<16xi32>
          %parallel_loop3A_114 = tpu.bitcast %parallel_loop3A_113 : vector<16xi32> -> vector<16xf32>
          %parallel_loop3A_115 = arith.index_cast %parallel_loop3A_102 : i32 to index
          %parallel_loop3A_116 = arith.constant 0 : index
          %parallel_loop3A_117 = tpu.vector_load %arg14[%parallel_loop3A_115, %parallel_loop3A_116] {strides = array<i32>} : memref<64x128xf32, #tpu.memory_space<vmem>>, vector<1x16xf32>,
          %parallel_loop3A_118 = vector.shape_cast %parallel_loop3A_117 : vector<1x16xf32> to vector<16xf32>
          %parallel_loop3A_119 = arith.mulf %parallel_loop3A_118, %parallel_loop3A_110 : vector<16xf32>
          %parallel_loop3A_120 = arith.index_cast %parallel_loop3A_102 : i32 to index
          %parallel_loop3A_121 = arith.constant 0 : index
          %parallel_loop3A_122 = tpu.vector_load %arg18[%parallel_loop3A_120, %parallel_loop3A_121] {strides = array<i32>} : memref<64x128xf32, #tpu.memory_space<vmem>>, vector<1x16xf32>,
          %parallel_loop3A_123 = vector.shape_cast %parallel_loop3A_122 : vector<1x16xf32> to vector<16xf32>
          %parallel_loop3A_124 = vector.shape_cast %parallel_loop3A_119 : vector<16xf32> to vector<1x16xf32>
          tpu.vector_store %arg18[%parallel_loop3A_120, %parallel_loop3A_121], %parallel_loop3A_124 {strides = array<i32>} : memref<64x128xf32, #tpu.memory_space<vmem>>, vector<1x16xf32>,
          %parallel_loop3A_125 = arith.index_cast %parallel_loop3A_102 : i32 to index
          %parallel_loop3A_126 = arith.constant 16 : index
          %parallel_loop3A_127 = tpu.vector_load %arg14[%parallel_loop3A_125, %parallel_loop3A_126] {strides = array<i32>} : memref<64x128xf32, #tpu.memory_space<vmem>>, vector<1x16xf32>,
          %parallel_loop3A_128 = vector.shape_cast %parallel_loop3A_127 : vector<1x16xf32> to vector<16xf32>
          %parallel_loop3A_129 = arith.mulf %parallel_loop3A_128, %parallel_loop3A_114 : vector<16xf32>
          %parallel_loop3A_130 = arith.index_cast %parallel_loop3A_102 : i32 to index
          %parallel_loop3A_131 = arith.constant 16 : index
          %parallel_loop3A_132 = tpu.vector_load %arg18[%parallel_loop3A_130, %parallel_loop3A_131] {strides = array<i32>} : memref<64x128xf32, #tpu.memory_space<vmem>>, vector<1x16xf32>,
          %parallel_loop3A_133 = vector.shape_cast %parallel_loop3A_132 : vector<1x16xf32> to vector<16xf32>
          %parallel_loop3A_134 = vector.shape_cast %parallel_loop3A_129 : vector<16xf32> to vector<1x16xf32>
          tpu.vector_store %arg18[%parallel_loop3A_130, %parallel_loop3A_131], %parallel_loop3A_134 {strides = array<i32>} : memref<64x128xf32, #tpu.memory_space<vmem>>, vector<1x16xf32>,
          %parallel_loop3A_135 = arith.index_cast %parallel_loop3A_102 : i32 to index
          %parallel_loop3A_136 = arith.constant 16 : index
          %parallel_loop3A_137 = tpu.vector_load %arg16[%parallel_loop3A_135, %parallel_loop3A_136] {strides = array<i32>} : memref<64x64xi32, #tpu.memory_space<vmem>>, vector<1x16xi32>,
          %parallel_loop3A_138 = vector.shape_cast %parallel_loop3A_137 : vector<1x16xi32> to vector<16xi32>
          %parallel_loop3A_139 = arith.constant 16 : i32
          %parallel_loop3A_140 = vector.broadcast %parallel_loop3A_139 : i32 to vector<16xi32>
          %parallel_loop3A_141 = arith.shli %parallel_loop3A_138, %parallel_loop3A_140 : vector<16xi32>
          %parallel_loop3A_142 = tpu.bitcast %parallel_loop3A_141 : vector<16xi32> -> vector<16xf32>
          %parallel_loop3A_143 = arith.constant -65536 : i32
          %parallel_loop3A_144 = vector.broadcast %parallel_loop3A_143 : i32 to vector<16xi32>
          %parallel_loop3A_145 = arith.andi %parallel_loop3A_138, %parallel_loop3A_144 : vector<16xi32>
          %parallel_loop3A_146 = tpu.bitcast %parallel_loop3A_145 : vector<16xi32> -> vector<16xf32>
          %parallel_loop3A_147 = arith.index_cast %parallel_loop3A_102 : i32 to index
          %parallel_loop3A_148 = arith.constant 32 : index
          %parallel_loop3A_149 = tpu.vector_load %arg14[%parallel_loop3A_147, %parallel_loop3A_148] {strides = array<i32>} : memref<64x128xf32, #tpu.memory_space<vmem>>, vector<1x16xf32>,
          %parallel_loop3A_150 = vector.shape_cast %parallel_loop3A_149 : vector<1x16xf32> to vector<16xf32>
          %parallel_loop3A_151 = arith.mulf %parallel_loop3A_150, %parallel_loop3A_142 : vector<16xf32>
          %parallel_loop3A_152 = arith.index_cast %parallel_loop3A_102 : i32 to index
          %parallel_loop3A_153 = arith.constant 32 : index
          %parallel_loop3A_154 = tpu.vector_load %arg18[%parallel_loop3A_152, %parallel_loop3A_153] {strides = array<i32>} : memref<64x128xf32, #tpu.memory_space<vmem>>, vector<1x16xf32>,
          %parallel_loop3A_155 = vector.shape_cast %parallel_loop3A_154 : vector<1x16xf32> to vector<16xf32>
          %parallel_loop3A_156 = vector.shape_cast %parallel_loop3A_151 : vector<16xf32> to vector<1x16xf32>
          tpu.vector_store %arg18[%parallel_loop3A_152, %parallel_loop3A_153], %parallel_loop3A_156 {strides = array<i32>} : memref<64x128xf32, #tpu.memory_space<vmem>>, vector<1x16xf32>,
          %parallel_loop3A_157 = arith.index_cast %parallel_loop3A_102 : i32 to index
          %parallel_loop3A_158 = arith.constant 48 : index
          %parallel_loop3A_159 = tpu.vector_load %arg14[%parallel_loop3A_157, %parallel_loop3A_158] {strides = array<i32>} : memref<64x128xf32, #tpu.memory_space<vmem>>, vector<1x16xf32>,
          %parallel_loop3A_160 = vector.shape_cast %parallel_loop3A_159 : vector<1x16xf32> to vector<16xf32>
          %parallel_loop3A_161 = arith.mulf %parallel_loop3A_160, %parallel_loop3A_146 : vector<16xf32>
          %parallel_loop3A_162 = arith.index_cast %parallel_loop3A_102 : i32 to index
          %parallel_loop3A_163 = arith.constant 48 : index
          %parallel_loop3A_164 = tpu.vector_load %arg18[%parallel_loop3A_162, %parallel_loop3A_163] {strides = array<i32>} : memref<64x128xf32, #tpu.memory_space<vmem>>, vector<1x16xf32>,
          %parallel_loop3A_165 = vector.shape_cast %parallel_loop3A_164 : vector<1x16xf32> to vector<16xf32>
          %parallel_loop3A_166 = vector.shape_cast %parallel_loop3A_161 : vector<16xf32> to vector<1x16xf32>
          tpu.vector_store %arg18[%parallel_loop3A_162, %parallel_loop3A_163], %parallel_loop3A_166 {strides = array<i32>} : memref<64x128xf32, #tpu.memory_space<vmem>>, vector<1x16xf32>,
          %parallel_loop3A_167 = arith.index_cast %parallel_loop3A_102 : i32 to index
          %parallel_loop3A_168 = arith.constant 32 : index
          %parallel_loop3A_169 = tpu.vector_load %arg16[%parallel_loop3A_167, %parallel_loop3A_168] {strides = array<i32>} : memref<64x64xi32, #tpu.memory_space<vmem>>, vector<1x16xi32>,
          %parallel_loop3A_170 = vector.shape_cast %parallel_loop3A_169 : vector<1x16xi32> to vector<16xi32>
          %parallel_loop3A_171 = arith.constant 16 : i32
          %parallel_loop3A_172 = vector.broadcast %parallel_loop3A_171 : i32 to vector<16xi32>
          %parallel_loop3A_173 = arith.shli %parallel_loop3A_170, %parallel_loop3A_172 : vector<16xi32>
          %parallel_loop3A_174 = tpu.bitcast %parallel_loop3A_173 : vector<16xi32> -> vector<16xf32>
          %parallel_loop3A_175 = arith.constant -65536 : i32
          %parallel_loop3A_176 = vector.broadcast %parallel_loop3A_175 : i32 to vector<16xi32>
          %parallel_loop3A_177 = arith.andi %parallel_loop3A_170, %parallel_loop3A_176 : vector<16xi32>
          %parallel_loop3A_178 = tpu.bitcast %parallel_loop3A_177 : vector<16xi32> -> vector<16xf32>
          %parallel_loop3A_179 = arith.index_cast %parallel_loop3A_102 : i32 to index
          %parallel_loop3A_180 = arith.constant 64 : index
          %parallel_loop3A_181 = tpu.vector_load %arg14[%parallel_loop3A_179, %parallel_loop3A_180] {strides = array<i32>} : memref<64x128xf32, #tpu.memory_space<vmem>>, vector<1x16xf32>,
          %parallel_loop3A_182 = vector.shape_cast %parallel_loop3A_181 : vector<1x16xf32> to vector<16xf32>
          %parallel_loop3A_183 = arith.mulf %parallel_loop3A_182, %parallel_loop3A_174 : vector<16xf32>
          %parallel_loop3A_184 = arith.index_cast %parallel_loop3A_102 : i32 to index
          %parallel_loop3A_185 = arith.constant 64 : index
          %parallel_loop3A_186 = tpu.vector_load %arg18[%parallel_loop3A_184, %parallel_loop3A_185] {strides = array<i32>} : memref<64x128xf32, #tpu.memory_space<vmem>>, vector<1x16xf32>,
          %parallel_loop3A_187 = vector.shape_cast %parallel_loop3A_186 : vector<1x16xf32> to vector<16xf32>
          %parallel_loop3A_188 = vector.shape_cast %parallel_loop3A_183 : vector<16xf32> to vector<1x16xf32>
          tpu.vector_store %arg18[%parallel_loop3A_184, %parallel_loop3A_185], %parallel_loop3A_188 {strides = array<i32>} : memref<64x128xf32, #tpu.memory_space<vmem>>, vector<1x16xf32>,
          %parallel_loop3A_189 = arith.index_cast %parallel_loop3A_102 : i32 to index
          %parallel_loop3A_190 = arith.constant 80 : index
          %parallel_loop3A_191 = tpu.vector_load %arg14[%parallel_loop3A_189, %parallel_loop3A_190] {strides = array<i32>} : memref<64x128xf32, #tpu.memory_space<vmem>>, vector<1x16xf32>,
          %parallel_loop3A_192 = vector.shape_cast %parallel_loop3A_191 : vector<1x16xf32> to vector<16xf32>
          %parallel_loop3A_193 = arith.mulf %parallel_loop3A_192, %parallel_loop3A_178 : vector<16xf32>
          %parallel_loop3A_194 = arith.index_cast %parallel_loop3A_102 : i32 to index
          %parallel_loop3A_195 = arith.constant 80 : index
          %parallel_loop3A_196 = tpu.vector_load %arg18[%parallel_loop3A_194, %parallel_loop3A_195] {strides = array<i32>} : memref<64x128xf32, #tpu.memory_space<vmem>>, vector<1x16xf32>,
          %parallel_loop3A_197 = vector.shape_cast %parallel_loop3A_196 : vector<1x16xf32> to vector<16xf32>
          %parallel_loop3A_198 = vector.shape_cast %parallel_loop3A_193 : vector<16xf32> to vector<1x16xf32>
          tpu.vector_store %arg18[%parallel_loop3A_194, %parallel_loop3A_195], %parallel_loop3A_198 {strides = array<i32>} : memref<64x128xf32, #tpu.memory_space<vmem>>, vector<1x16xf32>,
          %parallel_loop3A_199 = arith.index_cast %parallel_loop3A_102 : i32 to index
          %parallel_loop3A_200 = arith.constant 48 : index
          %parallel_loop3A_201 = tpu.vector_load %arg16[%parallel_loop3A_199, %parallel_loop3A_200] {strides = array<i32>} : memref<64x64xi32, #tpu.memory_space<vmem>>, vector<1x16xi32>,
          %parallel_loop3A_202 = vector.shape_cast %parallel_loop3A_201 : vector<1x16xi32> to vector<16xi32>
          %parallel_loop3A_203 = arith.constant 16 : i32
          %parallel_loop3A_204 = vector.broadcast %parallel_loop3A_203 : i32 to vector<16xi32>
          %parallel_loop3A_205 = arith.shli %parallel_loop3A_202, %parallel_loop3A_204 : vector<16xi32>
          %parallel_loop3A_206 = tpu.bitcast %parallel_loop3A_205 : vector<16xi32> -> vector<16xf32>
          %parallel_loop3A_207 = arith.constant -65536 : i32
          %parallel_loop3A_208 = vector.broadcast %parallel_loop3A_207 : i32 to vector<16xi32>
          %parallel_loop3A_209 = arith.andi %parallel_loop3A_202, %parallel_loop3A_208 : vector<16xi32>
          %parallel_loop3A_210 = tpu.bitcast %parallel_loop3A_209 : vector<16xi32> -> vector<16xf32>
          %parallel_loop3A_211 = arith.index_cast %parallel_loop3A_102 : i32 to index
          %parallel_loop3A_212 = arith.constant 96 : index
          %parallel_loop3A_213 = tpu.vector_load %arg14[%parallel_loop3A_211, %parallel_loop3A_212] {strides = array<i32>} : memref<64x128xf32, #tpu.memory_space<vmem>>, vector<1x16xf32>,
          %parallel_loop3A_214 = vector.shape_cast %parallel_loop3A_213 : vector<1x16xf32> to vector<16xf32>
          %parallel_loop3A_215 = arith.mulf %parallel_loop3A_214, %parallel_loop3A_206 : vector<16xf32>
          %parallel_loop3A_216 = arith.index_cast %parallel_loop3A_102 : i32 to index
          %parallel_loop3A_217 = arith.constant 96 : index
          %parallel_loop3A_218 = tpu.vector_load %arg18[%parallel_loop3A_216, %parallel_loop3A_217] {strides = array<i32>} : memref<64x128xf32, #tpu.memory_space<vmem>>, vector<1x16xf32>,
          %parallel_loop3A_219 = vector.shape_cast %parallel_loop3A_218 : vector<1x16xf32> to vector<16xf32>
          %parallel_loop3A_220 = vector.shape_cast %parallel_loop3A_215 : vector<16xf32> to vector<1x16xf32>
          tpu.vector_store %arg18[%parallel_loop3A_216, %parallel_loop3A_217], %parallel_loop3A_220 {strides = array<i32>} : memref<64x128xf32, #tpu.memory_space<vmem>>, vector<1x16xf32>,
          %parallel_loop3A_221 = arith.index_cast %parallel_loop3A_102 : i32 to index
          %parallel_loop3A_222 = arith.constant 112 : index
          %parallel_loop3A_223 = tpu.vector_load %arg14[%parallel_loop3A_221, %parallel_loop3A_222] {strides = array<i32>} : memref<64x128xf32, #tpu.memory_space<vmem>>, vector<1x16xf32>,
          %parallel_loop3A_224 = vector.shape_cast %parallel_loop3A_223 : vector<1x16xf32> to vector<16xf32>
          %parallel_loop3A_225 = arith.mulf %parallel_loop3A_224, %parallel_loop3A_210 : vector<16xf32>
          %parallel_loop3A_226 = arith.index_cast %parallel_loop3A_102 : i32 to index
          %parallel_loop3A_227 = arith.constant 112 : index
          %parallel_loop3A_228 = tpu.vector_load %arg18[%parallel_loop3A_226, %parallel_loop3A_227] {strides = array<i32>} : memref<64x128xf32, #tpu.memory_space<vmem>>, vector<1x16xf32>,
          %parallel_loop3A_229 = vector.shape_cast %parallel_loop3A_228 : vector<1x16xf32> to vector<16xf32>
          %parallel_loop3A_230 = vector.shape_cast %parallel_loop3A_225 : vector<16xf32> to vector<1x16xf32>
          tpu.vector_store %arg18[%parallel_loop3A_226, %parallel_loop3A_227], %parallel_loop3A_230 {strides = array<i32>} : memref<64x128xf32, #tpu.memory_space<vmem>>, vector<1x16xf32>,
        } {sc.loop_unroll_factor = 4 : i64, sc.parallel_access}
        %dma_wait3A_88 = arith.constant 0 : i32
        %dma_wait3A_89 = tpu.memref_slice %arg5[%dma_wait3A_88] : memref<321536xi32, #tpu.memory_space<hbm>> -> memref<64xi32, #tpu.memory_space<hbm>>
        %dma_wait3A_90 = arith.constant 0 : i32
        %dma_wait3A_91 = tpu.memref_slice %arg5[%dma_wait3A_90] : memref<321536xi32, #tpu.memory_space<hbm>> -> memref<64xi32, #tpu.memory_space<hbm>>
        tpu.wait_dma2 semaphore(%arg22 : memref<!tpu.dma_semaphore, #tpu.memory_space<semaphore_mem>>) src(%dma_wait3A_91 : memref<64xi32, #tpu.memory_space<hbm>>) dst(%arg12 : memref<64xi32, #tpu.memory_space<vmem>>)
        %dma_start3A_92 = arith.constant 0 : i32
        %dma_start3A_93 = arith.constant 0 : i32
        %dma_start3A_94 = tpu.memref_slice %arg8[%dma_start3A_92, %dma_start3A_93] : memref<10112x128xf32, #tpu.memory_space<vmem_shared>> -> memref<10112x128xf32, #tpu.memory_space<vmem_shared>>
        tpu.enqueue_indirect_dma source(%arg18 : memref<64x128xf32, #tpu.memory_space<vmem>>) target(%dma_start3A_94 : memref<10112x128xf32, #tpu.memory_space<vmem_shared>>) offsets(%arg12 : memref<64xi32, #tpu.memory_space<vmem>>) semaphore(%arg26 : memref<!tpu.dma_semaphore, #tpu.memory_space<semaphore_mem>>) {add = true}
        %add3A_95 = arith.constant 2 : i32
        %add3A_96 = arith.addi %add3A_50, %add3A_95 : i32
        %lt3A_97 = arith.constant 157 : i32
        %lt3A_98 = arith.cmpi slt, %add3A_96, %lt3A_97 : i32
        %convert_element_type3A_99 = arith.extui %lt3A_98 : i1 to i32
        %cond3A_100 = arith.constant 0 : i32
        %cond3A_101 = arith.cmpi ne, %convert_element_type3A_99, %cond3A_100 : i32
        scf.if %cond3A_101 {
          %dma_wait3A_102 = arith.constant 0 : i32
          %dma_wait3A_103 = tpu.memref_slice %arg4[%dma_wait3A_102] : memref<321536xi32, #tpu.memory_space<hbm>> -> memref<64xi32, #tpu.memory_space<hbm>>
          %dma_wait3A_104 = arith.constant 0 : i32
          %dma_wait3A_105 = tpu.memref_slice %arg4[%dma_wait3A_104] : memref<321536xi32, #tpu.memory_space<hbm>> -> memref<64xi32, #tpu.memory_space<hbm>>
          tpu.wait_dma2 semaphore(%arg20 : memref<!tpu.dma_semaphore, #tpu.memory_space<semaphore_mem>>) src(%dma_wait3A_105 : memref<64xi32, #tpu.memory_space<hbm>>) dst(%arg10 : memref<64xi32, #tpu.memory_space<vmem>>)
        } else {
        }
      } else {
      }
    }
    %scan3A_29 = arith.constant 79 : i32
    %dma_wait3A = arith.constant 0 : i32
    %dma_wait3A_30 = arith.constant 0 : i32
    %dma_wait3A_31 = tpu.memref_slice %arg8[%dma_wait3A, %dma_wait3A_30] : memref<10112x128xf32, #tpu.memory_space<vmem_shared>> -> memref<10112x128xf32, #tpu.memory_space<vmem_shared>>
    tpu.wait_indirect_dma semaphore(%arg26 : memref<!tpu.dma_semaphore, #tpu.memory_space<semaphore_mem>>) src(%arg18 : memref<64x128xf32, #tpu.memory_space<vmem>>) dst(%dma_wait3A_31 : memref<10112x128xf32, #tpu.memory_space<vmem_shared>>)
    %dma_wait3A_32 = arith.constant 0 : i32
    %dma_wait3A_33 = arith.constant 0 : i32
    %dma_wait3A_34 = tpu.memref_slice %arg8[%dma_wait3A_32, %dma_wait3A_33] : memref<10112x128xf32, #tpu.memory_space<vmem_shared>> -> memref<10112x128xf32, #tpu.memory_space<vmem_shared>>
    tpu.wait_indirect_dma semaphore(%arg25 : memref<!tpu.dma_semaphore, #tpu.memory_space<semaphore_mem>>) src(%arg17 : memref<64x128xf32, #tpu.memory_space<vmem>>) dst(%dma_wait3A_34 : memref<10112x128xf32, #tpu.memory_space<vmem_shared>>)
    %barrier3A_35 = arith.constant 0 : index
    tpu.barrier barrier_id(%barrier3A_35)
    %mul3A_36 = arith.constant 632 : i32
    %mul3A_37 = arith.muli %arg1, %mul3A_36 : i32
    %mul3A_38 = arith.constant 632 : i32
    %mul3A_39 = arith.muli %arg1, %mul3A_38 : i32
    "tpu.region"() ({
      %run_scoped3A = tpu.sem_alloc : memref<!tpu.dma_semaphore, #tpu.memory_space<semaphore_mem>>
      %dma_start3A_40 = arith.constant 0 : i32
      %dma_start3A_41 = tpu.memref_slice %arg7[%arg0, %mul3A_39, %dma_start3A_40] : memref<2x10112x128xf32, #tpu.memory_space<hbm>> -> memref<1x632x128xf32, #tpu.memory_space<hbm>>
      %dma_start3A_42 = tpu.memref_squeeze %dma_start3A_41 : memref<1x632x128xf32, #tpu.memory_space<hbm>> -> memref<632x128xf32, #tpu.memory_space<hbm>>
      %dma_start3A_43 = arith.constant 0 : i32
      %dma_start3A_44 = tpu.memref_slice %arg8[%mul3A_37, %dma_start3A_43] : memref<10112x128xf32, #tpu.memory_space<vmem_shared>> -> memref<632x128xf32, #tpu.memory_space<vmem_shared>>
      tpu.enqueue_dma source(%dma_start3A_44 : memref<632x128xf32, #tpu.memory_space<vmem_shared>>) target(%dma_start3A_42 : memref<632x128xf32, #tpu.memory_space<hbm>>) target_semaphore(%run_scoped3A : memref<!tpu.dma_semaphore, #tpu.memory_space<semaphore_mem>>)
      %dma_wait3A_45 = arith.constant 0 : i32
      %dma_wait3A_46 = tpu.memref_slice %arg7[%arg0, %mul3A_39, %dma_wait3A_45] : memref<2x10112x128xf32, #tpu.memory_space<hbm>> -> memref<1x632x128xf32, #tpu.memory_space<hbm>>
      %dma_wait3A_47 = tpu.memref_squeeze %dma_wait3A_46 : memref<1x632x128xf32, #tpu.memory_space<hbm>> -> memref<632x128xf32, #tpu.memory_space<hbm>>
      %dma_wait3A_48 = arith.constant 0 : i32
      %dma_wait3A_49 = tpu.memref_slice %arg8[%mul3A_37, %dma_wait3A_48] : memref<10112x128xf32, #tpu.memory_space<vmem_shared>> -> memref<632x128xf32, #tpu.memory_space<vmem_shared>>
      tpu.wait_dma2 semaphore(%run_scoped3A : memref<!tpu.dma_semaphore, #tpu.memory_space<semaphore_mem>>) src(%dma_wait3A_49 : memref<632x128xf32, #tpu.memory_space<vmem_shared>>) dst(%dma_wait3A_47 : memref<632x128xf32, #tpu.memory_space<hbm>>)
      tpu.yield
    }) : () -> ()
    return
  }
}

#map = affine_map<(d0, d1) -> (0, 0)>
#map1 = affine_map<(d0, d1) -> (0)>
#map2 = affine_map<(d0, d1) -> (0, 0, 0)>
module attributes {stable_mosaic.version = 14 : i64} {
  func.func @k(%arg0: i32, %arg1: i32, %arg2: memref<10000x128xf32, #tpu.memory_space<hbm>>, %arg3: memref<321536x64xi32, #tpu.memory_space<hbm>>, %arg4: memref<321536xi32, #tpu.memory_space<hbm>>, %arg5: memref<321536xi32, #tpu.memory_space<hbm>>, %arg6: memref<10112x128xf32, #tpu.memory_space<hbm>>, %arg7: memref<2x10112x128xf32, #tpu.memory_space<hbm>>, %arg8: memref<10112x128xf32, #tpu.memory_space<vmem_shared>>, %arg9: memref<64xi32, #tpu.memory_space<vmem>>, %arg10: memref<64xi32, #tpu.memory_space<vmem>>, %arg11: memref<64xi32, #tpu.memory_space<vmem>>, %arg12: memref<64xi32, #tpu.memory_space<vmem>>, %arg13: memref<64x128xf32, #tpu.memory_space<vmem>>, %arg14: memref<64x128xf32, #tpu.memory_space<vmem>>, %arg15: memref<64x64xi32, #tpu.memory_space<vmem>>, %arg16: memref<64x64xi32, #tpu.memory_space<vmem>>, %arg17: memref<64x128xf32, #tpu.memory_space<vmem>>, %arg18: memref<64x128xf32, #tpu.memory_space<vmem>>, %arg19: memref<!tpu.dma_semaphore, #tpu.memory_space<semaphore_mem>>, %arg20: memref<!tpu.dma_semaphore, #tpu.memory_space<semaphore_mem>>, %arg21: memref<!tpu.dma_semaphore, #tpu.memory_space<semaphore_mem>>, %arg22: memref<!tpu.dma_semaphore, #tpu.memory_space<semaphore_mem>>, %arg23: memref<!tpu.dma_semaphore, #tpu.memory_space<semaphore_mem>>, %arg24: memref<!tpu.dma_semaphore, #tpu.memory_space<semaphore_mem>>, %arg25: memref<!tpu.dma_semaphore, #tpu.memory_space<semaphore_mem>>, %arg26: memref<!tpu.dma_semaphore, #tpu.memory_space<semaphore_mem>>) attributes {dimension_semantics = [#tpu.dimension_semantics<core_parallel>, #tpu.dimension_semantics<subcore_parallel>], iteration_bounds = array<i64: 2, 16>, scalar_prefetch = 0 : i64, scratch_operands = 19 : i64, tpu.core_type = #tpu.core_type<sc_vector_subcore>, window_params = [{transform_indices = #map}, {transform_indices = #map}, {transform_indices = #map1}, {transform_indices = #map1}, {transform_indices = #map}, {transform_indices = #map2}]} {
    %mul3A = arith.constant 2 : i32
    %mul3A_0 = arith.muli %arg1, %mul3A : i32
    %add3A = arith.addi %mul3A_0, %arg0 : i32
    %mul3A_1 = arith.constant 632 : i32
    %mul3A_2 = arith.muli %arg1, %mul3A_1 : i32
    %mul3A_3 = arith.constant 632 : i32
    %mul3A_4 = arith.muli %arg1, %mul3A_3 : i32
    "tpu.region"() ({
      %run_scoped3A = tpu.sem_alloc : memref<!tpu.dma_semaphore, #tpu.memory_space<semaphore_mem>>
      %dma_start3A_40 = arith.constant 0 : i32
      %dma_start3A_41 = tpu.memref_slice %arg8[%mul3A_4, %dma_start3A_40] : memref<10112x128xf32, #tpu.memory_space<vmem_shared>> -> memref<632x128xf32, #tpu.memory_space<vmem_shared>>
      %dma_start3A_42 = arith.constant 0 : i32
      %dma_start3A_43 = tpu.memref_slice %arg6[%mul3A_2, %dma_start3A_42] : memref<10112x128xf32, #tpu.memory_space<hbm>> -> memref<632x128xf32, #tpu.memory_space<hbm>>
      tpu.enqueue_dma source(%dma_start3A_43 : memref<632x128xf32, #tpu.memory_space<hbm>>) target(%dma_start3A_41 : memref<632x128xf32, #tpu.memory_space<vmem_shared>>) target_semaphore(%run_scoped3A : memref<!tpu.dma_semaphore, #tpu.memory_space<semaphore_mem>>)
      %dma_wait3A_44 = arith.constant 0 : i32
      %dma_wait3A_45 = tpu.memref_slice %arg8[%mul3A_4, %dma_wait3A_44] : memref<10112x128xf32, #tpu.memory_space<vmem_shared>> -> memref<632x128xf32, #tpu.memory_space<vmem_shared>>
      %dma_wait3A_46 = arith.constant 0 : i32
      %dma_wait3A_47 = tpu.memref_slice %arg6[%mul3A_2, %dma_wait3A_46] : memref<10112x128xf32, #tpu.memory_space<hbm>> -> memref<632x128xf32, #tpu.memory_space<hbm>>
      tpu.wait_dma2 semaphore(%run_scoped3A : memref<!tpu.dma_semaphore, #tpu.memory_space<semaphore_mem>>) src(%dma_wait3A_47 : memref<632x128xf32, #tpu.memory_space<hbm>>) dst(%dma_wait3A_45 : memref<632x128xf32, #tpu.memory_space<vmem_shared>>)
      tpu.yield
    }) : () -> ()
    %barrier3A = arith.constant 0 : index
    tpu.barrier barrier_id(%barrier3A)
    %mul3A_5 = arith.constant 10048 : i32
    %mul3A_6 = arith.muli %add3A, %mul3A_5 : i32
    "tpu.region"() ({
      %run_scoped3A = tpu.sem_alloc : memref<!tpu.dma_semaphore, #tpu.memory_space<semaphore_mem>>
      %dma_start3A_40 = tpu.memref_slice %arg4[%mul3A_6] : memref<321536xi32, #tpu.memory_space<hbm>> -> memref<64xi32, #tpu.memory_space<hbm>>
      %dma_start3A_41 = tpu.memref_slice %arg4[%mul3A_6] : memref<321536xi32, #tpu.memory_space<hbm>> -> memref<64xi32, #tpu.memory_space<hbm>>
      tpu.enqueue_dma source(%dma_start3A_41 : memref<64xi32, #tpu.memory_space<hbm>>) target(%arg9 : memref<64xi32, #tpu.memory_space<vmem>>) target_semaphore(%run_scoped3A : memref<!tpu.dma_semaphore, #tpu.memory_space<semaphore_mem>>)
      %dma_wait3A_42 = tpu.memref_slice %arg4[%mul3A_6] : memref<321536xi32, #tpu.memory_space<hbm>> -> memref<64xi32, #tpu.memory_space<hbm>>
      %dma_wait3A_43 = tpu.memref_slice %arg4[%mul3A_6] : memref<321536xi32, #tpu.memory_space<hbm>> -> memref<64xi32, #tpu.memory_space<hbm>>
      tpu.wait_dma2 semaphore(%run_scoped3A : memref<!tpu.dma_semaphore, #tpu.memory_space<semaphore_mem>>) src(%dma_wait3A_43 : memref<64xi32, #tpu.memory_space<hbm>>) dst(%arg9 : memref<64xi32, #tpu.memory_space<vmem>>)
      tpu.yield
    }) : () -> ()
    %add3A_7 = arith.constant 64 : i32
    %add3A_8 = arith.addi %mul3A_6, %add3A_7 : i32
    "tpu.region"() ({
      %run_scoped3A = tpu.sem_alloc : memref<!tpu.dma_semaphore, #tpu.memory_space<semaphore_mem>>
      %dma_start3A_40 = tpu.memref_slice %arg4[%add3A_8] : memref<321536xi32, #tpu.memory_space<hbm>> -> memref<64xi32, #tpu.memory_space<hbm>>
      %dma_start3A_41 = tpu.memref_slice %arg4[%add3A_8] : memref<321536xi32, #tpu.memory_space<hbm>> -> memref<64xi32, #tpu.memory_space<hbm>>
      tpu.enqueue_dma source(%dma_start3A_41 : memref<64xi32, #tpu.memory_space<hbm>>) target(%arg10 : memref<64xi32, #tpu.memory_space<vmem>>) target_semaphore(%run_scoped3A : memref<!tpu.dma_semaphore, #tpu.memory_space<semaphore_mem>>)
      %dma_wait3A_42 = tpu.memref_slice %arg4[%add3A_8] : memref<321536xi32, #tpu.memory_space<hbm>> -> memref<64xi32, #tpu.memory_space<hbm>>
      %dma_wait3A_43 = tpu.memref_slice %arg4[%add3A_8] : memref<321536xi32, #tpu.memory_space<hbm>> -> memref<64xi32, #tpu.memory_space<hbm>>
      tpu.wait_dma2 semaphore(%run_scoped3A : memref<!tpu.dma_semaphore, #tpu.memory_space<semaphore_mem>>) src(%dma_wait3A_43 : memref<64xi32, #tpu.memory_space<hbm>>) dst(%arg10 : memref<64xi32, #tpu.memory_space<vmem>>)
      tpu.yield
    }) : () -> ()
    %add3A_9 = arith.constant 0 : i32
    %add3A_10 = arith.addi %mul3A_6, %add3A_9 : i32
    %dma_start3A = tpu.memref_slice %arg5[%add3A_10] : memref<321536xi32, #tpu.memory_space<hbm>> -> memref<64xi32, #tpu.memory_space<hbm>>
    %dma_start3A_11 = tpu.memref_slice %arg5[%add3A_10] : memref<321536xi32, #tpu.memory_space<hbm>> -> memref<64xi32, #tpu.memory_space<hbm>>
    tpu.enqueue_dma source(%dma_start3A_11 : memref<64xi32, #tpu.memory_space<hbm>>) target(%arg11 : memref<64xi32, #tpu.memory_space<vmem>>) target_semaphore(%arg21 : memref<!tpu.dma_semaphore, #tpu.memory_space<semaphore_mem>>)
    %add3A_12 = arith.constant 64 : i32
    %add3A_13 = arith.addi %mul3A_6, %add3A_12 : i32
    %dma_start3A_14 = tpu.memref_slice %arg5[%add3A_13] : memref<321536xi32, #tpu.memory_space<hbm>> -> memref<64xi32, #tpu.memory_space<hbm>>
    %dma_start3A_15 = tpu.memref_slice %arg5[%add3A_13] : memref<321536xi32, #tpu.memory_space<hbm>> -> memref<64xi32, #tpu.memory_space<hbm>>
    tpu.enqueue_dma source(%dma_start3A_15 : memref<64xi32, #tpu.memory_space<hbm>>) target(%arg12 : memref<64xi32, #tpu.memory_space<vmem>>) target_semaphore(%arg22 : memref<!tpu.dma_semaphore, #tpu.memory_space<semaphore_mem>>)
    %dma_start3A_16 = arith.constant 0 : i32
    %dma_start3A_17 = arith.constant 0 : i32
    %dma_start3A_18 = tpu.memref_slice %arg2[%dma_start3A_16, %dma_start3A_17] : memref<10000x128xf32, #tpu.memory_space<hbm>> -> memref<10000x128xf32, #tpu.memory_space<hbm>>
    tpu.enqueue_indirect_dma source(%dma_start3A_18 : memref<10000x128xf32, #tpu.memory_space<hbm>>) target(%arg13 : memref<64x128xf32, #tpu.memory_space<vmem>>) offsets(%arg9 : memref<64xi32, #tpu.memory_space<vmem>>) semaphore(%arg23 : memref<!tpu.dma_semaphore, #tpu.memory_space<semaphore_mem>>)
    %add3A_19 = arith.constant 0 : i32
    %add3A_20 = arith.addi %mul3A_6, %add3A_19 : i32
    %dma_start3A_21 = arith.constant 0 : i32
    %dma_start3A_22 = tpu.memref_slice %arg3[%add3A_20, %dma_start3A_21] : memref<321536x64xi32, #tpu.memory_space<hbm>> -> memref<64x64xi32, #tpu.memory_space<hbm>>
    %dma_start3A_23 = arith.constant 0 : i32
    %dma_start3A_24 = tpu.memref_slice %arg3[%add3A_20, %dma_start3A_23] : memref<321536x64xi32, #tpu.memory_space<hbm>> -> memref<64x64xi32, #tpu.memory_space<hbm>>
    tpu.enqueue_dma source(%dma_start3A_24 : memref<64x64xi32, #tpu.memory_space<hbm>>) target(%arg15 : memref<64x64xi32, #tpu.memory_space<vmem>>) target_semaphore(%arg23 : memref<!tpu.dma_semaphore, #tpu.memory_space<semaphore_mem>>)
    %scan3A = arith.constant 0 : i32
    %scan3A_25 = arith.constant 0 : i32
    %scan3A_26 = arith.constant 79 : i32
    %scan3A_27 = arith.addi %scan3A_25, %scan3A_26 : i32
    %scan3A_28 = arith.constant 1 : i32
    scf.for %scan3A_40 = %scan3A_25 to %scan3A_27 step %scan3A_28  : i32 {
      %mul3A_41 = arith.constant 2 : i32
      %mul3A_42 = arith.muli %mul3A_41, %scan3A_40 : i32
      %add3A_43 = arith.constant 0 : i32
      %add3A_44 = arith.addi %mul3A_42, %add3A_43 : i32
      %lt3A = arith.constant 157 : i32
      %lt3A_45 = arith.cmpi slt, %add3A_44, %lt3A : i32
      %convert_element_type3A = arith.extui %lt3A_45 : i1 to i32
      %cond3A = arith.constant 0 : i32
      %cond3A_46 = arith.cmpi ne, %convert_element_type3A, %cond3A : i32
      scf.if %cond3A_46 {
        %add3A_56 = arith.constant 1 : i32
        %add3A_57 = arith.addi %add3A_44, %add3A_56 : i32
        %lt3A_58 = arith.constant 157 : i32
        %lt3A_59 = arith.cmpi slt, %add3A_57, %lt3A_58 : i32
        %convert_element_type3A_60 = arith.extui %lt3A_59 : i1 to i32
        %cond3A_61 = arith.constant 0 : i32
        %cond3A_62 = arith.cmpi ne, %convert_element_type3A_60, %cond3A_61 : i32
        scf.if %cond3A_62 {
          %add3A_102 = arith.constant 1 : i32
          %add3A_103 = arith.addi %add3A_44, %add3A_102 : i32
          %dma_start3A_104 = arith.constant 0 : i32
          %dma_start3A_105 = arith.constant 0 : i32
          %dma_start3A_106 = tpu.memref_slice %arg2[%dma_start3A_104, %dma_start3A_105] : memref<10000x128xf32, #tpu.memory_space<hbm>> -> memref<10000x128xf32, #tpu.memory_space<hbm>>
          tpu.enqueue_indirect_dma source(%dma_start3A_106 : memref<10000x128xf32, #tpu.memory_space<hbm>>) target(%arg14 : memref<64x128xf32, #tpu.memory_space<vmem>>) offsets(%arg10 : memref<64xi32, #tpu.memory_space<vmem>>) semaphore(%arg24 : memref<!tpu.dma_semaphore, #tpu.memory_space<semaphore_mem>>)
          %mul3A_107 = arith.constant 64 : i32
          %mul3A_108 = arith.muli %add3A_103, %mul3A_107 : i32
          %add3A_109 = arith.addi %mul3A_6, %mul3A_108 : i32
          %dma_start3A_110 = arith.constant 0 : i32
          %dma_start3A_111 = tpu.memref_slice %arg3[%add3A_109, %dma_start3A_110] : memref<321536x64xi32, #tpu.memory_space<hbm>> -> memref<64x64xi32, #tpu.memory_space<hbm>>
          %dma_start3A_112 = arith.constant 0 : i32
          %dma_start3A_113 = tpu.memref_slice %arg3[%add3A_109, %dma_start3A_112] : memref<321536x64xi32, #tpu.memory_space<hbm>> -> memref<64x64xi32, #tpu.memory_space<hbm>>
          tpu.enqueue_dma source(%dma_start3A_113 : memref<64x64xi32, #tpu.memory_space<hbm>>) target(%arg16 : memref<64x64xi32, #tpu.memory_space<vmem>>) target_semaphore(%arg24 : memref<!tpu.dma_semaphore, #tpu.memory_space<semaphore_mem>>)
        } else {
        }
        %add3A_63 = arith.constant 2 : i32
        %add3A_64 = arith.addi %add3A_44, %add3A_63 : i32
        %lt3A_65 = arith.constant 157 : i32
        %lt3A_66 = arith.cmpi slt, %add3A_64, %lt3A_65 : i32
        %convert_element_type3A_67 = arith.extui %lt3A_66 : i1 to i32
        %cond3A_68 = arith.constant 0 : i32
        %cond3A_69 = arith.cmpi ne, %convert_element_type3A_67, %cond3A_68 : i32
        scf.if %cond3A_69 {
          %add3A_102 = arith.constant 2 : i32
          %add3A_103 = arith.addi %add3A_44, %add3A_102 : i32
          %mul3A_104 = arith.constant 64 : i32
          %mul3A_105 = arith.muli %add3A_103, %mul3A_104 : i32
          %add3A_106 = arith.addi %mul3A_6, %mul3A_105 : i32
          %dma_start3A_107 = tpu.memref_slice %arg4[%add3A_106] : memref<321536xi32, #tpu.memory_space<hbm>> -> memref<64xi32, #tpu.memory_space<hbm>>
          %dma_start3A_108 = tpu.memref_slice %arg4[%add3A_106] : memref<321536xi32, #tpu.memory_space<hbm>> -> memref<64xi32, #tpu.memory_space<hbm>>
          tpu.enqueue_dma source(%dma_start3A_108 : memref<64xi32, #tpu.memory_space<hbm>>) target(%arg9 : memref<64xi32, #tpu.memory_space<vmem>>) target_semaphore(%arg19 : memref<!tpu.dma_semaphore, #tpu.memory_space<semaphore_mem>>)
        } else {
        }
        %dma_wait3A_70 = arith.constant 0 : i32
        %dma_wait3A_71 = arith.constant 0 : i32
        %dma_wait3A_72 = tpu.memref_slice %arg2[%dma_wait3A_70, %dma_wait3A_71] : memref<10000x128xf32, #tpu.memory_space<hbm>> -> memref<64x128xf32, #tpu.memory_space<hbm>>
        %dma_wait3A_73 = arith.constant 0 : i32
        %dma_wait3A_74 = arith.constant 0 : i32
        %dma_wait3A_75 = tpu.memref_slice %arg2[%dma_wait3A_73, %dma_wait3A_74] : memref<10000x128xf32, #tpu.memory_space<hbm>> -> memref<64x128xf32, #tpu.memory_space<hbm>>
        tpu.wait_dma2 semaphore(%arg23 : memref<!tpu.dma_semaphore, #tpu.memory_space<semaphore_mem>>) src(%dma_wait3A_75 : memref<64x128xf32, #tpu.memory_space<hbm>>) dst(%arg13 : memref<64x128xf32, #tpu.memory_space<vmem>>)
        %dma_wait3A_76 = arith.constant 0 : i32
        %dma_wait3A_77 = arith.constant 0 : i32
        %dma_wait3A_78 = tpu.memref_slice %arg3[%dma_wait3A_76, %dma_wait3A_77] : memref<321536x64xi32, #tpu.memory_space<hbm>> -> memref<64x64xi32, #tpu.memory_space<hbm>>
        %dma_wait3A_79 = arith.constant 0 : i32
        %dma_wait3A_80 = arith.constant 0 : i32
        %dma_wait3A_81 = tpu.memref_slice %arg3[%dma_wait3A_79, %dma_wait3A_80] : memref<321536x64xi32, #tpu.memory_space<hbm>> -> memref<64x64xi32, #tpu.memory_space<hbm>>
        tpu.wait_dma2 semaphore(%arg23 : memref<!tpu.dma_semaphore, #tpu.memory_space<semaphore_mem>>) src(%dma_wait3A_81 : memref<64x64xi32, #tpu.memory_space<hbm>>) dst(%arg15 : memref<64x64xi32, #tpu.memory_space<vmem>>)
        %ge3A = arith.constant 2 : i32
        %ge3A_82 = arith.cmpi sge, %add3A_44, %ge3A : i32
        %convert_element_type3A_83 = arith.extui %ge3A_82 : i1 to i32
        %cond3A_84 = arith.constant 0 : i32
        %cond3A_85 = arith.cmpi ne, %convert_element_type3A_83, %cond3A_84 : i32
        scf.if %cond3A_85 {
          %dma_wait3A_102 = arith.constant 0 : i32
          %dma_wait3A_103 = arith.constant 0 : i32
          %dma_wait3A_104 = tpu.memref_slice %arg8[%dma_wait3A_102, %dma_wait3A_103] : memref<10112x128xf32, #tpu.memory_space<vmem_shared>> -> memref<10112x128xf32, #tpu.memory_space<vmem_shared>>
          tpu.wait_indirect_dma semaphore(%arg25 : memref<!tpu.dma_semaphore, #tpu.memory_space<semaphore_mem>>) src(%arg17 : memref<64x128xf32, #tpu.memory_space<vmem>>) dst(%dma_wait3A_104 : memref<10112x128xf32, #tpu.memory_space<vmem_shared>>)
          %mul3A_105 = arith.constant 64 : i32
          %mul3A_106 = arith.muli %add3A_44, %mul3A_105 : i32
          %add3A_107 = arith.addi %mul3A_6, %mul3A_106 : i32
          %dma_start3A_108 = tpu.memref_slice %arg5[%add3A_107] : memref<321536xi32, #tpu.memory_space<hbm>> -> memref<64xi32, #tpu.memory_space<hbm>>
          %dma_start3A_109 = tpu.memref_slice %arg5[%add3A_107] : memref<321536xi32, #tpu.memory_space<hbm>> -> memref<64xi32, #tpu.memory_space<hbm>>
          tpu.enqueue_dma source(%dma_start3A_109 : memref<64xi32, #tpu.memory_space<hbm>>) target(%arg11 : memref<64xi32, #tpu.memory_space<vmem>>) target_semaphore(%arg21 : memref<!tpu.dma_semaphore, #tpu.memory_space<semaphore_mem>>)
        } else {
        }
        %parallel_loop3A = arith.constant 0 : i32
        %parallel_loop3A_86 = arith.constant 64 : i32
        %parallel_loop3A_87 = arith.constant 1 : i32
        scf.for %parallel_loop3A_102 = %parallel_loop3A to %parallel_loop3A_86 step %parallel_loop3A_87  : i32 {
          %parallel_loop3A_103 = arith.index_cast %parallel_loop3A_102 : i32 to index
          %parallel_loop3A_104 = arith.constant 0 : index
          %parallel_loop3A_105 = tpu.vector_load %arg15[%parallel_loop3A_103, %parallel_loop3A_104] {strides = array<i32>} : memref<64x64xi32, #tpu.memory_space<vmem>>, vector<1x16xi32>,
          %parallel_loop3A_106 = vector.shape_cast %parallel_loop3A_105 : vector<1x16xi32> to vector<16xi32>
          %parallel_loop3A_107 = arith.constant 16 : i32
          %parallel_loop3A_108 = vector.broadcast %parallel_loop3A_107 : i32 to vector<16xi32>
          %parallel_loop3A_109 = arith.shli %parallel_loop3A_106, %parallel_loop3A_108 : vector<16xi32>
          %parallel_loop3A_110 = tpu.bitcast %parallel_loop3A_109 : vector<16xi32> -> vector<16xf32>
          %parallel_loop3A_111 = arith.constant -65536 : i32
          %parallel_loop3A_112 = vector.broadcast %parallel_loop3A_111 : i32 to vector<16xi32>
          %parallel_loop3A_113 = arith.andi %parallel_loop3A_106, %parallel_loop3A_112 : vector<16xi32>
          %parallel_loop3A_114 = tpu.bitcast %parallel_loop3A_113 : vector<16xi32> -> vector<16xf32>
          %parallel_loop3A_115 = arith.index_cast %parallel_loop3A_102 : i32 to index
          %parallel_loop3A_116 = arith.constant 0 : index
          %parallel_loop3A_117 = tpu.vector_load %arg13[%parallel_loop3A_115, %parallel_loop3A_116] {strides = array<i32>} : memref<64x128xf32, #tpu.memory_space<vmem>>, vector<1x16xf32>,
          %parallel_loop3A_118 = vector.shape_cast %parallel_loop3A_117 : vector<1x16xf32> to vector<16xf32>
          %parallel_loop3A_119 = arith.mulf %parallel_loop3A_118, %parallel_loop3A_110 : vector<16xf32>
          %parallel_loop3A_120 = arith.index_cast %parallel_loop3A_102 : i32 to index
          %parallel_loop3A_121 = arith.constant 0 : index
          %parallel_loop3A_122 = tpu.vector_load %arg17[%parallel_loop3A_120, %parallel_loop3A_121] {strides = array<i32>} : memref<64x128xf32, #tpu.memory_space<vmem>>, vector<1x16xf32>,
          %parallel_loop3A_123 = vector.shape_cast %parallel_loop3A_122 : vector<1x16xf32> to vector<16xf32>
          %parallel_loop3A_124 = vector.shape_cast %parallel_loop3A_119 : vector<16xf32> to vector<1x16xf32>
          tpu.vector_store %arg17[%parallel_loop3A_120, %parallel_loop3A_121], %parallel_loop3A_124 {strides = array<i32>} : memref<64x128xf32, #tpu.memory_space<vmem>>, vector<1x16xf32>,
          %parallel_loop3A_125 = arith.index_cast %parallel_loop3A_102 : i32 to index
          %parallel_loop3A_126 = arith.constant 16 : index
          %parallel_loop3A_127 = tpu.vector_load %arg13[%parallel_loop3A_125, %parallel_loop3A_126] {strides = array<i32>} : memref<64x128xf32, #tpu.memory_space<vmem>>, vector<1x16xf32>,
          %parallel_loop3A_128 = vector.shape_cast %parallel_loop3A_127 : vector<1x16xf32> to vector<16xf32>
          %parallel_loop3A_129 = arith.mulf %parallel_loop3A_128, %parallel_loop3A_114 : vector<16xf32>
          %parallel_loop3A_130 = arith.index_cast %parallel_loop3A_102 : i32 to index
          %parallel_loop3A_131 = arith.constant 16 : index
          %parallel_loop3A_132 = tpu.vector_load %arg17[%parallel_loop3A_130, %parallel_loop3A_131] {strides = array<i32>} : memref<64x128xf32, #tpu.memory_space<vmem>>, vector<1x16xf32>,
          %parallel_loop3A_133 = vector.shape_cast %parallel_loop3A_132 : vector<1x16xf32> to vector<16xf32>
          %parallel_loop3A_134 = vector.shape_cast %parallel_loop3A_129 : vector<16xf32> to vector<1x16xf32>
          tpu.vector_store %arg17[%parallel_loop3A_130, %parallel_loop3A_131], %parallel_loop3A_134 {strides = array<i32>} : memref<64x128xf32, #tpu.memory_space<vmem>>, vector<1x16xf32>,
          %parallel_loop3A_135 = arith.index_cast %parallel_loop3A_102 : i32 to index
          %parallel_loop3A_136 = arith.constant 16 : index
          %parallel_loop3A_137 = tpu.vector_load %arg15[%parallel_loop3A_135, %parallel_loop3A_136] {strides = array<i32>} : memref<64x64xi32, #tpu.memory_space<vmem>>, vector<1x16xi32>,
          %parallel_loop3A_138 = vector.shape_cast %parallel_loop3A_137 : vector<1x16xi32> to vector<16xi32>
          %parallel_loop3A_139 = arith.constant 16 : i32
          %parallel_loop3A_140 = vector.broadcast %parallel_loop3A_139 : i32 to vector<16xi32>
          %parallel_loop3A_141 = arith.shli %parallel_loop3A_138, %parallel_loop3A_140 : vector<16xi32>
          %parallel_loop3A_142 = tpu.bitcast %parallel_loop3A_141 : vector<16xi32> -> vector<16xf32>
          %parallel_loop3A_143 = arith.constant -65536 : i32
          %parallel_loop3A_144 = vector.broadcast %parallel_loop3A_143 : i32 to vector<16xi32>
          %parallel_loop3A_145 = arith.andi %parallel_loop3A_138, %parallel_loop3A_144 : vector<16xi32>
          %parallel_loop3A_146 = tpu.bitcast %parallel_loop3A_145 : vector<16xi32> -> vector<16xf32>
          %parallel_loop3A_147 = arith.index_cast %parallel_loop3A_102 : i32 to index
          %parallel_loop3A_148 = arith.constant 32 : index
          %parallel_loop3A_149 = tpu.vector_load %arg13[%parallel_loop3A_147, %parallel_loop3A_148] {strides = array<i32>} : memref<64x128xf32, #tpu.memory_space<vmem>>, vector<1x16xf32>,
          %parallel_loop3A_150 = vector.shape_cast %parallel_loop3A_149 : vector<1x16xf32> to vector<16xf32>
          %parallel_loop3A_151 = arith.mulf %parallel_loop3A_150, %parallel_loop3A_142 : vector<16xf32>
          %parallel_loop3A_152 = arith.index_cast %parallel_loop3A_102 : i32 to index
          %parallel_loop3A_153 = arith.constant 32 : index
          %parallel_loop3A_154 = tpu.vector_load %arg17[%parallel_loop3A_152, %parallel_loop3A_153] {strides = array<i32>} : memref<64x128xf32, #tpu.memory_space<vmem>>, vector<1x16xf32>,
          %parallel_loop3A_155 = vector.shape_cast %parallel_loop3A_154 : vector<1x16xf32> to vector<16xf32>
          %parallel_loop3A_156 = vector.shape_cast %parallel_loop3A_151 : vector<16xf32> to vector<1x16xf32>
          tpu.vector_store %arg17[%parallel_loop3A_152, %parallel_loop3A_153], %parallel_loop3A_156 {strides = array<i32>} : memref<64x128xf32, #tpu.memory_space<vmem>>, vector<1x16xf32>,
          %parallel_loop3A_157 = arith.index_cast %parallel_loop3A_102 : i32 to index
          %parallel_loop3A_158 = arith.constant 48 : index
          %parallel_loop3A_159 = tpu.vector_load %arg13[%parallel_loop3A_157, %parallel_loop3A_158] {strides = array<i32>} : memref<64x128xf32, #tpu.memory_space<vmem>>, vector<1x16xf32>,
          %parallel_loop3A_160 = vector.shape_cast %parallel_loop3A_159 : vector<1x16xf32> to vector<16xf32>
          %parallel_loop3A_161 = arith.mulf %parallel_loop3A_160, %parallel_loop3A_146 : vector<16xf32>
          %parallel_loop3A_162 = arith.index_cast %parallel_loop3A_102 : i32 to index
          %parallel_loop3A_163 = arith.constant 48 : index
          %parallel_loop3A_164 = tpu.vector_load %arg17[%parallel_loop3A_162, %parallel_loop3A_163] {strides = array<i32>} : memref<64x128xf32, #tpu.memory_space<vmem>>, vector<1x16xf32>,
          %parallel_loop3A_165 = vector.shape_cast %parallel_loop3A_164 : vector<1x16xf32> to vector<16xf32>
          %parallel_loop3A_166 = vector.shape_cast %parallel_loop3A_161 : vector<16xf32> to vector<1x16xf32>
          tpu.vector_store %arg17[%parallel_loop3A_162, %parallel_loop3A_163], %parallel_loop3A_166 {strides = array<i32>} : memref<64x128xf32, #tpu.memory_space<vmem>>, vector<1x16xf32>,
          %parallel_loop3A_167 = arith.index_cast %parallel_loop3A_102 : i32 to index
          %parallel_loop3A_168 = arith.constant 32 : index
          %parallel_loop3A_169 = tpu.vector_load %arg15[%parallel_loop3A_167, %parallel_loop3A_168] {strides = array<i32>} : memref<64x64xi32, #tpu.memory_space<vmem>>, vector<1x16xi32>,
          %parallel_loop3A_170 = vector.shape_cast %parallel_loop3A_169 : vector<1x16xi32> to vector<16xi32>
          %parallel_loop3A_171 = arith.constant 16 : i32
          %parallel_loop3A_172 = vector.broadcast %parallel_loop3A_171 : i32 to vector<16xi32>
          %parallel_loop3A_173 = arith.shli %parallel_loop3A_170, %parallel_loop3A_172 : vector<16xi32>
          %parallel_loop3A_174 = tpu.bitcast %parallel_loop3A_173 : vector<16xi32> -> vector<16xf32>
          %parallel_loop3A_175 = arith.constant -65536 : i32
          %parallel_loop3A_176 = vector.broadcast %parallel_loop3A_175 : i32 to vector<16xi32>
          %parallel_loop3A_177 = arith.andi %parallel_loop3A_170, %parallel_loop3A_176 : vector<16xi32>
          %parallel_loop3A_178 = tpu.bitcast %parallel_loop3A_177 : vector<16xi32> -> vector<16xf32>
          %parallel_loop3A_179 = arith.index_cast %parallel_loop3A_102 : i32 to index
          %parallel_loop3A_180 = arith.constant 64 : index
          %parallel_loop3A_181 = tpu.vector_load %arg13[%parallel_loop3A_179, %parallel_loop3A_180] {strides = array<i32>} : memref<64x128xf32, #tpu.memory_space<vmem>>, vector<1x16xf32>,
          %parallel_loop3A_182 = vector.shape_cast %parallel_loop3A_181 : vector<1x16xf32> to vector<16xf32>
          %parallel_loop3A_183 = arith.mulf %parallel_loop3A_182, %parallel_loop3A_174 : vector<16xf32>
          %parallel_loop3A_184 = arith.index_cast %parallel_loop3A_102 : i32 to index
          %parallel_loop3A_185 = arith.constant 64 : index
          %parallel_loop3A_186 = tpu.vector_load %arg17[%parallel_loop3A_184, %parallel_loop3A_185] {strides = array<i32>} : memref<64x128xf32, #tpu.memory_space<vmem>>, vector<1x16xf32>,
          %parallel_loop3A_187 = vector.shape_cast %parallel_loop3A_186 : vector<1x16xf32> to vector<16xf32>
          %parallel_loop3A_188 = vector.shape_cast %parallel_loop3A_183 : vector<16xf32> to vector<1x16xf32>
          tpu.vector_store %arg17[%parallel_loop3A_184, %parallel_loop3A_185], %parallel_loop3A_188 {strides = array<i32>} : memref<64x128xf32, #tpu.memory_space<vmem>>, vector<1x16xf32>,
          %parallel_loop3A_189 = arith.index_cast %parallel_loop3A_102 : i32 to index
          %parallel_loop3A_190 = arith.constant 80 : index
          %parallel_loop3A_191 = tpu.vector_load %arg13[%parallel_loop3A_189, %parallel_loop3A_190] {strides = array<i32>} : memref<64x128xf32, #tpu.memory_space<vmem>>, vector<1x16xf32>,
          %parallel_loop3A_192 = vector.shape_cast %parallel_loop3A_191 : vector<1x16xf32> to vector<16xf32>
          %parallel_loop3A_193 = arith.mulf %parallel_loop3A_192, %parallel_loop3A_178 : vector<16xf32>
          %parallel_loop3A_194 = arith.index_cast %parallel_loop3A_102 : i32 to index
          %parallel_loop3A_195 = arith.constant 80 : index
          %parallel_loop3A_196 = tpu.vector_load %arg17[%parallel_loop3A_194, %parallel_loop3A_195] {strides = array<i32>} : memref<64x128xf32, #tpu.memory_space<vmem>>, vector<1x16xf32>,
          %parallel_loop3A_197 = vector.shape_cast %parallel_loop3A_196 : vector<1x16xf32> to vector<16xf32>
          %parallel_loop3A_198 = vector.shape_cast %parallel_loop3A_193 : vector<16xf32> to vector<1x16xf32>
          tpu.vector_store %arg17[%parallel_loop3A_194, %parallel_loop3A_195], %parallel_loop3A_198 {strides = array<i32>} : memref<64x128xf32, #tpu.memory_space<vmem>>, vector<1x16xf32>,
          %parallel_loop3A_199 = arith.index_cast %parallel_loop3A_102 : i32 to index
          %parallel_loop3A_200 = arith.constant 48 : index
          %parallel_loop3A_201 = tpu.vector_load %arg15[%parallel_loop3A_199, %parallel_loop3A_200] {strides = array<i32>} : memref<64x64xi32, #tpu.memory_space<vmem>>, vector<1x16xi32>,
          %parallel_loop3A_202 = vector.shape_cast %parallel_loop3A_201 : vector<1x16xi32> to vector<16xi32>
          %parallel_loop3A_203 = arith.constant 16 : i32
          %parallel_loop3A_204 = vector.broadcast %parallel_loop3A_203 : i32 to vector<16xi32>
          %parallel_loop3A_205 = arith.shli %parallel_loop3A_202, %parallel_loop3A_204 : vector<16xi32>
          %parallel_loop3A_206 = tpu.bitcast %parallel_loop3A_205 : vector<16xi32> -> vector<16xf32>
          %parallel_loop3A_207 = arith.constant -65536 : i32
          %parallel_loop3A_208 = vector.broadcast %parallel_loop3A_207 : i32 to vector<16xi32>
          %parallel_loop3A_209 = arith.andi %parallel_loop3A_202, %parallel_loop3A_208 : vector<16xi32>
          %parallel_loop3A_210 = tpu.bitcast %parallel_loop3A_209 : vector<16xi32> -> vector<16xf32>
          %parallel_loop3A_211 = arith.index_cast %parallel_loop3A_102 : i32 to index
          %parallel_loop3A_212 = arith.constant 96 : index
          %parallel_loop3A_213 = tpu.vector_load %arg13[%parallel_loop3A_211, %parallel_loop3A_212] {strides = array<i32>} : memref<64x128xf32, #tpu.memory_space<vmem>>, vector<1x16xf32>,
          %parallel_loop3A_214 = vector.shape_cast %parallel_loop3A_213 : vector<1x16xf32> to vector<16xf32>
          %parallel_loop3A_215 = arith.mulf %parallel_loop3A_214, %parallel_loop3A_206 : vector<16xf32>
          %parallel_loop3A_216 = arith.index_cast %parallel_loop3A_102 : i32 to index
          %parallel_loop3A_217 = arith.constant 96 : index
          %parallel_loop3A_218 = tpu.vector_load %arg17[%parallel_loop3A_216, %parallel_loop3A_217] {strides = array<i32>} : memref<64x128xf32, #tpu.memory_space<vmem>>, vector<1x16xf32>,
          %parallel_loop3A_219 = vector.shape_cast %parallel_loop3A_218 : vector<1x16xf32> to vector<16xf32>
          %parallel_loop3A_220 = vector.shape_cast %parallel_loop3A_215 : vector<16xf32> to vector<1x16xf32>
          tpu.vector_store %arg17[%parallel_loop3A_216, %parallel_loop3A_217], %parallel_loop3A_220 {strides = array<i32>} : memref<64x128xf32, #tpu.memory_space<vmem>>, vector<1x16xf32>,
          %parallel_loop3A_221 = arith.index_cast %parallel_loop3A_102 : i32 to index
          %parallel_loop3A_222 = arith.constant 112 : index
          %parallel_loop3A_223 = tpu.vector_load %arg13[%parallel_loop3A_221, %parallel_loop3A_222] {strides = array<i32>} : memref<64x128xf32, #tpu.memory_space<vmem>>, vector<1x16xf32>,
          %parallel_loop3A_224 = vector.shape_cast %parallel_loop3A_223 : vector<1x16xf32> to vector<16xf32>
          %parallel_loop3A_225 = arith.mulf %parallel_loop3A_224, %parallel_loop3A_210 : vector<16xf32>
          %parallel_loop3A_226 = arith.index_cast %parallel_loop3A_102 : i32 to index
          %parallel_loop3A_227 = arith.constant 112 : index
          %parallel_loop3A_228 = tpu.vector_load %arg17[%parallel_loop3A_226, %parallel_loop3A_227] {strides = array<i32>} : memref<64x128xf32, #tpu.memory_space<vmem>>, vector<1x16xf32>,
          %parallel_loop3A_229 = vector.shape_cast %parallel_loop3A_228 : vector<1x16xf32> to vector<16xf32>
          %parallel_loop3A_230 = vector.shape_cast %parallel_loop3A_225 : vector<16xf32> to vector<1x16xf32>
          tpu.vector_store %arg17[%parallel_loop3A_226, %parallel_loop3A_227], %parallel_loop3A_230 {strides = array<i32>} : memref<64x128xf32, #tpu.memory_space<vmem>>, vector<1x16xf32>,
        } {sc.loop_unroll_factor = 4 : i64, sc.parallel_access}
        %dma_wait3A_88 = arith.constant 0 : i32
        %dma_wait3A_89 = tpu.memref_slice %arg5[%dma_wait3A_88] : memref<321536xi32, #tpu.memory_space<hbm>> -> memref<64xi32, #tpu.memory_space<hbm>>
        %dma_wait3A_90 = arith.constant 0 : i32
        %dma_wait3A_91 = tpu.memref_slice %arg5[%dma_wait3A_90] : memref<321536xi32, #tpu.memory_space<hbm>> -> memref<64xi32, #tpu.memory_space<hbm>>
        tpu.wait_dma2 semaphore(%arg21 : memref<!tpu.dma_semaphore, #tpu.memory_space<semaphore_mem>>) src(%dma_wait3A_91 : memref<64xi32, #tpu.memory_space<hbm>>) dst(%arg11 : memref<64xi32, #tpu.memory_space<vmem>>)
        %dma_start3A_92 = arith.constant 0 : i32
        %dma_start3A_93 = arith.constant 0 : i32
        %dma_start3A_94 = tpu.memref_slice %arg8[%dma_start3A_92, %dma_start3A_93] : memref<10112x128xf32, #tpu.memory_space<vmem_shared>> -> memref<10112x128xf32, #tpu.memory_space<vmem_shared>>
        tpu.enqueue_indirect_dma source(%arg17 : memref<64x128xf32, #tpu.memory_space<vmem>>) target(%dma_start3A_94 : memref<10112x128xf32, #tpu.memory_space<vmem_shared>>) offsets(%arg11 : memref<64xi32, #tpu.memory_space<vmem>>) semaphore(%arg25 : memref<!tpu.dma_semaphore, #tpu.memory_space<semaphore_mem>>) {add = true}
        %add3A_95 = arith.constant 2 : i32
        %add3A_96 = arith.addi %add3A_44, %add3A_95 : i32
        %lt3A_97 = arith.constant 157 : i32
        %lt3A_98 = arith.cmpi slt, %add3A_96, %lt3A_97 : i32
        %convert_element_type3A_99 = arith.extui %lt3A_98 : i1 to i32
        %cond3A_100 = arith.constant 0 : i32
        %cond3A_101 = arith.cmpi ne, %convert_element_type3A_99, %cond3A_100 : i32
        scf.if %cond3A_101 {
          %dma_wait3A_102 = arith.constant 0 : i32
          %dma_wait3A_103 = tpu.memref_slice %arg4[%dma_wait3A_102] : memref<321536xi32, #tpu.memory_space<hbm>> -> memref<64xi32, #tpu.memory_space<hbm>>
          %dma_wait3A_104 = arith.constant 0 : i32
          %dma_wait3A_105 = tpu.memref_slice %arg4[%dma_wait3A_104] : memref<321536xi32, #tpu.memory_space<hbm>> -> memref<64xi32, #tpu.memory_space<hbm>>
          tpu.wait_dma2 semaphore(%arg19 : memref<!tpu.dma_semaphore, #tpu.memory_space<semaphore_mem>>) src(%dma_wait3A_105 : memref<64xi32, #tpu.memory_space<hbm>>) dst(%arg9 : memref<64xi32, #tpu.memory_space<vmem>>)
        } else {
        }
      } else {
      }
      %mul3A_47 = arith.constant 2 : i32
      %mul3A_48 = arith.muli %mul3A_47, %scan3A_40 : i32
      %add3A_49 = arith.constant 1 : i32
      %add3A_50 = arith.addi %mul3A_48, %add3A_49 : i32
      %lt3A_51 = arith.constant 157 : i32
      %lt3A_52 = arith.cmpi slt, %add3A_50, %lt3A_51 : i32
      %convert_element_type3A_53 = arith.extui %lt3A_52 : i1 to i32
      %cond3A_54 = arith.constant 0 : i32
      %cond3A_55 = arith.cmpi ne, %convert_element_type3A_53, %cond3A_54 : i32
      scf.if %cond3A_55 {
        %add3A_56 = arith.constant 1 : i32
        %add3A_57 = arith.addi %add3A_50, %add3A_56 : i32
        %lt3A_58 = arith.constant 157 : i32
        %lt3A_59 = arith.cmpi slt, %add3A_57, %lt3A_58 : i32
        %convert_element_type3A_60 = arith.extui %lt3A_59 : i1 to i32
        %cond3A_61 = arith.constant 0 : i32
        %cond3A_62 = arith.cmpi ne, %convert_element_type3A_60, %cond3A_61 : i32
        scf.if %cond3A_62 {
          %add3A_102 = arith.constant 1 : i32
          %add3A_103 = arith.addi %add3A_50, %add3A_102 : i32
          %dma_start3A_104 = arith.constant 0 : i32
          %dma_start3A_105 = arith.constant 0 : i32
          %dma_start3A_106 = tpu.memref_slice %arg2[%dma_start3A_104, %dma_start3A_105] : memref<10000x128xf32, #tpu.memory_space<hbm>> -> memref<10000x128xf32, #tpu.memory_space<hbm>>
          tpu.enqueue_indirect_dma source(%dma_start3A_106 : memref<10000x128xf32, #tpu.memory_space<hbm>>) target(%arg13 : memref<64x128xf32, #tpu.memory_space<vmem>>) offsets(%arg9 : memref<64xi32, #tpu.memory_space<vmem>>) semaphore(%arg23 : memref<!tpu.dma_semaphore, #tpu.memory_space<semaphore_mem>>)
          %mul3A_107 = arith.constant 64 : i32
          %mul3A_108 = arith.muli %add3A_103, %mul3A_107 : i32
          %add3A_109 = arith.addi %mul3A_6, %mul3A_108 : i32
          %dma_start3A_110 = arith.constant 0 : i32
          %dma_start3A_111 = tpu.memref_slice %arg3[%add3A_109, %dma_start3A_110] : memref<321536x64xi32, #tpu.memory_space<hbm>> -> memref<64x64xi32, #tpu.memory_space<hbm>>
          %dma_start3A_112 = arith.constant 0 : i32
          %dma_start3A_113 = tpu.memref_slice %arg3[%add3A_109, %dma_start3A_112] : memref<321536x64xi32, #tpu.memory_space<hbm>> -> memref<64x64xi32, #tpu.memory_space<hbm>>
          tpu.enqueue_dma source(%dma_start3A_113 : memref<64x64xi32, #tpu.memory_space<hbm>>) target(%arg15 : memref<64x64xi32, #tpu.memory_space<vmem>>) target_semaphore(%arg23 : memref<!tpu.dma_semaphore, #tpu.memory_space<semaphore_mem>>)
        } else {
        }
        %add3A_63 = arith.constant 2 : i32
        %add3A_64 = arith.addi %add3A_50, %add3A_63 : i32
        %lt3A_65 = arith.constant 157 : i32
        %lt3A_66 = arith.cmpi slt, %add3A_64, %lt3A_65 : i32
        %convert_element_type3A_67 = arith.extui %lt3A_66 : i1 to i32
        %cond3A_68 = arith.constant 0 : i32
        %cond3A_69 = arith.cmpi ne, %convert_element_type3A_67, %cond3A_68 : i32
        scf.if %cond3A_69 {
          %add3A_102 = arith.constant 2 : i32
          %add3A_103 = arith.addi %add3A_50, %add3A_102 : i32
          %mul3A_104 = arith.constant 64 : i32
          %mul3A_105 = arith.muli %add3A_103, %mul3A_104 : i32
          %add3A_106 = arith.addi %mul3A_6, %mul3A_105 : i32
          %dma_start3A_107 = tpu.memref_slice %arg4[%add3A_106] : memref<321536xi32, #tpu.memory_space<hbm>> -> memref<64xi32, #tpu.memory_space<hbm>>
          %dma_start3A_108 = tpu.memref_slice %arg4[%add3A_106] : memref<321536xi32, #tpu.memory_space<hbm>> -> memref<64xi32, #tpu.memory_space<hbm>>
          tpu.enqueue_dma source(%dma_start3A_108 : memref<64xi32, #tpu.memory_space<hbm>>) target(%arg10 : memref<64xi32, #tpu.memory_space<vmem>>) target_semaphore(%arg20 : memref<!tpu.dma_semaphore, #tpu.memory_space<semaphore_mem>>)
        } else {
        }
        %dma_wait3A_70 = arith.constant 0 : i32
        %dma_wait3A_71 = arith.constant 0 : i32
        %dma_wait3A_72 = tpu.memref_slice %arg2[%dma_wait3A_70, %dma_wait3A_71] : memref<10000x128xf32, #tpu.memory_space<hbm>> -> memref<64x128xf32, #tpu.memory_space<hbm>>
        %dma_wait3A_73 = arith.constant 0 : i32
        %dma_wait3A_74 = arith.constant 0 : i32
        %dma_wait3A_75 = tpu.memref_slice %arg2[%dma_wait3A_73, %dma_wait3A_74] : memref<10000x128xf32, #tpu.memory_space<hbm>> -> memref<64x128xf32, #tpu.memory_space<hbm>>
        tpu.wait_dma2 semaphore(%arg24 : memref<!tpu.dma_semaphore, #tpu.memory_space<semaphore_mem>>) src(%dma_wait3A_75 : memref<64x128xf32, #tpu.memory_space<hbm>>) dst(%arg14 : memref<64x128xf32, #tpu.memory_space<vmem>>)
        %dma_wait3A_76 = arith.constant 0 : i32
        %dma_wait3A_77 = arith.constant 0 : i32
        %dma_wait3A_78 = tpu.memref_slice %arg3[%dma_wait3A_76, %dma_wait3A_77] : memref<321536x64xi32, #tpu.memory_space<hbm>> -> memref<64x64xi32, #tpu.memory_space<hbm>>
        %dma_wait3A_79 = arith.constant 0 : i32
        %dma_wait3A_80 = arith.constant 0 : i32
        %dma_wait3A_81 = tpu.memref_slice %arg3[%dma_wait3A_79, %dma_wait3A_80] : memref<321536x64xi32, #tpu.memory_space<hbm>> -> memref<64x64xi32, #tpu.memory_space<hbm>>
        tpu.wait_dma2 semaphore(%arg24 : memref<!tpu.dma_semaphore, #tpu.memory_space<semaphore_mem>>) src(%dma_wait3A_81 : memref<64x64xi32, #tpu.memory_space<hbm>>) dst(%arg16 : memref<64x64xi32, #tpu.memory_space<vmem>>)
        %ge3A = arith.constant 2 : i32
        %ge3A_82 = arith.cmpi sge, %add3A_50, %ge3A : i32
        %convert_element_type3A_83 = arith.extui %ge3A_82 : i1 to i32
        %cond3A_84 = arith.constant 0 : i32
        %cond3A_85 = arith.cmpi ne, %convert_element_type3A_83, %cond3A_84 : i32
        scf.if %cond3A_85 {
          %dma_wait3A_102 = arith.constant 0 : i32
          %dma_wait3A_103 = arith.constant 0 : i32
          %dma_wait3A_104 = tpu.memref_slice %arg8[%dma_wait3A_102, %dma_wait3A_103] : memref<10112x128xf32, #tpu.memory_space<vmem_shared>> -> memref<10112x128xf32, #tpu.memory_space<vmem_shared>>
          tpu.wait_indirect_dma semaphore(%arg26 : memref<!tpu.dma_semaphore, #tpu.memory_space<semaphore_mem>>) src(%arg18 : memref<64x128xf32, #tpu.memory_space<vmem>>) dst(%dma_wait3A_104 : memref<10112x128xf32, #tpu.memory_space<vmem_shared>>)
          %mul3A_105 = arith.constant 64 : i32
          %mul3A_106 = arith.muli %add3A_50, %mul3A_105 : i32
          %add3A_107 = arith.addi %mul3A_6, %mul3A_106 : i32
          %dma_start3A_108 = tpu.memref_slice %arg5[%add3A_107] : memref<321536xi32, #tpu.memory_space<hbm>> -> memref<64xi32, #tpu.memory_space<hbm>>
          %dma_start3A_109 = tpu.memref_slice %arg5[%add3A_107] : memref<321536xi32, #tpu.memory_space<hbm>> -> memref<64xi32, #tpu.memory_space<hbm>>
          tpu.enqueue_dma source(%dma_start3A_109 : memref<64xi32, #tpu.memory_space<hbm>>) target(%arg12 : memref<64xi32, #tpu.memory_space<vmem>>) target_semaphore(%arg22 : memref<!tpu.dma_semaphore, #tpu.memory_space<semaphore_mem>>)
        } else {
        }
        %parallel_loop3A = arith.constant 0 : i32
        %parallel_loop3A_86 = arith.constant 64 : i32
        %parallel_loop3A_87 = arith.constant 1 : i32
        scf.for %parallel_loop3A_102 = %parallel_loop3A to %parallel_loop3A_86 step %parallel_loop3A_87  : i32 {
          %parallel_loop3A_103 = arith.index_cast %parallel_loop3A_102 : i32 to index
          %parallel_loop3A_104 = arith.constant 0 : index
          %parallel_loop3A_105 = tpu.vector_load %arg16[%parallel_loop3A_103, %parallel_loop3A_104] {strides = array<i32>} : memref<64x64xi32, #tpu.memory_space<vmem>>, vector<1x16xi32>,
          %parallel_loop3A_106 = vector.shape_cast %parallel_loop3A_105 : vector<1x16xi32> to vector<16xi32>
          %parallel_loop3A_107 = arith.constant 16 : i32
          %parallel_loop3A_108 = vector.broadcast %parallel_loop3A_107 : i32 to vector<16xi32>
          %parallel_loop3A_109 = arith.shli %parallel_loop3A_106, %parallel_loop3A_108 : vector<16xi32>
          %parallel_loop3A_110 = tpu.bitcast %parallel_loop3A_109 : vector<16xi32> -> vector<16xf32>
          %parallel_loop3A_111 = arith.constant -65536 : i32
          %parallel_loop3A_112 = vector.broadcast %parallel_loop3A_111 : i32 to vector<16xi32>
          %parallel_loop3A_113 = arith.andi %parallel_loop3A_106, %parallel_loop3A_112 : vector<16xi32>
          %parallel_loop3A_114 = tpu.bitcast %parallel_loop3A_113 : vector<16xi32> -> vector<16xf32>
          %parallel_loop3A_115 = arith.index_cast %parallel_loop3A_102 : i32 to index
          %parallel_loop3A_116 = arith.constant 0 : index
          %parallel_loop3A_117 = tpu.vector_load %arg14[%parallel_loop3A_115, %parallel_loop3A_116] {strides = array<i32>} : memref<64x128xf32, #tpu.memory_space<vmem>>, vector<1x16xf32>,
          %parallel_loop3A_118 = vector.shape_cast %parallel_loop3A_117 : vector<1x16xf32> to vector<16xf32>
          %parallel_loop3A_119 = arith.mulf %parallel_loop3A_118, %parallel_loop3A_110 : vector<16xf32>
          %parallel_loop3A_120 = arith.index_cast %parallel_loop3A_102 : i32 to index
          %parallel_loop3A_121 = arith.constant 0 : index
          %parallel_loop3A_122 = tpu.vector_load %arg18[%parallel_loop3A_120, %parallel_loop3A_121] {strides = array<i32>} : memref<64x128xf32, #tpu.memory_space<vmem>>, vector<1x16xf32>,
          %parallel_loop3A_123 = vector.shape_cast %parallel_loop3A_122 : vector<1x16xf32> to vector<16xf32>
          %parallel_loop3A_124 = vector.shape_cast %parallel_loop3A_119 : vector<16xf32> to vector<1x16xf32>
          tpu.vector_store %arg18[%parallel_loop3A_120, %parallel_loop3A_121], %parallel_loop3A_124 {strides = array<i32>} : memref<64x128xf32, #tpu.memory_space<vmem>>, vector<1x16xf32>,
          %parallel_loop3A_125 = arith.index_cast %parallel_loop3A_102 : i32 to index
          %parallel_loop3A_126 = arith.constant 16 : index
          %parallel_loop3A_127 = tpu.vector_load %arg14[%parallel_loop3A_125, %parallel_loop3A_126] {strides = array<i32>} : memref<64x128xf32, #tpu.memory_space<vmem>>, vector<1x16xf32>,
          %parallel_loop3A_128 = vector.shape_cast %parallel_loop3A_127 : vector<1x16xf32> to vector<16xf32>
          %parallel_loop3A_129 = arith.mulf %parallel_loop3A_128, %parallel_loop3A_114 : vector<16xf32>
          %parallel_loop3A_130 = arith.index_cast %parallel_loop3A_102 : i32 to index
          %parallel_loop3A_131 = arith.constant 16 : index
          %parallel_loop3A_132 = tpu.vector_load %arg18[%parallel_loop3A_130, %parallel_loop3A_131] {strides = array<i32>} : memref<64x128xf32, #tpu.memory_space<vmem>>, vector<1x16xf32>,
          %parallel_loop3A_133 = vector.shape_cast %parallel_loop3A_132 : vector<1x16xf32> to vector<16xf32>
          %parallel_loop3A_134 = vector.shape_cast %parallel_loop3A_129 : vector<16xf32> to vector<1x16xf32>
          tpu.vector_store %arg18[%parallel_loop3A_130, %parallel_loop3A_131], %parallel_loop3A_134 {strides = array<i32>} : memref<64x128xf32, #tpu.memory_space<vmem>>, vector<1x16xf32>,
          %parallel_loop3A_135 = arith.index_cast %parallel_loop3A_102 : i32 to index
          %parallel_loop3A_136 = arith.constant 16 : index
          %parallel_loop3A_137 = tpu.vector_load %arg16[%parallel_loop3A_135, %parallel_loop3A_136] {strides = array<i32>} : memref<64x64xi32, #tpu.memory_space<vmem>>, vector<1x16xi32>,
          %parallel_loop3A_138 = vector.shape_cast %parallel_loop3A_137 : vector<1x16xi32> to vector<16xi32>
          %parallel_loop3A_139 = arith.constant 16 : i32
          %parallel_loop3A_140 = vector.broadcast %parallel_loop3A_139 : i32 to vector<16xi32>
          %parallel_loop3A_141 = arith.shli %parallel_loop3A_138, %parallel_loop3A_140 : vector<16xi32>
          %parallel_loop3A_142 = tpu.bitcast %parallel_loop3A_141 : vector<16xi32> -> vector<16xf32>
          %parallel_loop3A_143 = arith.constant -65536 : i32
          %parallel_loop3A_144 = vector.broadcast %parallel_loop3A_143 : i32 to vector<16xi32>
          %parallel_loop3A_145 = arith.andi %parallel_loop3A_138, %parallel_loop3A_144 : vector<16xi32>
          %parallel_loop3A_146 = tpu.bitcast %parallel_loop3A_145 : vector<16xi32> -> vector<16xf32>
          %parallel_loop3A_147 = arith.index_cast %parallel_loop3A_102 : i32 to index
          %parallel_loop3A_148 = arith.constant 32 : index
          %parallel_loop3A_149 = tpu.vector_load %arg14[%parallel_loop3A_147, %parallel_loop3A_148] {strides = array<i32>} : memref<64x128xf32, #tpu.memory_space<vmem>>, vector<1x16xf32>,
          %parallel_loop3A_150 = vector.shape_cast %parallel_loop3A_149 : vector<1x16xf32> to vector<16xf32>
          %parallel_loop3A_151 = arith.mulf %parallel_loop3A_150, %parallel_loop3A_142 : vector<16xf32>
          %parallel_loop3A_152 = arith.index_cast %parallel_loop3A_102 : i32 to index
          %parallel_loop3A_153 = arith.constant 32 : index
          %parallel_loop3A_154 = tpu.vector_load %arg18[%parallel_loop3A_152, %parallel_loop3A_153] {strides = array<i32>} : memref<64x128xf32, #tpu.memory_space<vmem>>, vector<1x16xf32>,
          %parallel_loop3A_155 = vector.shape_cast %parallel_loop3A_154 : vector<1x16xf32> to vector<16xf32>
          %parallel_loop3A_156 = vector.shape_cast %parallel_loop3A_151 : vector<16xf32> to vector<1x16xf32>
          tpu.vector_store %arg18[%parallel_loop3A_152, %parallel_loop3A_153], %parallel_loop3A_156 {strides = array<i32>} : memref<64x128xf32, #tpu.memory_space<vmem>>, vector<1x16xf32>,
          %parallel_loop3A_157 = arith.index_cast %parallel_loop3A_102 : i32 to index
          %parallel_loop3A_158 = arith.constant 48 : index
          %parallel_loop3A_159 = tpu.vector_load %arg14[%parallel_loop3A_157, %parallel_loop3A_158] {strides = array<i32>} : memref<64x128xf32, #tpu.memory_space<vmem>>, vector<1x16xf32>,
          %parallel_loop3A_160 = vector.shape_cast %parallel_loop3A_159 : vector<1x16xf32> to vector<16xf32>
          %parallel_loop3A_161 = arith.mulf %parallel_loop3A_160, %parallel_loop3A_146 : vector<16xf32>
          %parallel_loop3A_162 = arith.index_cast %parallel_loop3A_102 : i32 to index
          %parallel_loop3A_163 = arith.constant 48 : index
          %parallel_loop3A_164 = tpu.vector_load %arg18[%parallel_loop3A_162, %parallel_loop3A_163] {strides = array<i32>} : memref<64x128xf32, #tpu.memory_space<vmem>>, vector<1x16xf32>,
          %parallel_loop3A_165 = vector.shape_cast %parallel_loop3A_164 : vector<1x16xf32> to vector<16xf32>
          %parallel_loop3A_166 = vector.shape_cast %parallel_loop3A_161 : vector<16xf32> to vector<1x16xf32>
          tpu.vector_store %arg18[%parallel_loop3A_162, %parallel_loop3A_163], %parallel_loop3A_166 {strides = array<i32>} : memref<64x128xf32, #tpu.memory_space<vmem>>, vector<1x16xf32>,
          %parallel_loop3A_167 = arith.index_cast %parallel_loop3A_102 : i32 to index
          %parallel_loop3A_168 = arith.constant 32 : index
          %parallel_loop3A_169 = tpu.vector_load %arg16[%parallel_loop3A_167, %parallel_loop3A_168] {strides = array<i32>} : memref<64x64xi32, #tpu.memory_space<vmem>>, vector<1x16xi32>,
          %parallel_loop3A_170 = vector.shape_cast %parallel_loop3A_169 : vector<1x16xi32> to vector<16xi32>
          %parallel_loop3A_171 = arith.constant 16 : i32
          %parallel_loop3A_172 = vector.broadcast %parallel_loop3A_171 : i32 to vector<16xi32>
          %parallel_loop3A_173 = arith.shli %parallel_loop3A_170, %parallel_loop3A_172 : vector<16xi32>
          %parallel_loop3A_174 = tpu.bitcast %parallel_loop3A_173 : vector<16xi32> -> vector<16xf32>
          %parallel_loop3A_175 = arith.constant -65536 : i32
          %parallel_loop3A_176 = vector.broadcast %parallel_loop3A_175 : i32 to vector<16xi32>
          %parallel_loop3A_177 = arith.andi %parallel_loop3A_170, %parallel_loop3A_176 : vector<16xi32>
          %parallel_loop3A_178 = tpu.bitcast %parallel_loop3A_177 : vector<16xi32> -> vector<16xf32>
          %parallel_loop3A_179 = arith.index_cast %parallel_loop3A_102 : i32 to index
          %parallel_loop3A_180 = arith.constant 64 : index
          %parallel_loop3A_181 = tpu.vector_load %arg14[%parallel_loop3A_179, %parallel_loop3A_180] {strides = array<i32>} : memref<64x128xf32, #tpu.memory_space<vmem>>, vector<1x16xf32>,
          %parallel_loop3A_182 = vector.shape_cast %parallel_loop3A_181 : vector<1x16xf32> to vector<16xf32>
          %parallel_loop3A_183 = arith.mulf %parallel_loop3A_182, %parallel_loop3A_174 : vector<16xf32>
          %parallel_loop3A_184 = arith.index_cast %parallel_loop3A_102 : i32 to index
          %parallel_loop3A_185 = arith.constant 64 : index
          %parallel_loop3A_186 = tpu.vector_load %arg18[%parallel_loop3A_184, %parallel_loop3A_185] {strides = array<i32>} : memref<64x128xf32, #tpu.memory_space<vmem>>, vector<1x16xf32>,
          %parallel_loop3A_187 = vector.shape_cast %parallel_loop3A_186 : vector<1x16xf32> to vector<16xf32>
          %parallel_loop3A_188 = vector.shape_cast %parallel_loop3A_183 : vector<16xf32> to vector<1x16xf32>
          tpu.vector_store %arg18[%parallel_loop3A_184, %parallel_loop3A_185], %parallel_loop3A_188 {strides = array<i32>} : memref<64x128xf32, #tpu.memory_space<vmem>>, vector<1x16xf32>,
          %parallel_loop3A_189 = arith.index_cast %parallel_loop3A_102 : i32 to index
          %parallel_loop3A_190 = arith.constant 80 : index
          %parallel_loop3A_191 = tpu.vector_load %arg14[%parallel_loop3A_189, %parallel_loop3A_190] {strides = array<i32>} : memref<64x128xf32, #tpu.memory_space<vmem>>, vector<1x16xf32>,
          %parallel_loop3A_192 = vector.shape_cast %parallel_loop3A_191 : vector<1x16xf32> to vector<16xf32>
          %parallel_loop3A_193 = arith.mulf %parallel_loop3A_192, %parallel_loop3A_178 : vector<16xf32>
          %parallel_loop3A_194 = arith.index_cast %parallel_loop3A_102 : i32 to index
          %parallel_loop3A_195 = arith.constant 80 : index
          %parallel_loop3A_196 = tpu.vector_load %arg18[%parallel_loop3A_194, %parallel_loop3A_195] {strides = array<i32>} : memref<64x128xf32, #tpu.memory_space<vmem>>, vector<1x16xf32>,
          %parallel_loop3A_197 = vector.shape_cast %parallel_loop3A_196 : vector<1x16xf32> to vector<16xf32>
          %parallel_loop3A_198 = vector.shape_cast %parallel_loop3A_193 : vector<16xf32> to vector<1x16xf32>
          tpu.vector_store %arg18[%parallel_loop3A_194, %parallel_loop3A_195], %parallel_loop3A_198 {strides = array<i32>} : memref<64x128xf32, #tpu.memory_space<vmem>>, vector<1x16xf32>,
          %parallel_loop3A_199 = arith.index_cast %parallel_loop3A_102 : i32 to index
          %parallel_loop3A_200 = arith.constant 48 : index
          %parallel_loop3A_201 = tpu.vector_load %arg16[%parallel_loop3A_199, %parallel_loop3A_200] {strides = array<i32>} : memref<64x64xi32, #tpu.memory_space<vmem>>, vector<1x16xi32>,
          %parallel_loop3A_202 = vector.shape_cast %parallel_loop3A_201 : vector<1x16xi32> to vector<16xi32>
          %parallel_loop3A_203 = arith.constant 16 : i32
          %parallel_loop3A_204 = vector.broadcast %parallel_loop3A_203 : i32 to vector<16xi32>
          %parallel_loop3A_205 = arith.shli %parallel_loop3A_202, %parallel_loop3A_204 : vector<16xi32>
          %parallel_loop3A_206 = tpu.bitcast %parallel_loop3A_205 : vector<16xi32> -> vector<16xf32>
          %parallel_loop3A_207 = arith.constant -65536 : i32
          %parallel_loop3A_208 = vector.broadcast %parallel_loop3A_207 : i32 to vector<16xi32>
          %parallel_loop3A_209 = arith.andi %parallel_loop3A_202, %parallel_loop3A_208 : vector<16xi32>
          %parallel_loop3A_210 = tpu.bitcast %parallel_loop3A_209 : vector<16xi32> -> vector<16xf32>
          %parallel_loop3A_211 = arith.index_cast %parallel_loop3A_102 : i32 to index
          %parallel_loop3A_212 = arith.constant 96 : index
          %parallel_loop3A_213 = tpu.vector_load %arg14[%parallel_loop3A_211, %parallel_loop3A_212] {strides = array<i32>} : memref<64x128xf32, #tpu.memory_space<vmem>>, vector<1x16xf32>,
          %parallel_loop3A_214 = vector.shape_cast %parallel_loop3A_213 : vector<1x16xf32> to vector<16xf32>
          %parallel_loop3A_215 = arith.mulf %parallel_loop3A_214, %parallel_loop3A_206 : vector<16xf32>
          %parallel_loop3A_216 = arith.index_cast %parallel_loop3A_102 : i32 to index
          %parallel_loop3A_217 = arith.constant 96 : index
          %parallel_loop3A_218 = tpu.vector_load %arg18[%parallel_loop3A_216, %parallel_loop3A_217] {strides = array<i32>} : memref<64x128xf32, #tpu.memory_space<vmem>>, vector<1x16xf32>,
          %parallel_loop3A_219 = vector.shape_cast %parallel_loop3A_218 : vector<1x16xf32> to vector<16xf32>
          %parallel_loop3A_220 = vector.shape_cast %parallel_loop3A_215 : vector<16xf32> to vector<1x16xf32>
          tpu.vector_store %arg18[%parallel_loop3A_216, %parallel_loop3A_217], %parallel_loop3A_220 {strides = array<i32>} : memref<64x128xf32, #tpu.memory_space<vmem>>, vector<1x16xf32>,
          %parallel_loop3A_221 = arith.index_cast %parallel_loop3A_102 : i32 to index
          %parallel_loop3A_222 = arith.constant 112 : index
          %parallel_loop3A_223 = tpu.vector_load %arg14[%parallel_loop3A_221, %parallel_loop3A_222] {strides = array<i32>} : memref<64x128xf32, #tpu.memory_space<vmem>>, vector<1x16xf32>,
          %parallel_loop3A_224 = vector.shape_cast %parallel_loop3A_223 : vector<1x16xf32> to vector<16xf32>
          %parallel_loop3A_225 = arith.mulf %parallel_loop3A_224, %parallel_loop3A_210 : vector<16xf32>
          %parallel_loop3A_226 = arith.index_cast %parallel_loop3A_102 : i32 to index
          %parallel_loop3A_227 = arith.constant 112 : index
          %parallel_loop3A_228 = tpu.vector_load %arg18[%parallel_loop3A_226, %parallel_loop3A_227] {strides = array<i32>} : memref<64x128xf32, #tpu.memory_space<vmem>>, vector<1x16xf32>,
          %parallel_loop3A_229 = vector.shape_cast %parallel_loop3A_228 : vector<1x16xf32> to vector<16xf32>
          %parallel_loop3A_230 = vector.shape_cast %parallel_loop3A_225 : vector<16xf32> to vector<1x16xf32>
          tpu.vector_store %arg18[%parallel_loop3A_226, %parallel_loop3A_227], %parallel_loop3A_230 {strides = array<i32>} : memref<64x128xf32, #tpu.memory_space<vmem>>, vector<1x16xf32>,
        } {sc.loop_unroll_factor = 4 : i64, sc.parallel_access}
        %dma_wait3A_88 = arith.constant 0 : i32
        %dma_wait3A_89 = tpu.memref_slice %arg5[%dma_wait3A_88] : memref<321536xi32, #tpu.memory_space<hbm>> -> memref<64xi32, #tpu.memory_space<hbm>>
        %dma_wait3A_90 = arith.constant 0 : i32
        %dma_wait3A_91 = tpu.memref_slice %arg5[%dma_wait3A_90] : memref<321536xi32, #tpu.memory_space<hbm>> -> memref<64xi32, #tpu.memory_space<hbm>>
        tpu.wait_dma2 semaphore(%arg22 : memref<!tpu.dma_semaphore, #tpu.memory_space<semaphore_mem>>) src(%dma_wait3A_91 : memref<64xi32, #tpu.memory_space<hbm>>) dst(%arg12 : memref<64xi32, #tpu.memory_space<vmem>>)
        %dma_start3A_92 = arith.constant 0 : i32
        %dma_start3A_93 = arith.constant 0 : i32
        %dma_start3A_94 = tpu.memref_slice %arg8[%dma_start3A_92, %dma_start3A_93] : memref<10112x128xf32, #tpu.memory_space<vmem_shared>> -> memref<10112x128xf32, #tpu.memory_space<vmem_shared>>
        tpu.enqueue_indirect_dma source(%arg18 : memref<64x128xf32, #tpu.memory_space<vmem>>) target(%dma_start3A_94 : memref<10112x128xf32, #tpu.memory_space<vmem_shared>>) offsets(%arg12 : memref<64xi32, #tpu.memory_space<vmem>>) semaphore(%arg26 : memref<!tpu.dma_semaphore, #tpu.memory_space<semaphore_mem>>) {add = true}
        %add3A_95 = arith.constant 2 : i32
        %add3A_96 = arith.addi %add3A_50, %add3A_95 : i32
        %lt3A_97 = arith.constant 157 : i32
        %lt3A_98 = arith.cmpi slt, %add3A_96, %lt3A_97 : i32
        %convert_element_type3A_99 = arith.extui %lt3A_98 : i1 to i32
        %cond3A_100 = arith.constant 0 : i32
        %cond3A_101 = arith.cmpi ne, %convert_element_type3A_99, %cond3A_100 : i32
        scf.if %cond3A_101 {
          %dma_wait3A_102 = arith.constant 0 : i32
          %dma_wait3A_103 = tpu.memref_slice %arg4[%dma_wait3A_102] : memref<321536xi32, #tpu.memory_space<hbm>> -> memref<64xi32, #tpu.memory_space<hbm>>
          %dma_wait3A_104 = arith.constant 0 : i32
          %dma_wait3A_105 = tpu.memref_slice %arg4[%dma_wait3A_104] : memref<321536xi32, #tpu.memory_space<hbm>> -> memref<64xi32, #tpu.memory_space<hbm>>
          tpu.wait_dma2 semaphore(%arg20 : memref<!tpu.dma_semaphore, #tpu.memory_space<semaphore_mem>>) src(%dma_wait3A_105 : memref<64xi32, #tpu.memory_space<hbm>>) dst(%arg10 : memref<64xi32, #tpu.memory_space<vmem>>)
        } else {
        }
      } else {
      }
    }
    %scan3A_29 = arith.constant 79 : i32
    %dma_wait3A = arith.constant 0 : i32
    %dma_wait3A_30 = arith.constant 0 : i32
    %dma_wait3A_31 = tpu.memref_slice %arg8[%dma_wait3A, %dma_wait3A_30] : memref<10112x128xf32, #tpu.memory_space<vmem_shared>> -> memref<10112x128xf32, #tpu.memory_space<vmem_shared>>
    tpu.wait_indirect_dma semaphore(%arg26 : memref<!tpu.dma_semaphore, #tpu.memory_space<semaphore_mem>>) src(%arg18 : memref<64x128xf32, #tpu.memory_space<vmem>>) dst(%dma_wait3A_31 : memref<10112x128xf32, #tpu.memory_space<vmem_shared>>)
    %dma_wait3A_32 = arith.constant 0 : i32
    %dma_wait3A_33 = arith.constant 0 : i32
    %dma_wait3A_34 = tpu.memref_slice %arg8[%dma_wait3A_32, %dma_wait3A_33] : memref<10112x128xf32, #tpu.memory_space<vmem_shared>> -> memref<10112x128xf32, #tpu.memory_space<vmem_shared>>
    tpu.wait_indirect_dma semaphore(%arg25 : memref<!tpu.dma_semaphore, #tpu.memory_space<semaphore_mem>>) src(%arg17 : memref<64x128xf32, #tpu.memory_space<vmem>>) dst(%dma_wait3A_34 : memref<10112x128xf32, #tpu.memory_space<vmem_shared>>)
    %barrier3A_35 = arith.constant 0 : index
    tpu.barrier barrier_id(%barrier3A_35)
    %mul3A_36 = arith.constant 632 : i32
    %mul3A_37 = arith.muli %arg1, %mul3A_36 : i32
    %mul3A_38 = arith.constant 632 : i32
    %mul3A_39 = arith.muli %arg1, %mul3A_38 : i32
    "tpu.region"() ({
      %run_scoped3A = tpu.sem_alloc : memref<!tpu.dma_semaphore, #tpu.memory_space<semaphore_mem>>
      %dma_start3A_40 = arith.constant 0 : i32
      %dma_start3A_41 = tpu.memref_slice %arg7[%arg0, %mul3A_39, %dma_start3A_40] : memref<2x10112x128xf32, #tpu.memory_space<hbm>> -> memref<1x632x128xf32, #tpu.memory_space<hbm>>
      %dma_start3A_42 = tpu.memref_squeeze %dma_start3A_41 : memref<1x632x128xf32, #tpu.memory_space<hbm>> -> memref<632x128xf32, #tpu.memory_space<hbm>>
      %dma_start3A_43 = arith.constant 0 : i32
      %dma_start3A_44 = tpu.memref_slice %arg8[%mul3A_37, %dma_start3A_43] : memref<10112x128xf32, #tpu.memory_space<vmem_shared>> -> memref<632x128xf32, #tpu.memory_space<vmem_shared>>
      tpu.enqueue_dma source(%dma_start3A_44 : memref<632x128xf32, #tpu.memory_space<vmem_shared>>) target(%dma_start3A_42 : memref<632x128xf32, #tpu.memory_space<hbm>>) target_semaphore(%run_scoped3A : memref<!tpu.dma_semaphore, #tpu.memory_space<semaphore_mem>>)
      %dma_wait3A_45 = arith.constant 0 : i32
      %dma_wait3A_46 = tpu.memref_slice %arg7[%arg0, %mul3A_39, %dma_wait3A_45] : memref<2x10112x128xf32, #tpu.memory_space<hbm>> -> memref<1x632x128xf32, #tpu.memory_space<hbm>>
      %dma_wait3A_47 = tpu.memref_squeeze %dma_wait3A_46 : memref<1x632x128xf32, #tpu.memory_space<hbm>> -> memref<632x128xf32, #tpu.memory_space<hbm>>
      %dma_wait3A_48 = arith.constant 0 : i32
      %dma_wait3A_49 = tpu.memref_slice %arg8[%mul3A_37, %dma_wait3A_48] : memref<10112x128xf32, #tpu.memory_space<vmem_shared>> -> memref<632x128xf32, #tpu.memory_space<vmem_shared>>
      tpu.wait_dma2 semaphore(%run_scoped3A : memref<!tpu.dma_semaphore, #tpu.memory_space<semaphore_mem>>) src(%dma_wait3A_49 : memref<632x128xf32, #tpu.memory_space<vmem_shared>>) dst(%dma_wait3A_47 : memref<632x128xf32, #tpu.memory_space<hbm>>)
      tpu.yield
    }) : () -> ()
    return
  }
}

#map = affine_map<(d0, d1) -> (0, 0)>
#map1 = affine_map<(d0, d1) -> (0)>
#map2 = affine_map<(d0, d1) -> (0, 0, 0)>
module attributes {stable_mosaic.version = 14 : i64} {
  func.func @k(%arg0: i32, %arg1: i32, %arg2: memref<10000x128xf32, #tpu.memory_space<hbm>>, %arg3: memref<321536x64xi32, #tpu.memory_space<hbm>>, %arg4: memref<321536xi32, #tpu.memory_space<hbm>>, %arg5: memref<321536xi32, #tpu.memory_space<hbm>>, %arg6: memref<10112x128xf32, #tpu.memory_space<hbm>>, %arg7: memref<2x10112x128xf32, #tpu.memory_space<hbm>>, %arg8: memref<10112x128xf32, #tpu.memory_space<vmem_shared>>, %arg9: memref<64xi32, #tpu.memory_space<vmem>>, %arg10: memref<64xi32, #tpu.memory_space<vmem>>, %arg11: memref<64xi32, #tpu.memory_space<vmem>>, %arg12: memref<64xi32, #tpu.memory_space<vmem>>, %arg13: memref<64x128xf32, #tpu.memory_space<vmem>>, %arg14: memref<64x128xf32, #tpu.memory_space<vmem>>, %arg15: memref<64x64xi32, #tpu.memory_space<vmem>>, %arg16: memref<64x64xi32, #tpu.memory_space<vmem>>, %arg17: memref<64x128xf32, #tpu.memory_space<vmem>>, %arg18: memref<64x128xf32, #tpu.memory_space<vmem>>, %arg19: memref<!tpu.dma_semaphore, #tpu.memory_space<semaphore_mem>>, %arg20: memref<!tpu.dma_semaphore, #tpu.memory_space<semaphore_mem>>, %arg21: memref<!tpu.dma_semaphore, #tpu.memory_space<semaphore_mem>>, %arg22: memref<!tpu.dma_semaphore, #tpu.memory_space<semaphore_mem>>, %arg23: memref<!tpu.dma_semaphore, #tpu.memory_space<semaphore_mem>>, %arg24: memref<!tpu.dma_semaphore, #tpu.memory_space<semaphore_mem>>, %arg25: memref<!tpu.dma_semaphore, #tpu.memory_space<semaphore_mem>>, %arg26: memref<!tpu.dma_semaphore, #tpu.memory_space<semaphore_mem>>) attributes {dimension_semantics = [#tpu.dimension_semantics<core_parallel>, #tpu.dimension_semantics<subcore_parallel>], iteration_bounds = array<i64: 2, 16>, scalar_prefetch = 0 : i64, scratch_operands = 19 : i64, tpu.core_type = #tpu.core_type<sc_vector_subcore>, window_params = [{transform_indices = #map}, {transform_indices = #map}, {transform_indices = #map1}, {transform_indices = #map1}, {transform_indices = #map}, {transform_indices = #map2}]} {
    %mul3A = arith.constant 2 : i32
    %mul3A_0 = arith.muli %arg1, %mul3A : i32
    %add3A = arith.addi %mul3A_0, %arg0 : i32
    %mul3A_1 = arith.constant 632 : i32
    %mul3A_2 = arith.muli %arg1, %mul3A_1 : i32
    %mul3A_3 = arith.constant 632 : i32
    %mul3A_4 = arith.muli %arg1, %mul3A_3 : i32
    "tpu.region"() ({
      %run_scoped3A = tpu.sem_alloc : memref<!tpu.dma_semaphore, #tpu.memory_space<semaphore_mem>>
      %dma_start3A_40 = arith.constant 0 : i32
      %dma_start3A_41 = tpu.memref_slice %arg8[%mul3A_4, %dma_start3A_40] : memref<10112x128xf32, #tpu.memory_space<vmem_shared>> -> memref<632x128xf32, #tpu.memory_space<vmem_shared>>
      %dma_start3A_42 = arith.constant 0 : i32
      %dma_start3A_43 = tpu.memref_slice %arg6[%mul3A_2, %dma_start3A_42] : memref<10112x128xf32, #tpu.memory_space<hbm>> -> memref<632x128xf32, #tpu.memory_space<hbm>>
      tpu.enqueue_dma source(%dma_start3A_43 : memref<632x128xf32, #tpu.memory_space<hbm>>) target(%dma_start3A_41 : memref<632x128xf32, #tpu.memory_space<vmem_shared>>) target_semaphore(%run_scoped3A : memref<!tpu.dma_semaphore, #tpu.memory_space<semaphore_mem>>)
      %dma_wait3A_44 = arith.constant 0 : i32
      %dma_wait3A_45 = tpu.memref_slice %arg8[%mul3A_4, %dma_wait3A_44] : memref<10112x128xf32, #tpu.memory_space<vmem_shared>> -> memref<632x128xf32, #tpu.memory_space<vmem_shared>>
      %dma_wait3A_46 = arith.constant 0 : i32
      %dma_wait3A_47 = tpu.memref_slice %arg6[%mul3A_2, %dma_wait3A_46] : memref<10112x128xf32, #tpu.memory_space<hbm>> -> memref<632x128xf32, #tpu.memory_space<hbm>>
      tpu.wait_dma2 semaphore(%run_scoped3A : memref<!tpu.dma_semaphore, #tpu.memory_space<semaphore_mem>>) src(%dma_wait3A_47 : memref<632x128xf32, #tpu.memory_space<hbm>>) dst(%dma_wait3A_45 : memref<632x128xf32, #tpu.memory_space<vmem_shared>>)
      tpu.yield
    }) : () -> ()
    %barrier3A = arith.constant 0 : index
    tpu.barrier barrier_id(%barrier3A)
    %mul3A_5 = arith.constant 10048 : i32
    %mul3A_6 = arith.muli %add3A, %mul3A_5 : i32
    "tpu.region"() ({
      %run_scoped3A = tpu.sem_alloc : memref<!tpu.dma_semaphore, #tpu.memory_space<semaphore_mem>>
      %dma_start3A_40 = tpu.memref_slice %arg4[%mul3A_6] : memref<321536xi32, #tpu.memory_space<hbm>> -> memref<64xi32, #tpu.memory_space<hbm>>
      %dma_start3A_41 = tpu.memref_slice %arg4[%mul3A_6] : memref<321536xi32, #tpu.memory_space<hbm>> -> memref<64xi32, #tpu.memory_space<hbm>>
      tpu.enqueue_dma source(%dma_start3A_41 : memref<64xi32, #tpu.memory_space<hbm>>) target(%arg9 : memref<64xi32, #tpu.memory_space<vmem>>) target_semaphore(%run_scoped3A : memref<!tpu.dma_semaphore, #tpu.memory_space<semaphore_mem>>)
      %dma_wait3A_42 = tpu.memref_slice %arg4[%mul3A_6] : memref<321536xi32, #tpu.memory_space<hbm>> -> memref<64xi32, #tpu.memory_space<hbm>>
      %dma_wait3A_43 = tpu.memref_slice %arg4[%mul3A_6] : memref<321536xi32, #tpu.memory_space<hbm>> -> memref<64xi32, #tpu.memory_space<hbm>>
      tpu.wait_dma2 semaphore(%run_scoped3A : memref<!tpu.dma_semaphore, #tpu.memory_space<semaphore_mem>>) src(%dma_wait3A_43 : memref<64xi32, #tpu.memory_space<hbm>>) dst(%arg9 : memref<64xi32, #tpu.memory_space<vmem>>)
      tpu.yield
    }) : () -> ()
    %add3A_7 = arith.constant 64 : i32
    %add3A_8 = arith.addi %mul3A_6, %add3A_7 : i32
    "tpu.region"() ({
      %run_scoped3A = tpu.sem_alloc : memref<!tpu.dma_semaphore, #tpu.memory_space<semaphore_mem>>
      %dma_start3A_40 = tpu.memref_slice %arg4[%add3A_8] : memref<321536xi32, #tpu.memory_space<hbm>> -> memref<64xi32, #tpu.memory_space<hbm>>
      %dma_start3A_41 = tpu.memref_slice %arg4[%add3A_8] : memref<321536xi32, #tpu.memory_space<hbm>> -> memref<64xi32, #tpu.memory_space<hbm>>
      tpu.enqueue_dma source(%dma_start3A_41 : memref<64xi32, #tpu.memory_space<hbm>>) target(%arg10 : memref<64xi32, #tpu.memory_space<vmem>>) target_semaphore(%run_scoped3A : memref<!tpu.dma_semaphore, #tpu.memory_space<semaphore_mem>>)
      %dma_wait3A_42 = tpu.memref_slice %arg4[%add3A_8] : memref<321536xi32, #tpu.memory_space<hbm>> -> memref<64xi32, #tpu.memory_space<hbm>>
      %dma_wait3A_43 = tpu.memref_slice %arg4[%add3A_8] : memref<321536xi32, #tpu.memory_space<hbm>> -> memref<64xi32, #tpu.memory_space<hbm>>
      tpu.wait_dma2 semaphore(%run_scoped3A : memref<!tpu.dma_semaphore, #tpu.memory_space<semaphore_mem>>) src(%dma_wait3A_43 : memref<64xi32, #tpu.memory_space<hbm>>) dst(%arg10 : memref<64xi32, #tpu.memory_space<vmem>>)
      tpu.yield
    }) : () -> ()
    %add3A_9 = arith.constant 0 : i32
    %add3A_10 = arith.addi %mul3A_6, %add3A_9 : i32
    %dma_start3A = tpu.memref_slice %arg5[%add3A_10] : memref<321536xi32, #tpu.memory_space<hbm>> -> memref<64xi32, #tpu.memory_space<hbm>>
    %dma_start3A_11 = tpu.memref_slice %arg5[%add3A_10] : memref<321536xi32, #tpu.memory_space<hbm>> -> memref<64xi32, #tpu.memory_space<hbm>>
    tpu.enqueue_dma source(%dma_start3A_11 : memref<64xi32, #tpu.memory_space<hbm>>) target(%arg11 : memref<64xi32, #tpu.memory_space<vmem>>) target_semaphore(%arg21 : memref<!tpu.dma_semaphore, #tpu.memory_space<semaphore_mem>>)
    %add3A_12 = arith.constant 64 : i32
    %add3A_13 = arith.addi %mul3A_6, %add3A_12 : i32
    %dma_start3A_14 = tpu.memref_slice %arg5[%add3A_13] : memref<321536xi32, #tpu.memory_space<hbm>> -> memref<64xi32, #tpu.memory_space<hbm>>
    %dma_start3A_15 = tpu.memref_slice %arg5[%add3A_13] : memref<321536xi32, #tpu.memory_space<hbm>> -> memref<64xi32, #tpu.memory_space<hbm>>
    tpu.enqueue_dma source(%dma_start3A_15 : memref<64xi32, #tpu.memory_space<hbm>>) target(%arg12 : memref<64xi32, #tpu.memory_space<vmem>>) target_semaphore(%arg22 : memref<!tpu.dma_semaphore, #tpu.memory_space<semaphore_mem>>)
    %dma_start3A_16 = arith.constant 0 : i32
    %dma_start3A_17 = arith.constant 0 : i32
    %dma_start3A_18 = tpu.memref_slice %arg2[%dma_start3A_16, %dma_start3A_17] : memref<10000x128xf32, #tpu.memory_space<hbm>> -> memref<10000x128xf32, #tpu.memory_space<hbm>>
    tpu.enqueue_indirect_dma source(%dma_start3A_18 : memref<10000x128xf32, #tpu.memory_space<hbm>>) target(%arg13 : memref<64x128xf32, #tpu.memory_space<vmem>>) offsets(%arg9 : memref<64xi32, #tpu.memory_space<vmem>>) semaphore(%arg23 : memref<!tpu.dma_semaphore, #tpu.memory_space<semaphore_mem>>)
    %add3A_19 = arith.constant 0 : i32
    %add3A_20 = arith.addi %mul3A_6, %add3A_19 : i32
    %dma_start3A_21 = arith.constant 0 : i32
    %dma_start3A_22 = tpu.memref_slice %arg3[%add3A_20, %dma_start3A_21] : memref<321536x64xi32, #tpu.memory_space<hbm>> -> memref<64x64xi32, #tpu.memory_space<hbm>>
    %dma_start3A_23 = arith.constant 0 : i32
    %dma_start3A_24 = tpu.memref_slice %arg3[%add3A_20, %dma_start3A_23] : memref<321536x64xi32, #tpu.memory_space<hbm>> -> memref<64x64xi32, #tpu.memory_space<hbm>>
    tpu.enqueue_dma source(%dma_start3A_24 : memref<64x64xi32, #tpu.memory_space<hbm>>) target(%arg15 : memref<64x64xi32, #tpu.memory_space<vmem>>) target_semaphore(%arg23 : memref<!tpu.dma_semaphore, #tpu.memory_space<semaphore_mem>>)
    %scan3A = arith.constant 0 : i32
    %scan3A_25 = arith.constant 0 : i32
    %scan3A_26 = arith.constant 79 : i32
    %scan3A_27 = arith.addi %scan3A_25, %scan3A_26 : i32
    %scan3A_28 = arith.constant 1 : i32
    scf.for %scan3A_40 = %scan3A_25 to %scan3A_27 step %scan3A_28  : i32 {
      %mul3A_41 = arith.constant 2 : i32
      %mul3A_42 = arith.muli %mul3A_41, %scan3A_40 : i32
      %add3A_43 = arith.constant 0 : i32
      %add3A_44 = arith.addi %mul3A_42, %add3A_43 : i32
      %lt3A = arith.constant 157 : i32
      %lt3A_45 = arith.cmpi slt, %add3A_44, %lt3A : i32
      %convert_element_type3A = arith.extui %lt3A_45 : i1 to i32
      %cond3A = arith.constant 0 : i32
      %cond3A_46 = arith.cmpi ne, %convert_element_type3A, %cond3A : i32
      scf.if %cond3A_46 {
        %add3A_56 = arith.constant 1 : i32
        %add3A_57 = arith.addi %add3A_44, %add3A_56 : i32
        %lt3A_58 = arith.constant 157 : i32
        %lt3A_59 = arith.cmpi slt, %add3A_57, %lt3A_58 : i32
        %convert_element_type3A_60 = arith.extui %lt3A_59 : i1 to i32
        %cond3A_61 = arith.constant 0 : i32
        %cond3A_62 = arith.cmpi ne, %convert_element_type3A_60, %cond3A_61 : i32
        scf.if %cond3A_62 {
          %add3A_102 = arith.constant 1 : i32
          %add3A_103 = arith.addi %add3A_44, %add3A_102 : i32
          %dma_start3A_104 = arith.constant 0 : i32
          %dma_start3A_105 = arith.constant 0 : i32
          %dma_start3A_106 = tpu.memref_slice %arg2[%dma_start3A_104, %dma_start3A_105] : memref<10000x128xf32, #tpu.memory_space<hbm>> -> memref<10000x128xf32, #tpu.memory_space<hbm>>
          tpu.enqueue_indirect_dma source(%dma_start3A_106 : memref<10000x128xf32, #tpu.memory_space<hbm>>) target(%arg14 : memref<64x128xf32, #tpu.memory_space<vmem>>) offsets(%arg10 : memref<64xi32, #tpu.memory_space<vmem>>) semaphore(%arg24 : memref<!tpu.dma_semaphore, #tpu.memory_space<semaphore_mem>>)
          %mul3A_107 = arith.constant 64 : i32
          %mul3A_108 = arith.muli %add3A_103, %mul3A_107 : i32
          %add3A_109 = arith.addi %mul3A_6, %mul3A_108 : i32
          %dma_start3A_110 = arith.constant 0 : i32
          %dma_start3A_111 = tpu.memref_slice %arg3[%add3A_109, %dma_start3A_110] : memref<321536x64xi32, #tpu.memory_space<hbm>> -> memref<64x64xi32, #tpu.memory_space<hbm>>
          %dma_start3A_112 = arith.constant 0 : i32
          %dma_start3A_113 = tpu.memref_slice %arg3[%add3A_109, %dma_start3A_112] : memref<321536x64xi32, #tpu.memory_space<hbm>> -> memref<64x64xi32, #tpu.memory_space<hbm>>
          tpu.enqueue_dma source(%dma_start3A_113 : memref<64x64xi32, #tpu.memory_space<hbm>>) target(%arg16 : memref<64x64xi32, #tpu.memory_space<vmem>>) target_semaphore(%arg24 : memref<!tpu.dma_semaphore, #tpu.memory_space<semaphore_mem>>)
        } else {
        }
        %add3A_63 = arith.constant 2 : i32
        %add3A_64 = arith.addi %add3A_44, %add3A_63 : i32
        %lt3A_65 = arith.constant 157 : i32
        %lt3A_66 = arith.cmpi slt, %add3A_64, %lt3A_65 : i32
        %convert_element_type3A_67 = arith.extui %lt3A_66 : i1 to i32
        %cond3A_68 = arith.constant 0 : i32
        %cond3A_69 = arith.cmpi ne, %convert_element_type3A_67, %cond3A_68 : i32
        scf.if %cond3A_69 {
          %add3A_102 = arith.constant 2 : i32
          %add3A_103 = arith.addi %add3A_44, %add3A_102 : i32
          %mul3A_104 = arith.constant 64 : i32
          %mul3A_105 = arith.muli %add3A_103, %mul3A_104 : i32
          %add3A_106 = arith.addi %mul3A_6, %mul3A_105 : i32
          %dma_start3A_107 = tpu.memref_slice %arg4[%add3A_106] : memref<321536xi32, #tpu.memory_space<hbm>> -> memref<64xi32, #tpu.memory_space<hbm>>
          %dma_start3A_108 = tpu.memref_slice %arg4[%add3A_106] : memref<321536xi32, #tpu.memory_space<hbm>> -> memref<64xi32, #tpu.memory_space<hbm>>
          tpu.enqueue_dma source(%dma_start3A_108 : memref<64xi32, #tpu.memory_space<hbm>>) target(%arg9 : memref<64xi32, #tpu.memory_space<vmem>>) target_semaphore(%arg19 : memref<!tpu.dma_semaphore, #tpu.memory_space<semaphore_mem>>)
        } else {
        }
        %dma_wait3A_70 = arith.constant 0 : i32
        %dma_wait3A_71 = arith.constant 0 : i32
        %dma_wait3A_72 = tpu.memref_slice %arg2[%dma_wait3A_70, %dma_wait3A_71] : memref<10000x128xf32, #tpu.memory_space<hbm>> -> memref<64x128xf32, #tpu.memory_space<hbm>>
        %dma_wait3A_73 = arith.constant 0 : i32
        %dma_wait3A_74 = arith.constant 0 : i32
        %dma_wait3A_75 = tpu.memref_slice %arg2[%dma_wait3A_73, %dma_wait3A_74] : memref<10000x128xf32, #tpu.memory_space<hbm>> -> memref<64x128xf32, #tpu.memory_space<hbm>>
        tpu.wait_dma2 semaphore(%arg23 : memref<!tpu.dma_semaphore, #tpu.memory_space<semaphore_mem>>) src(%dma_wait3A_75 : memref<64x128xf32, #tpu.memory_space<hbm>>) dst(%arg13 : memref<64x128xf32, #tpu.memory_space<vmem>>)
        %dma_wait3A_76 = arith.constant 0 : i32
        %dma_wait3A_77 = arith.constant 0 : i32
        %dma_wait3A_78 = tpu.memref_slice %arg3[%dma_wait3A_76, %dma_wait3A_77] : memref<321536x64xi32, #tpu.memory_space<hbm>> -> memref<64x64xi32, #tpu.memory_space<hbm>>
        %dma_wait3A_79 = arith.constant 0 : i32
        %dma_wait3A_80 = arith.constant 0 : i32
        %dma_wait3A_81 = tpu.memref_slice %arg3[%dma_wait3A_79, %dma_wait3A_80] : memref<321536x64xi32, #tpu.memory_space<hbm>> -> memref<64x64xi32, #tpu.memory_space<hbm>>
        tpu.wait_dma2 semaphore(%arg23 : memref<!tpu.dma_semaphore, #tpu.memory_space<semaphore_mem>>) src(%dma_wait3A_81 : memref<64x64xi32, #tpu.memory_space<hbm>>) dst(%arg15 : memref<64x64xi32, #tpu.memory_space<vmem>>)
        %ge3A = arith.constant 2 : i32
        %ge3A_82 = arith.cmpi sge, %add3A_44, %ge3A : i32
        %convert_element_type3A_83 = arith.extui %ge3A_82 : i1 to i32
        %cond3A_84 = arith.constant 0 : i32
        %cond3A_85 = arith.cmpi ne, %convert_element_type3A_83, %cond3A_84 : i32
        scf.if %cond3A_85 {
          %dma_wait3A_102 = arith.constant 0 : i32
          %dma_wait3A_103 = arith.constant 0 : i32
          %dma_wait3A_104 = tpu.memref_slice %arg8[%dma_wait3A_102, %dma_wait3A_103] : memref<10112x128xf32, #tpu.memory_space<vmem_shared>> -> memref<10112x128xf32, #tpu.memory_space<vmem_shared>>
          tpu.wait_indirect_dma semaphore(%arg25 : memref<!tpu.dma_semaphore, #tpu.memory_space<semaphore_mem>>) src(%arg17 : memref<64x128xf32, #tpu.memory_space<vmem>>) dst(%dma_wait3A_104 : memref<10112x128xf32, #tpu.memory_space<vmem_shared>>)
          %mul3A_105 = arith.constant 64 : i32
          %mul3A_106 = arith.muli %add3A_44, %mul3A_105 : i32
          %add3A_107 = arith.addi %mul3A_6, %mul3A_106 : i32
          %dma_start3A_108 = tpu.memref_slice %arg5[%add3A_107] : memref<321536xi32, #tpu.memory_space<hbm>> -> memref<64xi32, #tpu.memory_space<hbm>>
          %dma_start3A_109 = tpu.memref_slice %arg5[%add3A_107] : memref<321536xi32, #tpu.memory_space<hbm>> -> memref<64xi32, #tpu.memory_space<hbm>>
          tpu.enqueue_dma source(%dma_start3A_109 : memref<64xi32, #tpu.memory_space<hbm>>) target(%arg11 : memref<64xi32, #tpu.memory_space<vmem>>) target_semaphore(%arg21 : memref<!tpu.dma_semaphore, #tpu.memory_space<semaphore_mem>>)
        } else {
        }
        %parallel_loop3A = arith.constant 0 : i32
        %parallel_loop3A_86 = arith.constant 64 : i32
        %parallel_loop3A_87 = arith.constant 1 : i32
        scf.for %parallel_loop3A_102 = %parallel_loop3A to %parallel_loop3A_86 step %parallel_loop3A_87  : i32 {
          %parallel_loop3A_103 = arith.index_cast %parallel_loop3A_102 : i32 to index
          %parallel_loop3A_104 = arith.constant 0 : index
          %parallel_loop3A_105 = tpu.vector_load %arg15[%parallel_loop3A_103, %parallel_loop3A_104] {strides = array<i32>} : memref<64x64xi32, #tpu.memory_space<vmem>>, vector<1x16xi32>,
          %parallel_loop3A_106 = vector.shape_cast %parallel_loop3A_105 : vector<1x16xi32> to vector<16xi32>
          %parallel_loop3A_107 = arith.constant 16 : i32
          %parallel_loop3A_108 = vector.broadcast %parallel_loop3A_107 : i32 to vector<16xi32>
          %parallel_loop3A_109 = arith.shli %parallel_loop3A_106, %parallel_loop3A_108 : vector<16xi32>
          %parallel_loop3A_110 = tpu.bitcast %parallel_loop3A_109 : vector<16xi32> -> vector<16xf32>
          %parallel_loop3A_111 = arith.constant -65536 : i32
          %parallel_loop3A_112 = vector.broadcast %parallel_loop3A_111 : i32 to vector<16xi32>
          %parallel_loop3A_113 = arith.andi %parallel_loop3A_106, %parallel_loop3A_112 : vector<16xi32>
          %parallel_loop3A_114 = tpu.bitcast %parallel_loop3A_113 : vector<16xi32> -> vector<16xf32>
          %parallel_loop3A_115 = arith.index_cast %parallel_loop3A_102 : i32 to index
          %parallel_loop3A_116 = arith.constant 0 : index
          %parallel_loop3A_117 = tpu.vector_load %arg13[%parallel_loop3A_115, %parallel_loop3A_116] {strides = array<i32>} : memref<64x128xf32, #tpu.memory_space<vmem>>, vector<1x16xf32>,
          %parallel_loop3A_118 = vector.shape_cast %parallel_loop3A_117 : vector<1x16xf32> to vector<16xf32>
          %parallel_loop3A_119 = arith.mulf %parallel_loop3A_118, %parallel_loop3A_110 : vector<16xf32>
          %parallel_loop3A_120 = arith.index_cast %parallel_loop3A_102 : i32 to index
          %parallel_loop3A_121 = arith.constant 0 : index
          %parallel_loop3A_122 = tpu.vector_load %arg17[%parallel_loop3A_120, %parallel_loop3A_121] {strides = array<i32>} : memref<64x128xf32, #tpu.memory_space<vmem>>, vector<1x16xf32>,
          %parallel_loop3A_123 = vector.shape_cast %parallel_loop3A_122 : vector<1x16xf32> to vector<16xf32>
          %parallel_loop3A_124 = vector.shape_cast %parallel_loop3A_119 : vector<16xf32> to vector<1x16xf32>
          tpu.vector_store %arg17[%parallel_loop3A_120, %parallel_loop3A_121], %parallel_loop3A_124 {strides = array<i32>} : memref<64x128xf32, #tpu.memory_space<vmem>>, vector<1x16xf32>,
          %parallel_loop3A_125 = arith.index_cast %parallel_loop3A_102 : i32 to index
          %parallel_loop3A_126 = arith.constant 16 : index
          %parallel_loop3A_127 = tpu.vector_load %arg13[%parallel_loop3A_125, %parallel_loop3A_126] {strides = array<i32>} : memref<64x128xf32, #tpu.memory_space<vmem>>, vector<1x16xf32>,
          %parallel_loop3A_128 = vector.shape_cast %parallel_loop3A_127 : vector<1x16xf32> to vector<16xf32>
          %parallel_loop3A_129 = arith.mulf %parallel_loop3A_128, %parallel_loop3A_114 : vector<16xf32>
          %parallel_loop3A_130 = arith.index_cast %parallel_loop3A_102 : i32 to index
          %parallel_loop3A_131 = arith.constant 16 : index
          %parallel_loop3A_132 = tpu.vector_load %arg17[%parallel_loop3A_130, %parallel_loop3A_131] {strides = array<i32>} : memref<64x128xf32, #tpu.memory_space<vmem>>, vector<1x16xf32>,
          %parallel_loop3A_133 = vector.shape_cast %parallel_loop3A_132 : vector<1x16xf32> to vector<16xf32>
          %parallel_loop3A_134 = vector.shape_cast %parallel_loop3A_129 : vector<16xf32> to vector<1x16xf32>
          tpu.vector_store %arg17[%parallel_loop3A_130, %parallel_loop3A_131], %parallel_loop3A_134 {strides = array<i32>} : memref<64x128xf32, #tpu.memory_space<vmem>>, vector<1x16xf32>,
          %parallel_loop3A_135 = arith.index_cast %parallel_loop3A_102 : i32 to index
          %parallel_loop3A_136 = arith.constant 16 : index
          %parallel_loop3A_137 = tpu.vector_load %arg15[%parallel_loop3A_135, %parallel_loop3A_136] {strides = array<i32>} : memref<64x64xi32, #tpu.memory_space<vmem>>, vector<1x16xi32>,
          %parallel_loop3A_138 = vector.shape_cast %parallel_loop3A_137 : vector<1x16xi32> to vector<16xi32>
          %parallel_loop3A_139 = arith.constant 16 : i32
          %parallel_loop3A_140 = vector.broadcast %parallel_loop3A_139 : i32 to vector<16xi32>
          %parallel_loop3A_141 = arith.shli %parallel_loop3A_138, %parallel_loop3A_140 : vector<16xi32>
          %parallel_loop3A_142 = tpu.bitcast %parallel_loop3A_141 : vector<16xi32> -> vector<16xf32>
          %parallel_loop3A_143 = arith.constant -65536 : i32
          %parallel_loop3A_144 = vector.broadcast %parallel_loop3A_143 : i32 to vector<16xi32>
          %parallel_loop3A_145 = arith.andi %parallel_loop3A_138, %parallel_loop3A_144 : vector<16xi32>
          %parallel_loop3A_146 = tpu.bitcast %parallel_loop3A_145 : vector<16xi32> -> vector<16xf32>
          %parallel_loop3A_147 = arith.index_cast %parallel_loop3A_102 : i32 to index
          %parallel_loop3A_148 = arith.constant 32 : index
          %parallel_loop3A_149 = tpu.vector_load %arg13[%parallel_loop3A_147, %parallel_loop3A_148] {strides = array<i32>} : memref<64x128xf32, #tpu.memory_space<vmem>>, vector<1x16xf32>,
          %parallel_loop3A_150 = vector.shape_cast %parallel_loop3A_149 : vector<1x16xf32> to vector<16xf32>
          %parallel_loop3A_151 = arith.mulf %parallel_loop3A_150, %parallel_loop3A_142 : vector<16xf32>
          %parallel_loop3A_152 = arith.index_cast %parallel_loop3A_102 : i32 to index
          %parallel_loop3A_153 = arith.constant 32 : index
          %parallel_loop3A_154 = tpu.vector_load %arg17[%parallel_loop3A_152, %parallel_loop3A_153] {strides = array<i32>} : memref<64x128xf32, #tpu.memory_space<vmem>>, vector<1x16xf32>,
          %parallel_loop3A_155 = vector.shape_cast %parallel_loop3A_154 : vector<1x16xf32> to vector<16xf32>
          %parallel_loop3A_156 = vector.shape_cast %parallel_loop3A_151 : vector<16xf32> to vector<1x16xf32>
          tpu.vector_store %arg17[%parallel_loop3A_152, %parallel_loop3A_153], %parallel_loop3A_156 {strides = array<i32>} : memref<64x128xf32, #tpu.memory_space<vmem>>, vector<1x16xf32>,
          %parallel_loop3A_157 = arith.index_cast %parallel_loop3A_102 : i32 to index
          %parallel_loop3A_158 = arith.constant 48 : index
          %parallel_loop3A_159 = tpu.vector_load %arg13[%parallel_loop3A_157, %parallel_loop3A_158] {strides = array<i32>} : memref<64x128xf32, #tpu.memory_space<vmem>>, vector<1x16xf32>,
          %parallel_loop3A_160 = vector.shape_cast %parallel_loop3A_159 : vector<1x16xf32> to vector<16xf32>
          %parallel_loop3A_161 = arith.mulf %parallel_loop3A_160, %parallel_loop3A_146 : vector<16xf32>
          %parallel_loop3A_162 = arith.index_cast %parallel_loop3A_102 : i32 to index
          %parallel_loop3A_163 = arith.constant 48 : index
          %parallel_loop3A_164 = tpu.vector_load %arg17[%parallel_loop3A_162, %parallel_loop3A_163] {strides = array<i32>} : memref<64x128xf32, #tpu.memory_space<vmem>>, vector<1x16xf32>,
          %parallel_loop3A_165 = vector.shape_cast %parallel_loop3A_164 : vector<1x16xf32> to vector<16xf32>
          %parallel_loop3A_166 = vector.shape_cast %parallel_loop3A_161 : vector<16xf32> to vector<1x16xf32>
          tpu.vector_store %arg17[%parallel_loop3A_162, %parallel_loop3A_163], %parallel_loop3A_166 {strides = array<i32>} : memref<64x128xf32, #tpu.memory_space<vmem>>, vector<1x16xf32>,
          %parallel_loop3A_167 = arith.index_cast %parallel_loop3A_102 : i32 to index
          %parallel_loop3A_168 = arith.constant 32 : index
          %parallel_loop3A_169 = tpu.vector_load %arg15[%parallel_loop3A_167, %parallel_loop3A_168] {strides = array<i32>} : memref<64x64xi32, #tpu.memory_space<vmem>>, vector<1x16xi32>,
          %parallel_loop3A_170 = vector.shape_cast %parallel_loop3A_169 : vector<1x16xi32> to vector<16xi32>
          %parallel_loop3A_171 = arith.constant 16 : i32
          %parallel_loop3A_172 = vector.broadcast %parallel_loop3A_171 : i32 to vector<16xi32>
          %parallel_loop3A_173 = arith.shli %parallel_loop3A_170, %parallel_loop3A_172 : vector<16xi32>
          %parallel_loop3A_174 = tpu.bitcast %parallel_loop3A_173 : vector<16xi32> -> vector<16xf32>
          %parallel_loop3A_175 = arith.constant -65536 : i32
          %parallel_loop3A_176 = vector.broadcast %parallel_loop3A_175 : i32 to vector<16xi32>
          %parallel_loop3A_177 = arith.andi %parallel_loop3A_170, %parallel_loop3A_176 : vector<16xi32>
          %parallel_loop3A_178 = tpu.bitcast %parallel_loop3A_177 : vector<16xi32> -> vector<16xf32>
          %parallel_loop3A_179 = arith.index_cast %parallel_loop3A_102 : i32 to index
          %parallel_loop3A_180 = arith.constant 64 : index
          %parallel_loop3A_181 = tpu.vector_load %arg13[%parallel_loop3A_179, %parallel_loop3A_180] {strides = array<i32>} : memref<64x128xf32, #tpu.memory_space<vmem>>, vector<1x16xf32>,
          %parallel_loop3A_182 = vector.shape_cast %parallel_loop3A_181 : vector<1x16xf32> to vector<16xf32>
          %parallel_loop3A_183 = arith.mulf %parallel_loop3A_182, %parallel_loop3A_174 : vector<16xf32>
          %parallel_loop3A_184 = arith.index_cast %parallel_loop3A_102 : i32 to index
          %parallel_loop3A_185 = arith.constant 64 : index
          %parallel_loop3A_186 = tpu.vector_load %arg17[%parallel_loop3A_184, %parallel_loop3A_185] {strides = array<i32>} : memref<64x128xf32, #tpu.memory_space<vmem>>, vector<1x16xf32>,
          %parallel_loop3A_187 = vector.shape_cast %parallel_loop3A_186 : vector<1x16xf32> to vector<16xf32>
          %parallel_loop3A_188 = vector.shape_cast %parallel_loop3A_183 : vector<16xf32> to vector<1x16xf32>
          tpu.vector_store %arg17[%parallel_loop3A_184, %parallel_loop3A_185], %parallel_loop3A_188 {strides = array<i32>} : memref<64x128xf32, #tpu.memory_space<vmem>>, vector<1x16xf32>,
          %parallel_loop3A_189 = arith.index_cast %parallel_loop3A_102 : i32 to index
          %parallel_loop3A_190 = arith.constant 80 : index
          %parallel_loop3A_191 = tpu.vector_load %arg13[%parallel_loop3A_189, %parallel_loop3A_190] {strides = array<i32>} : memref<64x128xf32, #tpu.memory_space<vmem>>, vector<1x16xf32>,
          %parallel_loop3A_192 = vector.shape_cast %parallel_loop3A_191 : vector<1x16xf32> to vector<16xf32>
          %parallel_loop3A_193 = arith.mulf %parallel_loop3A_192, %parallel_loop3A_178 : vector<16xf32>
          %parallel_loop3A_194 = arith.index_cast %parallel_loop3A_102 : i32 to index
          %parallel_loop3A_195 = arith.constant 80 : index
          %parallel_loop3A_196 = tpu.vector_load %arg17[%parallel_loop3A_194, %parallel_loop3A_195] {strides = array<i32>} : memref<64x128xf32, #tpu.memory_space<vmem>>, vector<1x16xf32>,
          %parallel_loop3A_197 = vector.shape_cast %parallel_loop3A_196 : vector<1x16xf32> to vector<16xf32>
          %parallel_loop3A_198 = vector.shape_cast %parallel_loop3A_193 : vector<16xf32> to vector<1x16xf32>
          tpu.vector_store %arg17[%parallel_loop3A_194, %parallel_loop3A_195], %parallel_loop3A_198 {strides = array<i32>} : memref<64x128xf32, #tpu.memory_space<vmem>>, vector<1x16xf32>,
          %parallel_loop3A_199 = arith.index_cast %parallel_loop3A_102 : i32 to index
          %parallel_loop3A_200 = arith.constant 48 : index
          %parallel_loop3A_201 = tpu.vector_load %arg15[%parallel_loop3A_199, %parallel_loop3A_200] {strides = array<i32>} : memref<64x64xi32, #tpu.memory_space<vmem>>, vector<1x16xi32>,
          %parallel_loop3A_202 = vector.shape_cast %parallel_loop3A_201 : vector<1x16xi32> to vector<16xi32>
          %parallel_loop3A_203 = arith.constant 16 : i32
          %parallel_loop3A_204 = vector.broadcast %parallel_loop3A_203 : i32 to vector<16xi32>
          %parallel_loop3A_205 = arith.shli %parallel_loop3A_202, %parallel_loop3A_204 : vector<16xi32>
          %parallel_loop3A_206 = tpu.bitcast %parallel_loop3A_205 : vector<16xi32> -> vector<16xf32>
          %parallel_loop3A_207 = arith.constant -65536 : i32
          %parallel_loop3A_208 = vector.broadcast %parallel_loop3A_207 : i32 to vector<16xi32>
          %parallel_loop3A_209 = arith.andi %parallel_loop3A_202, %parallel_loop3A_208 : vector<16xi32>
          %parallel_loop3A_210 = tpu.bitcast %parallel_loop3A_209 : vector<16xi32> -> vector<16xf32>
          %parallel_loop3A_211 = arith.index_cast %parallel_loop3A_102 : i32 to index
          %parallel_loop3A_212 = arith.constant 96 : index
          %parallel_loop3A_213 = tpu.vector_load %arg13[%parallel_loop3A_211, %parallel_loop3A_212] {strides = array<i32>} : memref<64x128xf32, #tpu.memory_space<vmem>>, vector<1x16xf32>,
          %parallel_loop3A_214 = vector.shape_cast %parallel_loop3A_213 : vector<1x16xf32> to vector<16xf32>
          %parallel_loop3A_215 = arith.mulf %parallel_loop3A_214, %parallel_loop3A_206 : vector<16xf32>
          %parallel_loop3A_216 = arith.index_cast %parallel_loop3A_102 : i32 to index
          %parallel_loop3A_217 = arith.constant 96 : index
          %parallel_loop3A_218 = tpu.vector_load %arg17[%parallel_loop3A_216, %parallel_loop3A_217] {strides = array<i32>} : memref<64x128xf32, #tpu.memory_space<vmem>>, vector<1x16xf32>,
          %parallel_loop3A_219 = vector.shape_cast %parallel_loop3A_218 : vector<1x16xf32> to vector<16xf32>
          %parallel_loop3A_220 = vector.shape_cast %parallel_loop3A_215 : vector<16xf32> to vector<1x16xf32>
          tpu.vector_store %arg17[%parallel_loop3A_216, %parallel_loop3A_217], %parallel_loop3A_220 {strides = array<i32>} : memref<64x128xf32, #tpu.memory_space<vmem>>, vector<1x16xf32>,
          %parallel_loop3A_221 = arith.index_cast %parallel_loop3A_102 : i32 to index
          %parallel_loop3A_222 = arith.constant 112 : index
          %parallel_loop3A_223 = tpu.vector_load %arg13[%parallel_loop3A_221, %parallel_loop3A_222] {strides = array<i32>} : memref<64x128xf32, #tpu.memory_space<vmem>>, vector<1x16xf32>,
          %parallel_loop3A_224 = vector.shape_cast %parallel_loop3A_223 : vector<1x16xf32> to vector<16xf32>
          %parallel_loop3A_225 = arith.mulf %parallel_loop3A_224, %parallel_loop3A_210 : vector<16xf32>
          %parallel_loop3A_226 = arith.index_cast %parallel_loop3A_102 : i32 to index
          %parallel_loop3A_227 = arith.constant 112 : index
          %parallel_loop3A_228 = tpu.vector_load %arg17[%parallel_loop3A_226, %parallel_loop3A_227] {strides = array<i32>} : memref<64x128xf32, #tpu.memory_space<vmem>>, vector<1x16xf32>,
          %parallel_loop3A_229 = vector.shape_cast %parallel_loop3A_228 : vector<1x16xf32> to vector<16xf32>
          %parallel_loop3A_230 = vector.shape_cast %parallel_loop3A_225 : vector<16xf32> to vector<1x16xf32>
          tpu.vector_store %arg17[%parallel_loop3A_226, %parallel_loop3A_227], %parallel_loop3A_230 {strides = array<i32>} : memref<64x128xf32, #tpu.memory_space<vmem>>, vector<1x16xf32>,
        } {sc.loop_unroll_factor = 4 : i64, sc.parallel_access}
        %dma_wait3A_88 = arith.constant 0 : i32
        %dma_wait3A_89 = tpu.memref_slice %arg5[%dma_wait3A_88] : memref<321536xi32, #tpu.memory_space<hbm>> -> memref<64xi32, #tpu.memory_space<hbm>>
        %dma_wait3A_90 = arith.constant 0 : i32
        %dma_wait3A_91 = tpu.memref_slice %arg5[%dma_wait3A_90] : memref<321536xi32, #tpu.memory_space<hbm>> -> memref<64xi32, #tpu.memory_space<hbm>>
        tpu.wait_dma2 semaphore(%arg21 : memref<!tpu.dma_semaphore, #tpu.memory_space<semaphore_mem>>) src(%dma_wait3A_91 : memref<64xi32, #tpu.memory_space<hbm>>) dst(%arg11 : memref<64xi32, #tpu.memory_space<vmem>>)
        %dma_start3A_92 = arith.constant 0 : i32
        %dma_start3A_93 = arith.constant 0 : i32
        %dma_start3A_94 = tpu.memref_slice %arg8[%dma_start3A_92, %dma_start3A_93] : memref<10112x128xf32, #tpu.memory_space<vmem_shared>> -> memref<10112x128xf32, #tpu.memory_space<vmem_shared>>
        tpu.enqueue_indirect_dma source(%arg17 : memref<64x128xf32, #tpu.memory_space<vmem>>) target(%dma_start3A_94 : memref<10112x128xf32, #tpu.memory_space<vmem_shared>>) offsets(%arg11 : memref<64xi32, #tpu.memory_space<vmem>>) semaphore(%arg25 : memref<!tpu.dma_semaphore, #tpu.memory_space<semaphore_mem>>) {add = true}
        %add3A_95 = arith.constant 2 : i32
        %add3A_96 = arith.addi %add3A_44, %add3A_95 : i32
        %lt3A_97 = arith.constant 157 : i32
        %lt3A_98 = arith.cmpi slt, %add3A_96, %lt3A_97 : i32
        %convert_element_type3A_99 = arith.extui %lt3A_98 : i1 to i32
        %cond3A_100 = arith.constant 0 : i32
        %cond3A_101 = arith.cmpi ne, %convert_element_type3A_99, %cond3A_100 : i32
        scf.if %cond3A_101 {
          %dma_wait3A_102 = arith.constant 0 : i32
          %dma_wait3A_103 = tpu.memref_slice %arg4[%dma_wait3A_102] : memref<321536xi32, #tpu.memory_space<hbm>> -> memref<64xi32, #tpu.memory_space<hbm>>
          %dma_wait3A_104 = arith.constant 0 : i32
          %dma_wait3A_105 = tpu.memref_slice %arg4[%dma_wait3A_104] : memref<321536xi32, #tpu.memory_space<hbm>> -> memref<64xi32, #tpu.memory_space<hbm>>
          tpu.wait_dma2 semaphore(%arg19 : memref<!tpu.dma_semaphore, #tpu.memory_space<semaphore_mem>>) src(%dma_wait3A_105 : memref<64xi32, #tpu.memory_space<hbm>>) dst(%arg9 : memref<64xi32, #tpu.memory_space<vmem>>)
        } else {
        }
      } else {
      }
      %mul3A_47 = arith.constant 2 : i32
      %mul3A_48 = arith.muli %mul3A_47, %scan3A_40 : i32
      %add3A_49 = arith.constant 1 : i32
      %add3A_50 = arith.addi %mul3A_48, %add3A_49 : i32
      %lt3A_51 = arith.constant 157 : i32
      %lt3A_52 = arith.cmpi slt, %add3A_50, %lt3A_51 : i32
      %convert_element_type3A_53 = arith.extui %lt3A_52 : i1 to i32
      %cond3A_54 = arith.constant 0 : i32
      %cond3A_55 = arith.cmpi ne, %convert_element_type3A_53, %cond3A_54 : i32
      scf.if %cond3A_55 {
        %add3A_56 = arith.constant 1 : i32
        %add3A_57 = arith.addi %add3A_50, %add3A_56 : i32
        %lt3A_58 = arith.constant 157 : i32
        %lt3A_59 = arith.cmpi slt, %add3A_57, %lt3A_58 : i32
        %convert_element_type3A_60 = arith.extui %lt3A_59 : i1 to i32
        %cond3A_61 = arith.constant 0 : i32
        %cond3A_62 = arith.cmpi ne, %convert_element_type3A_60, %cond3A_61 : i32
        scf.if %cond3A_62 {
          %add3A_102 = arith.constant 1 : i32
          %add3A_103 = arith.addi %add3A_50, %add3A_102 : i32
          %dma_start3A_104 = arith.constant 0 : i32
          %dma_start3A_105 = arith.constant 0 : i32
          %dma_start3A_106 = tpu.memref_slice %arg2[%dma_start3A_104, %dma_start3A_105] : memref<10000x128xf32, #tpu.memory_space<hbm>> -> memref<10000x128xf32, #tpu.memory_space<hbm>>
          tpu.enqueue_indirect_dma source(%dma_start3A_106 : memref<10000x128xf32, #tpu.memory_space<hbm>>) target(%arg13 : memref<64x128xf32, #tpu.memory_space<vmem>>) offsets(%arg9 : memref<64xi32, #tpu.memory_space<vmem>>) semaphore(%arg23 : memref<!tpu.dma_semaphore, #tpu.memory_space<semaphore_mem>>)
          %mul3A_107 = arith.constant 64 : i32
          %mul3A_108 = arith.muli %add3A_103, %mul3A_107 : i32
          %add3A_109 = arith.addi %mul3A_6, %mul3A_108 : i32
          %dma_start3A_110 = arith.constant 0 : i32
          %dma_start3A_111 = tpu.memref_slice %arg3[%add3A_109, %dma_start3A_110] : memref<321536x64xi32, #tpu.memory_space<hbm>> -> memref<64x64xi32, #tpu.memory_space<hbm>>
          %dma_start3A_112 = arith.constant 0 : i32
          %dma_start3A_113 = tpu.memref_slice %arg3[%add3A_109, %dma_start3A_112] : memref<321536x64xi32, #tpu.memory_space<hbm>> -> memref<64x64xi32, #tpu.memory_space<hbm>>
          tpu.enqueue_dma source(%dma_start3A_113 : memref<64x64xi32, #tpu.memory_space<hbm>>) target(%arg15 : memref<64x64xi32, #tpu.memory_space<vmem>>) target_semaphore(%arg23 : memref<!tpu.dma_semaphore, #tpu.memory_space<semaphore_mem>>)
        } else {
        }
        %add3A_63 = arith.constant 2 : i32
        %add3A_64 = arith.addi %add3A_50, %add3A_63 : i32
        %lt3A_65 = arith.constant 157 : i32
        %lt3A_66 = arith.cmpi slt, %add3A_64, %lt3A_65 : i32
        %convert_element_type3A_67 = arith.extui %lt3A_66 : i1 to i32
        %cond3A_68 = arith.constant 0 : i32
        %cond3A_69 = arith.cmpi ne, %convert_element_type3A_67, %cond3A_68 : i32
        scf.if %cond3A_69 {
          %add3A_102 = arith.constant 2 : i32
          %add3A_103 = arith.addi %add3A_50, %add3A_102 : i32
          %mul3A_104 = arith.constant 64 : i32
          %mul3A_105 = arith.muli %add3A_103, %mul3A_104 : i32
          %add3A_106 = arith.addi %mul3A_6, %mul3A_105 : i32
          %dma_start3A_107 = tpu.memref_slice %arg4[%add3A_106] : memref<321536xi32, #tpu.memory_space<hbm>> -> memref<64xi32, #tpu.memory_space<hbm>>
          %dma_start3A_108 = tpu.memref_slice %arg4[%add3A_106] : memref<321536xi32, #tpu.memory_space<hbm>> -> memref<64xi32, #tpu.memory_space<hbm>>
          tpu.enqueue_dma source(%dma_start3A_108 : memref<64xi32, #tpu.memory_space<hbm>>) target(%arg10 : memref<64xi32, #tpu.memory_space<vmem>>) target_semaphore(%arg20 : memref<!tpu.dma_semaphore, #tpu.memory_space<semaphore_mem>>)
        } else {
        }
        %dma_wait3A_70 = arith.constant 0 : i32
        %dma_wait3A_71 = arith.constant 0 : i32
        %dma_wait3A_72 = tpu.memref_slice %arg2[%dma_wait3A_70, %dma_wait3A_71] : memref<10000x128xf32, #tpu.memory_space<hbm>> -> memref<64x128xf32, #tpu.memory_space<hbm>>
        %dma_wait3A_73 = arith.constant 0 : i32
        %dma_wait3A_74 = arith.constant 0 : i32
        %dma_wait3A_75 = tpu.memref_slice %arg2[%dma_wait3A_73, %dma_wait3A_74] : memref<10000x128xf32, #tpu.memory_space<hbm>> -> memref<64x128xf32, #tpu.memory_space<hbm>>
        tpu.wait_dma2 semaphore(%arg24 : memref<!tpu.dma_semaphore, #tpu.memory_space<semaphore_mem>>) src(%dma_wait3A_75 : memref<64x128xf32, #tpu.memory_space<hbm>>) dst(%arg14 : memref<64x128xf32, #tpu.memory_space<vmem>>)
        %dma_wait3A_76 = arith.constant 0 : i32
        %dma_wait3A_77 = arith.constant 0 : i32
        %dma_wait3A_78 = tpu.memref_slice %arg3[%dma_wait3A_76, %dma_wait3A_77] : memref<321536x64xi32, #tpu.memory_space<hbm>> -> memref<64x64xi32, #tpu.memory_space<hbm>>
        %dma_wait3A_79 = arith.constant 0 : i32
        %dma_wait3A_80 = arith.constant 0 : i32
        %dma_wait3A_81 = tpu.memref_slice %arg3[%dma_wait3A_79, %dma_wait3A_80] : memref<321536x64xi32, #tpu.memory_space<hbm>> -> memref<64x64xi32, #tpu.memory_space<hbm>>
        tpu.wait_dma2 semaphore(%arg24 : memref<!tpu.dma_semaphore, #tpu.memory_space<semaphore_mem>>) src(%dma_wait3A_81 : memref<64x64xi32, #tpu.memory_space<hbm>>) dst(%arg16 : memref<64x64xi32, #tpu.memory_space<vmem>>)
        %ge3A = arith.constant 2 : i32
        %ge3A_82 = arith.cmpi sge, %add3A_50, %ge3A : i32
        %convert_element_type3A_83 = arith.extui %ge3A_82 : i1 to i32
        %cond3A_84 = arith.constant 0 : i32
        %cond3A_85 = arith.cmpi ne, %convert_element_type3A_83, %cond3A_84 : i32
        scf.if %cond3A_85 {
          %dma_wait3A_102 = arith.constant 0 : i32
          %dma_wait3A_103 = arith.constant 0 : i32
          %dma_wait3A_104 = tpu.memref_slice %arg8[%dma_wait3A_102, %dma_wait3A_103] : memref<10112x128xf32, #tpu.memory_space<vmem_shared>> -> memref<10112x128xf32, #tpu.memory_space<vmem_shared>>
          tpu.wait_indirect_dma semaphore(%arg26 : memref<!tpu.dma_semaphore, #tpu.memory_space<semaphore_mem>>) src(%arg18 : memref<64x128xf32, #tpu.memory_space<vmem>>) dst(%dma_wait3A_104 : memref<10112x128xf32, #tpu.memory_space<vmem_shared>>)
          %mul3A_105 = arith.constant 64 : i32
          %mul3A_106 = arith.muli %add3A_50, %mul3A_105 : i32
          %add3A_107 = arith.addi %mul3A_6, %mul3A_106 : i32
          %dma_start3A_108 = tpu.memref_slice %arg5[%add3A_107] : memref<321536xi32, #tpu.memory_space<hbm>> -> memref<64xi32, #tpu.memory_space<hbm>>
          %dma_start3A_109 = tpu.memref_slice %arg5[%add3A_107] : memref<321536xi32, #tpu.memory_space<hbm>> -> memref<64xi32, #tpu.memory_space<hbm>>
          tpu.enqueue_dma source(%dma_start3A_109 : memref<64xi32, #tpu.memory_space<hbm>>) target(%arg12 : memref<64xi32, #tpu.memory_space<vmem>>) target_semaphore(%arg22 : memref<!tpu.dma_semaphore, #tpu.memory_space<semaphore_mem>>)
        } else {
        }
        %parallel_loop3A = arith.constant 0 : i32
        %parallel_loop3A_86 = arith.constant 64 : i32
        %parallel_loop3A_87 = arith.constant 1 : i32
        scf.for %parallel_loop3A_102 = %parallel_loop3A to %parallel_loop3A_86 step %parallel_loop3A_87  : i32 {
          %parallel_loop3A_103 = arith.index_cast %parallel_loop3A_102 : i32 to index
          %parallel_loop3A_104 = arith.constant 0 : index
          %parallel_loop3A_105 = tpu.vector_load %arg16[%parallel_loop3A_103, %parallel_loop3A_104] {strides = array<i32>} : memref<64x64xi32, #tpu.memory_space<vmem>>, vector<1x16xi32>,
          %parallel_loop3A_106 = vector.shape_cast %parallel_loop3A_105 : vector<1x16xi32> to vector<16xi32>
          %parallel_loop3A_107 = arith.constant 16 : i32
          %parallel_loop3A_108 = vector.broadcast %parallel_loop3A_107 : i32 to vector<16xi32>
          %parallel_loop3A_109 = arith.shli %parallel_loop3A_106, %parallel_loop3A_108 : vector<16xi32>
          %parallel_loop3A_110 = tpu.bitcast %parallel_loop3A_109 : vector<16xi32> -> vector<16xf32>
          %parallel_loop3A_111 = arith.constant -65536 : i32
          %parallel_loop3A_112 = vector.broadcast %parallel_loop3A_111 : i32 to vector<16xi32>
          %parallel_loop3A_113 = arith.andi %parallel_loop3A_106, %parallel_loop3A_112 : vector<16xi32>
          %parallel_loop3A_114 = tpu.bitcast %parallel_loop3A_113 : vector<16xi32> -> vector<16xf32>
          %parallel_loop3A_115 = arith.index_cast %parallel_loop3A_102 : i32 to index
          %parallel_loop3A_116 = arith.constant 0 : index
          %parallel_loop3A_117 = tpu.vector_load %arg14[%parallel_loop3A_115, %parallel_loop3A_116] {strides = array<i32>} : memref<64x128xf32, #tpu.memory_space<vmem>>, vector<1x16xf32>,
          %parallel_loop3A_118 = vector.shape_cast %parallel_loop3A_117 : vector<1x16xf32> to vector<16xf32>
          %parallel_loop3A_119 = arith.mulf %parallel_loop3A_118, %parallel_loop3A_110 : vector<16xf32>
          %parallel_loop3A_120 = arith.index_cast %parallel_loop3A_102 : i32 to index
          %parallel_loop3A_121 = arith.constant 0 : index
          %parallel_loop3A_122 = tpu.vector_load %arg18[%parallel_loop3A_120, %parallel_loop3A_121] {strides = array<i32>} : memref<64x128xf32, #tpu.memory_space<vmem>>, vector<1x16xf32>,
          %parallel_loop3A_123 = vector.shape_cast %parallel_loop3A_122 : vector<1x16xf32> to vector<16xf32>
          %parallel_loop3A_124 = vector.shape_cast %parallel_loop3A_119 : vector<16xf32> to vector<1x16xf32>
          tpu.vector_store %arg18[%parallel_loop3A_120, %parallel_loop3A_121], %parallel_loop3A_124 {strides = array<i32>} : memref<64x128xf32, #tpu.memory_space<vmem>>, vector<1x16xf32>,
          %parallel_loop3A_125 = arith.index_cast %parallel_loop3A_102 : i32 to index
          %parallel_loop3A_126 = arith.constant 16 : index
          %parallel_loop3A_127 = tpu.vector_load %arg14[%parallel_loop3A_125, %parallel_loop3A_126] {strides = array<i32>} : memref<64x128xf32, #tpu.memory_space<vmem>>, vector<1x16xf32>,
          %parallel_loop3A_128 = vector.shape_cast %parallel_loop3A_127 : vector<1x16xf32> to vector<16xf32>
          %parallel_loop3A_129 = arith.mulf %parallel_loop3A_128, %parallel_loop3A_114 : vector<16xf32>
          %parallel_loop3A_130 = arith.index_cast %parallel_loop3A_102 : i32 to index
          %parallel_loop3A_131 = arith.constant 16 : index
          %parallel_loop3A_132 = tpu.vector_load %arg18[%parallel_loop3A_130, %parallel_loop3A_131] {strides = array<i32>} : memref<64x128xf32, #tpu.memory_space<vmem>>, vector<1x16xf32>,
          %parallel_loop3A_133 = vector.shape_cast %parallel_loop3A_132 : vector<1x16xf32> to vector<16xf32>
          %parallel_loop3A_134 = vector.shape_cast %parallel_loop3A_129 : vector<16xf32> to vector<1x16xf32>
          tpu.vector_store %arg18[%parallel_loop3A_130, %parallel_loop3A_131], %parallel_loop3A_134 {strides = array<i32>} : memref<64x128xf32, #tpu.memory_space<vmem>>, vector<1x16xf32>,
          %parallel_loop3A_135 = arith.index_cast %parallel_loop3A_102 : i32 to index
          %parallel_loop3A_136 = arith.constant 16 : index
          %parallel_loop3A_137 = tpu.vector_load %arg16[%parallel_loop3A_135, %parallel_loop3A_136] {strides = array<i32>} : memref<64x64xi32, #tpu.memory_space<vmem>>, vector<1x16xi32>,
          %parallel_loop3A_138 = vector.shape_cast %parallel_loop3A_137 : vector<1x16xi32> to vector<16xi32>
          %parallel_loop3A_139 = arith.constant 16 : i32
          %parallel_loop3A_140 = vector.broadcast %parallel_loop3A_139 : i32 to vector<16xi32>
          %parallel_loop3A_141 = arith.shli %parallel_loop3A_138, %parallel_loop3A_140 : vector<16xi32>
          %parallel_loop3A_142 = tpu.bitcast %parallel_loop3A_141 : vector<16xi32> -> vector<16xf32>
          %parallel_loop3A_143 = arith.constant -65536 : i32
          %parallel_loop3A_144 = vector.broadcast %parallel_loop3A_143 : i32 to vector<16xi32>
          %parallel_loop3A_145 = arith.andi %parallel_loop3A_138, %parallel_loop3A_144 : vector<16xi32>
          %parallel_loop3A_146 = tpu.bitcast %parallel_loop3A_145 : vector<16xi32> -> vector<16xf32>
          %parallel_loop3A_147 = arith.index_cast %parallel_loop3A_102 : i32 to index
          %parallel_loop3A_148 = arith.constant 32 : index
          %parallel_loop3A_149 = tpu.vector_load %arg14[%parallel_loop3A_147, %parallel_loop3A_148] {strides = array<i32>} : memref<64x128xf32, #tpu.memory_space<vmem>>, vector<1x16xf32>,
          %parallel_loop3A_150 = vector.shape_cast %parallel_loop3A_149 : vector<1x16xf32> to vector<16xf32>
          %parallel_loop3A_151 = arith.mulf %parallel_loop3A_150, %parallel_loop3A_142 : vector<16xf32>
          %parallel_loop3A_152 = arith.index_cast %parallel_loop3A_102 : i32 to index
          %parallel_loop3A_153 = arith.constant 32 : index
          %parallel_loop3A_154 = tpu.vector_load %arg18[%parallel_loop3A_152, %parallel_loop3A_153] {strides = array<i32>} : memref<64x128xf32, #tpu.memory_space<vmem>>, vector<1x16xf32>,
          %parallel_loop3A_155 = vector.shape_cast %parallel_loop3A_154 : vector<1x16xf32> to vector<16xf32>
          %parallel_loop3A_156 = vector.shape_cast %parallel_loop3A_151 : vector<16xf32> to vector<1x16xf32>
          tpu.vector_store %arg18[%parallel_loop3A_152, %parallel_loop3A_153], %parallel_loop3A_156 {strides = array<i32>} : memref<64x128xf32, #tpu.memory_space<vmem>>, vector<1x16xf32>,
          %parallel_loop3A_157 = arith.index_cast %parallel_loop3A_102 : i32 to index
          %parallel_loop3A_158 = arith.constant 48 : index
          %parallel_loop3A_159 = tpu.vector_load %arg14[%parallel_loop3A_157, %parallel_loop3A_158] {strides = array<i32>} : memref<64x128xf32, #tpu.memory_space<vmem>>, vector<1x16xf32>,
          %parallel_loop3A_160 = vector.shape_cast %parallel_loop3A_159 : vector<1x16xf32> to vector<16xf32>
          %parallel_loop3A_161 = arith.mulf %parallel_loop3A_160, %parallel_loop3A_146 : vector<16xf32>
          %parallel_loop3A_162 = arith.index_cast %parallel_loop3A_102 : i32 to index
          %parallel_loop3A_163 = arith.constant 48 : index
          %parallel_loop3A_164 = tpu.vector_load %arg18[%parallel_loop3A_162, %parallel_loop3A_163] {strides = array<i32>} : memref<64x128xf32, #tpu.memory_space<vmem>>, vector<1x16xf32>,
          %parallel_loop3A_165 = vector.shape_cast %parallel_loop3A_164 : vector<1x16xf32> to vector<16xf32>
          %parallel_loop3A_166 = vector.shape_cast %parallel_loop3A_161 : vector<16xf32> to vector<1x16xf32>
          tpu.vector_store %arg18[%parallel_loop3A_162, %parallel_loop3A_163], %parallel_loop3A_166 {strides = array<i32>} : memref<64x128xf32, #tpu.memory_space<vmem>>, vector<1x16xf32>,
          %parallel_loop3A_167 = arith.index_cast %parallel_loop3A_102 : i32 to index
          %parallel_loop3A_168 = arith.constant 32 : index
          %parallel_loop3A_169 = tpu.vector_load %arg16[%parallel_loop3A_167, %parallel_loop3A_168] {strides = array<i32>} : memref<64x64xi32, #tpu.memory_space<vmem>>, vector<1x16xi32>,
          %parallel_loop3A_170 = vector.shape_cast %parallel_loop3A_169 : vector<1x16xi32> to vector<16xi32>
          %parallel_loop3A_171 = arith.constant 16 : i32
          %parallel_loop3A_172 = vector.broadcast %parallel_loop3A_171 : i32 to vector<16xi32>
          %parallel_loop3A_173 = arith.shli %parallel_loop3A_170, %parallel_loop3A_172 : vector<16xi32>
          %parallel_loop3A_174 = tpu.bitcast %parallel_loop3A_173 : vector<16xi32> -> vector<16xf32>
          %parallel_loop3A_175 = arith.constant -65536 : i32
          %parallel_loop3A_176 = vector.broadcast %parallel_loop3A_175 : i32 to vector<16xi32>
          %parallel_loop3A_177 = arith.andi %parallel_loop3A_170, %parallel_loop3A_176 : vector<16xi32>
          %parallel_loop3A_178 = tpu.bitcast %parallel_loop3A_177 : vector<16xi32> -> vector<16xf32>
          %parallel_loop3A_179 = arith.index_cast %parallel_loop3A_102 : i32 to index
          %parallel_loop3A_180 = arith.constant 64 : index
          %parallel_loop3A_181 = tpu.vector_load %arg14[%parallel_loop3A_179, %parallel_loop3A_180] {strides = array<i32>} : memref<64x128xf32, #tpu.memory_space<vmem>>, vector<1x16xf32>,
          %parallel_loop3A_182 = vector.shape_cast %parallel_loop3A_181 : vector<1x16xf32> to vector<16xf32>
          %parallel_loop3A_183 = arith.mulf %parallel_loop3A_182, %parallel_loop3A_174 : vector<16xf32>
          %parallel_loop3A_184 = arith.index_cast %parallel_loop3A_102 : i32 to index
          %parallel_loop3A_185 = arith.constant 64 : index
          %parallel_loop3A_186 = tpu.vector_load %arg18[%parallel_loop3A_184, %parallel_loop3A_185] {strides = array<i32>} : memref<64x128xf32, #tpu.memory_space<vmem>>, vector<1x16xf32>,
          %parallel_loop3A_187 = vector.shape_cast %parallel_loop3A_186 : vector<1x16xf32> to vector<16xf32>
          %parallel_loop3A_188 = vector.shape_cast %parallel_loop3A_183 : vector<16xf32> to vector<1x16xf32>
          tpu.vector_store %arg18[%parallel_loop3A_184, %parallel_loop3A_185], %parallel_loop3A_188 {strides = array<i32>} : memref<64x128xf32, #tpu.memory_space<vmem>>, vector<1x16xf32>,
          %parallel_loop3A_189 = arith.index_cast %parallel_loop3A_102 : i32 to index
          %parallel_loop3A_190 = arith.constant 80 : index
          %parallel_loop3A_191 = tpu.vector_load %arg14[%parallel_loop3A_189, %parallel_loop3A_190] {strides = array<i32>} : memref<64x128xf32, #tpu.memory_space<vmem>>, vector<1x16xf32>,
          %parallel_loop3A_192 = vector.shape_cast %parallel_loop3A_191 : vector<1x16xf32> to vector<16xf32>
          %parallel_loop3A_193 = arith.mulf %parallel_loop3A_192, %parallel_loop3A_178 : vector<16xf32>
          %parallel_loop3A_194 = arith.index_cast %parallel_loop3A_102 : i32 to index
          %parallel_loop3A_195 = arith.constant 80 : index
          %parallel_loop3A_196 = tpu.vector_load %arg18[%parallel_loop3A_194, %parallel_loop3A_195] {strides = array<i32>} : memref<64x128xf32, #tpu.memory_space<vmem>>, vector<1x16xf32>,
          %parallel_loop3A_197 = vector.shape_cast %parallel_loop3A_196 : vector<1x16xf32> to vector<16xf32>
          %parallel_loop3A_198 = vector.shape_cast %parallel_loop3A_193 : vector<16xf32> to vector<1x16xf32>
          tpu.vector_store %arg18[%parallel_loop3A_194, %parallel_loop3A_195], %parallel_loop3A_198 {strides = array<i32>} : memref<64x128xf32, #tpu.memory_space<vmem>>, vector<1x16xf32>,
          %parallel_loop3A_199 = arith.index_cast %parallel_loop3A_102 : i32 to index
          %parallel_loop3A_200 = arith.constant 48 : index
          %parallel_loop3A_201 = tpu.vector_load %arg16[%parallel_loop3A_199, %parallel_loop3A_200] {strides = array<i32>} : memref<64x64xi32, #tpu.memory_space<vmem>>, vector<1x16xi32>,
          %parallel_loop3A_202 = vector.shape_cast %parallel_loop3A_201 : vector<1x16xi32> to vector<16xi32>
          %parallel_loop3A_203 = arith.constant 16 : i32
          %parallel_loop3A_204 = vector.broadcast %parallel_loop3A_203 : i32 to vector<16xi32>
          %parallel_loop3A_205 = arith.shli %parallel_loop3A_202, %parallel_loop3A_204 : vector<16xi32>
          %parallel_loop3A_206 = tpu.bitcast %parallel_loop3A_205 : vector<16xi32> -> vector<16xf32>
          %parallel_loop3A_207 = arith.constant -65536 : i32
          %parallel_loop3A_208 = vector.broadcast %parallel_loop3A_207 : i32 to vector<16xi32>
          %parallel_loop3A_209 = arith.andi %parallel_loop3A_202, %parallel_loop3A_208 : vector<16xi32>
          %parallel_loop3A_210 = tpu.bitcast %parallel_loop3A_209 : vector<16xi32> -> vector<16xf32>
          %parallel_loop3A_211 = arith.index_cast %parallel_loop3A_102 : i32 to index
          %parallel_loop3A_212 = arith.constant 96 : index
          %parallel_loop3A_213 = tpu.vector_load %arg14[%parallel_loop3A_211, %parallel_loop3A_212] {strides = array<i32>} : memref<64x128xf32, #tpu.memory_space<vmem>>, vector<1x16xf32>,
          %parallel_loop3A_214 = vector.shape_cast %parallel_loop3A_213 : vector<1x16xf32> to vector<16xf32>
          %parallel_loop3A_215 = arith.mulf %parallel_loop3A_214, %parallel_loop3A_206 : vector<16xf32>
          %parallel_loop3A_216 = arith.index_cast %parallel_loop3A_102 : i32 to index
          %parallel_loop3A_217 = arith.constant 96 : index
          %parallel_loop3A_218 = tpu.vector_load %arg18[%parallel_loop3A_216, %parallel_loop3A_217] {strides = array<i32>} : memref<64x128xf32, #tpu.memory_space<vmem>>, vector<1x16xf32>,
          %parallel_loop3A_219 = vector.shape_cast %parallel_loop3A_218 : vector<1x16xf32> to vector<16xf32>
          %parallel_loop3A_220 = vector.shape_cast %parallel_loop3A_215 : vector<16xf32> to vector<1x16xf32>
          tpu.vector_store %arg18[%parallel_loop3A_216, %parallel_loop3A_217], %parallel_loop3A_220 {strides = array<i32>} : memref<64x128xf32, #tpu.memory_space<vmem>>, vector<1x16xf32>,
          %parallel_loop3A_221 = arith.index_cast %parallel_loop3A_102 : i32 to index
          %parallel_loop3A_222 = arith.constant 112 : index
          %parallel_loop3A_223 = tpu.vector_load %arg14[%parallel_loop3A_221, %parallel_loop3A_222] {strides = array<i32>} : memref<64x128xf32, #tpu.memory_space<vmem>>, vector<1x16xf32>,
          %parallel_loop3A_224 = vector.shape_cast %parallel_loop3A_223 : vector<1x16xf32> to vector<16xf32>
          %parallel_loop3A_225 = arith.mulf %parallel_loop3A_224, %parallel_loop3A_210 : vector<16xf32>
          %parallel_loop3A_226 = arith.index_cast %parallel_loop3A_102 : i32 to index
          %parallel_loop3A_227 = arith.constant 112 : index
          %parallel_loop3A_228 = tpu.vector_load %arg18[%parallel_loop3A_226, %parallel_loop3A_227] {strides = array<i32>} : memref<64x128xf32, #tpu.memory_space<vmem>>, vector<1x16xf32>,
          %parallel_loop3A_229 = vector.shape_cast %parallel_loop3A_228 : vector<1x16xf32> to vector<16xf32>
          %parallel_loop3A_230 = vector.shape_cast %parallel_loop3A_225 : vector<16xf32> to vector<1x16xf32>
          tpu.vector_store %arg18[%parallel_loop3A_226, %parallel_loop3A_227], %parallel_loop3A_230 {strides = array<i32>} : memref<64x128xf32, #tpu.memory_space<vmem>>, vector<1x16xf32>,
        } {sc.loop_unroll_factor = 4 : i64, sc.parallel_access}
        %dma_wait3A_88 = arith.constant 0 : i32
        %dma_wait3A_89 = tpu.memref_slice %arg5[%dma_wait3A_88] : memref<321536xi32, #tpu.memory_space<hbm>> -> memref<64xi32, #tpu.memory_space<hbm>>
        %dma_wait3A_90 = arith.constant 0 : i32
        %dma_wait3A_91 = tpu.memref_slice %arg5[%dma_wait3A_90] : memref<321536xi32, #tpu.memory_space<hbm>> -> memref<64xi32, #tpu.memory_space<hbm>>
        tpu.wait_dma2 semaphore(%arg22 : memref<!tpu.dma_semaphore, #tpu.memory_space<semaphore_mem>>) src(%dma_wait3A_91 : memref<64xi32, #tpu.memory_space<hbm>>) dst(%arg12 : memref<64xi32, #tpu.memory_space<vmem>>)
        %dma_start3A_92 = arith.constant 0 : i32
        %dma_start3A_93 = arith.constant 0 : i32
        %dma_start3A_94 = tpu.memref_slice %arg8[%dma_start3A_92, %dma_start3A_93] : memref<10112x128xf32, #tpu.memory_space<vmem_shared>> -> memref<10112x128xf32, #tpu.memory_space<vmem_shared>>
        tpu.enqueue_indirect_dma source(%arg18 : memref<64x128xf32, #tpu.memory_space<vmem>>) target(%dma_start3A_94 : memref<10112x128xf32, #tpu.memory_space<vmem_shared>>) offsets(%arg12 : memref<64xi32, #tpu.memory_space<vmem>>) semaphore(%arg26 : memref<!tpu.dma_semaphore, #tpu.memory_space<semaphore_mem>>) {add = true}
        %add3A_95 = arith.constant 2 : i32
        %add3A_96 = arith.addi %add3A_50, %add3A_95 : i32
        %lt3A_97 = arith.constant 157 : i32
        %lt3A_98 = arith.cmpi slt, %add3A_96, %lt3A_97 : i32
        %convert_element_type3A_99 = arith.extui %lt3A_98 : i1 to i32
        %cond3A_100 = arith.constant 0 : i32
        %cond3A_101 = arith.cmpi ne, %convert_element_type3A_99, %cond3A_100 : i32
        scf.if %cond3A_101 {
          %dma_wait3A_102 = arith.constant 0 : i32
          %dma_wait3A_103 = tpu.memref_slice %arg4[%dma_wait3A_102] : memref<321536xi32, #tpu.memory_space<hbm>> -> memref<64xi32, #tpu.memory_space<hbm>>
          %dma_wait3A_104 = arith.constant 0 : i32
          %dma_wait3A_105 = tpu.memref_slice %arg4[%dma_wait3A_104] : memref<321536xi32, #tpu.memory_space<hbm>> -> memref<64xi32, #tpu.memory_space<hbm>>
          tpu.wait_dma2 semaphore(%arg20 : memref<!tpu.dma_semaphore, #tpu.memory_space<semaphore_mem>>) src(%dma_wait3A_105 : memref<64xi32, #tpu.memory_space<hbm>>) dst(%arg10 : memref<64xi32, #tpu.memory_space<vmem>>)
        } else {
        }
      } else {
      }
    }
    %scan3A_29 = arith.constant 79 : i32
    %dma_wait3A = arith.constant 0 : i32
    %dma_wait3A_30 = arith.constant 0 : i32
    %dma_wait3A_31 = tpu.memref_slice %arg8[%dma_wait3A, %dma_wait3A_30] : memref<10112x128xf32, #tpu.memory_space<vmem_shared>> -> memref<10112x128xf32, #tpu.memory_space<vmem_shared>>
    tpu.wait_indirect_dma semaphore(%arg26 : memref<!tpu.dma_semaphore, #tpu.memory_space<semaphore_mem>>) src(%arg18 : memref<64x128xf32, #tpu.memory_space<vmem>>) dst(%dma_wait3A_31 : memref<10112x128xf32, #tpu.memory_space<vmem_shared>>)
    %dma_wait3A_32 = arith.constant 0 : i32
    %dma_wait3A_33 = arith.constant 0 : i32
    %dma_wait3A_34 = tpu.memref_slice %arg8[%dma_wait3A_32, %dma_wait3A_33] : memref<10112x128xf32, #tpu.memory_space<vmem_shared>> -> memref<10112x128xf32, #tpu.memory_space<vmem_shared>>
    tpu.wait_indirect_dma semaphore(%arg25 : memref<!tpu.dma_semaphore, #tpu.memory_space<semaphore_mem>>) src(%arg17 : memref<64x128xf32, #tpu.memory_space<vmem>>) dst(%dma_wait3A_34 : memref<10112x128xf32, #tpu.memory_space<vmem_shared>>)
    %barrier3A_35 = arith.constant 0 : index
    tpu.barrier barrier_id(%barrier3A_35)
    %mul3A_36 = arith.constant 632 : i32
    %mul3A_37 = arith.muli %arg1, %mul3A_36 : i32
    %mul3A_38 = arith.constant 632 : i32
    %mul3A_39 = arith.muli %arg1, %mul3A_38 : i32
    "tpu.region"() ({
      %run_scoped3A = tpu.sem_alloc : memref<!tpu.dma_semaphore, #tpu.memory_space<semaphore_mem>>
      %dma_start3A_40 = arith.constant 0 : i32
      %dma_start3A_41 = tpu.memref_slice %arg7[%arg0, %mul3A_39, %dma_start3A_40] : memref<2x10112x128xf32, #tpu.memory_space<hbm>> -> memref<1x632x128xf32, #tpu.memory_space<hbm>>
      %dma_start3A_42 = tpu.memref_squeeze %dma_start3A_41 : memref<1x632x128xf32, #tpu.memory_space<hbm>> -> memref<632x128xf32, #tpu.memory_space<hbm>>
      %dma_start3A_43 = arith.constant 0 : i32
      %dma_start3A_44 = tpu.memref_slice %arg8[%mul3A_37, %dma_start3A_43] : memref<10112x128xf32, #tpu.memory_space<vmem_shared>> -> memref<632x128xf32, #tpu.memory_space<vmem_shared>>
      tpu.enqueue_dma source(%dma_start3A_44 : memref<632x128xf32, #tpu.memory_space<vmem_shared>>) target(%dma_start3A_42 : memref<632x128xf32, #tpu.memory_space<hbm>>) target_semaphore(%run_scoped3A : memref<!tpu.dma_semaphore, #tpu.memory_space<semaphore_mem>>)
      %dma_wait3A_45 = arith.constant 0 : i32
      %dma_wait3A_46 = tpu.memref_slice %arg7[%arg0, %mul3A_39, %dma_wait3A_45] : memref<2x10112x128xf32, #tpu.memory_space<hbm>> -> memref<1x632x128xf32, #tpu.memory_space<hbm>>
      %dma_wait3A_47 = tpu.memref_squeeze %dma_wait3A_46 : memref<1x632x128xf32, #tpu.memory_space<hbm>> -> memref<632x128xf32, #tpu.memory_space<hbm>>
      %dma_wait3A_48 = arith.constant 0 : i32
      %dma_wait3A_49 = tpu.memref_slice %arg8[%mul3A_37, %dma_wait3A_48] : memref<10112x128xf32, #tpu.memory_space<vmem_shared>> -> memref<632x128xf32, #tpu.memory_space<vmem_shared>>
      tpu.wait_dma2 semaphore(%run_scoped3A : memref<!tpu.dma_semaphore, #tpu.memory_space<semaphore_mem>>) src(%dma_wait3A_49 : memref<632x128xf32, #tpu.memory_space<vmem_shared>>) dst(%dma_wait3A_47 : memref<632x128xf32, #tpu.memory_space<hbm>>)
      tpu.yield
    }) : () -> ()
    return
  }
}

module attributes {stable_mosaic.version = 14 : i64} {
  func.func @_node_mm_body(%arg0: i32, %arg1: memref<1000x128xf32, #tpu.memory_space<vmem>>, %arg2: memref<1000x1xf32, #tpu.memory_space<vmem>>, %arg3: memref<128x128xf32, #tpu.memory_space<vmem>>, %arg4: memref<128x128xf32, #tpu.memory_space<vmem>>, %arg5: memref<1000x128xf32, #tpu.memory_space<vmem>>, %arg6: memref<1000x128xf32, #tpu.memory_space<vmem>>) attributes {dimension_semantics = [#tpu.dimension_semantics<arbitrary>], iteration_bounds = array<i64: 10>, scalar_prefetch = 0 : i64, scratch_operands = 0 : i64, tpu.core_type = #tpu.core_type<tc>, window_params = [{transform_indices = @transform_0, window_bounds = array<i64: 1000, 128>}, {transform_indices = @transform_1, window_bounds = array<i64: 1000, 1>}, {pipeline_mode = #tpu.pipeline_mode<synchronous>, transform_indices = @transform_2, window_bounds = array<i64: 128, 128>}, {pipeline_mode = #tpu.pipeline_mode<synchronous>, transform_indices = @transform_3, window_bounds = array<i64: 128, 128>}, {transform_indices = @transform_4, window_bounds = array<i64: 1000, 128>}, {transform_indices = @transform_5, window_bounds = array<i64: 1000, 128>}]} {
    %get3A = arith.constant 0 : index
    %get3A_0 = arith.constant 0 : index
    %get3A_1 = vector.load %arg1[%get3A, %get3A_0] : memref<1000x128xf32, #tpu.memory_space<vmem>>, vector<1000x128xf32>
    %get3A_2 = arith.constant 0 : index
    %get3A_3 = arith.constant 0 : index
    %get3A_4 = vector.load %arg2[%get3A_2, %get3A_3] : memref<1000x1xf32, #tpu.memory_space<vmem>>, vector<1000x1xf32>
    %mul3A = vector.broadcast %get3A_4 : vector<1000x1xf32> to vector<1000x128xf32>
    %mul3A_5 = arith.mulf %get3A_1, %mul3A : vector<1000x128xf32>
    %get3A_6 = arith.constant 0 : index
    %get3A_7 = arith.constant 0 : index
    %get3A_8 = vector.load %arg3[%get3A_6, %get3A_7] : memref<128x128xf32, #tpu.memory_space<vmem>>, vector<128x128xf32>
    %dot_general3A = arith.constant dense<0.000000e+00> : vector<1000x128xf32>
    %dot_general3A_9 = tpu.matmul %mul3A_5, %get3A_8, %dot_general3A {dimension_numbers = #tpu.dot_dimension_numbers<[1], [0], [0], [1], [0, 0, 1, 1], [], []>, transpose_lhs_hint = false} : vector<1000x128xf32>, vector<128x128xf32>, vector<1000x128xf32> -> vector<1000x128xf32>
    %swap3A = arith.constant 0 : index
    %swap3A_10 = arith.constant 0 : index
    %swap3A_11 = vector.load %arg5[%swap3A, %swap3A_10] : memref<1000x128xf32, #tpu.memory_space<vmem>>, vector<1000x128xf32>
    tpu.vector_store %arg5[%swap3A, %swap3A_10], %dot_general3A_9 {strides = array<i32>} : memref<1000x128xf32, #tpu.memory_space<vmem>>, vector<1000x128xf32>,
    %get3A_12 = arith.constant 0 : index
    %get3A_13 = arith.constant 0 : index
    %get3A_14 = vector.load %arg4[%get3A_12, %get3A_13] : memref<128x128xf32, #tpu.memory_space<vmem>>, vector<128x128xf32>
    %dot_general3A_15 = arith.constant dense<0.000000e+00> : vector<1000x128xf32>
    %dot_general3A_16 = tpu.matmul %mul3A_5, %get3A_14, %dot_general3A_15 {dimension_numbers = #tpu.dot_dimension_numbers<[1], [0], [0], [1], [0, 0, 1, 1], [], []>, transpose_lhs_hint = false} : vector<1000x128xf32>, vector<128x128xf32>, vector<1000x128xf32> -> vector<1000x128xf32>
    %swap3A_17 = arith.constant 0 : index
    %swap3A_18 = arith.constant 0 : index
    %swap3A_19 = vector.load %arg6[%swap3A_17, %swap3A_18] : memref<1000x128xf32, #tpu.memory_space<vmem>>, vector<1000x128xf32>
    tpu.vector_store %arg6[%swap3A_17, %swap3A_18], %dot_general3A_16 {strides = array<i32>} : memref<1000x128xf32, #tpu.memory_space<vmem>>, vector<1000x128xf32>,
    return
  }
  func.func @transform_0(%arg0: i32) -> (i32, i32) {
    %c0_i32 = arith.constant 0 : i32
    %c0_i32_0 = arith.constant 0 : i32
    return %arg0, %c0_i32 : i32, i32
  }
  func.func @transform_1(%arg0: i32) -> (i32, i32) {
    %c0_i32 = arith.constant 0 : i32
    %c0_i32_0 = arith.constant 0 : i32
    return %arg0, %c0_i32 : i32, i32
  }
  func.func @transform_2(%arg0: i32) -> (i32, i32) {
    %c0_i32 = arith.constant 0 : i32
    %c0_i32_0 = arith.constant 0 : i32
    %c0_i32_1 = arith.constant 0 : i32
    return %c0_i32, %c0_i32_0 : i32, i32
  }
  func.func @transform_3(%arg0: i32) -> (i32, i32) {
    %c0_i32 = arith.constant 0 : i32
    %c0_i32_0 = arith.constant 0 : i32
    %c0_i32_1 = arith.constant 0 : i32
    return %c0_i32, %c0_i32_0 : i32, i32
  }
  func.func @transform_4(%arg0: i32) -> (i32, i32) {
    %c0_i32 = arith.constant 0 : i32
    %c0_i32_0 = arith.constant 0 : i32
    return %arg0, %c0_i32 : i32, i32
  }
  func.func @transform_5(%arg0: i32) -> (i32, i32) {
    %c0_i32 = arith.constant 0 : i32
    %c0_i32_0 = arith.constant 0 : i32
    return %arg0, %c0_i32 : i32, i32
  }
}

module attributes {stable_mosaic.version = 14 : i64} {
  func.func @_edge_w_body(%arg0: i32, %arg1: memref<1024x16xf32, #tpu.memory_space<vmem>>, %arg2: memref<1024x1xf32, #tpu.memory_space<vmem>>, %arg3: memref<16x64xf32, #tpu.memory_space<vmem>>, %arg4: memref<64x128xf32, #tpu.memory_space<vmem>>, %arg5: memref<1024x64xi32, #tpu.memory_space<vmem>>) attributes {dimension_semantics = [#tpu.dimension_semantics<arbitrary>], iteration_bounds = array<i64: 314>, scalar_prefetch = 0 : i64, scratch_operands = 0 : i64, tpu.core_type = #tpu.core_type<tc>, window_params = [{transform_indices = @transform_0, window_bounds = array<i64: 1024, 16>}, {transform_indices = @transform_1, window_bounds = array<i64: 1024, 1>}, {pipeline_mode = #tpu.pipeline_mode<synchronous>, transform_indices = @transform_2, window_bounds = array<i64: 16, 64>}, {pipeline_mode = #tpu.pipeline_mode<synchronous>, transform_indices = @transform_3, window_bounds = array<i64: 64, 128>}, {transform_indices = @transform_4, window_bounds = array<i64: 1024, 64>}]} {
    %get3A = arith.constant 0 : index
    %get3A_0 = arith.constant 0 : index
    %get3A_1 = vector.load %arg1[%get3A, %get3A_0] : memref<1024x16xf32, #tpu.memory_space<vmem>>, vector<1024x16xf32>
    %get3A_2 = arith.constant 0 : index
    %get3A_3 = arith.constant 0 : index
    %get3A_4 = vector.load %arg3[%get3A_2, %get3A_3] : memref<16x64xf32, #tpu.memory_space<vmem>>, vector<16x64xf32>
    %dot_general3A = arith.constant dense<0.000000e+00> : vector<1024x64xf32>
    %dot_general3A_5 = tpu.matmul %get3A_1, %get3A_4, %dot_general3A {dimension_numbers = #tpu.dot_dimension_numbers<[1], [0], [0], [1], [0, 0, 1, 1], [], []>, transpose_lhs_hint = false} : vector<1024x16xf32>, vector<16x64xf32>, vector<1024x64xf32> -> vector<1024x64xf32>
    %convert_element_type3A = arith.truncf %dot_general3A_5 : vector<1024x64xf32> to vector<1024x64xbf16>
    %max3A = arith.constant 0.000000e+00 : bf16
    %max3A_6 = vector.broadcast %max3A : bf16 to vector<1024x64xbf16>
    %max3A_7 = arith.maximumf %convert_element_type3A, %max3A_6 : vector<1024x64xbf16>
    %abs3A = math.absf %convert_element_type3A : vector<1024x64xbf16>
    %neg3A = arith.constant 0.000000e+00 : bf16
    %neg3A_8 = vector.broadcast %neg3A : bf16 to vector<1024x64xbf16>
    %neg3A_9 = arith.subf %neg3A_8, %abs3A : vector<1024x64xbf16>
    %exp3A = math.exp %neg3A_9 : vector<1024x64xbf16>
    %add3A = arith.constant 1.000000e+00 : bf16
    %add3A_10 = vector.broadcast %add3A : bf16 to vector<1024x64xbf16>
    %add3A_11 = arith.addf %add3A_10, %exp3A : vector<1024x64xbf16>
    %log3A = math.log %add3A_11 : vector<1024x64xbf16>
    %add3A_12 = arith.addf %max3A_7, %log3A : vector<1024x64xbf16>
    %sub3A = arith.constant 6.914060e-01 : bf16
    %sub3A_13 = vector.broadcast %sub3A : bf16 to vector<1024x64xbf16>
    %sub3A_14 = arith.subf %add3A_12, %sub3A_13 : vector<1024x64xbf16>
    %get3A_15 = arith.constant 0 : index
    %get3A_16 = arith.constant 0 : index
    %get3A_17 = vector.load %arg4[%get3A_15, %get3A_16] : memref<64x128xf32, #tpu.memory_space<vmem>>, vector<64x128xf32>
    %convert_element_type3A_18 = arith.truncf %get3A_17 : vector<64x128xf32> to vector<64x128xbf16>
    %dot_general3A_19 = arith.constant dense<0.000000e+00> : vector<1024x128xf32>
    %dot_general3A_20 = tpu.matmul %sub3A_14, %convert_element_type3A_18, %dot_general3A_19 {dimension_numbers = #tpu.dot_dimension_numbers<[1], [0], [0], [1], [0, 0, 1, 1], [], []>, transpose_lhs_hint = false} : vector<1024x64xbf16>, vector<64x128xbf16>, vector<1024x128xf32> -> vector<1024x128xf32>
    %get3A_21 = arith.constant 0 : index
    %get3A_22 = arith.constant 0 : index
    %get3A_23 = vector.load %arg2[%get3A_21, %get3A_22] : memref<1024x1xf32, #tpu.memory_space<vmem>>, vector<1024x1xf32>
    %mul3A = vector.broadcast %get3A_23 : vector<1024x1xf32> to vector<1024x128xf32>
    %mul3A_24 = arith.mulf %dot_general3A_20, %mul3A : vector<1024x128xf32>
    %slice3A = vector.extract_strided_slice %mul3A_24 {offsets = [0, 0], sizes = [1024, 64], strides = [1, 1]} : vector<1024x128xf32> to vector<1024x64xf32>
    %convert_element_type3A_25 = arith.truncf %slice3A : vector<1024x64xf32> to vector<1024x64xbf16>
    %bitcast_convert_type3A = tpu.bitcast %convert_element_type3A_25 : vector<1024x64xbf16> -> vector<1024x64xi16>
    %convert_element_type3A_26 = arith.extui %bitcast_convert_type3A : vector<1024x64xi16> to vector<1024x64xi32>
    %slice3A_27 = vector.extract_strided_slice %mul3A_24 {offsets = [0, 64], sizes = [1024, 64], strides = [1, 1]} : vector<1024x128xf32> to vector<1024x64xf32>
    %convert_element_type3A_28 = arith.truncf %slice3A_27 : vector<1024x64xf32> to vector<1024x64xbf16>
    %bitcast_convert_type3A_29 = tpu.bitcast %convert_element_type3A_28 : vector<1024x64xbf16> -> vector<1024x64xi16>
    %convert_element_type3A_30 = arith.extui %bitcast_convert_type3A_29 : vector<1024x64xi16> to vector<1024x64xi32>
    %shift_left3A = arith.constant 16 : i32
    %shift_left3A_31 = vector.broadcast %shift_left3A : i32 to vector<1024x64xi32>
    %shift_left3A_32 = arith.shli %convert_element_type3A_30, %shift_left3A_31 : vector<1024x64xi32>
    %or3A = arith.ori %convert_element_type3A_26, %shift_left3A_32 : vector<1024x64xi32>
    %swap3A = arith.constant 0 : index
    %swap3A_33 = arith.constant 0 : index
    %swap3A_34 = vector.load %arg5[%swap3A, %swap3A_33] : memref<1024x64xi32, #tpu.memory_space<vmem>>, vector<1024x64xi32>
    tpu.vector_store %arg5[%swap3A, %swap3A_33], %or3A {strides = array<i32>} : memref<1024x64xi32, #tpu.memory_space<vmem>>, vector<1024x64xi32>,
    return
  }
  func.func @transform_0(%arg0: i32) -> (i32, i32) {
    %c0_i32 = arith.constant 0 : i32
    %c0_i32_0 = arith.constant 0 : i32
    return %arg0, %c0_i32 : i32, i32
  }
  func.func @transform_1(%arg0: i32) -> (i32, i32) {
    %c0_i32 = arith.constant 0 : i32
    %c0_i32_0 = arith.constant 0 : i32
    return %arg0, %c0_i32 : i32, i32
  }
  func.func @transform_2(%arg0: i32) -> (i32, i32) {
    %c0_i32 = arith.constant 0 : i32
    %c0_i32_0 = arith.constant 0 : i32
    %c0_i32_1 = arith.constant 0 : i32
    return %c0_i32, %c0_i32_0 : i32, i32
  }
  func.func @transform_3(%arg0: i32) -> (i32, i32) {
    %c0_i32 = arith.constant 0 : i32
    %c0_i32_0 = arith.constant 0 : i32
    %c0_i32_1 = arith.constant 0 : i32
    return %c0_i32, %c0_i32_0 : i32, i32
  }
  func.func @transform_4(%arg0: i32) -> (i32, i32) {
    %c0_i32 = arith.constant 0 : i32
    %c0_i32_0 = arith.constant 0 : i32
    return %arg0, %c0_i32 : i32, i32
  }
}

module attributes {stable_mosaic.version = 14 : i64} {
  func.func @_update_body(%arg0: i32, %arg1: memref<2x1000x128xf32, #tpu.memory_space<vmem>>, %arg2: memref<1000x128xf32, #tpu.memory_space<vmem>>, %arg3: memref<1000x1xf32, #tpu.memory_space<vmem>>, %arg4: memref<128x128xf32, #tpu.memory_space<vmem>>, %arg5: memref<1000x128xf32, #tpu.memory_space<vmem>>) attributes {dimension_semantics = [#tpu.dimension_semantics<arbitrary>], iteration_bounds = array<i64: 10>, scalar_prefetch = 0 : i64, scratch_operands = 0 : i64, tpu.core_type = #tpu.core_type<tc>, window_params = [{transform_indices = @transform_0, window_bounds = array<i64: 2, 1000, 128>}, {transform_indices = @transform_1, window_bounds = array<i64: 1000, 128>}, {transform_indices = @transform_2, window_bounds = array<i64: 1000, 1>}, {pipeline_mode = #tpu.pipeline_mode<synchronous>, transform_indices = @transform_3, window_bounds = array<i64: 128, 128>}, {transform_indices = @transform_4, window_bounds = array<i64: 1000, 128>}]} {
    %get3A = arith.constant 0 : index
    %get3A_0 = arith.constant 0 : index
    %get3A_1 = arith.constant 0 : index
    %get3A_2 = vector.load %arg1[%get3A, %get3A_0, %get3A_1] : memref<2x1000x128xf32, #tpu.memory_space<vmem>>, vector<1x1000x128xf32>
    %get3A_3 = vector.shape_cast %get3A_2 : vector<1x1000x128xf32> to vector<1000x128xf32>
    %get3A_4 = arith.constant 1 : index
    %get3A_5 = arith.constant 0 : index
    %get3A_6 = arith.constant 0 : index
    %get3A_7 = vector.load %arg1[%get3A_4, %get3A_5, %get3A_6] : memref<2x1000x128xf32, #tpu.memory_space<vmem>>, vector<1x1000x128xf32>
    %get3A_8 = vector.shape_cast %get3A_7 : vector<1x1000x128xf32> to vector<1000x128xf32>
    %add3A = arith.addf %get3A_3, %get3A_8 : vector<1000x128xf32>
    %mul3A = arith.constant 0.176776692 : f32
    %mul3A_9 = vector.broadcast %mul3A : f32 to vector<1000x128xf32>
    %mul3A_10 = arith.mulf %add3A, %mul3A_9 : vector<1000x128xf32>
    %get3A_11 = arith.constant 0 : index
    %get3A_12 = arith.constant 0 : index
    %get3A_13 = vector.load %arg3[%get3A_11, %get3A_12] : memref<1000x1xf32, #tpu.memory_space<vmem>>, vector<1000x1xf32>
    %mul3A_14 = vector.broadcast %get3A_13 : vector<1000x1xf32> to vector<1000x128xf32>
    %mul3A_15 = arith.mulf %mul3A_10, %mul3A_14 : vector<1000x128xf32>
    %get3A_16 = arith.constant 0 : index
    %get3A_17 = arith.constant 0 : index
    %get3A_18 = vector.load %arg4[%get3A_16, %get3A_17] : memref<128x128xf32, #tpu.memory_space<vmem>>, vector<128x128xf32>
    %dot_general3A = arith.constant dense<0.000000e+00> : vector<1000x128xf32>
    %dot_general3A_19 = tpu.matmul %mul3A_15, %get3A_18, %dot_general3A {dimension_numbers = #tpu.dot_dimension_numbers<[1], [0], [0], [1], [0, 0, 1, 1], [], []>, transpose_lhs_hint = false} : vector<1000x128xf32>, vector<128x128xf32>, vector<1000x128xf32> -> vector<1000x128xf32>
    %get3A_20 = arith.constant 0 : index
    %get3A_21 = arith.constant 0 : index
    %get3A_22 = vector.load %arg2[%get3A_20, %get3A_21] : memref<1000x128xf32, #tpu.memory_space<vmem>>, vector<1000x128xf32>
    %add3A_23 = arith.addf %get3A_22, %dot_general3A_19 : vector<1000x128xf32>
    %max3A = arith.constant 0.000000e+00 : f32
    %max3A_24 = vector.broadcast %max3A : f32 to vector<1000x128xf32>
    %max3A_25 = arith.maximumf %add3A_23, %max3A_24 : vector<1000x128xf32>
    %abs3A = math.absf %add3A_23 : vector<1000x128xf32>
    %neg3A = arith.constant 0.000000e+00 : f32
    %neg3A_26 = vector.broadcast %neg3A : f32 to vector<1000x128xf32>
    %neg3A_27 = arith.subf %neg3A_26, %abs3A : vector<1000x128xf32>
    %exp3A = math.exp %neg3A_27 : vector<1000x128xf32>
    %add3A_28 = arith.constant 1.000000e+00 : f32
    %add3A_29 = vector.broadcast %add3A_28 : f32 to vector<1000x128xf32>
    %add3A_30 = arith.addf %add3A_29, %exp3A : vector<1000x128xf32>
    %log3A = math.log %add3A_30 : vector<1000x128xf32>
    %add3A_31 = arith.addf %max3A_25, %log3A : vector<1000x128xf32>
    %sub3A = arith.constant 0.693147182 : f32
    %sub3A_32 = vector.broadcast %sub3A : f32 to vector<1000x128xf32>
    %sub3A_33 = arith.subf %add3A_31, %sub3A_32 : vector<1000x128xf32>
    %swap3A = arith.constant 0 : index
    %swap3A_34 = arith.constant 0 : index
    %swap3A_35 = vector.load %arg5[%swap3A, %swap3A_34] : memref<1000x128xf32, #tpu.memory_space<vmem>>, vector<1000x128xf32>
    tpu.vector_store %arg5[%swap3A, %swap3A_34], %sub3A_33 {strides = array<i32>} : memref<1000x128xf32, #tpu.memory_space<vmem>>, vector<1000x128xf32>,
    return
  }
  func.func @transform_0(%arg0: i32) -> (i32, i32, i32) {
    %c0_i32 = arith.constant 0 : i32
    %c0_i32_0 = arith.constant 0 : i32
    %c0_i32_1 = arith.constant 0 : i32
    return %c0_i32, %arg0, %c0_i32_0 : i32, i32, i32
  }
  func.func @transform_1(%arg0: i32) -> (i32, i32) {
    %c0_i32 = arith.constant 0 : i32
    %c0_i32_0 = arith.constant 0 : i32
    return %arg0, %c0_i32 : i32, i32
  }
  func.func @transform_2(%arg0: i32) -> (i32, i32) {
    %c0_i32 = arith.constant 0 : i32
    %c0_i32_0 = arith.constant 0 : i32
    return %arg0, %c0_i32 : i32, i32
  }
  func.func @transform_3(%arg0: i32) -> (i32, i32) {
    %c0_i32 = arith.constant 0 : i32
    %c0_i32_0 = arith.constant 0 : i32
    %c0_i32_1 = arith.constant 0 : i32
    return %c0_i32, %c0_i32_0 : i32, i32
  }
  func.func @transform_4(%arg0: i32) -> (i32, i32) {
    %c0_i32 = arith.constant 0 : i32
    %c0_i32_0 = arith.constant 0 : i32
    return %arg0, %c0_i32 : i32, i32
  }
}

module attributes {stable_mosaic.version = 14 : i64} {
  func.func @_update_body(%arg0: i32, %arg1: memref<2x1000x128xf32, #tpu.memory_space<vmem>>, %arg2: memref<1000x128xf32, #tpu.memory_space<vmem>>, %arg3: memref<1000x1xf32, #tpu.memory_space<vmem>>, %arg4: memref<128x128xf32, #tpu.memory_space<vmem>>, %arg5: memref<1000x128xf32, #tpu.memory_space<vmem>>) attributes {dimension_semantics = [#tpu.dimension_semantics<arbitrary>], iteration_bounds = array<i64: 10>, scalar_prefetch = 0 : i64, scratch_operands = 0 : i64, tpu.core_type = #tpu.core_type<tc>, window_params = [{transform_indices = @transform_0, window_bounds = array<i64: 2, 1000, 128>}, {transform_indices = @transform_1, window_bounds = array<i64: 1000, 128>}, {transform_indices = @transform_2, window_bounds = array<i64: 1000, 1>}, {pipeline_mode = #tpu.pipeline_mode<synchronous>, transform_indices = @transform_3, window_bounds = array<i64: 128, 128>}, {transform_indices = @transform_4, window_bounds = array<i64: 1000, 128>}]} {
    %get3A = arith.constant 0 : index
    %get3A_0 = arith.constant 0 : index
    %get3A_1 = arith.constant 0 : index
    %get3A_2 = vector.load %arg1[%get3A, %get3A_0, %get3A_1] : memref<2x1000x128xf32, #tpu.memory_space<vmem>>, vector<1x1000x128xf32>
    %get3A_3 = vector.shape_cast %get3A_2 : vector<1x1000x128xf32> to vector<1000x128xf32>
    %get3A_4 = arith.constant 1 : index
    %get3A_5 = arith.constant 0 : index
    %get3A_6 = arith.constant 0 : index
    %get3A_7 = vector.load %arg1[%get3A_4, %get3A_5, %get3A_6] : memref<2x1000x128xf32, #tpu.memory_space<vmem>>, vector<1x1000x128xf32>
    %get3A_8 = vector.shape_cast %get3A_7 : vector<1x1000x128xf32> to vector<1000x128xf32>
    %add3A = arith.addf %get3A_3, %get3A_8 : vector<1000x128xf32>
    %mul3A = arith.constant 0.176776692 : f32
    %mul3A_9 = vector.broadcast %mul3A : f32 to vector<1000x128xf32>
    %mul3A_10 = arith.mulf %add3A, %mul3A_9 : vector<1000x128xf32>
    %get3A_11 = arith.constant 0 : index
    %get3A_12 = arith.constant 0 : index
    %get3A_13 = vector.load %arg3[%get3A_11, %get3A_12] : memref<1000x1xf32, #tpu.memory_space<vmem>>, vector<1000x1xf32>
    %mul3A_14 = vector.broadcast %get3A_13 : vector<1000x1xf32> to vector<1000x128xf32>
    %mul3A_15 = arith.mulf %mul3A_10, %mul3A_14 : vector<1000x128xf32>
    %get3A_16 = arith.constant 0 : index
    %get3A_17 = arith.constant 0 : index
    %get3A_18 = vector.load %arg4[%get3A_16, %get3A_17] : memref<128x128xf32, #tpu.memory_space<vmem>>, vector<128x128xf32>
    %dot_general3A = arith.constant dense<0.000000e+00> : vector<1000x128xf32>
    %dot_general3A_19 = tpu.matmul %mul3A_15, %get3A_18, %dot_general3A {dimension_numbers = #tpu.dot_dimension_numbers<[1], [0], [0], [1], [0, 0, 1, 1], [], []>, transpose_lhs_hint = false} : vector<1000x128xf32>, vector<128x128xf32>, vector<1000x128xf32> -> vector<1000x128xf32>
    %get3A_20 = arith.constant 0 : index
    %get3A_21 = arith.constant 0 : index
    %get3A_22 = vector.load %arg2[%get3A_20, %get3A_21] : memref<1000x128xf32, #tpu.memory_space<vmem>>, vector<1000x128xf32>
    %add3A_23 = arith.addf %get3A_22, %dot_general3A_19 : vector<1000x128xf32>
    %max3A = arith.constant 0.000000e+00 : f32
    %max3A_24 = vector.broadcast %max3A : f32 to vector<1000x128xf32>
    %max3A_25 = arith.maximumf %add3A_23, %max3A_24 : vector<1000x128xf32>
    %abs3A = math.absf %add3A_23 : vector<1000x128xf32>
    %neg3A = arith.constant 0.000000e+00 : f32
    %neg3A_26 = vector.broadcast %neg3A : f32 to vector<1000x128xf32>
    %neg3A_27 = arith.subf %neg3A_26, %abs3A : vector<1000x128xf32>
    %exp3A = math.exp %neg3A_27 : vector<1000x128xf32>
    %add3A_28 = arith.constant 1.000000e+00 : f32
    %add3A_29 = vector.broadcast %add3A_28 : f32 to vector<1000x128xf32>
    %add3A_30 = arith.addf %add3A_29, %exp3A : vector<1000x128xf32>
    %log3A = math.log %add3A_30 : vector<1000x128xf32>
    %add3A_31 = arith.addf %max3A_25, %log3A : vector<1000x128xf32>
    %sub3A = arith.constant 0.693147182 : f32
    %sub3A_32 = vector.broadcast %sub3A : f32 to vector<1000x128xf32>
    %sub3A_33 = arith.subf %add3A_31, %sub3A_32 : vector<1000x128xf32>
    %swap3A = arith.constant 0 : index
    %swap3A_34 = arith.constant 0 : index
    %swap3A_35 = vector.load %arg5[%swap3A, %swap3A_34] : memref<1000x128xf32, #tpu.memory_space<vmem>>, vector<1000x128xf32>
    tpu.vector_store %arg5[%swap3A, %swap3A_34], %sub3A_33 {strides = array<i32>} : memref<1000x128xf32, #tpu.memory_space<vmem>>, vector<1000x128xf32>,
    return
  }
  func.func @transform_0(%arg0: i32) -> (i32, i32, i32) {
    %c0_i32 = arith.constant 0 : i32
    %c0_i32_0 = arith.constant 0 : i32
    %c0_i32_1 = arith.constant 0 : i32
    return %c0_i32, %arg0, %c0_i32_0 : i32, i32, i32
  }
  func.func @transform_1(%arg0: i32) -> (i32, i32) {
    %c0_i32 = arith.constant 0 : i32
    %c0_i32_0 = arith.constant 0 : i32
    return %arg0, %c0_i32 : i32, i32
  }
  func.func @transform_2(%arg0: i32) -> (i32, i32) {
    %c0_i32 = arith.constant 0 : i32
    %c0_i32_0 = arith.constant 0 : i32
    return %arg0, %c0_i32 : i32, i32
  }
  func.func @transform_3(%arg0: i32) -> (i32, i32) {
    %c0_i32 = arith.constant 0 : i32
    %c0_i32_0 = arith.constant 0 : i32
    %c0_i32_1 = arith.constant 0 : i32
    return %c0_i32, %c0_i32_0 : i32, i32
  }
  func.func @transform_4(%arg0: i32) -> (i32, i32) {
    %c0_i32 = arith.constant 0 : i32
    %c0_i32_0 = arith.constant 0 : i32
    return %arg0, %c0_i32 : i32, i32
  }
}

</mosaic_0001>

<sc_bundles>
// kernel: kernel.14.cloned.1.call-start
scs
__scs_entry_jumppad:
0x0: {  	(pc) =	sbr.rel $0x88, $3  }
0x1: {  	(tag) =	ssettag $0x0;
	lr =	simm.s32 $0x1  }
0x2: {  	[smem:$0x3F96] =	sst lr;
	_ =	strace $0xD0000000  }
0x3: {  	_ = 	snop  }
0x4: {  	_ = 	snop  }
0x5: {  	_ = 	snop  }
0x6: {  	_ = 	snop  }
0x7: {  	_ = 	snop  }
__scs_overlays_trampoline_lowered:
0x8: {  	[smem:$0x3FA5] =	sst s0  }
0x9: {  	[smem:$0x3FA6] =	sst s1  }
0xa: {  	[smem:$0x3FA7] =	sst s2  }
0xb: {  	[smem:$0x3FA8] =	sst s3  }
0xc: {  	[smem:$0x3FA9] =	sst s4  }
0xd: {  	[smem:$0x3FAA] =	sst s5  }
0xe: {  	[smem:$0x3FAB] =	sst s6  }
0xf: {  	[smem:$0x3FAC] =	sst s7  }
0x10: {  	[smem:$0x3FAD] =	sst s8  }
0x11: {  	[smem:$0x3FAE] =	sst s9;
	s0 =	simm.s32 @!p0 $0x0  }
0x12: {  	s1 =	sld [smem:$0x3F94];
	s0 =	simm.s32 @p0 $0x1  }
0x13: {  	[smem:$0x3FAF] =	sst s0;
	s0 =	simm.s32 @!p1 $0x0  }
0x14: {  	s2 =	sld [smem:$0x3F93];
	s0 =	simm.s32 @p1 $0x1  }
0x15: {  	[smem:$0x3FB0] =	sst s0;
	s0 =	simm.s32 @!p2 $0x0  }
0x16: {  	s3 =	sld [smem:$0x3FDB];
	s0 =	simm.s32 @p2 $0x1  }
0x17: {  	s4 =	simm.s32 $0x1BF5;
	[smem:$0x3FB2] =	sst s0  }
0x18: {  	s0 =	sld [smem:$0x3F95];
	_ =	swait.ge [sflag:s4], $0x0  }
0x19: {  	s7 =	sld [smem:$0x3F96]  }
0x1a: {  	s8 =	sadd.s32 $0xFFFFE003, lr  }
0x1b: {  	s9 =	sadd.s32 $0xFFFFFEF7, lr;
	s5 =	simm.s32 $0xFFFFFFFF;
	p2 =	slt.u32 s8, $0xFFFFF086  }
0x1c: {  	p1 =	slt.u32 s9, $0xF7A;
	s5 =	simm.s32 @!p2 $0x0  }
0x1d: {  	s5 =	simm.s32 @p1 $0x1;
	p0 =	seq.s32 s7, s2  }
0x1e: {  	s7 =	smul.u32 @!p0 $0xF7A, s2;
	p2 =	seq.s32 @!p0 s5, $0x0  }
0x1f: {  	s9 =	smul.u32 $0xF7A, s1;
	s8 =	simm.s32 @!p0 $0x1BF5;
	p2 =	por !p2, p0  }
0x20: {  	[sflag:s8] =	ssyncset.s32 @!p0 $0xFFFFF086;
	s6 =	sadd.s32 @!p0 s3, s7;
	s7 =	simm.s32 @!p0 $0x108  }
0x21: {  	s3 =	sadd.s32 s3, s9;
	s6 =	sadd.s32 @!p0 $0x88, s6;
	s7 =	simm.s32 @p2 $0x1082  }
0x22: {  	[simem:s7], [sflag:s8] =	dma.local @!p0 [hbm:s6], $0xF7A  }
0x23: {  	s9 =	sor.u32 $0xD0000000, s2;
	s6 =	simm.s32 $0x108;
	_ =	swait.ge @!p0 [sflag:s8], $0x0  }
0x24: {  	s3 =	sadd.s32 $0x88, s3;
	s6 =	simm.s32 @!p1 $0x1082;
	[sflag:s4] =	ssyncset.s32 $0xFFFFF086  }
0x25: {  	[simem:s6], [sflag:s4] =	dma.local [hbm:s3], $0xF7A  }
0x26: {  	[smem:$0x3F96] =	sst s1;
	(tag) =	ssettag s2;
	_ =	strace s9  }
0x27: {  	s1 =	sld [smem:$0x3FA6]  }
0x28: {  	s2 =	sld [smem:$0x3FA7]  }
0x29: {  	s4 =	sld [smem:$0x3FA9]  }
0x2a: {  	p0 =	seq.s32 s5, $0x0;
	s5 =	sld [smem:$0x3FAA]  }
0x2b: {  	s6 =	sld [smem:$0x3FAB]  }
0x2c: {  	s7 =	sld [smem:$0x3FAC]  }
0x2d: {  	s3 =	simm.s32 $0x108;
	s8 =	sld [smem:$0x3FAD]  }
0x2e: {  	s3 =	simm.s32 @!p0 $0x1082;
	s9 =	sld [smem:$0x3FAE]  }
0x2f: {  	lr =	sadd.s32 s0, s3;
	s0 =	sld [smem:$0x3FA5]  }
0x30: {  	s3 =	sld [smem:$0x3FA8]  }
0x31: {  	[smem:$0x3FB1] =	sst s10  }
0x32: {  	s10 =	sld [smem:$0x3FAF];
	_ =	sdelay $0x3  }
0x33: {  	p0 =	seq.s32 s10, $0x1;
	s10 =	sld [smem:$0x3FB1];
	_ =	sdelay $0x3  }
0x34: {  	[smem:$0x3FB1] =	sst s10  }
0x35: {  	s10 =	sld [smem:$0x3FB0];
	_ =	sdelay $0x3  }
0x36: {  	p1 =	seq.s32 s10, $0x1;
	s10 =	sld [smem:$0x3FB1];
	_ =	sdelay $0x3  }
0x37: {  	[smem:$0x3FB1] =	sst s10  }
0x38: {  	s10 =	sld [smem:$0x3FB2]  }
0x39: {  	_ = 	snop;
	(pc) =	sbr.ind lr, $3  }
0x3a: {  	_ = 	snop  }
0x3b: {  	_ = 	snop  }
0x3c: {  	p2 =	seq.s32 s10, $0x1;
	s10 =	sld [smem:$0x3FB1]  }
0x3d: {  	_ =	shalt  }
0x3e: {  	_ =	shalt  }
0x3f: {  	_ =	shalt  }
0x40: {  	_ =	shalt  }
0x41: {  	_ =	shalt  }
0x42: {  	_ =	shalt  }
0x43: {  	_ =	shalt  }
0x44: {  	_ =	shalt  }
0x45: {  	_ =	shalt  }
0x46: {  	_ =	shalt  }
0x47: {  	_ =	shalt  }
0x48: {  	_ =	shalt  }
0x49: {  	_ =	shalt  }
0x4a: {  	_ =	shalt  }
0x4b: {  	_ =	shalt  }
0x4c: {  	_ =	shalt  }
0x4d: {  	_ =	shalt  }
0x4e: {  	_ =	shalt  }
0x4f: {  	_ =	shalt  }
0x50: {  	_ =	shalt  }
0x51: {  	_ =	shalt  }
0x52: {  	_ =	shalt  }
0x53: {  	_ =	shalt  }
0x54: {  	_ =	shalt  }
0x55: {  	_ =	shalt  }
0x56: {  	_ =	shalt  }
0x57: {  	_ =	shalt  }
0x58: {  	_ =	shalt  }
0x59: {  	_ =	shalt  }
0x5a: {  	_ =	shalt  }
0x5b: {  	_ =	shalt  }
0x5c: {  	_ =	shalt  }
0x5d: {  	_ =	shalt  }
0x5e: {  	_ =	shalt  }
0x5f: {  	_ =	shalt  }
0x60: {  	_ =	shalt  }
0x61: {  	_ =	shalt  }
0x62: {  	_ =	shalt  }
0x63: {  	_ =	shalt  }
0x64: {  	_ =	shalt  }
0x65: {  	_ =	shalt  }
0x66: {  	_ =	shalt  }
0x67: {  	_ =	shalt  }
0x68: {  	_ =	shalt  }
0x69: {  	_ =	shalt  }
0x6a: {  	_ =	shalt  }
0x6b: {  	_ =	shalt  }
0x6c: {  	_ =	shalt  }
0x6d: {  	_ =	shalt  }
0x6e: {  	_ =	shalt  }
0x6f: {  	_ =	shalt  }
0x70: {  	_ =	shalt  }
0x71: {  	_ =	shalt  }
0x72: {  	_ =	shalt  }
0x73: {  	_ =	shalt  }
0x74: {  	_ =	shalt  }
0x75: {  	_ =	shalt  }
0x76: {  	_ =	shalt  }
0x77: {  	_ =	shalt  }
0x78: {  	_ =	shalt  }
0x79: {  	_ =	shalt  }
0x7a: {  	_ =	shalt  }
0x7b: {  	_ =	shalt  }
0x7c: {  	_ =	shalt  }
0x7d: {  	_ =	shalt  }
0x7e: {  	_ =	shalt  }
0x7f: {  	_ =	shalt  }
0x80: {  	_ =	shalt  }
0x81: {  	_ =	shalt  }
0x82: {  	_ =	shalt  }
0x83: {  	_ =	shalt  }
0x84: {  	_ =	shalt  }
0x85: {  	_ =	shalt  }
0x86: {  	_ =	shalt  }
0x87: {  	_ =	shalt  }
.Lfunc_end0:
.L_simem_size_0:
called_computation_lowered:
.L_overlay_start_0:
0x88: {  	s2 =	sld [smem:$0x3FD9]  }
0x89: {  	s3 =	sld [smem:$0x3FFE];
	_ =	sdelay $0x1  }
0x8a: {  	s1 =	srdreg.scid  }
0x8b: {  	s0 =	sand.u32 $0x1, s1  }
0x8c: {  	s16 =	sshll.u32 s0, $0xA;
	s2 =	sadd.s32 s3, s2  }
0x8d: {  	s2 =	sadd.s32 s2, s16  }
0x8e: {  	[smem:$0x3FBD] =	sst s2  }
0x8f: {  	_ = 	snop  }
0x90: {  	(tm) =	ssettm $0x1  }
0x91: {  	s17 =	sld [smem:$0x3FFB];
	_ =	sdelay $0x3  }
0x92: {  	_ =	strace s17  }
0x93: {  	s2 =	sld [smem:$0x3FFC];
	_ =	sdelay $0x3  }
0x94: {  	_ =	strace s2  }
0x95: {  	s2 =	sld [smem:$0x3FFD];
	_ =	sdelay $0x3  }
0x96: {  	_ =	strace s2  }
0x97: {  	_ =	strace $0x8FFFFFFF  }
0x98: {  	s18 =	sld [smem:$0x3FDB];
	_ =	sdelay $0x1  }
0x99: {  	s19 =	simm.s32 $_scs_section_size  }
0x9a: {  	s4 =	simm.s32 $_size__tile_overlayer_lowered;
	s5 =	simm.s32 $_tile_overlayer_lowered  }
0x9b: {  	s22 =	simm.s32 $0x1BFF;
	s21 =	sshll.u32 s5, $0x1;
	s2 =	sadd.s32 s19, s18  }
0x9c: {  	s6 =	simm.s32 $0x0;
	s20 =	sshll.u32 s4, $0x1;
	s4 =	sadd.s32 s21, s2  }
0x9d: {  	[timem:s6], [sflag:s22] =	dma.local [hbm:s4], s20  }
0x9e: {  	_ =	swait.ge [sflag:s22], s20  }
0x9f: {  	s3 =	ssub.s32 $0x0, s20;
	[sflag:s22] =	ssyncset.done $0x0  }
0xa0: {  	[sflag:s22] =	ssyncadd.s32 s3;
	_ =	sdelay $0x1  }
0xa1: {  	s23 =	simm.s32 $0x1B8B  }
0xa2: {  	_ =	swait.ge [sflag:s23], $0x1  }
0xa3: {  	[sflag:s23] =	ssyncset.done $0x0  }
0xa4: {  	s25 =	simm.s32 $0x1B8E;
	s24 =	sld [smem:$0x3FFE];
	[sflag:s23] =	ssyncadd.s32 $0xFFFFFFFF  }
0xa5: {  	s26 =	simm.s32 $execute0_lowered;
	[smem:$0x3FD2] =	sst s25  }
0xa6: {  	s4 =	sshll.u32 s26, $0x1;
	_ =	strace $0x80000046;
	[dreg:$0x1] =	wrdreg $0xFFFFFFFF  }
0xa7: {  	s28 =	simm.s32 $_size_execute0_lowered;
	s2 =	sadd.s32 s2, s4;
	[dreg:$0x0] =	wrdreg $0x0  }
0xa8: {  	s4 =	sshll.u32 s28, $0x1;
	[dreg:$0x2] =	wrdreg s2  }
0xa9: {  	[dreg:$0x3] =	wrdreg s4  }
0xaa: {  	[dreg:$0x4] =	wrdreg $0xC0  }
0xab: {  	_ =	task [dreg:s6], $0x5FFFF  }
0xac: {  	[dreg:$0x1] =	wrdreg $0xFFFFFFFF  }
0xad: {  	[dreg:$0x0] =	wrdreg $0x60  }
0xae: {  	[dreg:$0x2] =	wrdreg s24  }
0xaf: {  	[dreg:$0x3] =	wrdreg $0x0  }
0xb0: {  	[dreg:$0x4] =	wrdreg $0x9  }
0xb1: {  	_ =	task.clear_ibuf [dreg:s6], $0x5FFFF;
	_ =	strace $0x90000046  }
0xb2: {  	s29 =	simm.s32 $0x9;
	_ =	strace $0x80000048  }
0xb3: {  	_ =	swait.ge [sflag:s29], $0x1  }
0xb4: {  	[sflag:s29] =	ssyncadd.s32 $0xFFFFFFFF  }
0xb5: {  	_ =	strace $0x90000048  }
0xb6: {  	_ =	sfence  }
0xb7: {  	s30 =	sld [smem:$0x0];
	_ =	sdelay $0x2  }
0xb8: {  	s31 =	sshll.u32 s1, $0xD;
	s1 =	sshrl.u32 s1, $0x2  }
0xb9: {  	s3 =	sand.u32 $0x4000, s31;
	s1 =	sadd.s32 s1, s30  }
0xba: {  	s0 =	sor.u32 s3, s0;
	s1 =	sshll.u32 s1, $0x11  }
0xbb: {  	s0 =	sor.u32 s1, s0  }
0xbc: {  	s0 =	sadd.s32 $0x8F2B, s0  }
0xbd: {  	[sflag:s0] =	ssyncadd.remote.s32 $0x1  }
0xbe: {  	_ =	sfence.sel $0xFFFF  }
0xbf: {  	[dreg:$0x0] =	wrdreg $0xFFFFFFFF;
	(pc) =	sbr.abs _section_cstart, $3  }
0xc0: {  	[dreg:$0x1] =	wrdreg $0xFFFFFFFF  }
0xc1: {  	_ =	task.clear_ibuf [dreg:s6], $0x2FFFF;
	_ =	strace $0x9FFFFFFF  }
0xc2: {  	(tm) =	ssettm $0x7FFFFFFF  }
0xc3: {  	_ =	shalt  }
tec
execute0_lowered:
.L_overlay_start_1:
0x0: {  	(tag) =	ssettag $0x1  }
0x1: {  	s0 =	rddreg [dreg:$0x0]  }
0x2: {  	s2 =	rddreg [dreg:$0x1]  }
0x3: {  	s3 =	simm.s32 $0x0;
	s14 =	stileid.u32;
	s5 =	srdreg.scid  }
0x4: {  	s29 =	simm.s32 $0x40;
	s15 =	simm.s32 $0x4;
	[smem:$0x7FF] =	sst s3  }
0x5: {  	s1 =	smul.u32 $0x13C00, s14;
	s4 =	sadd.s32 $0x1D000, s0;
	s8 =	sand.u32 $0x1, s5  }
0x6: {  	s5 =	sadd.s32 $0x6B400, s0;
	s6 =	sadd.s32 $0x7400, s0;
	s7 =	sadd.s32 $0x11200, s0  }
0x7: {  	s19 =	sshll.u32 s14, $0x1;
	s11 =	smul.u32 $0x4F000, s14;
	s21 =	sshll.u32 s14, $0x6  }
0x8: {  	s14 =	simm.s32 $0x6;
	_ =	strace $0x80000047;
	s10 =	smul.u32 $0x13C000, s8  }
0x9: {  	s12 =	ssub.s32 $0x2, s8;
	s16 =	sor.u32 $0x1C09, s21;
	s9 =	sshrl.u32 s1, $0x3  }
0xa: {  	s13 =	sshrl.u32 s12, $0x1;
	s11 =	sshrl.u32 s11, $0x2;
	[dreg:$0x4] =	wrdreg s16  }
0xb: {  	s9 =	sadd.s32 s9, s0;
	s1 =	sadd.s32 s1, s10;
	s10 =	sor.u32 s8, s19  }
0xc: {  	s20 =	ssub.s32 s12, s13;
	s11 =	sadd.s32 s11, s2;
	s8 =	smul.u32 $0x2740, s10  }
0xd: {  	s12 =	simm.s32 $0x1;
	s1 =	sshrl.u32 s1, $0x3;
	s24 =	smul.u32 $0x27400, s10  }
0xe: {  	s9 =	sadd.s32 $0x553400, s9;
	s13 =	smul.u32 $0x13A000, s10;
	s31 =	smax.u32 s20, $0x1  }
0xf: {  	s10 =	sshrl.u32 s11, $0x3;
	s20 =	simm.s32 $0x0;
	[dreg:$0x3] =	wrdreg s9  }
0x10: {  	s0 =	sadd.s32 s1, s0;
	[dreg:$0xb] =	wrdreg s31;
	s1 =	simm.s32 $0x3  }
0x11: {  	[dreg:$0xc] =	wrdreg s10;
	s22 =	sshrl.u32 s8, $0x3;
	s30 =	sadd.s32 s5, s24  }
0x12: {  	s17 =	sadd.s32 $0x80, s8;
	s18 =	sadd.s32 $0x4000, s13;
	s19 =	sadd.s32 $0xC0, s8  }
0x13: {  	s0 =	sadd.s32 $0x57AC00, s0;
	s24 =	simm.s32 $0x13C00;
	[dreg:$0x9] =	wrdreg s30  }
.Ltmp0:
0x14: {  	s25 =	sadd.s32 s6, s22;
	[dreg:$0xa] =	wrdreg s0;
	(pc) =	sbr.rel .LBB2_1-.Ltmp0, $4  }
0x15: {  	s23 =	sadd.s32 $0x8, s22;
	s28 =	sadd.s32 s7, s22;
	[dreg:$0x5] =	wrdreg s25  }
0x16: {  	s0 =	simm.s32 $0x5;
	s26 =	sadd.s32 s6, s23;
	[dreg:$0x7] =	wrdreg s28  }
0x17: {  	s9 =	sadd.s32 s7, s23;
	s23 =	simm.s32 $0x9;
	[dreg:$0x6] =	wrdreg s26  }
0x18: {  	s25 =	simm.s32 $0x1BE00;
	[dreg:$0x8] =	wrdreg s9;
	s26 =	simm.s32 $0x13D00  }
.LBB2_10:
0x19: {  	s9 =	simm.s32 $0x8  }
0x1a: {  	_ =	swait.ge [sflag:s9], $0x2000  }
0x1b: {  	[sflag:s9] =	ssyncset.done $0x0  }
0x1c: {  	s28 =	simm.s32 $0x7;
	[sflag:s9] =	ssyncadd.s32 $0xFFFFE000  }
0x1d: {  	_ =	swait.ge [sflag:s28], $0x2000  }
0x1e: {  	[sflag:s28] =	ssyncset.done $0x0  }
0x1f: {  	[sflag:s28] =	ssyncadd.s32 $0xFFFFE000  }
0x20: {  	[bflag:$0x0] =	sbarrier.arrive $0xFFFF  }
0x21: {  	s16 =	rddreg [dreg:$0x4]  }
0x22: {  	s30 =	rddreg [dreg:$0xa]  }
0x23: {  	s10 =	rddreg [dreg:$0xc]  }
0x24: {  	[hbm:s30], [sflag:s16] =	dma.local [spmem:s10], $0x2780  }
0x25: {  	_ =	swait.ge [sflag:s23], $0x2780  }
0x26: {  	s20 =	sadd.s32 $0x1, s20;
	s31 =	rddreg [dreg:$0xb]  }
0x27: {  	p0 =	sne.s32 s20, s31  }
.Ltmp1:
0x28: {  	_ = 	snop;
	(pc) =	sbr.rel @!p0 .LBB2_11-.Ltmp1, $3  }
0x29: {  	_ =	sdelay $0x1  }
0x2a: {  	[sflag:s23] =	ssyncset.done $0x0  }
0x2b: {  	[sflag:s23] =	ssyncadd.s32 $0xFFFFD880  }
.LBB2_1:
0x2c: {  	s9 =	rddreg [dreg:$0x3]  }
0x2d: {  	[spmem:s10], [sflag:s16] =	dma.local [hbm:s9], $0x2780  }
0x2e: {  	_ =	swait.ge [sflag:s23], $0x2780  }
0x2f: {  	[sflag:s23] =	ssyncset.done $0x0  }
0x30: {  	[sflag:s23] =	ssyncadd.s32 $0xFFFFD880  }
0x31: {  	[bflag:$0x0] =	sbarrier.arrive $0xFFFF  }
0x32: {  	s31 =	rddreg [dreg:$0x5]  }
0x33: {  	[tilespmem:s24], [sflag:$0x9] =	stream.linear.gather [hbm4b:s31+s3], $0x40, $0x38;
	[tilespmem:$0x1FE00] =	vst v63  }
0x34: {  	_ =	swait.ge [sflag:s23], $0x40  }
0x35: {  	[sflag:s23] =	ssyncset.done $0x0  }
0x36: {  	s11 =	simm.s32 $0x13C80;
	s10 =	rddreg [dreg:$0x6];
	[sflag:s23] =	ssyncadd.s32 $0xFFFFFFC0  }
0x37: {  	[tilespmem:s11], [sflag:$0x9] =	stream.linear.gather [hbm4b:s10+s3], $0x40, $0x38;
	[tilespmem:$0x1FE00] =	vst v63  }
0x38: {  	_ =	swait.ge [sflag:s23], $0x40  }
0x39: {  	[sflag:s23] =	ssyncset.done $0x0  }
0x3a: {  	s16 =	rddreg [dreg:$0x7];
	[sflag:s23] =	ssyncadd.s32 $0xFFFFFFC0  }
0x3b: {  	[tilespmem:s26], [sflag:$0x3] =	stream.linear.gather [hbm4b:s16+s3], $0x40, $0x38;
	[tilespmem:$0x1FE00] =	vst v63  }
0x3c: {  	s22 =	simm.s32 $0x13D80;
	s21 =	rddreg [dreg:$0x8]  }
0x3d: {  	[tilespmem:s22], [sflag:$0x4] =	stream.linear.gather [hbm4b:s21+s3], $0x40, $0x38;
	[tilespmem:$0x1FE00] =	vst v63  }
.Ltmp2:
0x3e: {  	_ = 	snop;
	(pc) =	sbr.rel .LBB2_2-.Ltmp2, $4  }
0x3f: {  	s28 =	simm.s32 $0x13E00  }
0x40: {  	[tilespmem:s28], [sflag:$0x5] =	stream.indirect.gather [hbm4b:s4+s29], $0x80, s24, s29, $0xb8;
	[tilespmem:$0x1FE00] =	vst v63  }
0x41: {  	s31 =	simm.s32 $0x17E00;
	s30 =	rddreg [dreg:$0x9];
	s21 =	simm.s32 $0x0  }
0x42: {  	[tilespmem:s31], [sflag:$0x5] =	stream.linear.gather [hbm4b:s30+s3], $0x2000, $0x38;
	[tilespmem:$0x1FE00] =	vst v63  }
.LBB2_9:
0x43: {  	s21 =	sadd.s32 $0x1, s21  }
0x44: {  	p0 =	sne.s32 s21, $0x4F  }
.Ltmp3:
0x45: {  	_ = 	snop;
	(pc) =	sbr.rel @!p0 .LBB2_10-.Ltmp3, $1  }
0x46: {  	_ =	sdelay $0x3  }
.LBB2_2:
0x47: {  	s9 =	sshllo.u32 s21, $0x1  }
0x48: {  	p1 =	sgt.u32 s9, $0x9C  }
0x49: {  	s10 =	simm.s32 @!p1 $0x40;
	s11 =	simm.s32 @!p1 $0x13C80;
	s16 =	simm.s32 @!p1 $0x15E00  }
0x4a: {  	[tilespmem:s16], [sflag:$0x6] =	stream.indirect.gather @!p1 [hbm4b:s4+s10], $0x80, s11, s10, $0xb8;
	[tilespmem:$0x1FE00] =	vst v63  }
0x4b: {  	s10 =	sshll.u32 @!p1 s9, $0xD  }
0x4c: {  	s10 =	sadd.s32 @!p1 s13, s10  }
0x4d: {  	p2 =	seq.s32 s21, $0x4E;
	s10 =	sshrl.u32 @!p1 s10, $0x3  }
0x4e: {  	s11 =	simm.s32 @!p1 $0x0;
	s16 =	simm.s32 @!p1 $0x19E00;
	s10 =	sadd.s32 @!p1 s5, s10  }
0x4f: {  	[tilespmem:s16], [sflag:$0x6] =	stream.linear.gather @!p1 [hbm4b:s10+s11], $0x2000, $0x38;
	[tilespmem:$0x1FE00] =	vst v63  }
0x50: {  	s10 =	sshll.u32 @!p2 s21, $0x7  }
0x51: {  	s10 =	sadd.s32 @!p2 s10, s17  }
0x52: {  	s10 =	sshrl.u32 @!p2 s10, $0x3  }
0x53: {  	s11 =	simm.s32 @!p2 $0x0;
	s16 =	simm.s32 @!p2 $0x13C00;
	s10 =	sadd.s32 @!p2 s6, s10  }
0x54: {  	[tilespmem:s16], [sflag:$0x1] =	stream.linear.gather @!p2 [hbm4b:s10+s11], $0x40, $0x38;
	[tilespmem:$0x1FE00] =	vst v63  }
0x55: {  	_ =	swait.ge [sflag:s0], $0x2000  }
0x56: {  	[sflag:s0] =	ssyncset.done $0x0  }
0x57: {  	[sflag:s0] =	ssyncadd.s32 $0xFFFFE000  }
0x58: {  	_ =	swait.ge [sflag:s0], $0x2000  }
0x59: {  	p0 =	seq.s32 s21, $0x0;
	[sflag:s0] =	ssyncset.done $0x0  }
0x5a: {  	s10 =	simm.s32 @!p0 $0x7;
	[sflag:s0] =	ssyncadd.s32 $0xFFFFE000  }
0x5b: {  	s11 =	sshll.u32 @!p0 s21, $0x7;
	_ =	swait.ge @!p0 [sflag:s10], $0x2000  }
0x5c: {  	s11 =	sadd.s32 @!p0 s8, s11;
	[sflag:s10] =	ssyncset.done @!p0 $0x0  }
0x5d: {  	[sflag:s10] =	ssyncadd.s32 @!p0 $0xFFFFE000;
	s10 =	sshrl.u32 @!p0 s11, $0x3  }
0x5e: {  	s16 =	simm.s32 @!p0 $0x13D00;
	s11 =	simm.s32 @!p0 $0x0;
	s10 =	sadd.s32 @!p0 s7, s10  }
0x5f: {  	[tilespmem:s16], [sflag:$0x3] =	stream.linear.gather @!p0 [hbm4b:s10+s11], $0x40, $0x38;
	[tilespmem:$0x1FE00] =	vst v63  }
0x60: {  	s11 =	simm.s32 $0x17F00  }
0x61: {  	s22 =	simm.s32 $0x13F00;
	v0 =	vld [tilespmem:s11+$0x80]  }
0x62: {  	v1 =	vld [tilespmem:s22+$0x80];
	_ =	sdelay $0x2  }
0x63: {  	v2 =	vld [tilespmem:s11+$0xFFFFFF80]  }
0x64: {  	v4 =	vld [tilespmem:s11+$0xFFFFFF00];
	v3 =	vshll.u32 v0, $0x10  }
0x65: {  	v5 =	vld [tilespmem:s22+$0xFFFFFF80];
	v1 =	vmul.f32 v3, v1  }
0x66: {  	s10 =	simm.s32 $0x1BF00;
	v3 =	vld [tilespmem:s22+$0xFFFFFF00]  }
0x67: {  	[tilespmem:s10+$0x80] =	vst v1  }
0x68: {  	v1 =	vld [tilespmem:s22+$0x90]  }
0x69: {  	v6 =	vld [tilespmem:s11+$0x0];
	v9 =	vshll.u32 v2, $0x10  }
0x6a: {  	v7 =	vld [tilespmem:s22+$0x0];
	v8 =	vshll.u32 v4, $0x10;
	v5 =	vmul.f32 v9, v5  }
0x6b: {  	v3 =	vmul.f32 v8, v3  }
0x6c: {  	v0 =	vand.u32 $0xFFFF0000, v0;
	[tilespmem:s10+$0xFFFFFF80] =	vst v5  }
0x6d: {  	v5 =	vld [tilespmem:s22+$0xFFFFFF90];
	[tilespmem:s10+$0xFFFFFF00] =	vst v3;
	v0 =	vmul.f32 v0, v1  }
0x6e: {  	v1 =	vshll.u32 v6, $0x10;
	v3 =	vld [tilespmem:s22+$0xFFFFFF10]  }
0x6f: {  	v1 =	vmul.f32 v1, v7;
	[tilespmem:s10+$0x90] =	vst v0  }
0x70: {  	v0 =	vld [tilespmem:s11+$0x90]  }
0x71: {  	v2 =	vand.u32 $0xFFFF0000, v2;
	[tilespmem:s10+$0x0] =	vst v1;
	v1 =	vld [tilespmem:s22+$0xA0]  }
0x72: {  	v4 =	vand.u32 $0xFFFF0000, v4;
	v2 =	vmul.f32 v2, v5  }
0x73: {  	v7 =	vld [tilespmem:s22+$0x10];
	v3 =	vmul.f32 v4, v3  }
0x74: {  	[tilespmem:s10+$0xFFFFFF90] =	vst v2  }
0x75: {  	[tilespmem:s10+$0xFFFFFF10] =	vst v3;
	v3 =	vshll.u32 v0, $0x10  }
0x76: {  	v2 =	vld [tilespmem:s11+$0xFFFFFF90];
	v1 =	vmul.f32 v3, v1  }
0x77: {  	v4 =	vand.u32 $0xFFFF0000, v6;
	v5 =	vld [tilespmem:s11+$0xFFFFFF10]  }
0x78: {  	v3 =	vmul.f32 v4, v7;
	v4 =	vld [tilespmem:s22+$0xFFFFFF20];
	[tilespmem:s10+$0xA0] =	vst v1  }
0x79: {  	v1 =	vld [tilespmem:s22+$0xB0]  }
0x7a: {  	v6 =	vld [tilespmem:s22+$0xFFFFFFA0];
	[tilespmem:s10+$0x10] =	vst v3  }
0x7b: {  	v3 =	vld [tilespmem:s11+$0x10]  }
0x7c: {  	v8 =	vld [tilespmem:s22+$0x20];
	v7 =	vshll.u32 v5, $0x10  }
0x7d: {  	v0 =	vand.u32 $0xFFFF0000, v0;
	v4 =	vmul.f32 v7, v4  }
0x7e: {  	v0 =	vmul.f32 v0, v1  }
0x7f: {  	[tilespmem:s10+$0xFFFFFF20] =	vst v4;
	v1 =	vshll.u32 v2, $0x10  }
0x80: {  	v4 =	vshll.u32 v3, $0x10;
	v7 =	vld [tilespmem:s22+$0xFFFFFF30];
	v1 =	vmul.f32 v1, v6;
	[tilespmem:s10+$0xB0] =	vst v0  }
0x81: {  	v0 =	vmul.f32 v4, v8;
	v8 =	vld [tilespmem:s11+$0xA0]  }
0x82: {  	[tilespmem:s10+$0xFFFFFFA0] =	vst v1;
	v1 =	vld [tilespmem:s22+$0xC0]  }
0x83: {  	v4 =	vld [tilespmem:s22+$0xFFFFFFB0];
	[tilespmem:s10+$0x20] =	vst v0  }
0x84: {  	v0 =	vand.u32 $0xFFFF0000, v5;
	v5 =	vld [tilespmem:s22+$0x30]  }
0x85: {  	v0 =	vmul.f32 v0, v7  }
0x86: {  	v6 =	vshll.u32 v8, $0x10  }
0x87: {  	v2 =	vand.u32 $0xFFFF0000, v2;
	[tilespmem:s10+$0xFFFFFF30] =	vst v0;
	v0 =	vmul.f32 v6, v1  }
0x88: {  	v1 =	vand.u32 $0xFFFF0000, v3;
	v6 =	vld [tilespmem:s11+$0xFFFFFF20];
	v2 =	vmul.f32 v2, v4  }
0x89: {  	v7 =	vld [tilespmem:s22+$0xFFFFFF40];
	v1 =	vmul.f32 v1, v5;
	[tilespmem:s10+$0xC0] =	vst v0  }
0x8a: {  	[tilespmem:s10+$0xFFFFFFB0] =	vst v2;
	v3 =	vld [tilespmem:s22+$0xD0]  }
0x8b: {  	v2 =	vld [tilespmem:s11+$0xFFFFFFA0];
	[tilespmem:s10+$0x30] =	vst v1  }
0x8c: {  	v1 =	vld [tilespmem:s11+$0x20]  }
0x8d: {  	s30 =	simm.s32 $0x0;
	v4 =	vld [tilespmem:s22+$0xFFFFFFC0];
	v5 =	vshll.u32 v6, $0x10  }
0x8e: {  	s31 =	simm.s32 $0x18100;
	s28 =	simm.s32 $0x13F00;
	s16 =	simm.s32 $0x1BF00;
	v0 =	vand.u32 $0xFFFF0000, v6;
	v6 =	vmul.f32 v5, v7;
	v5 =	vld [tilespmem:s22+$0x40];
	v7 =	vand.u32 $0xFFFF0000, v8  }
.LBB2_3:
0x8f: {  	v8 =	vld [tilespmem:s31+$0x80];
	s30 =	sadd.s32 $0x4, s30;
	v3 =	vmul.f32 v7, v3;
	s22 =	sadd.s32 $0x200, s22  }
0x90: {  	v7 =	vld [tilespmem:s22+$0x80];
	p3 =	slt.u32 s30, $0x3C;
	[tilespmem:s10+$0xFFFFFF40] =	vst v6;
	v6 =	vshll.u32 v2, $0x10;
	v2 =	vand.u32 $0xFFFF0000, v2  }
0x91: {  	v9 =	vld [tilespmem:s31+$0xFFFFFF80];
	v10 =	vshll.u32 v1, $0x10;
	v1 =	vand.u32 $0xFFFF0000, v1;
	[tilespmem:s10+$0xD0] =	vst v3  }
0x92: {  	v3 =	vmul.f32 v6, v4;
	v4 =	vld [tilespmem:s11+$0xB0]  }
0x93: {  	v5 =	vmul.f32 v10, v5;
	v6 =	vld [tilespmem:s28+$0xE0]  }
0x94: {  	v10 =	vld [tilespmem:s31+$0x0];
	v11 =	vshll.u32 v8, $0x10;
	[tilespmem:s10+$0xFFFFFFC0] =	vst v3  }
0x95: {  	v3 =	vld [tilespmem:s31+$0xFFFFFF00];
	v7 =	vmul.f32 v11, v7;
	[tilespmem:s10+$0x40] =	vst v5  }
0x96: {  	s10 =	sadd.s32 $0x200, s10;
	v5 =	vld [tilespmem:s22+$0xFFFFFF00];
	v11 =	vshll.u32 v9, $0x10;
	v9 =	vand.u32 $0xFFFF0000, v9  }
0x97: {  	v12 =	vld [tilespmem:s22+$0xFFFFFF80];
	[tilespmem:s10+$0x80] =	vst v7;
	v7 =	vshll.u32 v4, $0x10  }
0x98: {  	v13 =	vld [tilespmem:s22+$0x90];
	v6 =	vmul.f32 v7, v6  }
0x99: {  	v7 =	vshll.u32 v10, $0x10;
	v10 =	vand.u32 $0xFFFF0000, v10;
	v14 =	vld [tilespmem:s22+$0x0]  }
0x9a: {  	v15 =	vshll.u32 v3, $0x10;
	v3 =	vand.u32 $0xFFFF0000, v3;
	v16 =	vld [tilespmem:s28+$0xFFFFFF50];
	[tilespmem:s16+$0xE0] =	vst v6  }
0x9b: {  	v5 =	vmul.f32 v15, v5;
	v6 =	vld [tilespmem:s28+$0xF0]  }
0x9c: {  	v8 =	vand.u32 $0xFFFF0000, v8;
	v11 =	vmul.f32 v11, v12;
	v12 =	vld [tilespmem:s28+$0xFFFFFFD0]  }
0x9d: {  	[tilespmem:s10+$0xFFFFFF00] =	vst v5;
	v5 =	vmul.f32 v8, v13;
	v8 =	vld [tilespmem:s28+$0x50]  }
0x9e: {  	v13 =	vld [tilespmem:s22+$0xFFFFFF10];
	[tilespmem:s10+$0xFFFFFF80] =	vst v11;
	v7 =	vmul.f32 v7, v14  }
0x9f: {  	v4 =	vand.u32 $0xFFFF0000, v4;
	v11 =	vld [tilespmem:s22+$0xFFFFFF90];
	[tilespmem:s10+$0x90] =	vst v5;
	v0 =	vmul.f32 v0, v16  }
0xa0: {  	[tilespmem:s10+$0x0] =	vst v7;
	v5 =	vld [tilespmem:s31+$0x90];
	v4 =	vmul.f32 v4, v6  }
0xa1: {  	v6 =	vld [tilespmem:s22+$0xA0];
	[tilespmem:s16+$0xFFFFFF50] =	vst v0;
	v0 =	vmul.f32 v2, v12  }
0xa2: {  	v2 =	vld [tilespmem:s22+$0x10];
	v1 =	vmul.f32 v1, v8;
	[tilespmem:s16+$0xF0] =	vst v4  }
0xa3: {  	v3 =	vmul.f32 v3, v13;
	v4 =	vld [tilespmem:s11+$0xFFFFFF30];
	[tilespmem:s16+$0xFFFFFFD0] =	vst v0  }
0xa4: {  	v0 =	vmul.f32 v9, v11;
	v7 =	vld [tilespmem:s11+$0xFFFFFFB0];
	[tilespmem:s16+$0x50] =	vst v1  }
0xa5: {  	[tilespmem:s10+$0xFFFFFF10] =	vst v3;
	v1 =	vshll.u32 v5, $0x10;
	v3 =	vld [tilespmem:s11+$0x30];
	s11 =	smov.u32 s31  }
0xa6: {  	v8 =	vld [tilespmem:s31+$0xFFFFFF10];
	[tilespmem:s10+$0xFFFFFF90] =	vst v0;
	v0 =	vmul.f32 v1, v6  }
0xa7: {  	v1 =	vld [tilespmem:s31+$0xFFFFFF90];
	v2 =	vmul.f32 v10, v2  }
0xa8: {  	v6 =	vld [tilespmem:s22+$0xFFFFFF20];
	[tilespmem:s10+$0xA0] =	vst v0;
	v0 =	vshll.u32 v4, $0x10;
	v4 =	vand.u32 $0xFFFF0000, v4  }
0xa9: {  	[tilespmem:s10+$0x10] =	vst v2;
	v2 =	vld [tilespmem:s22+$0xB0];
	v9 =	vshll.u32 v7, $0x10;
	v7 =	vand.u32 $0xFFFF0000, v7  }
0xaa: {  	v10 =	vld [tilespmem:s31+$0x10];
	v11 =	vshll.u32 v3, $0x10;
	v12 =	vand.u32 $0xFFFF0000, v3  }
0xab: {  	v3 =	vshll.u32 v8, $0x10;
	v8 =	vand.u32 $0xFFFF0000, v8;
	v13 =	vld [tilespmem:s22+$0xFFFFFFA0]  }
0xac: {  	v14 =	vshll.u32 v1, $0x10;
	v1 =	vand.u32 $0xFFFF0000, v1;
	v15 =	vld [tilespmem:s22+$0x20]  }
0xad: {  	v5 =	vand.u32 $0xFFFF0000, v5;
	v3 =	vmul.f32 v3, v6;
	v6 =	vld [tilespmem:s28+$0xFFFFFF60]  }
0xae: {  	v2 =	vmul.f32 v5, v2;
	v5 =	vld [tilespmem:s28+$0xFFFFFFE0]  }
0xaf: {  	[tilespmem:s10+$0xFFFFFF20] =	vst v3;
	v3 =	vshll.u32 v10, $0x10;
	v10 =	vand.u32 $0xFFFF0000, v10;
	v16 =	vld [tilespmem:s28+$0x60]  }
0xb0: {  	v17 =	vld [tilespmem:s22+$0xFFFFFF30];
	v13 =	vmul.f32 v14, v13;
	[tilespmem:s10+$0xB0] =	vst v2  }
0xb1: {  	v2 =	vmul.f32 v3, v15;
	v14 =	vld [tilespmem:s31+$0xA0]  }
0xb2: {  	[tilespmem:s10+$0xFFFFFFA0] =	vst v13;
	v3 =	vld [tilespmem:s22+$0xC0];
	v0 =	vmul.f32 v0, v6  }
0xb3: {  	v6 =	vld [tilespmem:s22+$0xFFFFFFB0];
	[tilespmem:s10+$0x20] =	vst v2;
	v2 =	vmul.f32 v9, v5  }
0xb4: {  	v5 =	vld [tilespmem:s22+$0x30];
	[tilespmem:s16+$0xFFFFFF60] =	vst v0;
	v0 =	vmul.f32 v11, v16  }
0xb5: {  	v8 =	vmul.f32 v8, v17;
	v9 =	vld [tilespmem:s28+$0xFFFFFF70];
	[tilespmem:s16+$0xFFFFFFE0] =	vst v2  }
0xb6: {  	v2 =	vshll.u32 v14, $0x10;
	v11 =	vld [tilespmem:s28+$0xFFFFFFF0];
	[tilespmem:s16+$0x60] =	vst v0  }
0xb7: {  	[tilespmem:s10+$0xFFFFFF30] =	vst v8;
	v0 =	vmul.f32 v2, v3;
	v8 =	vld [tilespmem:s28+$0x70];
	s28 =	smov.u32 s22  }
0xb8: {  	v13 =	vld [tilespmem:s31+$0xFFFFFF20];
	v1 =	vmul.f32 v1, v6  }
0xb9: {  	v6 =	vld [tilespmem:s22+$0xFFFFFF40];
	v5 =	vmul.f32 v10, v5;
	[tilespmem:s10+$0xC0] =	vst v0  }
.Ltmp4:
0xba: {  	[tilespmem:s10+$0xFFFFFFB0] =	vst v1;
	v3 =	vld [tilespmem:s22+$0xD0];
	v0 =	vmul.f32 v4, v9;
	(pc) =	sbr.rel @p3 .LBB2_3-.Ltmp4, $4  }
0xbb: {  	v2 =	vld [tilespmem:s31+$0xFFFFFFA0];
	[tilespmem:s10+$0x30] =	vst v5;
	v5 =	vmul.f32 v7, v11  }
0xbc: {  	v1 =	vld [tilespmem:s31+$0x20];
	[tilespmem:s16+$0xFFFFFF70] =	vst v0;
	v8 =	vmul.f32 v12, v8  }
0xbd: {  	v7 =	vshll.u32 v13, $0x10;
	v0 =	vand.u32 $0xFFFF0000, v13;
	v4 =	vld [tilespmem:s22+$0xFFFFFFC0];
	[tilespmem:s16+$0xFFFFFFF0] =	vst v5  }
0xbe: {  	s31 =	sadd.s32 $0x200, s31;
	v6 =	vmul.f32 v7, v6;
	v5 =	vld [tilespmem:s22+$0x40];
	v7 =	vand.u32 $0xFFFF0000, v14;
	[tilespmem:s16+$0x70] =	vst v8;
	s16 =	smov.u32 s10  }
0xbf: {  	_ =	sdelay $0x1  }
0xc0: {  	v8 =	vshll.u32 v2, $0x10  }
0xc1: {  	[tilespmem:s10+$0xFFFFFF40] =	vst v6;
	v4 =	vmul.f32 v8, v4  }
0xc2: {  	v47 =	vshll.u32 v1, $0x10;
	v48 =	vld [tilespmem:s28+$0xFFFFFF50]  }
0xc3: {  	v5 =	vmul.f32 v47, v5;
	[tilespmem:s10+$0xFFFFFFC0] =	vst v4  }
0xc4: {  	v49 =	vld [tilespmem:s28+$0xFFFFFFD0]  }
0xc5: {  	v3 =	vmul.f32 v7, v3;
	[tilespmem:s10+$0x40] =	vst v5  }
0xc6: {  	v50 =	vld [tilespmem:s28+$0x50]  }
0xc7: {  	[tilespmem:s10+$0xD0] =	vst v3;
	v0 =	vmul.f32 v0, v48  }
0xc8: {  	v51 =	vand.u32 $0xFFFF0000, v2;
	v3 =	vld [tilespmem:s11+$0xB0]  }
0xc9: {  	v53 =	vld [tilespmem:s28+$0xE0];
	[tilespmem:s16+$0xFFFFFF50] =	vst v0;
	v2 =	vmul.f32 v51, v49  }
0xca: {  	v52 =	vand.u32 $0xFFFF0000, v1;
	v55 =	vld [tilespmem:s11+$0xFFFFFF30]  }
0xcb: {  	v56 =	vld [tilespmem:s28+$0xFFFFFF60];
	v54 =	vmul.f32 v52, v50;
	[tilespmem:s16+$0xFFFFFFD0] =	vst v2  }
0xcc: {  	v2 =	vld [tilespmem:s11+$0xFFFFFFB0]  }
0xcd: {  	[tilespmem:s16+$0x50] =	vst v54;
	v57 =	vld [tilespmem:s28+$0xFFFFFFE0]  }
0xce: {  	v0 =	vld [tilespmem:s11+$0x30]  }
0xcf: {  	v58 =	vld [tilespmem:s28+$0x60]  }
0xd0: {  	v59 =	vshll.u32 v3, $0x10  }
0xd1: {  	v4 =	vmul.f32 v59, v53;
	v60 =	vshll.u32 v55, $0x10  }
0xd2: {  	v5 =	vmul.f32 v60, v56;
	v61 =	vshll.u32 v2, $0x10  }
0xd3: {  	[tilespmem:s16+$0xE0] =	vst v4;
	v62 =	vshll.u32 v0, $0x10;
	v6 =	vmul.f32 v61, v57  }
0xd4: {  	v63 =	vld [tilespmem:s28+$0xF0];
	[tilespmem:s16+$0xFFFFFF60] =	vst v5;
	v4 =	vmul.f32 v62, v58  }
0xd5: {  	v5 =	vld [tilespmem:s28+$0xFFFFFF70];
	[tilespmem:s16+$0xFFFFFFE0] =	vst v6  }
0xd6: {  	v6 =	vld [tilespmem:s28+$0xFFFFFFF0];
	[tilespmem:s16+$0x60] =	vst v4  }
0xd7: {  	v4 =	vld [tilespmem:s28+$0x70]  }
0xd8: {  	v3 =	vand.u32 $0xFFFF0000, v3  }
0xd9: {  	v1 =	vand.u32 $0xFFFF0000, v55;
	v3 =	vmul.f32 v3, v63  }
0xda: {  	v2 =	vand.u32 $0xFFFF0000, v2;
	v1 =	vmul.f32 v1, v5  }
0xdb: {  	[tilespmem:s16+$0xF0] =	vst v3;
	v0 =	vand.u32 $0xFFFF0000, v0;
	v2 =	vmul.f32 v2, v6  }
0xdc: {  	[tilespmem:s16+$0xFFFFFF70] =	vst v1;
	v0 =	vmul.f32 v0, v4  }
0xdd: {  	[tilespmem:s16+$0xFFFFFFF0] =	vst v2  }
.Ltmp5:
0xde: {  	[tilespmem:s16+$0x70] =	vst v0;
	(pc) =	sbr.rel @p2 .LBB2_10-.Ltmp5, $4  }
0xdf: {  	_ =	swait.ge [sflag:s1], $0x40  }
0xe0: {  	[sflag:s1] =	ssyncset.done $0x0  }
0xe1: {  	[sflag:s1] =	ssyncadd.s32 $0xFFFFFFC0  }
0xe2: {  	[spmem:s2] =	stream.indirect.scatter.add.f32 [tilespmem:s25], [sflag:$0x7], $0x80, s26, s29, $0xb8;
	[tilespmem:$0x1FE00] =	vst v63  }
.Ltmp6:
0xe3: {  	(pc) =	sbr.rel @p1 .LBB2_9-.Ltmp6, $4  }
0xe4: {  	_ = 	snop  }
0xe5: {  	_ =	swait.ge [sflag:s12], $0x40  }
0xe6: {  	[sflag:s12] =	ssyncset.done $0x0  }
0xe7: {  	[sflag:s12] =	ssyncadd.s32 $0xFFFFFFC0  }
0xe8: {  	s10 =	simm.s32 $0x13E00;
	s31 =	sshll.u32 s21, $0xE  }
0xe9: {  	[tilespmem:s10], [sflag:$0x5] =	stream.indirect.gather [hbm4b:s4+s29], $0x80, s24, s29, $0xb8;
	[tilespmem:$0x1FE00] =	vst v63  }
0xea: {  	s10 =	sadd.s32 s31, s18  }
0xeb: {  	s10 =	sshrl.u32 s10, $0x3  }
0xec: {  	s11 =	simm.s32 $0x17E00;
	p1 =	sgt.u32 s21, $0x4C;
	s10 =	sadd.s32 s5, s10  }
0xed: {  	[tilespmem:s11], [sflag:$0x5] =	stream.linear.gather [hbm4b:s10+s3], $0x2000, $0x38;
	[tilespmem:$0x1FE00] =	vst v63  }
0xee: {  	s10 =	sshll.u32 @!p1 s21, $0x7  }
0xef: {  	s10 =	sadd.s32 @!p1 s10, s19  }
0xf0: {  	s10 =	sshrl.u32 @!p1 s10, $0x3  }
0xf1: {  	s16 =	simm.s32 @!p1 $0x13C80;
	s11 =	simm.s32 @!p1 $0x0;
	s10 =	sadd.s32 @!p1 s6, s10  }
0xf2: {  	[tilespmem:s16], [sflag:$0x2] =	stream.linear.gather @!p1 [hbm4b:s10+s11], $0x40, $0x38;
	[tilespmem:$0x1FE00] =	vst v63  }
0xf3: {  	_ =	swait.ge [sflag:s14], $0x2000  }
0xf4: {  	[sflag:s14] =	ssyncset.done $0x0  }
0xf5: {  	[sflag:s14] =	ssyncadd.s32 $0xFFFFE000  }
0xf6: {  	_ =	swait.ge [sflag:s14], $0x2000  }
0xf7: {  	s9 =	sshll.u32 @!p0 s9, $0x6;
	[sflag:s14] =	ssyncset.done $0x0  }
0xf8: {  	s9 =	sadd.s32 @!p0 s8, s9;
	s10 =	simm.s32 @!p0 $0x8;
	[sflag:s14] =	ssyncadd.s32 $0xFFFFE000  }
0xf9: {  	s9 =	sshrl.u32 @!p0 s9, $0x3;
	_ =	swait.ge @!p0 [sflag:s10], $0x2000  }
0xfa: {  	s9 =	sadd.s32 @!p0 s7, s9;
	[sflag:s10] =	ssyncset.done @!p0 $0x0  }
0xfb: {  	s11 =	simm.s32 @!p0 $0x13D80;
	[sflag:s10] =	ssyncadd.s32 @!p0 $0xFFFFE000;
	s10 =	simm.s32 @!p0 $0x0  }
0xfc: {  	[tilespmem:s11], [sflag:$0x4] =	stream.linear.gather @!p0 [hbm4b:s9+s10], $0x40, $0x38;
	[tilespmem:$0x1FE00] =	vst v63  }
0xfd: {  	s9 =	simm.s32 $0x19F00  }
0xfe: {  	s11 =	simm.s32 $0x15F00;
	v0 =	vld [tilespmem:s9+$0x80]  }
0xff: {  	v1 =	vld [tilespmem:s11+$0x80];
	_ =	sdelay $0x2  }
0x100: {  	v2 =	vld [tilespmem:s9+$0xFFFFFF80]  }
0x101: {  	v4 =	vld [tilespmem:s9+$0xFFFFFF00];
	v3 =	vshll.u32 v0, $0x10  }
0x102: {  	v5 =	vld [tilespmem:s11+$0xFFFFFF80];
	v1 =	vmul.f32 v3, v1  }
0x103: {  	s10 =	simm.s32 $0x1DF00;
	v3 =	vld [tilespmem:s11+$0xFFFFFF00]  }
0x104: {  	[tilespmem:s10+$0x80] =	vst v1  }
0x105: {  	v1 =	vld [tilespmem:s11+$0x90]  }
0x106: {  	v6 =	vld [tilespmem:s9+$0x0];
	v9 =	vshll.u32 v2, $0x10  }
0x107: {  	v7 =	vld [tilespmem:s11+$0x0];
	v8 =	vshll.u32 v4, $0x10;
	v5 =	vmul.f32 v9, v5  }
0x108: {  	v3 =	vmul.f32 v8, v3  }
0x109: {  	v0 =	vand.u32 $0xFFFF0000, v0;
	[tilespmem:s10+$0xFFFFFF80] =	vst v5  }
0x10a: {  	v5 =	vld [tilespmem:s11+$0xFFFFFF90];
	[tilespmem:s10+$0xFFFFFF00] =	vst v3;
	v0 =	vmul.f32 v0, v1  }
0x10b: {  	v1 =	vshll.u32 v6, $0x10;
	v3 =	vld [tilespmem:s11+$0xFFFFFF10]  }
0x10c: {  	v1 =	vmul.f32 v1, v7;
	[tilespmem:s10+$0x90] =	vst v0  }
0x10d: {  	v0 =	vld [tilespmem:s9+$0x90]  }
0x10e: {  	v2 =	vand.u32 $0xFFFF0000, v2;
	[tilespmem:s10+$0x0] =	vst v1;
	v1 =	vld [tilespmem:s11+$0xA0]  }
0x10f: {  	v4 =	vand.u32 $0xFFFF0000, v4;
	v2 =	vmul.f32 v2, v5  }
0x110: {  	v7 =	vld [tilespmem:s11+$0x10];
	v3 =	vmul.f32 v4, v3  }
0x111: {  	[tilespmem:s10+$0xFFFFFF90] =	vst v2  }
0x112: {  	[tilespmem:s10+$0xFFFFFF10] =	vst v3;
	v3 =	vshll.u32 v0, $0x10  }
0x113: {  	v2 =	vld [tilespmem:s9+$0xFFFFFF90];
	v1 =	vmul.f32 v3, v1  }
0x114: {  	v4 =	vand.u32 $0xFFFF0000, v6;
	v5 =	vld [tilespmem:s9+$0xFFFFFF10]  }
0x115: {  	v3 =	vmul.f32 v4, v7;
	v4 =	vld [tilespmem:s11+$0xFFFFFF20];
	[tilespmem:s10+$0xA0] =	vst v1  }
0x116: {  	v1 =	vld [tilespmem:s11+$0xB0]  }
0x117: {  	v6 =	vld [tilespmem:s11+$0xFFFFFFA0];
	[tilespmem:s10+$0x10] =	vst v3  }
0x118: {  	v3 =	vld [tilespmem:s9+$0x10]  }
0x119: {  	v8 =	vld [tilespmem:s11+$0x20];
	v7 =	vshll.u32 v5, $0x10  }
0x11a: {  	v0 =	vand.u32 $0xFFFF0000, v0;
	v4 =	vmul.f32 v7, v4  }
0x11b: {  	v0 =	vmul.f32 v0, v1  }
0x11c: {  	[tilespmem:s10+$0xFFFFFF20] =	vst v4;
	v1 =	vshll.u32 v2, $0x10  }
0x11d: {  	v4 =	vshll.u32 v3, $0x10;
	v7 =	vld [tilespmem:s11+$0xFFFFFF30];
	v1 =	vmul.f32 v1, v6;
	[tilespmem:s10+$0xB0] =	vst v0  }
0x11e: {  	v0 =	vmul.f32 v4, v8;
	v8 =	vld [tilespmem:s9+$0xA0]  }
0x11f: {  	[tilespmem:s10+$0xFFFFFFA0] =	vst v1;
	v1 =	vld [tilespmem:s11+$0xC0]  }
0x120: {  	v4 =	vld [tilespmem:s11+$0xFFFFFFB0];
	[tilespmem:s10+$0x20] =	vst v0  }
0x121: {  	v0 =	vand.u32 $0xFFFF0000, v5;
	v5 =	vld [tilespmem:s11+$0x30]  }
0x122: {  	v0 =	vmul.f32 v0, v7  }
0x123: {  	v6 =	vshll.u32 v8, $0x10  }
0x124: {  	v2 =	vand.u32 $0xFFFF0000, v2;
	[tilespmem:s10+$0xFFFFFF30] =	vst v0;
	v0 =	vmul.f32 v6, v1  }
0x125: {  	v1 =	vand.u32 $0xFFFF0000, v3;
	v6 =	vld [tilespmem:s9+$0xFFFFFF20];
	v2 =	vmul.f32 v2, v4  }
0x126: {  	v7 =	vld [tilespmem:s11+$0xFFFFFF40];
	v1 =	vmul.f32 v1, v5;
	[tilespmem:s10+$0xC0] =	vst v0  }
0x127: {  	[tilespmem:s10+$0xFFFFFFB0] =	vst v2;
	v3 =	vld [tilespmem:s11+$0xD0]  }
0x128: {  	v2 =	vld [tilespmem:s9+$0xFFFFFFA0];
	[tilespmem:s10+$0x30] =	vst v1  }
0x129: {  	v1 =	vld [tilespmem:s9+$0x20]  }
0x12a: {  	s28 =	simm.s32 $0x0;
	v4 =	vld [tilespmem:s11+$0xFFFFFFC0];
	v5 =	vshll.u32 v6, $0x10  }
0x12b: {  	s30 =	simm.s32 $0x1A100;
	s22 =	simm.s32 $0x15F00;
	s16 =	simm.s32 $0x1DF00;
	v0 =	vand.u32 $0xFFFF0000, v6;
	v6 =	vmul.f32 v5, v7;
	v5 =	vld [tilespmem:s11+$0x40];
	v7 =	vand.u32 $0xFFFF0000, v8  }
.LBB2_7:
0x12c: {  	v8 =	vld [tilespmem:s30+$0x80];
	s28 =	sadd.s32 $0x4, s28;
	v3 =	vmul.f32 v7, v3;
	s11 =	sadd.s32 $0x200, s11  }
0x12d: {  	v7 =	vld [tilespmem:s11+$0x80];
	p0 =	slt.u32 s28, $0x3C;
	[tilespmem:s10+$0xFFFFFF40] =	vst v6;
	v6 =	vshll.u32 v2, $0x10;
	v2 =	vand.u32 $0xFFFF0000, v2  }
0x12e: {  	v9 =	vld [tilespmem:s30+$0xFFFFFF80];
	v10 =	vshll.u32 v1, $0x10;
	v1 =	vand.u32 $0xFFFF0000, v1;
	[tilespmem:s10+$0xD0] =	vst v3  }
0x12f: {  	v3 =	vmul.f32 v6, v4;
	v4 =	vld [tilespmem:s9+$0xB0]  }
0x130: {  	v5 =	vmul.f32 v10, v5;
	v6 =	vld [tilespmem:s22+$0xE0]  }
0x131: {  	v10 =	vld [tilespmem:s30+$0x0];
	v11 =	vshll.u32 v8, $0x10;
	[tilespmem:s10+$0xFFFFFFC0] =	vst v3  }
0x132: {  	v3 =	vld [tilespmem:s30+$0xFFFFFF00];
	v7 =	vmul.f32 v11, v7;
	[tilespmem:s10+$0x40] =	vst v5  }
0x133: {  	s10 =	sadd.s32 $0x200, s10;
	v5 =	vld [tilespmem:s11+$0xFFFFFF00];
	v11 =	vshll.u32 v9, $0x10;
	v9 =	vand.u32 $0xFFFF0000, v9  }
0x134: {  	v12 =	vld [tilespmem:s11+$0xFFFFFF80];
	[tilespmem:s10+$0x80] =	vst v7;
	v7 =	vshll.u32 v4, $0x10  }
0x135: {  	v13 =	vld [tilespmem:s11+$0x90];
	v6 =	vmul.f32 v7, v6  }
0x136: {  	v7 =	vshll.u32 v10, $0x10;
	v10 =	vand.u32 $0xFFFF0000, v10;
	v14 =	vld [tilespmem:s11+$0x0]  }
0x137: {  	v15 =	vshll.u32 v3, $0x10;
	v3 =	vand.u32 $0xFFFF0000, v3;
	v16 =	vld [tilespmem:s22+$0xFFFFFF50];
	[tilespmem:s16+$0xE0] =	vst v6  }
0x138: {  	v5 =	vmul.f32 v15, v5;
	v6 =	vld [tilespmem:s22+$0xF0]  }
0x139: {  	v8 =	vand.u32 $0xFFFF0000, v8;
	v11 =	vmul.f32 v11, v12;
	v12 =	vld [tilespmem:s22+$0xFFFFFFD0]  }
0x13a: {  	[tilespmem:s10+$0xFFFFFF00] =	vst v5;
	v5 =	vmul.f32 v8, v13;
	v8 =	vld [tilespmem:s22+$0x50]  }
0x13b: {  	v13 =	vld [tilespmem:s11+$0xFFFFFF10];
	[tilespmem:s10+$0xFFFFFF80] =	vst v11;
	v7 =	vmul.f32 v7, v14  }
0x13c: {  	v4 =	vand.u32 $0xFFFF0000, v4;
	v11 =	vld [tilespmem:s11+$0xFFFFFF90];
	[tilespmem:s10+$0x90] =	vst v5;
	v0 =	vmul.f32 v0, v16  }
0x13d: {  	[tilespmem:s10+$0x0] =	vst v7;
	v5 =	vld [tilespmem:s30+$0x90];
	v4 =	vmul.f32 v4, v6  }
0x13e: {  	v6 =	vld [tilespmem:s11+$0xA0];
	[tilespmem:s16+$0xFFFFFF50] =	vst v0;
	v0 =	vmul.f32 v2, v12  }
0x13f: {  	v2 =	vld [tilespmem:s11+$0x10];
	v1 =	vmul.f32 v1, v8;
	[tilespmem:s16+$0xF0] =	vst v4  }
0x140: {  	v3 =	vmul.f32 v3, v13;
	v4 =	vld [tilespmem:s9+$0xFFFFFF30];
	[tilespmem:s16+$0xFFFFFFD0] =	vst v0  }
0x141: {  	v0 =	vmul.f32 v9, v11;
	v7 =	vld [tilespmem:s9+$0xFFFFFFB0];
	[tilespmem:s16+$0x50] =	vst v1  }
0x142: {  	[tilespmem:s10+$0xFFFFFF10] =	vst v3;
	v1 =	vshll.u32 v5, $0x10;
	v3 =	vld [tilespmem:s9+$0x30];
	s9 =	smov.u32 s30  }
0x143: {  	v8 =	vld [tilespmem:s30+$0xFFFFFF10];
	[tilespmem:s10+$0xFFFFFF90] =	vst v0;
	v0 =	vmul.f32 v1, v6  }
0x144: {  	v1 =	vld [tilespmem:s30+$0xFFFFFF90];
	v2 =	vmul.f32 v10, v2  }
0x145: {  	v6 =	vld [tilespmem:s11+$0xFFFFFF20];
	[tilespmem:s10+$0xA0] =	vst v0;
	v0 =	vshll.u32 v4, $0x10;
	v4 =	vand.u32 $0xFFFF0000, v4  }
0x146: {  	[tilespmem:s10+$0x10] =	vst v2;
	v2 =	vld [tilespmem:s11+$0xB0];
	v9 =	vshll.u32 v7, $0x10;
	v7 =	vand.u32 $0xFFFF0000, v7  }
0x147: {  	v10 =	vld [tilespmem:s30+$0x10];
	v11 =	vshll.u32 v3, $0x10;
	v12 =	vand.u32 $0xFFFF0000, v3  }
0x148: {  	v3 =	vshll.u32 v8, $0x10;
	v8 =	vand.u32 $0xFFFF0000, v8;
	v13 =	vld [tilespmem:s11+$0xFFFFFFA0]  }
0x149: {  	v14 =	vshll.u32 v1, $0x10;
	v1 =	vand.u32 $0xFFFF0000, v1;
	v15 =	vld [tilespmem:s11+$0x20]  }
0x14a: {  	v5 =	vand.u32 $0xFFFF0000, v5;
	v3 =	vmul.f32 v3, v6;
	v6 =	vld [tilespmem:s22+$0xFFFFFF60]  }
0x14b: {  	v2 =	vmul.f32 v5, v2;
	v5 =	vld [tilespmem:s22+$0xFFFFFFE0]  }
0x14c: {  	[tilespmem:s10+$0xFFFFFF20] =	vst v3;
	v3 =	vshll.u32 v10, $0x10;
	v10 =	vand.u32 $0xFFFF0000, v10;
	v16 =	vld [tilespmem:s22+$0x60]  }
0x14d: {  	v17 =	vld [tilespmem:s11+$0xFFFFFF30];
	v13 =	vmul.f32 v14, v13;
	[tilespmem:s10+$0xB0] =	vst v2  }
0x14e: {  	v2 =	vmul.f32 v3, v15;
	v14 =	vld [tilespmem:s30+$0xA0]  }
0x14f: {  	[tilespmem:s10+$0xFFFFFFA0] =	vst v13;
	v3 =	vld [tilespmem:s11+$0xC0];
	v0 =	vmul.f32 v0, v6  }
0x150: {  	v6 =	vld [tilespmem:s11+$0xFFFFFFB0];
	[tilespmem:s10+$0x20] =	vst v2;
	v2 =	vmul.f32 v9, v5  }
0x151: {  	v5 =	vld [tilespmem:s11+$0x30];
	[tilespmem:s16+$0xFFFFFF60] =	vst v0;
	v0 =	vmul.f32 v11, v16  }
0x152: {  	v8 =	vmul.f32 v8, v17;
	v9 =	vld [tilespmem:s22+$0xFFFFFF70];
	[tilespmem:s16+$0xFFFFFFE0] =	vst v2  }
0x153: {  	v2 =	vshll.u32 v14, $0x10;
	v11 =	vld [tilespmem:s22+$0xFFFFFFF0];
	[tilespmem:s16+$0x60] =	vst v0  }
0x154: {  	[tilespmem:s10+$0xFFFFFF30] =	vst v8;
	v0 =	vmul.f32 v2, v3;
	v8 =	vld [tilespmem:s22+$0x70];
	s22 =	smov.u32 s11  }
0x155: {  	v13 =	vld [tilespmem:s30+$0xFFFFFF20];
	v1 =	vmul.f32 v1, v6  }
0x156: {  	v6 =	vld [tilespmem:s11+$0xFFFFFF40];
	v5 =	vmul.f32 v10, v5;
	[tilespmem:s10+$0xC0] =	vst v0  }
.Ltmp7:
0x157: {  	[tilespmem:s10+$0xFFFFFFB0] =	vst v1;
	v3 =	vld [tilespmem:s11+$0xD0];
	v0 =	vmul.f32 v4, v9;
	(pc) =	sbr.rel @p0 .LBB2_7-.Ltmp7, $4  }
0x158: {  	v2 =	vld [tilespmem:s30+$0xFFFFFFA0];
	[tilespmem:s10+$0x30] =	vst v5;
	v5 =	vmul.f32 v7, v11  }
0x159: {  	v1 =	vld [tilespmem:s30+$0x20];
	[tilespmem:s16+$0xFFFFFF70] =	vst v0;
	v8 =	vmul.f32 v12, v8  }
0x15a: {  	v7 =	vshll.u32 v13, $0x10;
	v0 =	vand.u32 $0xFFFF0000, v13;
	v4 =	vld [tilespmem:s11+$0xFFFFFFC0];
	[tilespmem:s16+$0xFFFFFFF0] =	vst v5  }
0x15b: {  	s30 =	sadd.s32 $0x200, s30;
	v6 =	vmul.f32 v7, v6;
	v5 =	vld [tilespmem:s11+$0x40];
	v7 =	vand.u32 $0xFFFF0000, v14;
	[tilespmem:s16+$0x70] =	vst v8;
	s16 =	smov.u32 s10  }
0x15c: {  	_ =	sdelay $0x1  }
0x15d: {  	v8 =	vshll.u32 v2, $0x10  }
0x15e: {  	[tilespmem:s10+$0xFFFFFF40] =	vst v6;
	v4 =	vmul.f32 v8, v4  }
0x15f: {  	v47 =	vshll.u32 v1, $0x10;
	v48 =	vld [tilespmem:s22+$0xFFFFFF50]  }
0x160: {  	v5 =	vmul.f32 v47, v5;
	[tilespmem:s10+$0xFFFFFFC0] =	vst v4  }
0x161: {  	v49 =	vld [tilespmem:s22+$0xFFFFFFD0]  }
0x162: {  	v3 =	vmul.f32 v7, v3;
	[tilespmem:s10+$0x40] =	vst v5  }
0x163: {  	v50 =	vld [tilespmem:s22+$0x50]  }
0x164: {  	[tilespmem:s10+$0xD0] =	vst v3;
	v0 =	vmul.f32 v0, v48  }
0x165: {  	v51 =	vand.u32 $0xFFFF0000, v2;
	v3 =	vld [tilespmem:s9+$0xB0]  }
0x166: {  	v53 =	vld [tilespmem:s22+$0xE0];
	[tilespmem:s16+$0xFFFFFF50] =	vst v0;
	v2 =	vmul.f32 v51, v49  }
0x167: {  	v52 =	vand.u32 $0xFFFF0000, v1;
	v55 =	vld [tilespmem:s9+$0xFFFFFF30]  }
0x168: {  	v56 =	vld [tilespmem:s22+$0xFFFFFF60];
	v54 =	vmul.f32 v52, v50;
	[tilespmem:s16+$0xFFFFFFD0] =	vst v2  }
0x169: {  	v2 =	vld [tilespmem:s9+$0xFFFFFFB0]  }
0x16a: {  	[tilespmem:s16+$0x50] =	vst v54;
	v57 =	vld [tilespmem:s22+$0xFFFFFFE0]  }
0x16b: {  	v0 =	vld [tilespmem:s9+$0x30]  }
0x16c: {  	v58 =	vld [tilespmem:s22+$0x60]  }
0x16d: {  	v59 =	vshll.u32 v3, $0x10  }
0x16e: {  	v4 =	vmul.f32 v59, v53;
	v60 =	vshll.u32 v55, $0x10  }
0x16f: {  	v5 =	vmul.f32 v60, v56;
	v61 =	vshll.u32 v2, $0x10  }
0x170: {  	[tilespmem:s16+$0xE0] =	vst v4;
	v62 =	vshll.u32 v0, $0x10;
	v6 =	vmul.f32 v61, v57  }
0x171: {  	v63 =	vld [tilespmem:s22+$0xF0];
	[tilespmem:s16+$0xFFFFFF60] =	vst v5;
	v4 =	vmul.f32 v62, v58  }
0x172: {  	v5 =	vld [tilespmem:s22+$0xFFFFFF70];
	[tilespmem:s16+$0xFFFFFFE0] =	vst v6  }
0x173: {  	v6 =	vld [tilespmem:s22+$0xFFFFFFF0];
	[tilespmem:s16+$0x60] =	vst v4  }
0x174: {  	v4 =	vld [tilespmem:s22+$0x70]  }
0x175: {  	v3 =	vand.u32 $0xFFFF0000, v3  }
0x176: {  	v1 =	vand.u32 $0xFFFF0000, v55;
	v3 =	vmul.f32 v3, v63  }
0x177: {  	v2 =	vand.u32 $0xFFFF0000, v2;
	v1 =	vmul.f32 v1, v5  }
0x178: {  	[tilespmem:s16+$0xF0] =	vst v3;
	v0 =	vand.u32 $0xFFFF0000, v0;
	v2 =	vmul.f32 v2, v6  }
0x179: {  	[tilespmem:s16+$0xFFFFFF70] =	vst v1;
	v0 =	vmul.f32 v0, v4  }
0x17a: {  	[tilespmem:s16+$0xFFFFFFF0] =	vst v2  }
0x17b: {  	[tilespmem:s16+$0x70] =	vst v0  }
0x17c: {  	_ =	swait.ge [sflag:s15], $0x40  }
0x17d: {  	s30 =	simm.s32 $0x13D80;
	s31 =	simm.s32 $0x1DE00;
	[sflag:s15] =	ssyncset.done $0x0  }
.Ltmp8:
0x17e: {  	s9 =	simm.s32 @!p1 $0x2;
	[sflag:s15] =	ssyncadd.s32 $0xFFFFFFC0;
	(pc) =	sbr.rel .LBB2_9-.Ltmp8, $4  }
0x17f: {  	[spmem:s2] =	stream.indirect.scatter.add.f32 [tilespmem:s31], [sflag:$0x8], $0x80, s30, s29, $0xb8;
	[tilespmem:$0x1FE00] =	vst v63  }
0x180: {  	_ =	swait.ge @!p1 [sflag:s9], $0x40  }
0x181: {  	[sflag:s9] =	ssyncset.done @!p1 $0x0  }
0x182: {  	[sflag:s9] =	ssyncadd.s32 @!p1 $0xFFFFFFC0  }
.LBB2_11:
0x183: {  	_ =	sfence.sel $0x180000  }
0x184: {  	[bflag:$0x0] =	sbarrier.arrive $0xFFFF  }
0x185: {  	_ =	strace $0x90000047  }
0x186: {  	s0 =	stileid.u32;
	[bflag:$0x2] =	sbarrier.arrive $0xFFFF  }
0x187: {  	p0 =	sne.s32 s0, $0x0;
	s0 =	rddreg [dreg:$0x2]  }
0x188: {  	s0 =	sadd.s32 @!p0 $0x100000, s0  }
0x189: {  	[sflag:s0] =	ssyncadd.tile.s32 @!p0 $0x1;
	_ =	shalt  }
.Lfunc_end2:
_tile_overlayer_lowered:
.L_overlay_start_2:
0x18a: {  	(tag) =	ssettag $0x2  }
0x18b: {  	s0 =	rddreg [dreg:$0x0];
	s2 =	stileid.u32  }
0x18c: {  	s1 =	rddreg [dreg:$0x1];
	p0 =	sne.s32 s2, $0x0  }
0x18d: {  	s3 =	rddreg [dreg:$0x2];
	[bflag:$0x3] =	sbarrier.arrive $0xFFFF;
	s2 =	simm.s32 @!p0 $0x1C09  }
0x18e: {  	[timem:s3], [sflag:s2] =	dma.local @!p0 [hbm:s0], s1  }
0x18f: {  	s0 =	simm.s32 @!p0 $0x9  }
0x190: {  	_ =	swait.ge @!p0 [sflag:s0], s1  }
0x191: {  	s1 =	ssub.s32 @!p0 $0x0, s1;
	[sflag:s0] =	ssyncset.done @!p0 $0x0  }
0x192: {  	[sflag:s0] =	ssyncadd.s32 @!p0 s1  }
0x193: {  	[bflag:$0x3] =	sbarrier.arrive $0xFFFF  }
0x194: {  	_ =	shalt  }

// kernel: kernel.17.cloned.1.call-start
scs
__scs_entry_jumppad:
0x0: {  	(pc) =	sbr.rel $0x88, $3  }
0x1: {  	(tag) =	ssettag $0x0;
	lr =	simm.s32 $0x1  }
0x2: {  	[smem:$0x3F96] =	sst lr;
	_ =	strace $0xD0000000  }
0x3: {  	_ = 	snop  }
0x4: {  	_ = 	snop  }
0x5: {  	_ = 	snop  }
0x6: {  	_ = 	snop  }
0x7: {  	_ = 	snop  }
__scs_overlays_trampoline_lowered:
0x8: {  	[smem:$0x3FA5] =	sst s0  }
0x9: {  	[smem:$0x3FA6] =	sst s1  }
0xa: {  	[smem:$0x3FA7] =	sst s2  }
0xb: {  	[smem:$0x3FA8] =	sst s3  }
0xc: {  	[smem:$0x3FA9] =	sst s4  }
0xd: {  	[smem:$0x3FAA] =	sst s5  }
0xe: {  	[smem:$0x3FAB] =	sst s6  }
0xf: {  	[smem:$0x3FAC] =	sst s7  }
0x10: {  	[smem:$0x3FAD] =	sst s8  }
0x11: {  	[smem:$0x3FAE] =	sst s9;
	s0 =	simm.s32 @!p0 $0x0  }
0x12: {  	s1 =	sld [smem:$0x3F94];
	s0 =	simm.s32 @p0 $0x1  }
0x13: {  	[smem:$0x3FAF] =	sst s0;
	s0 =	simm.s32 @!p1 $0x0  }
0x14: {  	s2 =	sld [smem:$0x3F93];
	s0 =	simm.s32 @p1 $0x1  }
0x15: {  	[smem:$0x3FB0] =	sst s0;
	s0 =	simm.s32 @!p2 $0x0  }
0x16: {  	s3 =	sld [smem:$0x3FDB];
	s0 =	simm.s32 @p2 $0x1  }
0x17: {  	s4 =	simm.s32 $0x1BF5;
	[smem:$0x3FB2] =	sst s0  }
0x18: {  	s0 =	sld [smem:$0x3F95];
	_ =	swait.ge [sflag:s4], $0x0  }
0x19: {  	s7 =	sld [smem:$0x3F96]  }
0x1a: {  	s8 =	sadd.s32 $0xFFFFE003, lr  }
0x1b: {  	s9 =	sadd.s32 $0xFFFFFEF7, lr;
	s5 =	simm.s32 $0xFFFFFFFF;
	p2 =	slt.u32 s8, $0xFFFFF086  }
0x1c: {  	p1 =	slt.u32 s9, $0xF7A;
	s5 =	simm.s32 @!p2 $0x0  }
0x1d: {  	s5 =	simm.s32 @p1 $0x1;
	p0 =	seq.s32 s7, s2  }
0x1e: {  	s7 =	smul.u32 @!p0 $0xF7A, s2;
	p2 =	seq.s32 @!p0 s5, $0x0  }
0x1f: {  	s9 =	smul.u32 $0xF7A, s1;
	s8 =	simm.s32 @!p0 $0x1BF5;
	p2 =	por !p2, p0  }
0x20: {  	[sflag:s8] =	ssyncset.s32 @!p0 $0xFFFFF086;
	s6 =	sadd.s32 @!p0 s3, s7;
	s7 =	simm.s32 @!p0 $0x108  }
0x21: {  	s3 =	sadd.s32 s3, s9;
	s6 =	sadd.s32 @!p0 $0x88, s6;
	s7 =	simm.s32 @p2 $0x1082  }
0x22: {  	[simem:s7], [sflag:s8] =	dma.local @!p0 [hbm:s6], $0xF7A  }
0x23: {  	s9 =	sor.u32 $0xD0000000, s2;
	s6 =	simm.s32 $0x108;
	_ =	swait.ge @!p0 [sflag:s8], $0x0  }
0x24: {  	s3 =	sadd.s32 $0x88, s3;
	s6 =	simm.s32 @!p1 $0x1082;
	[sflag:s4] =	ssyncset.s32 $0xFFFFF086  }
0x25: {  	[simem:s6], [sflag:s4] =	dma.local [hbm:s3], $0xF7A  }
0x26: {  	[smem:$0x3F96] =	sst s1;
	(tag) =	ssettag s2;
	_ =	strace s9  }
0x27: {  	s1 =	sld [smem:$0x3FA6]  }
0x28: {  	s2 =	sld [smem:$0x3FA7]  }
0x29: {  	s4 =	sld [smem:$0x3FA9]  }
0x2a: {  	p0 =	seq.s32 s5, $0x0;
	s5 =	sld [smem:$0x3FAA]  }
0x2b: {  	s6 =	sld [smem:$0x3FAB]  }
0x2c: {  	s7 =	sld [smem:$0x3FAC]  }
0x2d: {  	s3 =	simm.s32 $0x108;
	s8 =	sld [smem:$0x3FAD]  }
0x2e: {  	s3 =	simm.s32 @!p0 $0x1082;
	s9 =	sld [smem:$0x3FAE]  }
0x2f: {  	lr =	sadd.s32 s0, s3;
	s0 =	sld [smem:$0x3FA5]  }
0x30: {  	s3 =	sld [smem:$0x3FA8]  }
0x31: {  	[smem:$0x3FB1] =	sst s10  }
0x32: {  	s10 =	sld [smem:$0x3FAF];
	_ =	sdelay $0x3  }
0x33: {  	p0 =	seq.s32 s10, $0x1;
	s10 =	sld [smem:$0x3FB1];
	_ =	sdelay $0x3  }
0x34: {  	[smem:$0x3FB1] =	sst s10  }
0x35: {  	s10 =	sld [smem:$0x3FB0];
	_ =	sdelay $0x3  }
0x36: {  	p1 =	seq.s32 s10, $0x1;
	s10 =	sld [smem:$0x3FB1];
	_ =	sdelay $0x3  }
0x37: {  	[smem:$0x3FB1] =	sst s10  }
0x38: {  	s10 =	sld [smem:$0x3FB2]  }
0x39: {  	_ = 	snop;
	(pc) =	sbr.ind lr, $3  }
0x3a: {  	_ = 	snop  }
0x3b: {  	_ = 	snop  }
0x3c: {  	p2 =	seq.s32 s10, $0x1;
	s10 =	sld [smem:$0x3FB1]  }
0x3d: {  	_ =	shalt  }
0x3e: {  	_ =	shalt  }
0x3f: {  	_ =	shalt  }
0x40: {  	_ =	shalt  }
0x41: {  	_ =	shalt  }
0x42: {  	_ =	shalt  }
0x43: {  	_ =	shalt  }
0x44: {  	_ =	shalt  }
0x45: {  	_ =	shalt  }
0x46: {  	_ =	shalt  }
0x47: {  	_ =	shalt  }
0x48: {  	_ =	shalt  }
0x49: {  	_ =	shalt  }
0x4a: {  	_ =	shalt  }
0x4b: {  	_ =	shalt  }
0x4c: {  	_ =	shalt  }
0x4d: {  	_ =	shalt  }
0x4e: {  	_ =	shalt  }
0x4f: {  	_ =	shalt  }
0x50: {  	_ =	shalt  }
0x51: {  	_ =	shalt  }
0x52: {  	_ =	shalt  }
0x53: {  	_ =	shalt  }
0x54: {  	_ =	shalt  }
0x55: {  	_ =	shalt  }
0x56: {  	_ =	shalt  }
0x57: {  	_ =	shalt  }
0x58: {  	_ =	shalt  }
0x59: {  	_ =	shalt  }
0x5a: {  	_ =	shalt  }
0x5b: {  	_ =	shalt  }
0x5c: {  	_ =	shalt  }
0x5d: {  	_ =	shalt  }
0x5e: {  	_ =	shalt  }
0x5f: {  	_ =	shalt  }
0x60: {  	_ =	shalt  }
0x61: {  	_ =	shalt  }
0x62: {  	_ =	shalt  }
0x63: {  	_ =	shalt  }
0x64: {  	_ =	shalt  }
0x65: {  	_ =	shalt  }
0x66: {  	_ =	shalt  }
0x67: {  	_ =	shalt  }
0x68: {  	_ =	shalt  }
0x69: {  	_ =	shalt  }
0x6a: {  	_ =	shalt  }
0x6b: {  	_ =	shalt  }
0x6c: {  	_ =	shalt  }
0x6d: {  	_ =	shalt  }
0x6e: {  	_ =	shalt  }
0x6f: {  	_ =	shalt  }
0x70: {  	_ =	shalt  }
0x71: {  	_ =	shalt  }
0x72: {  	_ =	shalt  }
0x73: {  	_ =	shalt  }
0x74: {  	_ =	shalt  }
0x75: {  	_ =	shalt  }
0x76: {  	_ =	shalt  }
0x77: {  	_ =	shalt  }
0x78: {  	_ =	shalt  }
0x79: {  	_ =	shalt  }
0x7a: {  	_ =	shalt  }
0x7b: {  	_ =	shalt  }
0x7c: {  	_ =	shalt  }
0x7d: {  	_ =	shalt  }
0x7e: {  	_ =	shalt  }
0x7f: {  	_ =	shalt  }
0x80: {  	_ =	shalt  }
0x81: {  	_ =	shalt  }
0x82: {  	_ =	shalt  }
0x83: {  	_ =	shalt  }
0x84: {  	_ =	shalt  }
0x85: {  	_ =	shalt  }
0x86: {  	_ =	shalt  }
0x87: {  	_ =	shalt  }
.Lfunc_end0:
.L_simem_size_0:
called_computation.1_lowered:
.L_overlay_start_0:
0x88: {  	s2 =	sld [smem:$0x3FD9]  }
0x89: {  	s3 =	sld [smem:$0x3FFE];
	_ =	sdelay $0x1  }
0x8a: {  	s1 =	srdreg.scid  }
0x8b: {  	s0 =	sand.u32 $0x1, s1  }
0x8c: {  	s16 =	sshll.u32 s0, $0xA;
	s2 =	sadd.s32 s3, s2  }
0x8d: {  	s2 =	sadd.s32 s2, s16  }
0x8e: {  	[smem:$0x3FBD] =	sst s2  }
0x8f: {  	_ = 	snop  }
0x90: {  	(tm) =	ssettm $0x1  }
0x91: {  	s17 =	sld [smem:$0x3FFB];
	_ =	sdelay $0x3  }
0x92: {  	_ =	strace s17  }
0x93: {  	s2 =	sld [smem:$0x3FFC];
	_ =	sdelay $0x3  }
0x94: {  	_ =	strace s2  }
0x95: {  	s2 =	sld [smem:$0x3FFD];
	_ =	sdelay $0x3  }
0x96: {  	_ =	strace s2  }
0x97: {  	_ =	strace $0x8FFFFFFF  }
0x98: {  	s18 =	sld [smem:$0x3FDB];
	_ =	sdelay $0x1  }
0x99: {  	s19 =	simm.s32 $_scs_section_size  }
0x9a: {  	s4 =	simm.s32 $_size__tile_overlayer_lowered;
	s5 =	simm.s32 $_tile_overlayer_lowered  }
0x9b: {  	s22 =	simm.s32 $0x1BFF;
	s21 =	sshll.u32 s5, $0x1;
	s2 =	sadd.s32 s19, s18  }
0x9c: {  	s6 =	simm.s32 $0x0;
	s20 =	sshll.u32 s4, $0x1;
	s4 =	sadd.s32 s21, s2  }
0x9d: {  	[timem:s6], [sflag:s22] =	dma.local [hbm:s4], s20  }
0x9e: {  	_ =	swait.ge [sflag:s22], s20  }
0x9f: {  	s3 =	ssub.s32 $0x0, s20;
	[sflag:s22] =	ssyncset.done $0x0  }
0xa0: {  	[sflag:s22] =	ssyncadd.s32 s3;
	_ =	sdelay $0x1  }
0xa1: {  	s23 =	simm.s32 $0x1B8B  }
0xa2: {  	_ =	swait.ge [sflag:s23], $0x1  }
0xa3: {  	[sflag:s23] =	ssyncset.done $0x0  }
0xa4: {  	s25 =	simm.s32 $0x1B8E;
	s24 =	sld [smem:$0x3FFE];
	[sflag:s23] =	ssyncadd.s32 $0xFFFFFFFF  }
0xa5: {  	s26 =	simm.s32 $execute0_lowered;
	[smem:$0x3FD2] =	sst s25  }
0xa6: {  	s4 =	sshll.u32 s26, $0x1;
	_ =	strace $0x80000049;
	[dreg:$0x1] =	wrdreg $0xFFFFFFFF  }
0xa7: {  	s28 =	simm.s32 $_size_execute0_lowered;
	s2 =	sadd.s32 s2, s4;
	[dreg:$0x0] =	wrdreg $0x0  }
0xa8: {  	s4 =	sshll.u32 s28, $0x1;
	[dreg:$0x2] =	wrdreg s2  }
0xa9: {  	[dreg:$0x3] =	wrdreg s4  }
0xaa: {  	[dreg:$0x4] =	wrdreg $0xC0  }
0xab: {  	_ =	task [dreg:s6], $0x5FFFF  }
0xac: {  	[dreg:$0x1] =	wrdreg $0xFFFFFFFF  }
0xad: {  	[dreg:$0x0] =	wrdreg $0x60  }
0xae: {  	[dreg:$0x2] =	wrdreg s24  }
0xaf: {  	[dreg:$0x3] =	wrdreg $0x0  }
0xb0: {  	[dreg:$0x4] =	wrdreg $0x9  }
0xb1: {  	_ =	task.clear_ibuf [dreg:s6], $0x5FFFF;
	_ =	strace $0x90000049  }
0xb2: {  	s29 =	simm.s32 $0x9;
	_ =	strace $0x8000004B  }
0xb3: {  	_ =	swait.ge [sflag:s29], $0x1  }
0xb4: {  	[sflag:s29] =	ssyncadd.s32 $0xFFFFFFFF  }
0xb5: {  	_ =	strace $0x9000004B  }
0xb6: {  	_ =	sfence  }
0xb7: {  	s30 =	sld [smem:$0x0];
	_ =	sdelay $0x2  }
0xb8: {  	s31 =	sshll.u32 s1, $0xD;
	s1 =	sshrl.u32 s1, $0x2  }
0xb9: {  	s3 =	sand.u32 $0x4000, s31;
	s1 =	sadd.s32 s1, s30  }
0xba: {  	s0 =	sor.u32 s3, s0;
	s1 =	sshll.u32 s1, $0x11  }
0xbb: {  	s0 =	sor.u32 s1, s0  }
0xbc: {  	s0 =	sadd.s32 $0x8F2B, s0  }
0xbd: {  	[sflag:s0] =	ssyncadd.remote.s32 $0x1  }
0xbe: {  	_ =	sfence.sel $0xFFFF  }
0xbf: {  	[dreg:$0x0] =	wrdreg $0xFFFFFFFF;
	(pc) =	sbr.abs _section_cstart, $3  }
0xc0: {  	[dreg:$0x1] =	wrdreg $0xFFFFFFFF  }
0xc1: {  	_ =	task.clear_ibuf [dreg:s6], $0x2FFFF;
	_ =	strace $0x9FFFFFFF  }
0xc2: {  	(tm) =	ssettm $0x7FFFFFFF  }
0xc3: {  	_ =	shalt  }
tec
execute0_lowered:
.L_overlay_start_1:
0x0: {  	(tag) =	ssettag $0x1  }
0x1: {  	s0 =	rddreg [dreg:$0x0]  }
0x2: {  	s2 =	rddreg [dreg:$0x1]  }
0x3: {  	s3 =	simm.s32 $0x0;
	s14 =	stileid.u32;
	s5 =	srdreg.scid  }
0x4: {  	s29 =	simm.s32 $0x40;
	s15 =	simm.s32 $0x4;
	[smem:$0x7FF] =	sst s3  }
0x5: {  	s1 =	smul.u32 $0x13C00, s14;
	s4 =	sadd.s32 $0x57AC00, s0;
	s8 =	sand.u32 $0x1, s5  }
0x6: {  	s5 =	sadd.s32 $0x139B000, s0;
	s6 =	sadd.s32 $0x7400, s0;
	s7 =	sadd.s32 $0x11200, s0  }
0x7: {  	s19 =	sshll.u32 s14, $0x1;
	s11 =	smul.u32 $0x4F000, s14;
	s21 =	sshll.u32 s14, $0x6  }
0x8: {  	s14 =	simm.s32 $0x6;
	_ =	strace $0x8000004A;
	s10 =	smul.u32 $0x13C000, s8  }
0x9: {  	s12 =	ssub.s32 $0x2, s8;
	s16 =	sor.u32 $0x1C09, s21;
	s9 =	sshrl.u32 s1, $0x3  }
0xa: {  	s13 =	sshrl.u32 s12, $0x1;
	s11 =	sshrl.u32 s11, $0x2;
	[dreg:$0x4] =	wrdreg s16  }
0xb: {  	s9 =	sadd.s32 s9, s0;
	s1 =	sadd.s32 s1, s10;
	s10 =	sor.u32 s8, s19  }
0xc: {  	s20 =	ssub.s32 s12, s13;
	s11 =	sadd.s32 s11, s2;
	s8 =	smul.u32 $0x2740, s10  }
0xd: {  	s12 =	simm.s32 $0x1;
	s1 =	sshrl.u32 s1, $0x3;
	s24 =	smul.u32 $0x27400, s10  }
0xe: {  	s9 =	sadd.s32 $0x553400, s9;
	s13 =	smul.u32 $0x13A000, s10;
	s31 =	smax.u32 s20, $0x1  }
0xf: {  	s10 =	sshrl.u32 s11, $0x3;
	s20 =	simm.s32 $0x0;
	[dreg:$0x3] =	wrdreg s9  }
0x10: {  	s0 =	sadd.s32 s1, s0;
	[dreg:$0xb] =	wrdreg s31;
	s1 =	simm.s32 $0x3  }
0x11: {  	[dreg:$0xc] =	wrdreg s10;
	s22 =	sshrl.u32 s8, $0x3;
	s30 =	sadd.s32 s5, s24  }
0x12: {  	s17 =	sadd.s32 $0x80, s8;
	s18 =	sadd.s32 $0x4000, s13;
	s19 =	sadd.s32 $0xC0, s8  }
0x13: {  	s0 =	sadd.s32 $0x5CAC00, s0;
	s24 =	simm.s32 $0x13C00;
	[dreg:$0x9] =	wrdreg s30  }
.Ltmp0:
0x14: {  	s25 =	sadd.s32 s6, s22;
	[dreg:$0xa] =	wrdreg s0;
	(pc) =	sbr.rel .LBB2_1-.Ltmp0, $4  }
0x15: {  	s23 =	sadd.s32 $0x8, s22;
	s28 =	sadd.s32 s7, s22;
	[dreg:$0x5] =	wrdreg s25  }
0x16: {  	s0 =	simm.s32 $0x5;
	s26 =	sadd.s32 s6, s23;
	[dreg:$0x7] =	wrdreg s28  }
0x17: {  	s9 =	sadd.s32 s7, s23;
	s23 =	simm.s32 $0x9;
	[dreg:$0x6] =	wrdreg s26  }
0x18: {  	s25 =	simm.s32 $0x1BE00;
	[dreg:$0x8] =	wrdreg s9;
	s26 =	simm.s32 $0x13D00  }
.LBB2_10:
0x19: {  	s9 =	simm.s32 $0x8  }
0x1a: {  	_ =	swait.ge [sflag:s9], $0x2000  }
0x1b: {  	[sflag:s9] =	ssyncset.done $0x0  }
0x1c: {  	s28 =	simm.s32 $0x7;
	[sflag:s9] =	ssyncadd.s32 $0xFFFFE000  }
0x1d: {  	_ =	swait.ge [sflag:s28], $0x2000  }
0x1e: {  	[sflag:s28] =	ssyncset.done $0x0  }
0x1f: {  	[sflag:s28] =	ssyncadd.s32 $0xFFFFE000  }
0x20: {  	[bflag:$0x0] =	sbarrier.arrive $0xFFFF  }
0x21: {  	s16 =	rddreg [dreg:$0x4]  }
0x22: {  	s30 =	rddreg [dreg:$0xa]  }
0x23: {  	s10 =	rddreg [dreg:$0xc]  }
0x24: {  	[hbm:s30], [sflag:s16] =	dma.local [spmem:s10], $0x2780  }
0x25: {  	_ =	swait.ge [sflag:s23], $0x2780  }
0x26: {  	s20 =	sadd.s32 $0x1, s20;
	s31 =	rddreg [dreg:$0xb]  }
0x27: {  	p0 =	sne.s32 s20, s31  }
.Ltmp1:
0x28: {  	_ = 	snop;
	(pc) =	sbr.rel @!p0 .LBB2_11-.Ltmp1, $3  }
0x29: {  	_ =	sdelay $0x1  }
0x2a: {  	[sflag:s23] =	ssyncset.done $0x0  }
0x2b: {  	[sflag:s23] =	ssyncadd.s32 $0xFFFFD880  }
.LBB2_1:
0x2c: {  	s9 =	rddreg [dreg:$0x3]  }
0x2d: {  	[spmem:s10], [sflag:s16] =	dma.local [hbm:s9], $0x2780  }
0x2e: {  	_ =	swait.ge [sflag:s23], $0x2780  }
0x2f: {  	[sflag:s23] =	ssyncset.done $0x0  }
0x30: {  	[sflag:s23] =	ssyncadd.s32 $0xFFFFD880  }
0x31: {  	[bflag:$0x0] =	sbarrier.arrive $0xFFFF  }
0x32: {  	s31 =	rddreg [dreg:$0x5]  }
0x33: {  	[tilespmem:s24], [sflag:$0x9] =	stream.linear.gather [hbm4b:s31+s3], $0x40, $0x38;
	[tilespmem:$0x1FE00] =	vst v63  }
0x34: {  	_ =	swait.ge [sflag:s23], $0x40  }
0x35: {  	[sflag:s23] =	ssyncset.done $0x0  }
0x36: {  	s11 =	simm.s32 $0x13C80;
	s10 =	rddreg [dreg:$0x6];
	[sflag:s23] =	ssyncadd.s32 $0xFFFFFFC0  }
0x37: {  	[tilespmem:s11], [sflag:$0x9] =	stream.linear.gather [hbm4b:s10+s3], $0x40, $0x38;
	[tilespmem:$0x1FE00] =	vst v63  }
0x38: {  	_ =	swait.ge [sflag:s23], $0x40  }
0x39: {  	[sflag:s23] =	ssyncset.done $0x0  }
0x3a: {  	s16 =	rddreg [dreg:$0x7];
	[sflag:s23] =	ssyncadd.s32 $0xFFFFFFC0  }
0x3b: {  	[tilespmem:s26], [sflag:$0x3] =	stream.linear.gather [hbm4b:s16+s3], $0x40, $0x38;
	[tilespmem:$0x1FE00] =	vst v63  }
0x3c: {  	s22 =	simm.s32 $0x13D80;
	s21 =	rddreg [dreg:$0x8]  }
0x3d: {  	[tilespmem:s22], [sflag:$0x4] =	stream.linear.gather [hbm4b:s21+s3], $0x40, $0x38;
	[tilespmem:$0x1FE00] =	vst v63  }
.Ltmp2:
0x3e: {  	_ = 	snop;
	(pc) =	sbr.rel .LBB2_2-.Ltmp2, $4  }
0x3f: {  	s28 =	simm.s32 $0x13E00  }
0x40: {  	[tilespmem:s28], [sflag:$0x5] =	stream.indirect.gather [hbm4b:s4+s29], $0x80, s24, s29, $0xb8;
	[tilespmem:$0x1FE00] =	vst v63  }
0x41: {  	s31 =	simm.s32 $0x17E00;
	s30 =	rddreg [dreg:$0x9];
	s21 =	simm.s32 $0x0  }
0x42: {  	[tilespmem:s31], [sflag:$0x5] =	stream.linear.gather [hbm4b:s30+s3], $0x2000, $0x38;
	[tilespmem:$0x1FE00] =	vst v63  }
.LBB2_9:
0x43: {  	s21 =	sadd.s32 $0x1, s21  }
0x44: {  	p0 =	sne.s32 s21, $0x4F  }
.Ltmp3:
0x45: {  	_ = 	snop;
	(pc) =	sbr.rel @!p0 .LBB2_10-.Ltmp3, $1  }
0x46: {  	_ =	sdelay $0x3  }
.LBB2_2:
0x47: {  	s9 =	sshllo.u32 s21, $0x1  }
0x48: {  	p1 =	sgt.u32 s9, $0x9C  }
0x49: {  	s10 =	simm.s32 @!p1 $0x40;
	s11 =	simm.s32 @!p1 $0x13C80;
	s16 =	simm.s32 @!p1 $0x15E00  }
0x4a: {  	[tilespmem:s16], [sflag:$0x6] =	stream.indirect.gather @!p1 [hbm4b:s4+s10], $0x80, s11, s10, $0xb8;
	[tilespmem:$0x1FE00] =	vst v63  }
0x4b: {  	s10 =	sshll.u32 @!p1 s9, $0xD  }
0x4c: {  	s10 =	sadd.s32 @!p1 s13, s10  }
0x4d: {  	p2 =	seq.s32 s21, $0x4E;
	s10 =	sshrl.u32 @!p1 s10, $0x3  }
0x4e: {  	s11 =	simm.s32 @!p1 $0x0;
	s16 =	simm.s32 @!p1 $0x19E00;
	s10 =	sadd.s32 @!p1 s5, s10  }
0x4f: {  	[tilespmem:s16], [sflag:$0x6] =	stream.linear.gather @!p1 [hbm4b:s10+s11], $0x2000, $0x38;
	[tilespmem:$0x1FE00] =	vst v63  }
0x50: {  	s10 =	sshll.u32 @!p2 s21, $0x7  }
0x51: {  	s10 =	sadd.s32 @!p2 s10, s17  }
0x52: {  	s10 =	sshrl.u32 @!p2 s10, $0x3  }
0x53: {  	s11 =	simm.s32 @!p2 $0x0;
	s16 =	simm.s32 @!p2 $0x13C00;
	s10 =	sadd.s32 @!p2 s6, s10  }
0x54: {  	[tilespmem:s16], [sflag:$0x1] =	stream.linear.gather @!p2 [hbm4b:s10+s11], $0x40, $0x38;
	[tilespmem:$0x1FE00] =	vst v63  }
0x55: {  	_ =	swait.ge [sflag:s0], $0x2000  }
0x56: {  	[sflag:s0] =	ssyncset.done $0x0  }
0x57: {  	[sflag:s0] =	ssyncadd.s32 $0xFFFFE000  }
0x58: {  	_ =	swait.ge [sflag:s0], $0x2000  }
0x59: {  	p0 =	seq.s32 s21, $0x0;
	[sflag:s0] =	ssyncset.done $0x0  }
0x5a: {  	s10 =	simm.s32 @!p0 $0x7;
	[sflag:s0] =	ssyncadd.s32 $0xFFFFE000  }
0x5b: {  	s11 =	sshll.u32 @!p0 s21, $0x7;
	_ =	swait.ge @!p0 [sflag:s10], $0x2000  }
0x5c: {  	s11 =	sadd.s32 @!p0 s8, s11;
	[sflag:s10] =	ssyncset.done @!p0 $0x0  }
0x5d: {  	[sflag:s10] =	ssyncadd.s32 @!p0 $0xFFFFE000;
	s10 =	sshrl.u32 @!p0 s11, $0x3  }
0x5e: {  	s16 =	simm.s32 @!p0 $0x13D00;
	s11 =	simm.s32 @!p0 $0x0;
	s10 =	sadd.s32 @!p0 s7, s10  }
0x5f: {  	[tilespmem:s16], [sflag:$0x3] =	stream.linear.gather @!p0 [hbm4b:s10+s11], $0x40, $0x38;
	[tilespmem:$0x1FE00] =	vst v63  }
0x60: {  	s11 =	simm.s32 $0x17F00  }
0x61: {  	s22 =	simm.s32 $0x13F00;
	v0 =	vld [tilespmem:s11+$0x80]  }
0x62: {  	v1 =	vld [tilespmem:s22+$0x80];
	_ =	sdelay $0x2  }
0x63: {  	v2 =	vld [tilespmem:s11+$0xFFFFFF80]  }
0x64: {  	v4 =	vld [tilespmem:s11+$0xFFFFFF00];
	v3 =	vshll.u32 v0, $0x10  }
0x65: {  	v5 =	vld [tilespmem:s22+$0xFFFFFF80];
	v1 =	vmul.f32 v3, v1  }
0x66: {  	s10 =	simm.s32 $0x1BF00;
	v3 =	vld [tilespmem:s22+$0xFFFFFF00]  }
0x67: {  	[tilespmem:s10+$0x80] =	vst v1  }
0x68: {  	v1 =	vld [tilespmem:s22+$0x90]  }
0x69: {  	v6 =	vld [tilespmem:s11+$0x0];
	v9 =	vshll.u32 v2, $0x10  }
0x6a: {  	v7 =	vld [tilespmem:s22+$0x0];
	v8 =	vshll.u32 v4, $0x10;
	v5 =	vmul.f32 v9, v5  }
0x6b: {  	v3 =	vmul.f32 v8, v3  }
0x6c: {  	v0 =	vand.u32 $0xFFFF0000, v0;
	[tilespmem:s10+$0xFFFFFF80] =	vst v5  }
0x6d: {  	v5 =	vld [tilespmem:s22+$0xFFFFFF90];
	[tilespmem:s10+$0xFFFFFF00] =	vst v3;
	v0 =	vmul.f32 v0, v1  }
0x6e: {  	v1 =	vshll.u32 v6, $0x10;
	v3 =	vld [tilespmem:s22+$0xFFFFFF10]  }
0x6f: {  	v1 =	vmul.f32 v1, v7;
	[tilespmem:s10+$0x90] =	vst v0  }
0x70: {  	v0 =	vld [tilespmem:s11+$0x90]  }
0x71: {  	v2 =	vand.u32 $0xFFFF0000, v2;
	[tilespmem:s10+$0x0] =	vst v1;
	v1 =	vld [tilespmem:s22+$0xA0]  }
0x72: {  	v4 =	vand.u32 $0xFFFF0000, v4;
	v2 =	vmul.f32 v2, v5  }
0x73: {  	v7 =	vld [tilespmem:s22+$0x10];
	v3 =	vmul.f32 v4, v3  }
0x74: {  	[tilespmem:s10+$0xFFFFFF90] =	vst v2  }
0x75: {  	[tilespmem:s10+$0xFFFFFF10] =	vst v3;
	v3 =	vshll.u32 v0, $0x10  }
0x76: {  	v2 =	vld [tilespmem:s11+$0xFFFFFF90];
	v1 =	vmul.f32 v3, v1  }
0x77: {  	v4 =	vand.u32 $0xFFFF0000, v6;
	v5 =	vld [tilespmem:s11+$0xFFFFFF10]  }
0x78: {  	v3 =	vmul.f32 v4, v7;
	v4 =	vld [tilespmem:s22+$0xFFFFFF20];
	[tilespmem:s10+$0xA0] =	vst v1  }
0x79: {  	v1 =	vld [tilespmem:s22+$0xB0]  }
0x7a: {  	v6 =	vld [tilespmem:s22+$0xFFFFFFA0];
	[tilespmem:s10+$0x10] =	vst v3  }
0x7b: {  	v3 =	vld [tilespmem:s11+$0x10]  }
0x7c: {  	v8 =	vld [tilespmem:s22+$0x20];
	v7 =	vshll.u32 v5, $0x10  }
0x7d: {  	v0 =	vand.u32 $0xFFFF0000, v0;
	v4 =	vmul.f32 v7, v4  }
0x7e: {  	v0 =	vmul.f32 v0, v1  }
0x7f: {  	[tilespmem:s10+$0xFFFFFF20] =	vst v4;
	v1 =	vshll.u32 v2, $0x10  }
0x80: {  	v4 =	vshll.u32 v3, $0x10;
	v7 =	vld [tilespmem:s22+$0xFFFFFF30];
	v1 =	vmul.f32 v1, v6;
	[tilespmem:s10+$0xB0] =	vst v0  }
0x81: {  	v0 =	vmul.f32 v4, v8;
	v8 =	vld [tilespmem:s11+$0xA0]  }
0x82: {  	[tilespmem:s10+$0xFFFFFFA0] =	vst v1;
	v1 =	vld [tilespmem:s22+$0xC0]  }
0x83: {  	v4 =	vld [tilespmem:s22+$0xFFFFFFB0];
	[tilespmem:s10+$0x20] =	vst v0  }
0x84: {  	v0 =	vand.u32 $0xFFFF0000, v5;
	v5 =	vld [tilespmem:s22+$0x30]  }
0x85: {  	v0 =	vmul.f32 v0, v7  }
0x86: {  	v6 =	vshll.u32 v8, $0x10  }
0x87: {  	v2 =	vand.u32 $0xFFFF0000, v2;
	[tilespmem:s10+$0xFFFFFF30] =	vst v0;
	v0 =	vmul.f32 v6, v1  }
0x88: {  	v1 =	vand.u32 $0xFFFF0000, v3;
	v6 =	vld [tilespmem:s11+$0xFFFFFF20];
	v2 =	vmul.f32 v2, v4  }
0x89: {  	v7 =	vld [tilespmem:s22+$0xFFFFFF40];
	v1 =	vmul.f32 v1, v5;
	[tilespmem:s10+$0xC0] =	vst v0  }
0x8a: {  	[tilespmem:s10+$0xFFFFFFB0] =	vst v2;
	v3 =	vld [tilespmem:s22+$0xD0]  }
0x8b: {  	v2 =	vld [tilespmem:s11+$0xFFFFFFA0];
	[tilespmem:s10+$0x30] =	vst v1  }
0x8c: {  	v1 =	vld [tilespmem:s11+$0x20]  }
0x8d: {  	s30 =	simm.s32 $0x0;
	v4 =	vld [tilespmem:s22+$0xFFFFFFC0];
	v5 =	vshll.u32 v6, $0x10  }
0x8e: {  	s31 =	simm.s32 $0x18100;
	s28 =	simm.s32 $0x13F00;
	s16 =	simm.s32 $0x1BF00;
	v0 =	vand.u32 $0xFFFF0000, v6;
	v6 =	vmul.f32 v5, v7;
	v5 =	vld [tilespmem:s22+$0x40];
	v7 =	vand.u32 $0xFFFF0000, v8  }
.LBB2_3:
0x8f: {  	v8 =	vld [tilespmem:s31+$0x80];
	s30 =	sadd.s32 $0x4, s30;
	v3 =	vmul.f32 v7, v3;
	s22 =	sadd.s32 $0x200, s22  }
0x90: {  	v7 =	vld [tilespmem:s22+$0x80];
	p3 =	slt.u32 s30, $0x3C;
	[tilespmem:s10+$0xFFFFFF40] =	vst v6;
	v6 =	vshll.u32 v2, $0x10;
	v2 =	vand.u32 $0xFFFF0000, v2  }
0x91: {  	v9 =	vld [tilespmem:s31+$0xFFFFFF80];
	v10 =	vshll.u32 v1, $0x10;
	v1 =	vand.u32 $0xFFFF0000, v1;
	[tilespmem:s10+$0xD0] =	vst v3  }
0x92: {  	v3 =	vmul.f32 v6, v4;
	v4 =	vld [tilespmem:s11+$0xB0]  }
0x93: {  	v5 =	vmul.f32 v10, v5;
	v6 =	vld [tilespmem:s28+$0xE0]  }
0x94: {  	v10 =	vld [tilespmem:s31+$0x0];
	v11 =	vshll.u32 v8, $0x10;
	[tilespmem:s10+$0xFFFFFFC0] =	vst v3  }
0x95: {  	v3 =	vld [tilespmem:s31+$0xFFFFFF00];
	v7 =	vmul.f32 v11, v7;
	[tilespmem:s10+$0x40] =	vst v5  }
0x96: {  	s10 =	sadd.s32 $0x200, s10;
	v5 =	vld [tilespmem:s22+$0xFFFFFF00];
	v11 =	vshll.u32 v9, $0x10;
	v9 =	vand.u32 $0xFFFF0000, v9  }
0x97: {  	v12 =	vld [tilespmem:s22+$0xFFFFFF80];
	[tilespmem:s10+$0x80] =	vst v7;
	v7 =	vshll.u32 v4, $0x10  }
0x98: {  	v13 =	vld [tilespmem:s22+$0x90];
	v6 =	vmul.f32 v7, v6  }
0x99: {  	v7 =	vshll.u32 v10, $0x10;
	v10 =	vand.u32 $0xFFFF0000, v10;
	v14 =	vld [tilespmem:s22+$0x0]  }
0x9a: {  	v15 =	vshll.u32 v3, $0x10;
	v3 =	vand.u32 $0xFFFF0000, v3;
	v16 =	vld [tilespmem:s28+$0xFFFFFF50];
	[tilespmem:s16+$0xE0] =	vst v6  }
0x9b: {  	v5 =	vmul.f32 v15, v5;
	v6 =	vld [tilespmem:s28+$0xF0]  }
0x9c: {  	v8 =	vand.u32 $0xFFFF0000, v8;
	v11 =	vmul.f32 v11, v12;
	v12 =	vld [tilespmem:s28+$0xFFFFFFD0]  }
0x9d: {  	[tilespmem:s10+$0xFFFFFF00] =	vst v5;
	v5 =	vmul.f32 v8, v13;
	v8 =	vld [tilespmem:s28+$0x50]  }
0x9e: {  	v13 =	vld [tilespmem:s22+$0xFFFFFF10];
	[tilespmem:s10+$0xFFFFFF80] =	vst v11;
	v7 =	vmul.f32 v7, v14  }
0x9f: {  	v4 =	vand.u32 $0xFFFF0000, v4;
	v11 =	vld [tilespmem:s22+$0xFFFFFF90];
	[tilespmem:s10+$0x90] =	vst v5;
	v0 =	vmul.f32 v0, v16  }
0xa0: {  	[tilespmem:s10+$0x0] =	vst v7;
	v5 =	vld [tilespmem:s31+$0x90];
	v4 =	vmul.f32 v4, v6  }
0xa1: {  	v6 =	vld [tilespmem:s22+$0xA0];
	[tilespmem:s16+$0xFFFFFF50] =	vst v0;
	v0 =	vmul.f32 v2, v12  }
0xa2: {  	v2 =	vld [tilespmem:s22+$0x10];
	v1 =	vmul.f32 v1, v8;
	[tilespmem:s16+$0xF0] =	vst v4  }
0xa3: {  	v3 =	vmul.f32 v3, v13;
	v4 =	vld [tilespmem:s11+$0xFFFFFF30];
	[tilespmem:s16+$0xFFFFFFD0] =	vst v0  }
0xa4: {  	v0 =	vmul.f32 v9, v11;
	v7 =	vld [tilespmem:s11+$0xFFFFFFB0];
	[tilespmem:s16+$0x50] =	vst v1  }
0xa5: {  	[tilespmem:s10+$0xFFFFFF10] =	vst v3;
	v1 =	vshll.u32 v5, $0x10;
	v3 =	vld [tilespmem:s11+$0x30];
	s11 =	smov.u32 s31  }
0xa6: {  	v8 =	vld [tilespmem:s31+$0xFFFFFF10];
	[tilespmem:s10+$0xFFFFFF90] =	vst v0;
	v0 =	vmul.f32 v1, v6  }
0xa7: {  	v1 =	vld [tilespmem:s31+$0xFFFFFF90];
	v2 =	vmul.f32 v10, v2  }
0xa8: {  	v6 =	vld [tilespmem:s22+$0xFFFFFF20];
	[tilespmem:s10+$0xA0] =	vst v0;
	v0 =	vshll.u32 v4, $0x10;
	v4 =	vand.u32 $0xFFFF0000, v4  }
0xa9: {  	[tilespmem:s10+$0x10] =	vst v2;
	v2 =	vld [tilespmem:s22+$0xB0];
	v9 =	vshll.u32 v7, $0x10;
	v7 =	vand.u32 $0xFFFF0000, v7  }
0xaa: {  	v10 =	vld [tilespmem:s31+$0x10];
	v11 =	vshll.u32 v3, $0x10;
	v12 =	vand.u32 $0xFFFF0000, v3  }
0xab: {  	v3 =	vshll.u32 v8, $0x10;
	v8 =	vand.u32 $0xFFFF0000, v8;
	v13 =	vld [tilespmem:s22+$0xFFFFFFA0]  }
0xac: {  	v14 =	vshll.u32 v1, $0x10;
	v1 =	vand.u32 $0xFFFF0000, v1;
	v15 =	vld [tilespmem:s22+$0x20]  }
0xad: {  	v5 =	vand.u32 $0xFFFF0000, v5;
	v3 =	vmul.f32 v3, v6;
	v6 =	vld [tilespmem:s28+$0xFFFFFF60]  }
0xae: {  	v2 =	vmul.f32 v5, v2;
	v5 =	vld [tilespmem:s28+$0xFFFFFFE0]  }
0xaf: {  	[tilespmem:s10+$0xFFFFFF20] =	vst v3;
	v3 =	vshll.u32 v10, $0x10;
	v10 =	vand.u32 $0xFFFF0000, v10;
	v16 =	vld [tilespmem:s28+$0x60]  }
0xb0: {  	v17 =	vld [tilespmem:s22+$0xFFFFFF30];
	v13 =	vmul.f32 v14, v13;
	[tilespmem:s10+$0xB0] =	vst v2  }
0xb1: {  	v2 =	vmul.f32 v3, v15;
	v14 =	vld [tilespmem:s31+$0xA0]  }
0xb2: {  	[tilespmem:s10+$0xFFFFFFA0] =	vst v13;
	v3 =	vld [tilespmem:s22+$0xC0];
	v0 =	vmul.f32 v0, v6  }
0xb3: {  	v6 =	vld [tilespmem:s22+$0xFFFFFFB0];
	[tilespmem:s10+$0x20] =	vst v2;
	v2 =	vmul.f32 v9, v5  }
0xb4: {  	v5 =	vld [tilespmem:s22+$0x30];
	[tilespmem:s16+$0xFFFFFF60] =	vst v0;
	v0 =	vmul.f32 v11, v16  }
0xb5: {  	v8 =	vmul.f32 v8, v17;
	v9 =	vld [tilespmem:s28+$0xFFFFFF70];
	[tilespmem:s16+$0xFFFFFFE0] =	vst v2  }
0xb6: {  	v2 =	vshll.u32 v14, $0x10;
	v11 =	vld [tilespmem:s28+$0xFFFFFFF0];
	[tilespmem:s16+$0x60] =	vst v0  }
0xb7: {  	[tilespmem:s10+$0xFFFFFF30] =	vst v8;
	v0 =	vmul.f32 v2, v3;
	v8 =	vld [tilespmem:s28+$0x70];
	s28 =	smov.u32 s22  }
0xb8: {  	v13 =	vld [tilespmem:s31+$0xFFFFFF20];
	v1 =	vmul.f32 v1, v6  }
0xb9: {  	v6 =	vld [tilespmem:s22+$0xFFFFFF40];
	v5 =	vmul.f32 v10, v5;
	[tilespmem:s10+$0xC0] =	vst v0  }
.Ltmp4:
0xba: {  	[tilespmem:s10+$0xFFFFFFB0] =	vst v1;
	v3 =	vld [tilespmem:s22+$0xD0];
	v0 =	vmul.f32 v4, v9;
	(pc) =	sbr.rel @p3 .LBB2_3-.Ltmp4, $4  }
0xbb: {  	v2 =	vld [tilespmem:s31+$0xFFFFFFA0];
	[tilespmem:s10+$0x30] =	vst v5;
	v5 =	vmul.f32 v7, v11  }
0xbc: {  	v1 =	vld [tilespmem:s31+$0x20];
	[tilespmem:s16+$0xFFFFFF70] =	vst v0;
	v8 =	vmul.f32 v12, v8  }
0xbd: {  	v7 =	vshll.u32 v13, $0x10;
	v0 =	vand.u32 $0xFFFF0000, v13;
	v4 =	vld [tilespmem:s22+$0xFFFFFFC0];
	[tilespmem:s16+$0xFFFFFFF0] =	vst v5  }
0xbe: {  	s31 =	sadd.s32 $0x200, s31;
	v6 =	vmul.f32 v7, v6;
	v5 =	vld [tilespmem:s22+$0x40];
	v7 =	vand.u32 $0xFFFF0000, v14;
	[tilespmem:s16+$0x70] =	vst v8;
	s16 =	smov.u32 s10  }
0xbf: {  	_ =	sdelay $0x1  }
0xc0: {  	v8 =	vshll.u32 v2, $0x10  }
0xc1: {  	[tilespmem:s10+$0xFFFFFF40] =	vst v6;
	v4 =	vmul.f32 v8, v4  }
0xc2: {  	v47 =	vshll.u32 v1, $0x10;
	v48 =	vld [tilespmem:s28+$0xFFFFFF50]  }
0xc3: {  	v5 =	vmul.f32 v47, v5;
	[tilespmem:s10+$0xFFFFFFC0] =	vst v4  }
0xc4: {  	v49 =	vld [tilespmem:s28+$0xFFFFFFD0]  }
0xc5: {  	v3 =	vmul.f32 v7, v3;
	[tilespmem:s10+$0x40] =	vst v5  }
0xc6: {  	v50 =	vld [tilespmem:s28+$0x50]  }
0xc7: {  	[tilespmem:s10+$0xD0] =	vst v3;
	v0 =	vmul.f32 v0, v48  }
0xc8: {  	v51 =	vand.u32 $0xFFFF0000, v2;
	v3 =	vld [tilespmem:s11+$0xB0]  }
0xc9: {  	v53 =	vld [tilespmem:s28+$0xE0];
	[tilespmem:s16+$0xFFFFFF50] =	vst v0;
	v2 =	vmul.f32 v51, v49  }
0xca: {  	v52 =	vand.u32 $0xFFFF0000, v1;
	v55 =	vld [tilespmem:s11+$0xFFFFFF30]  }
0xcb: {  	v56 =	vld [tilespmem:s28+$0xFFFFFF60];
	v54 =	vmul.f32 v52, v50;
	[tilespmem:s16+$0xFFFFFFD0] =	vst v2  }
0xcc: {  	v2 =	vld [tilespmem:s11+$0xFFFFFFB0]  }
0xcd: {  	[tilespmem:s16+$0x50] =	vst v54;
	v57 =	vld [tilespmem:s28+$0xFFFFFFE0]  }
0xce: {  	v0 =	vld [tilespmem:s11+$0x30]  }
0xcf: {  	v58 =	vld [tilespmem:s28+$0x60]  }
0xd0: {  	v59 =	vshll.u32 v3, $0x10  }
0xd1: {  	v4 =	vmul.f32 v59, v53;
	v60 =	vshll.u32 v55, $0x10  }
0xd2: {  	v5 =	vmul.f32 v60, v56;
	v61 =	vshll.u32 v2, $0x10  }
0xd3: {  	[tilespmem:s16+$0xE0] =	vst v4;
	v62 =	vshll.u32 v0, $0x10;
	v6 =	vmul.f32 v61, v57  }
0xd4: {  	v63 =	vld [tilespmem:s28+$0xF0];
	[tilespmem:s16+$0xFFFFFF60] =	vst v5;
	v4 =	vmul.f32 v62, v58  }
0xd5: {  	v5 =	vld [tilespmem:s28+$0xFFFFFF70];
	[tilespmem:s16+$0xFFFFFFE0] =	vst v6  }
0xd6: {  	v6 =	vld [tilespmem:s28+$0xFFFFFFF0];
	[tilespmem:s16+$0x60] =	vst v4  }
0xd7: {  	v4 =	vld [tilespmem:s28+$0x70]  }
0xd8: {  	v3 =	vand.u32 $0xFFFF0000, v3  }
0xd9: {  	v1 =	vand.u32 $0xFFFF0000, v55;
	v3 =	vmul.f32 v3, v63  }
0xda: {  	v2 =	vand.u32 $0xFFFF0000, v2;
	v1 =	vmul.f32 v1, v5  }
0xdb: {  	[tilespmem:s16+$0xF0] =	vst v3;
	v0 =	vand.u32 $0xFFFF0000, v0;
	v2 =	vmul.f32 v2, v6  }
0xdc: {  	[tilespmem:s16+$0xFFFFFF70] =	vst v1;
	v0 =	vmul.f32 v0, v4  }
0xdd: {  	[tilespmem:s16+$0xFFFFFFF0] =	vst v2  }
.Ltmp5:
0xde: {  	[tilespmem:s16+$0x70] =	vst v0;
	(pc) =	sbr.rel @p2 .LBB2_10-.Ltmp5, $4  }
0xdf: {  	_ =	swait.ge [sflag:s1], $0x40  }
0xe0: {  	[sflag:s1] =	ssyncset.done $0x0  }
0xe1: {  	[sflag:s1] =	ssyncadd.s32 $0xFFFFFFC0  }
0xe2: {  	[spmem:s2] =	stream.indirect.scatter.add.f32 [tilespmem:s25], [sflag:$0x7], $0x80, s26, s29, $0xb8;
	[tilespmem:$0x1FE00] =	vst v63  }
.Ltmp6:
0xe3: {  	(pc) =	sbr.rel @p1 .LBB2_9-.Ltmp6, $4  }
0xe4: {  	_ = 	snop  }
0xe5: {  	_ =	swait.ge [sflag:s12], $0x40  }
0xe6: {  	[sflag:s12] =	ssyncset.done $0x0  }
0xe7: {  	[sflag:s12] =	ssyncadd.s32 $0xFFFFFFC0  }
0xe8: {  	s10 =	simm.s32 $0x13E00;
	s31 =	sshll.u32 s21, $0xE  }
0xe9: {  	[tilespmem:s10], [sflag:$0x5] =	stream.indirect.gather [hbm4b:s4+s29], $0x80, s24, s29, $0xb8;
	[tilespmem:$0x1FE00] =	vst v63  }
0xea: {  	s10 =	sadd.s32 s31, s18  }
0xeb: {  	s10 =	sshrl.u32 s10, $0x3  }
0xec: {  	s11 =	simm.s32 $0x17E00;
	p1 =	sgt.u32 s21, $0x4C;
	s10 =	sadd.s32 s5, s10  }
0xed: {  	[tilespmem:s11], [sflag:$0x5] =	stream.linear.gather [hbm4b:s10+s3], $0x2000, $0x38;
	[tilespmem:$0x1FE00] =	vst v63  }
0xee: {  	s10 =	sshll.u32 @!p1 s21, $0x7  }
0xef: {  	s10 =	sadd.s32 @!p1 s10, s19  }
0xf0: {  	s10 =	sshrl.u32 @!p1 s10, $0x3  }
0xf1: {  	s16 =	simm.s32 @!p1 $0x13C80;
	s11 =	simm.s32 @!p1 $0x0;
	s10 =	sadd.s32 @!p1 s6, s10  }
0xf2: {  	[tilespmem:s16], [sflag:$0x2] =	stream.linear.gather @!p1 [hbm4b:s10+s11], $0x40, $0x38;
	[tilespmem:$0x1FE00] =	vst v63  }
0xf3: {  	_ =	swait.ge [sflag:s14], $0x2000  }
0xf4: {  	[sflag:s14] =	ssyncset.done $0x0  }
0xf5: {  	[sflag:s14] =	ssyncadd.s32 $0xFFFFE000  }
0xf6: {  	_ =	swait.ge [sflag:s14], $0x2000  }
0xf7: {  	s9 =	sshll.u32 @!p0 s9, $0x6;
	[sflag:s14] =	ssyncset.done $0x0  }
0xf8: {  	s9 =	sadd.s32 @!p0 s8, s9;
	s10 =	simm.s32 @!p0 $0x8;
	[sflag:s14] =	ssyncadd.s32 $0xFFFFE000  }
0xf9: {  	s9 =	sshrl.u32 @!p0 s9, $0x3;
	_ =	swait.ge @!p0 [sflag:s10], $0x2000  }
0xfa: {  	s9 =	sadd.s32 @!p0 s7, s9;
	[sflag:s10] =	ssyncset.done @!p0 $0x0  }
0xfb: {  	s11 =	simm.s32 @!p0 $0x13D80;
	[sflag:s10] =	ssyncadd.s32 @!p0 $0xFFFFE000;
	s10 =	simm.s32 @!p0 $0x0  }
0xfc: {  	[tilespmem:s11], [sflag:$0x4] =	stream.linear.gather @!p0 [hbm4b:s9+s10], $0x40, $0x38;
	[tilespmem:$0x1FE00] =	vst v63  }
0xfd: {  	s9 =	simm.s32 $0x19F00  }
0xfe: {  	s11 =	simm.s32 $0x15F00;
	v0 =	vld [tilespmem:s9+$0x80]  }
0xff: {  	v1 =	vld [tilespmem:s11+$0x80];
	_ =	sdelay $0x2  }
0x100: {  	v2 =	vld [tilespmem:s9+$0xFFFFFF80]  }
0x101: {  	v4 =	vld [tilespmem:s9+$0xFFFFFF00];
	v3 =	vshll.u32 v0, $0x10  }
0x102: {  	v5 =	vld [tilespmem:s11+$0xFFFFFF80];
	v1 =	vmul.f32 v3, v1  }
0x103: {  	s10 =	simm.s32 $0x1DF00;
	v3 =	vld [tilespmem:s11+$0xFFFFFF00]  }
0x104: {  	[tilespmem:s10+$0x80] =	vst v1  }
0x105: {  	v1 =	vld [tilespmem:s11+$0x90]  }
0x106: {  	v6 =	vld [tilespmem:s9+$0x0];
	v9 =	vshll.u32 v2, $0x10  }
0x107: {  	v7 =	vld [tilespmem:s11+$0x0];
	v8 =	vshll.u32 v4, $0x10;
	v5 =	vmul.f32 v9, v5  }
0x108: {  	v3 =	vmul.f32 v8, v3  }
0x109: {  	v0 =	vand.u32 $0xFFFF0000, v0;
	[tilespmem:s10+$0xFFFFFF80] =	vst v5  }
0x10a: {  	v5 =	vld [tilespmem:s11+$0xFFFFFF90];
	[tilespmem:s10+$0xFFFFFF00] =	vst v3;
	v0 =	vmul.f32 v0, v1  }
0x10b: {  	v1 =	vshll.u32 v6, $0x10;
	v3 =	vld [tilespmem:s11+$0xFFFFFF10]  }
0x10c: {  	v1 =	vmul.f32 v1, v7;
	[tilespmem:s10+$0x90] =	vst v0  }
0x10d: {  	v0 =	vld [tilespmem:s9+$0x90]  }
0x10e: {  	v2 =	vand.u32 $0xFFFF0000, v2;
	[tilespmem:s10+$0x0] =	vst v1;
	v1 =	vld [tilespmem:s11+$0xA0]  }
0x10f: {  	v4 =	vand.u32 $0xFFFF0000, v4;
	v2 =	vmul.f32 v2, v5  }
0x110: {  	v7 =	vld [tilespmem:s11+$0x10];
	v3 =	vmul.f32 v4, v3  }
0x111: {  	[tilespmem:s10+$0xFFFFFF90] =	vst v2  }
0x112: {  	[tilespmem:s10+$0xFFFFFF10] =	vst v3;
	v3 =	vshll.u32 v0, $0x10  }
0x113: {  	v2 =	vld [tilespmem:s9+$0xFFFFFF90];
	v1 =	vmul.f32 v3, v1  }
0x114: {  	v4 =	vand.u32 $0xFFFF0000, v6;
	v5 =	vld [tilespmem:s9+$0xFFFFFF10]  }
0x115: {  	v3 =	vmul.f32 v4, v7;
	v4 =	vld [tilespmem:s11+$0xFFFFFF20];
	[tilespmem:s10+$0xA0] =	vst v1  }
0x116: {  	v1 =	vld [tilespmem:s11+$0xB0]  }
0x117: {  	v6 =	vld [tilespmem:s11+$0xFFFFFFA0];
	[tilespmem:s10+$0x10] =	vst v3  }
0x118: {  	v3 =	vld [tilespmem:s9+$0x10]  }
0x119: {  	v8 =	vld [tilespmem:s11+$0x20];
	v7 =	vshll.u32 v5, $0x10  }
0x11a: {  	v0 =	vand.u32 $0xFFFF0000, v0;
	v4 =	vmul.f32 v7, v4  }
0x11b: {  	v0 =	vmul.f32 v0, v1  }
0x11c: {  	[tilespmem:s10+$0xFFFFFF20] =	vst v4;
	v1 =	vshll.u32 v2, $0x10  }
0x11d: {  	v4 =	vshll.u32 v3, $0x10;
	v7 =	vld [tilespmem:s11+$0xFFFFFF30];
	v1 =	vmul.f32 v1, v6;
	[tilespmem:s10+$0xB0] =	vst v0  }
0x11e: {  	v0 =	vmul.f32 v4, v8;
	v8 =	vld [tilespmem:s9+$0xA0]  }
0x11f: {  	[tilespmem:s10+$0xFFFFFFA0] =	vst v1;
	v1 =	vld [tilespmem:s11+$0xC0]  }
0x120: {  	v4 =	vld [tilespmem:s11+$0xFFFFFFB0];
	[tilespmem:s10+$0x20] =	vst v0  }
0x121: {  	v0 =	vand.u32 $0xFFFF0000, v5;
	v5 =	vld [tilespmem:s11+$0x30]  }
0x122: {  	v0 =	vmul.f32 v0, v7  }
0x123: {  	v6 =	vshll.u32 v8, $0x10  }
0x124: {  	v2 =	vand.u32 $0xFFFF0000, v2;
	[tilespmem:s10+$0xFFFFFF30] =	vst v0;
	v0 =	vmul.f32 v6, v1  }
0x125: {  	v1 =	vand.u32 $0xFFFF0000, v3;
	v6 =	vld [tilespmem:s9+$0xFFFFFF20];
	v2 =	vmul.f32 v2, v4  }
0x126: {  	v7 =	vld [tilespmem:s11+$0xFFFFFF40];
	v1 =	vmul.f32 v1, v5;
	[tilespmem:s10+$0xC0] =	vst v0  }
0x127: {  	[tilespmem:s10+$0xFFFFFFB0] =	vst v2;
	v3 =	vld [tilespmem:s11+$0xD0]  }
0x128: {  	v2 =	vld [tilespmem:s9+$0xFFFFFFA0];
	[tilespmem:s10+$0x30] =	vst v1  }
0x129: {  	v1 =	vld [tilespmem:s9+$0x20]  }
0x12a: {  	s28 =	simm.s32 $0x0;
	v4 =	vld [tilespmem:s11+$0xFFFFFFC0];
	v5 =	vshll.u32 v6, $0x10  }
0x12b: {  	s30 =	simm.s32 $0x1A100;
	s22 =	simm.s32 $0x15F00;
	s16 =	simm.s32 $0x1DF00;
	v0 =	vand.u32 $0xFFFF0000, v6;
	v6 =	vmul.f32 v5, v7;
	v5 =	vld [tilespmem:s11+$0x40];
	v7 =	vand.u32 $0xFFFF0000, v8  }
.LBB2_7:
0x12c: {  	v8 =	vld [tilespmem:s30+$0x80];
	s28 =	sadd.s32 $0x4, s28;
	v3 =	vmul.f32 v7, v3;
	s11 =	sadd.s32 $0x200, s11  }
0x12d: {  	v7 =	vld [tilespmem:s11+$0x80];
	p0 =	slt.u32 s28, $0x3C;
	[tilespmem:s10+$0xFFFFFF40] =	vst v6;
	v6 =	vshll.u32 v2, $0x10;
	v2 =	vand.u32 $0xFFFF0000, v2  }
0x12e: {  	v9 =	vld [tilespmem:s30+$0xFFFFFF80];
	v10 =	vshll.u32 v1, $0x10;
	v1 =	vand.u32 $0xFFFF0000, v1;
	[tilespmem:s10+$0xD0] =	vst v3  }
0x12f: {  	v3 =	vmul.f32 v6, v4;
	v4 =	vld [tilespmem:s9+$0xB0]  }
0x130: {  	v5 =	vmul.f32 v10, v5;
	v6 =	vld [tilespmem:s22+$0xE0]  }
0x131: {  	v10 =	vld [tilespmem:s30+$0x0];
	v11 =	vshll.u32 v8, $0x10;
	[tilespmem:s10+$0xFFFFFFC0] =	vst v3  }
0x132: {  	v3 =	vld [tilespmem:s30+$0xFFFFFF00];
	v7 =	vmul.f32 v11, v7;
	[tilespmem:s10+$0x40] =	vst v5  }
0x133: {  	s10 =	sadd.s32 $0x200, s10;
	v5 =	vld [tilespmem:s11+$0xFFFFFF00];
	v11 =	vshll.u32 v9, $0x10;
	v9 =	vand.u32 $0xFFFF0000, v9  }
0x134: {  	v12 =	vld [tilespmem:s11+$0xFFFFFF80];
	[tilespmem:s10+$0x80] =	vst v7;
	v7 =	vshll.u32 v4, $0x10  }
0x135: {  	v13 =	vld [tilespmem:s11+$0x90];
	v6 =	vmul.f32 v7, v6  }
0x136: {  	v7 =	vshll.u32 v10, $0x10;
	v10 =	vand.u32 $0xFFFF0000, v10;
	v14 =	vld [tilespmem:s11+$0x0]  }
0x137: {  	v15 =	vshll.u32 v3, $0x10;
	v3 =	vand.u32 $0xFFFF0000, v3;
	v16 =	vld [tilespmem:s22+$0xFFFFFF50];
	[tilespmem:s16+$0xE0] =	vst v6  }
0x138: {  	v5 =	vmul.f32 v15, v5;
	v6 =	vld [tilespmem:s22+$0xF0]  }
0x139: {  	v8 =	vand.u32 $0xFFFF0000, v8;
	v11 =	vmul.f32 v11, v12;
	v12 =	vld [tilespmem:s22+$0xFFFFFFD0]  }
0x13a: {  	[tilespmem:s10+$0xFFFFFF00] =	vst v5;
	v5 =	vmul.f32 v8, v13;
	v8 =	vld [tilespmem:s22+$0x50]  }
0x13b: {  	v13 =	vld [tilespmem:s11+$0xFFFFFF10];
	[tilespmem:s10+$0xFFFFFF80] =	vst v11;
	v7 =	vmul.f32 v7, v14  }
0x13c: {  	v4 =	vand.u32 $0xFFFF0000, v4;
	v11 =	vld [tilespmem:s11+$0xFFFFFF90];
	[tilespmem:s10+$0x90] =	vst v5;
	v0 =	vmul.f32 v0, v16  }
0x13d: {  	[tilespmem:s10+$0x0] =	vst v7;
	v5 =	vld [tilespmem:s30+$0x90];
	v4 =	vmul.f32 v4, v6  }
0x13e: {  	v6 =	vld [tilespmem:s11+$0xA0];
	[tilespmem:s16+$0xFFFFFF50] =	vst v0;
	v0 =	vmul.f32 v2, v12  }
0x13f: {  	v2 =	vld [tilespmem:s11+$0x10];
	v1 =	vmul.f32 v1, v8;
	[tilespmem:s16+$0xF0] =	vst v4  }
0x140: {  	v3 =	vmul.f32 v3, v13;
	v4 =	vld [tilespmem:s9+$0xFFFFFF30];
	[tilespmem:s16+$0xFFFFFFD0] =	vst v0  }
0x141: {  	v0 =	vmul.f32 v9, v11;
	v7 =	vld [tilespmem:s9+$0xFFFFFFB0];
	[tilespmem:s16+$0x50] =	vst v1  }
0x142: {  	[tilespmem:s10+$0xFFFFFF10] =	vst v3;
	v1 =	vshll.u32 v5, $0x10;
	v3 =	vld [tilespmem:s9+$0x30];
	s9 =	smov.u32 s30  }
0x143: {  	v8 =	vld [tilespmem:s30+$0xFFFFFF10];
	[tilespmem:s10+$0xFFFFFF90] =	vst v0;
	v0 =	vmul.f32 v1, v6  }
0x144: {  	v1 =	vld [tilespmem:s30+$0xFFFFFF90];
	v2 =	vmul.f32 v10, v2  }
0x145: {  	v6 =	vld [tilespmem:s11+$0xFFFFFF20];
	[tilespmem:s10+$0xA0] =	vst v0;
	v0 =	vshll.u32 v4, $0x10;
	v4 =	vand.u32 $0xFFFF0000, v4  }
0x146: {  	[tilespmem:s10+$0x10] =	vst v2;
	v2 =	vld [tilespmem:s11+$0xB0];
	v9 =	vshll.u32 v7, $0x10;
	v7 =	vand.u32 $0xFFFF0000, v7  }
0x147: {  	v10 =	vld [tilespmem:s30+$0x10];
	v11 =	vshll.u32 v3, $0x10;
	v12 =	vand.u32 $0xFFFF0000, v3  }
0x148: {  	v3 =	vshll.u32 v8, $0x10;
	v8 =	vand.u32 $0xFFFF0000, v8;
	v13 =	vld [tilespmem:s11+$0xFFFFFFA0]  }
0x149: {  	v14 =	vshll.u32 v1, $0x10;
	v1 =	vand.u32 $0xFFFF0000, v1;
	v15 =	vld [tilespmem:s11+$0x20]  }
0x14a: {  	v5 =	vand.u32 $0xFFFF0000, v5;
	v3 =	vmul.f32 v3, v6;
	v6 =	vld [tilespmem:s22+$0xFFFFFF60]  }
0x14b: {  	v2 =	vmul.f32 v5, v2;
	v5 =	vld [tilespmem:s22+$0xFFFFFFE0]  }
0x14c: {  	[tilespmem:s10+$0xFFFFFF20] =	vst v3;
	v3 =	vshll.u32 v10, $0x10;
	v10 =	vand.u32 $0xFFFF0000, v10;
	v16 =	vld [tilespmem:s22+$0x60]  }
0x14d: {  	v17 =	vld [tilespmem:s11+$0xFFFFFF30];
	v13 =	vmul.f32 v14, v13;
	[tilespmem:s10+$0xB0] =	vst v2  }
0x14e: {  	v2 =	vmul.f32 v3, v15;
	v14 =	vld [tilespmem:s30+$0xA0]  }
0x14f: {  	[tilespmem:s10+$0xFFFFFFA0] =	vst v13;
	v3 =	vld [tilespmem:s11+$0xC0];
	v0 =	vmul.f32 v0, v6  }
0x150: {  	v6 =	vld [tilespmem:s11+$0xFFFFFFB0];
	[tilespmem:s10+$0x20] =	vst v2;
	v2 =	vmul.f32 v9, v5  }
0x151: {  	v5 =	vld [tilespmem:s11+$0x30];
	[tilespmem:s16+$0xFFFFFF60] =	vst v0;
	v0 =	vmul.f32 v11, v16  }
0x152: {  	v8 =	vmul.f32 v8, v17;
	v9 =	vld [tilespmem:s22+$0xFFFFFF70];
	[tilespmem:s16+$0xFFFFFFE0] =	vst v2  }
0x153: {  	v2 =	vshll.u32 v14, $0x10;
	v11 =	vld [tilespmem:s22+$0xFFFFFFF0];
	[tilespmem:s16+$0x60] =	vst v0  }
0x154: {  	[tilespmem:s10+$0xFFFFFF30] =	vst v8;
	v0 =	vmul.f32 v2, v3;
	v8 =	vld [tilespmem:s22+$0x70];
	s22 =	smov.u32 s11  }
0x155: {  	v13 =	vld [tilespmem:s30+$0xFFFFFF20];
	v1 =	vmul.f32 v1, v6  }
0x156: {  	v6 =	vld [tilespmem:s11+$0xFFFFFF40];
	v5 =	vmul.f32 v10, v5;
	[tilespmem:s10+$0xC0] =	vst v0  }
.Ltmp7:
0x157: {  	[tilespmem:s10+$0xFFFFFFB0] =	vst v1;
	v3 =	vld [tilespmem:s11+$0xD0];
	v0 =	vmul.f32 v4, v9;
	(pc) =	sbr.rel @p0 .LBB2_7-.Ltmp7, $4  }
0x158: {  	v2 =	vld [tilespmem:s30+$0xFFFFFFA0];
	[tilespmem:s10+$0x30] =	vst v5;
	v5 =	vmul.f32 v7, v11  }
0x159: {  	v1 =	vld [tilespmem:s30+$0x20];
	[tilespmem:s16+$0xFFFFFF70] =	vst v0;
	v8 =	vmul.f32 v12, v8  }
0x15a: {  	v7 =	vshll.u32 v13, $0x10;
	v0 =	vand.u32 $0xFFFF0000, v13;
	v4 =	vld [tilespmem:s11+$0xFFFFFFC0];
	[tilespmem:s16+$0xFFFFFFF0] =	vst v5  }
0x15b: {  	s30 =	sadd.s32 $0x200, s30;
	v6 =	vmul.f32 v7, v6;
	v5 =	vld [tilespmem:s11+$0x40];
	v7 =	vand.u32 $0xFFFF0000, v14;
	[tilespmem:s16+$0x70] =	vst v8;
	s16 =	smov.u32 s10  }
0x15c: {  	_ =	sdelay $0x1  }
0x15d: {  	v8 =	vshll.u32 v2, $0x10  }
0x15e: {  	[tilespmem:s10+$0xFFFFFF40] =	vst v6;
	v4 =	vmul.f32 v8, v4  }
0x15f: {  	v47 =	vshll.u32 v1, $0x10;
	v48 =	vld [tilespmem:s22+$0xFFFFFF50]  }
0x160: {  	v5 =	vmul.f32 v47, v5;
	[tilespmem:s10+$0xFFFFFFC0] =	vst v4  }
0x161: {  	v49 =	vld [tilespmem:s22+$0xFFFFFFD0]  }
0x162: {  	v3 =	vmul.f32 v7, v3;
	[tilespmem:s10+$0x40] =	vst v5  }
0x163: {  	v50 =	vld [tilespmem:s22+$0x50]  }
0x164: {  	[tilespmem:s10+$0xD0] =	vst v3;
	v0 =	vmul.f32 v0, v48  }
0x165: {  	v51 =	vand.u32 $0xFFFF0000, v2;
	v3 =	vld [tilespmem:s9+$0xB0]  }
0x166: {  	v53 =	vld [tilespmem:s22+$0xE0];
	[tilespmem:s16+$0xFFFFFF50] =	vst v0;
	v2 =	vmul.f32 v51, v49  }
0x167: {  	v52 =	vand.u32 $0xFFFF0000, v1;
	v55 =	vld [tilespmem:s9+$0xFFFFFF30]  }
0x168: {  	v56 =	vld [tilespmem:s22+$0xFFFFFF60];
	v54 =	vmul.f32 v52, v50;
	[tilespmem:s16+$0xFFFFFFD0] =	vst v2  }
0x169: {  	v2 =	vld [tilespmem:s9+$0xFFFFFFB0]  }
0x16a: {  	[tilespmem:s16+$0x50] =	vst v54;
	v57 =	vld [tilespmem:s22+$0xFFFFFFE0]  }
0x16b: {  	v0 =	vld [tilespmem:s9+$0x30]  }
0x16c: {  	v58 =	vld [tilespmem:s22+$0x60]  }
0x16d: {  	v59 =	vshll.u32 v3, $0x10  }
0x16e: {  	v4 =	vmul.f32 v59, v53;
	v60 =	vshll.u32 v55, $0x10  }
0x16f: {  	v5 =	vmul.f32 v60, v56;
	v61 =	vshll.u32 v2, $0x10  }
0x170: {  	[tilespmem:s16+$0xE0] =	vst v4;
	v62 =	vshll.u32 v0, $0x10;
	v6 =	vmul.f32 v61, v57  }
0x171: {  	v63 =	vld [tilespmem:s22+$0xF0];
	[tilespmem:s16+$0xFFFFFF60] =	vst v5;
	v4 =	vmul.f32 v62, v58  }
0x172: {  	v5 =	vld [tilespmem:s22+$0xFFFFFF70];
	[tilespmem:s16+$0xFFFFFFE0] =	vst v6  }
0x173: {  	v6 =	vld [tilespmem:s22+$0xFFFFFFF0];
	[tilespmem:s16+$0x60] =	vst v4  }
0x174: {  	v4 =	vld [tilespmem:s22+$0x70]  }
0x175: {  	v3 =	vand.u32 $0xFFFF0000, v3  }
0x176: {  	v1 =	vand.u32 $0xFFFF0000, v55;
	v3 =	vmul.f32 v3, v63  }
0x177: {  	v2 =	vand.u32 $0xFFFF0000, v2;
	v1 =	vmul.f32 v1, v5  }
0x178: {  	[tilespmem:s16+$0xF0] =	vst v3;
	v0 =	vand.u32 $0xFFFF0000, v0;
	v2 =	vmul.f32 v2, v6  }
0x179: {  	[tilespmem:s16+$0xFFFFFF70] =	vst v1;
	v0 =	vmul.f32 v0, v4  }
0x17a: {  	[tilespmem:s16+$0xFFFFFFF0] =	vst v2  }
0x17b: {  	[tilespmem:s16+$0x70] =	vst v0  }
0x17c: {  	_ =	swait.ge [sflag:s15], $0x40  }
0x17d: {  	s30 =	simm.s32 $0x13D80;
	s31 =	simm.s32 $0x1DE00;
	[sflag:s15] =	ssyncset.done $0x0  }
.Ltmp8:
0x17e: {  	s9 =	simm.s32 @!p1 $0x2;
	[sflag:s15] =	ssyncadd.s32 $0xFFFFFFC0;
	(pc) =	sbr.rel .LBB2_9-.Ltmp8, $4  }
0x17f: {  	[spmem:s2] =	stream.indirect.scatter.add.f32 [tilespmem:s31], [sflag:$0x8], $0x80, s30, s29, $0xb8;
	[tilespmem:$0x1FE00] =	vst v63  }
0x180: {  	_ =	swait.ge @!p1 [sflag:s9], $0x40  }
0x181: {  	[sflag:s9] =	ssyncset.done @!p1 $0x0  }
0x182: {  	[sflag:s9] =	ssyncadd.s32 @!p1 $0xFFFFFFC0  }
.LBB2_11:
0x183: {  	_ =	sfence.sel $0x180000  }
0x184: {  	[bflag:$0x0] =	sbarrier.arrive $0xFFFF  }
0x185: {  	_ =	strace $0x9000004A  }
0x186: {  	s0 =	stileid.u32;
	[bflag:$0x2] =	sbarrier.arrive $0xFFFF  }
0x187: {  	p0 =	sne.s32 s0, $0x0;
	s0 =	rddreg [dreg:$0x2]  }
0x188: {  	s0 =	sadd.s32 @!p0 $0x100000, s0  }
0x189: {  	[sflag:s0] =	ssyncadd.tile.s32 @!p0 $0x1;
	_ =	shalt  }
.Lfunc_end2:
_tile_overlayer_lowered:
.L_overlay_start_2:
0x18a: {  	(tag) =	ssettag $0x2  }
0x18b: {  	s0 =	rddreg [dreg:$0x0];
	s2 =	stileid.u32  }
0x18c: {  	s1 =	rddreg [dreg:$0x1];
	p0 =	sne.s32 s2, $0x0  }
0x18d: {  	s3 =	rddreg [dreg:$0x2];
	[bflag:$0x3] =	sbarrier.arrive $0xFFFF;
	s2 =	simm.s32 @!p0 $0x1C09  }
0x18e: {  	[timem:s3], [sflag:s2] =	dma.local @!p0 [hbm:s0], s1  }
0x18f: {  	s0 =	simm.s32 @!p0 $0x9  }
0x190: {  	_ =	swait.ge @!p0 [sflag:s0], s1  }
0x191: {  	s1 =	ssub.s32 @!p0 $0x0, s1;
	[sflag:s0] =	ssyncset.done @!p0 $0x0  }
0x192: {  	[sflag:s0] =	ssyncadd.s32 @!p0 s1  }
0x193: {  	[bflag:$0x3] =	sbarrier.arrive $0xFFFF  }
0x194: {  	_ =	shalt  }

// kernel: kernel.20.cloned.1.call-start
scs
__scs_entry_jumppad:
0x0: {  	(pc) =	sbr.rel $0x88, $3  }
0x1: {  	(tag) =	ssettag $0x0;
	lr =	simm.s32 $0x1  }
0x2: {  	[smem:$0x3F96] =	sst lr;
	_ =	strace $0xD0000000  }
0x3: {  	_ = 	snop  }
0x4: {  	_ = 	snop  }
0x5: {  	_ = 	snop  }
0x6: {  	_ = 	snop  }
0x7: {  	_ = 	snop  }
__scs_overlays_trampoline_lowered:
0x8: {  	[smem:$0x3FA5] =	sst s0  }
0x9: {  	[smem:$0x3FA6] =	sst s1  }
0xa: {  	[smem:$0x3FA7] =	sst s2  }
0xb: {  	[smem:$0x3FA8] =	sst s3  }
0xc: {  	[smem:$0x3FA9] =	sst s4  }
0xd: {  	[smem:$0x3FAA] =	sst s5  }
0xe: {  	[smem:$0x3FAB] =	sst s6  }
0xf: {  	[smem:$0x3FAC] =	sst s7  }
0x10: {  	[smem:$0x3FAD] =	sst s8  }
0x11: {  	[smem:$0x3FAE] =	sst s9;
	s0 =	simm.s32 @!p0 $0x0  }
0x12: {  	s1 =	sld [smem:$0x3F94];
	s0 =	simm.s32 @p0 $0x1  }
0x13: {  	[smem:$0x3FAF] =	sst s0;
	s0 =	simm.s32 @!p1 $0x0  }
0x14: {  	s2 =	sld [smem:$0x3F93];
	s0 =	simm.s32 @p1 $0x1  }
0x15: {  	[smem:$0x3FB0] =	sst s0;
	s0 =	simm.s32 @!p2 $0x0  }
0x16: {  	s3 =	sld [smem:$0x3FDB];
	s0 =	simm.s32 @p2 $0x1  }
0x17: {  	s4 =	simm.s32 $0x1BF5;
	[smem:$0x3FB2] =	sst s0  }
0x18: {  	s0 =	sld [smem:$0x3F95];
	_ =	swait.ge [sflag:s4], $0x0  }
0x19: {  	s7 =	sld [smem:$0x3F96]  }
0x1a: {  	s8 =	sadd.s32 $0xFFFFE003, lr  }
0x1b: {  	s9 =	sadd.s32 $0xFFFFFEF7, lr;
	s5 =	simm.s32 $0xFFFFFFFF;
	p2 =	slt.u32 s8, $0xFFFFF086  }
0x1c: {  	p1 =	slt.u32 s9, $0xF7A;
	s5 =	simm.s32 @!p2 $0x0  }
0x1d: {  	s5 =	simm.s32 @p1 $0x1;
	p0 =	seq.s32 s7, s2  }
0x1e: {  	s7 =	smul.u32 @!p0 $0xF7A, s2;
	p2 =	seq.s32 @!p0 s5, $0x0  }
0x1f: {  	s9 =	smul.u32 $0xF7A, s1;
	s8 =	simm.s32 @!p0 $0x1BF5;
	p2 =	por !p2, p0  }
0x20: {  	[sflag:s8] =	ssyncset.s32 @!p0 $0xFFFFF086;
	s6 =	sadd.s32 @!p0 s3, s7;
	s7 =	simm.s32 @!p0 $0x108  }
0x21: {  	s3 =	sadd.s32 s3, s9;
	s6 =	sadd.s32 @!p0 $0x88, s6;
	s7 =	simm.s32 @p2 $0x1082  }
0x22: {  	[simem:s7], [sflag:s8] =	dma.local @!p0 [hbm:s6], $0xF7A  }
0x23: {  	s9 =	sor.u32 $0xD0000000, s2;
	s6 =	simm.s32 $0x108;
	_ =	swait.ge @!p0 [sflag:s8], $0x0  }
0x24: {  	s3 =	sadd.s32 $0x88, s3;
	s6 =	simm.s32 @!p1 $0x1082;
	[sflag:s4] =	ssyncset.s32 $0xFFFFF086  }
0x25: {  	[simem:s6], [sflag:s4] =	dma.local [hbm:s3], $0xF7A  }
0x26: {  	[smem:$0x3F96] =	sst s1;
	(tag) =	ssettag s2;
	_ =	strace s9  }
0x27: {  	s1 =	sld [smem:$0x3FA6]  }
0x28: {  	s2 =	sld [smem:$0x3FA7]  }
0x29: {  	s4 =	sld [smem:$0x3FA9]  }
0x2a: {  	p0 =	seq.s32 s5, $0x0;
	s5 =	sld [smem:$0x3FAA]  }
0x2b: {  	s6 =	sld [smem:$0x3FAB]  }
0x2c: {  	s7 =	sld [smem:$0x3FAC]  }
0x2d: {  	s3 =	simm.s32 $0x108;
	s8 =	sld [smem:$0x3FAD]  }
0x2e: {  	s3 =	simm.s32 @!p0 $0x1082;
	s9 =	sld [smem:$0x3FAE]  }
0x2f: {  	lr =	sadd.s32 s0, s3;
	s0 =	sld [smem:$0x3FA5]  }
0x30: {  	s3 =	sld [smem:$0x3FA8]  }
0x31: {  	[smem:$0x3FB1] =	sst s10  }
0x32: {  	s10 =	sld [smem:$0x3FAF];
	_ =	sdelay $0x3  }
0x33: {  	p0 =	seq.s32 s10, $0x1;
	s10 =	sld [smem:$0x3FB1];
	_ =	sdelay $0x3  }
0x34: {  	[smem:$0x3FB1] =	sst s10  }
0x35: {  	s10 =	sld [smem:$0x3FB0];
	_ =	sdelay $0x3  }
0x36: {  	p1 =	seq.s32 s10, $0x1;
	s10 =	sld [smem:$0x3FB1];
	_ =	sdelay $0x3  }
0x37: {  	[smem:$0x3FB1] =	sst s10  }
0x38: {  	s10 =	sld [smem:$0x3FB2]  }
0x39: {  	_ = 	snop;
	(pc) =	sbr.ind lr, $3  }
0x3a: {  	_ = 	snop  }
0x3b: {  	_ = 	snop  }
0x3c: {  	p2 =	seq.s32 s10, $0x1;
	s10 =	sld [smem:$0x3FB1]  }
0x3d: {  	_ =	shalt  }
0x3e: {  	_ =	shalt  }
0x3f: {  	_ =	shalt  }
0x40: {  	_ =	shalt  }
0x41: {  	_ =	shalt  }
0x42: {  	_ =	shalt  }
0x43: {  	_ =	shalt  }
0x44: {  	_ =	shalt  }
0x45: {  	_ =	shalt  }
0x46: {  	_ =	shalt  }
0x47: {  	_ =	shalt  }
0x48: {  	_ =	shalt  }
0x49: {  	_ =	shalt  }
0x4a: {  	_ =	shalt  }
0x4b: {  	_ =	shalt  }
0x4c: {  	_ =	shalt  }
0x4d: {  	_ =	shalt  }
0x4e: {  	_ =	shalt  }
0x4f: {  	_ =	shalt  }
0x50: {  	_ =	shalt  }
0x51: {  	_ =	shalt  }
0x52: {  	_ =	shalt  }
0x53: {  	_ =	shalt  }
0x54: {  	_ =	shalt  }
0x55: {  	_ =	shalt  }
0x56: {  	_ =	shalt  }
0x57: {  	_ =	shalt  }
0x58: {  	_ =	shalt  }
0x59: {  	_ =	shalt  }
0x5a: {  	_ =	shalt  }
0x5b: {  	_ =	shalt  }
0x5c: {  	_ =	shalt  }
0x5d: {  	_ =	shalt  }
0x5e: {  	_ =	shalt  }
0x5f: {  	_ =	shalt  }
0x60: {  	_ =	shalt  }
0x61: {  	_ =	shalt  }
0x62: {  	_ =	shalt  }
0x63: {  	_ =	shalt  }
0x64: {  	_ =	shalt  }
0x65: {  	_ =	shalt  }
0x66: {  	_ =	shalt  }
0x67: {  	_ =	shalt  }
0x68: {  	_ =	shalt  }
0x69: {  	_ =	shalt  }
0x6a: {  	_ =	shalt  }
0x6b: {  	_ =	shalt  }
0x6c: {  	_ =	shalt  }
0x6d: {  	_ =	shalt  }
0x6e: {  	_ =	shalt  }
0x6f: {  	_ =	shalt  }
0x70: {  	_ =	shalt  }
0x71: {  	_ =	shalt  }
0x72: {  	_ =	shalt  }
0x73: {  	_ =	shalt  }
0x74: {  	_ =	shalt  }
0x75: {  	_ =	shalt  }
0x76: {  	_ =	shalt  }
0x77: {  	_ =	shalt  }
0x78: {  	_ =	shalt  }
0x79: {  	_ =	shalt  }
0x7a: {  	_ =	shalt  }
0x7b: {  	_ =	shalt  }
0x7c: {  	_ =	shalt  }
0x7d: {  	_ =	shalt  }
0x7e: {  	_ =	shalt  }
0x7f: {  	_ =	shalt  }
0x80: {  	_ =	shalt  }
0x81: {  	_ =	shalt  }
0x82: {  	_ =	shalt  }
0x83: {  	_ =	shalt  }
0x84: {  	_ =	shalt  }
0x85: {  	_ =	shalt  }
0x86: {  	_ =	shalt  }
0x87: {  	_ =	shalt  }
.Lfunc_end0:
.L_simem_size_0:
called_computation.2_lowered:
.L_overlay_start_0:
0x88: {  	s2 =	sld [smem:$0x3FD9]  }
0x89: {  	s3 =	sld [smem:$0x3FFE];
	_ =	sdelay $0x1  }
0x8a: {  	s1 =	srdreg.scid  }
0x8b: {  	s0 =	sand.u32 $0x1, s1  }
0x8c: {  	s16 =	sshll.u32 s0, $0xA;
	s2 =	sadd.s32 s3, s2  }
0x8d: {  	s2 =	sadd.s32 s2, s16  }
0x8e: {  	[smem:$0x3FBD] =	sst s2  }
0x8f: {  	_ = 	snop  }
0x90: {  	(tm) =	ssettm $0x1  }
0x91: {  	s17 =	sld [smem:$0x3FFB];
	_ =	sdelay $0x3  }
0x92: {  	_ =	strace s17  }
0x93: {  	s2 =	sld [smem:$0x3FFC];
	_ =	sdelay $0x3  }
0x94: {  	_ =	strace s2  }
0x95: {  	s2 =	sld [smem:$0x3FFD];
	_ =	sdelay $0x3  }
0x96: {  	_ =	strace s2  }
0x97: {  	_ =	strace $0x8FFFFFFF  }
0x98: {  	s18 =	sld [smem:$0x3FDB];
	_ =	sdelay $0x1  }
0x99: {  	s19 =	simm.s32 $_scs_section_size  }
0x9a: {  	s4 =	simm.s32 $_size__tile_overlayer_lowered;
	s5 =	simm.s32 $_tile_overlayer_lowered  }
0x9b: {  	s22 =	simm.s32 $0x1BFF;
	s21 =	sshll.u32 s5, $0x1;
	s2 =	sadd.s32 s19, s18  }
0x9c: {  	s6 =	simm.s32 $0x0;
	s20 =	sshll.u32 s4, $0x1;
	s4 =	sadd.s32 s21, s2  }
0x9d: {  	[timem:s6], [sflag:s22] =	dma.local [hbm:s4], s20  }
0x9e: {  	_ =	swait.ge [sflag:s22], s20  }
0x9f: {  	s3 =	ssub.s32 $0x0, s20;
	[sflag:s22] =	ssyncset.done $0x0  }
0xa0: {  	[sflag:s22] =	ssyncadd.s32 s3;
	_ =	sdelay $0x1  }
0xa1: {  	s23 =	simm.s32 $0x1B8B  }
0xa2: {  	_ =	swait.ge [sflag:s23], $0x1  }
0xa3: {  	[sflag:s23] =	ssyncset.done $0x0  }
0xa4: {  	s25 =	simm.s32 $0x1B8E;
	s24 =	sld [smem:$0x3FFE];
	[sflag:s23] =	ssyncadd.s32 $0xFFFFFFFF  }
0xa5: {  	s26 =	simm.s32 $execute0_lowered;
	[smem:$0x3FD2] =	sst s25  }
0xa6: {  	s4 =	sshll.u32 s26, $0x1;
	_ =	strace $0x8000004C;
	[dreg:$0x1] =	wrdreg $0xFFFFFFFF  }
0xa7: {  	s28 =	simm.s32 $_size_execute0_lowered;
	s2 =	sadd.s32 s2, s4;
	[dreg:$0x0] =	wrdreg $0x0  }
0xa8: {  	s4 =	sshll.u32 s28, $0x1;
	[dreg:$0x2] =	wrdreg s2  }
0xa9: {  	[dreg:$0x3] =	wrdreg s4  }
0xaa: {  	[dreg:$0x4] =	wrdreg $0xC0  }
0xab: {  	_ =	task [dreg:s6], $0x5FFFF  }
0xac: {  	[dreg:$0x1] =	wrdreg $0xFFFFFFFF  }
0xad: {  	[dreg:$0x0] =	wrdreg $0x60  }
0xae: {  	[dreg:$0x2] =	wrdreg s24  }
0xaf: {  	[dreg:$0x3] =	wrdreg $0x0  }
0xb0: {  	[dreg:$0x4] =	wrdreg $0x9  }
0xb1: {  	_ =	task.clear_ibuf [dreg:s6], $0x5FFFF;
	_ =	strace $0x9000004C  }
0xb2: {  	s29 =	simm.s32 $0x9;
	_ =	strace $0x8000004E  }
0xb3: {  	_ =	swait.ge [sflag:s29], $0x1  }
0xb4: {  	[sflag:s29] =	ssyncadd.s32 $0xFFFFFFFF  }
0xb5: {  	_ =	strace $0x9000004E  }
0xb6: {  	_ =	sfence  }
0xb7: {  	s30 =	sld [smem:$0x0];
	_ =	sdelay $0x2  }
0xb8: {  	s31 =	sshll.u32 s1, $0xD;
	s1 =	sshrl.u32 s1, $0x2  }
0xb9: {  	s3 =	sand.u32 $0x4000, s31;
	s1 =	sadd.s32 s1, s30  }
0xba: {  	s0 =	sor.u32 s3, s0;
	s1 =	sshll.u32 s1, $0x11  }
0xbb: {  	s0 =	sor.u32 s1, s0  }
0xbc: {  	s0 =	sadd.s32 $0x8F2B, s0  }
0xbd: {  	[sflag:s0] =	ssyncadd.remote.s32 $0x1  }
0xbe: {  	_ =	sfence.sel $0xFFFF  }
0xbf: {  	[dreg:$0x0] =	wrdreg $0xFFFFFFFF;
	(pc) =	sbr.abs _section_cstart, $3  }
0xc0: {  	[dreg:$0x1] =	wrdreg $0xFFFFFFFF  }
0xc1: {  	_ =	task.clear_ibuf [dreg:s6], $0x2FFFF;
	_ =	strace $0x9FFFFFFF  }
0xc2: {  	(tm) =	ssettm $0x7FFFFFFF  }
0xc3: {  	_ =	shalt  }
tec
execute0_lowered:
.L_overlay_start_1:
0x0: {  	(tag) =	ssettag $0x1  }
0x1: {  	s0 =	rddreg [dreg:$0x0]  }
0x2: {  	s2 =	rddreg [dreg:$0x1]  }
0x3: {  	s3 =	simm.s32 $0x0;
	s14 =	stileid.u32;
	s5 =	srdreg.scid  }
0x4: {  	s29 =	simm.s32 $0x40;
	s15 =	simm.s32 $0x4;
	[smem:$0x7FF] =	sst s3  }
0x5: {  	s1 =	smul.u32 $0x13C00, s14;
	s4 =	sadd.s32 $0x505000, s0;
	s8 =	sand.u32 $0x1, s5  }
0x6: {  	s5 =	sadd.s32 $0x1D000, s0;
	s6 =	sadd.s32 $0x7400, s0;
	s7 =	sadd.s32 $0x11200, s0  }
0x7: {  	s19 =	sshll.u32 s14, $0x1;
	s11 =	smul.u32 $0x4F000, s14;
	s21 =	sshll.u32 s14, $0x6  }
0x8: {  	s14 =	simm.s32 $0x6;
	_ =	strace $0x8000004D;
	s10 =	smul.u32 $0x13C000, s8  }
0x9: {  	s12 =	ssub.s32 $0x2, s8;
	s16 =	sor.u32 $0x1C09, s21;
	s9 =	sshrl.u32 s1, $0x3  }
0xa: {  	s13 =	sshrl.u32 s12, $0x1;
	s11 =	sshrl.u32 s11, $0x2;
	[dreg:$0x4] =	wrdreg s16  }
0xb: {  	s9 =	sadd.s32 s9, s0;
	s1 =	sadd.s32 s1, s10;
	s10 =	sor.u32 s8, s19  }
0xc: {  	s20 =	ssub.s32 s12, s13;
	s11 =	sadd.s32 s11, s2;
	s8 =	smul.u32 $0x2740, s10  }
0xd: {  	s12 =	simm.s32 $0x1;
	s1 =	sshrl.u32 s1, $0x3;
	s24 =	smul.u32 $0x27400, s10  }
0xe: {  	s9 =	sadd.s32 $0x553400, s9;
	s13 =	smul.u32 $0x13A000, s10;
	s31 =	smax.u32 s20, $0x1  }
0xf: {  	s10 =	sshrl.u32 s11, $0x3;
	s20 =	simm.s32 $0x0;
	[dreg:$0x3] =	wrdreg s9  }
0x10: {  	s0 =	sadd.s32 s1, s0;
	[dreg:$0xb] =	wrdreg s31;
	s1 =	simm.s32 $0x3  }
0x11: {  	[dreg:$0xc] =	wrdreg s10;
	s22 =	sshrl.u32 s8, $0x3;
	s30 =	sadd.s32 s5, s24  }
0x12: {  	s17 =	sadd.s32 $0x80, s8;
	s18 =	sadd.s32 $0x4000, s13;
	s19 =	sadd.s32 $0xC0, s8  }
0x13: {  	s0 =	sadd.s32 $0x57AC00, s0;
	s24 =	simm.s32 $0x13C00;
	[dreg:$0x9] =	wrdreg s30  }
.Ltmp0:
0x14: {  	s25 =	sadd.s32 s6, s22;
	[dreg:$0xa] =	wrdreg s0;
	(pc) =	sbr.rel .LBB2_1-.Ltmp0, $4  }
0x15: {  	s23 =	sadd.s32 $0x8, s22;
	s28 =	sadd.s32 s7, s22;
	[dreg:$0x5] =	wrdreg s25  }
0x16: {  	s0 =	simm.s32 $0x5;
	s26 =	sadd.s32 s6, s23;
	[dreg:$0x7] =	wrdreg s28  }
0x17: {  	s9 =	sadd.s32 s7, s23;
	s23 =	simm.s32 $0x9;
	[dreg:$0x6] =	wrdreg s26  }
0x18: {  	s25 =	simm.s32 $0x1BE00;
	[dreg:$0x8] =	wrdreg s9;
	s26 =	simm.s32 $0x13D00  }
.LBB2_10:
0x19: {  	s9 =	simm.s32 $0x8  }
0x1a: {  	_ =	swait.ge [sflag:s9], $0x2000  }
0x1b: {  	[sflag:s9] =	ssyncset.done $0x0  }
0x1c: {  	s28 =	simm.s32 $0x7;
	[sflag:s9] =	ssyncadd.s32 $0xFFFFE000  }
0x1d: {  	_ =	swait.ge [sflag:s28], $0x2000  }
0x1e: {  	[sflag:s28] =	ssyncset.done $0x0  }
0x1f: {  	[sflag:s28] =	ssyncadd.s32 $0xFFFFE000  }
0x20: {  	[bflag:$0x0] =	sbarrier.arrive $0xFFFF  }
0x21: {  	s16 =	rddreg [dreg:$0x4]  }
0x22: {  	s30 =	rddreg [dreg:$0xa]  }
0x23: {  	s10 =	rddreg [dreg:$0xc]  }
0x24: {  	[hbm:s30], [sflag:s16] =	dma.local [spmem:s10], $0x2780  }
0x25: {  	_ =	swait.ge [sflag:s23], $0x2780  }
0x26: {  	s20 =	sadd.s32 $0x1, s20;
	s31 =	rddreg [dreg:$0xb]  }
0x27: {  	p0 =	sne.s32 s20, s31  }
.Ltmp1:
0x28: {  	_ = 	snop;
	(pc) =	sbr.rel @!p0 .LBB2_11-.Ltmp1, $3  }
0x29: {  	_ =	sdelay $0x1  }
0x2a: {  	[sflag:s23] =	ssyncset.done $0x0  }
0x2b: {  	[sflag:s23] =	ssyncadd.s32 $0xFFFFD880  }
.LBB2_1:
0x2c: {  	s9 =	rddreg [dreg:$0x3]  }
0x2d: {  	[spmem:s10], [sflag:s16] =	dma.local [hbm:s9], $0x2780  }
0x2e: {  	_ =	swait.ge [sflag:s23], $0x2780  }
0x2f: {  	[sflag:s23] =	ssyncset.done $0x0  }
0x30: {  	[sflag:s23] =	ssyncadd.s32 $0xFFFFD880  }
0x31: {  	[bflag:$0x0] =	sbarrier.arrive $0xFFFF  }
0x32: {  	s31 =	rddreg [dreg:$0x5]  }
0x33: {  	[tilespmem:s24], [sflag:$0x9] =	stream.linear.gather [hbm4b:s31+s3], $0x40, $0x38;
	[tilespmem:$0x1FE00] =	vst v63  }
0x34: {  	_ =	swait.ge [sflag:s23], $0x40  }
0x35: {  	[sflag:s23] =	ssyncset.done $0x0  }
0x36: {  	s11 =	simm.s32 $0x13C80;
	s10 =	rddreg [dreg:$0x6];
	[sflag:s23] =	ssyncadd.s32 $0xFFFFFFC0  }
0x37: {  	[tilespmem:s11], [sflag:$0x9] =	stream.linear.gather [hbm4b:s10+s3], $0x40, $0x38;
	[tilespmem:$0x1FE00] =	vst v63  }
0x38: {  	_ =	swait.ge [sflag:s23], $0x40  }
0x39: {  	[sflag:s23] =	ssyncset.done $0x0  }
0x3a: {  	s16 =	rddreg [dreg:$0x7];
	[sflag:s23] =	ssyncadd.s32 $0xFFFFFFC0  }
0x3b: {  	[tilespmem:s26], [sflag:$0x3] =	stream.linear.gather [hbm4b:s16+s3], $0x40, $0x38;
	[tilespmem:$0x1FE00] =	vst v63  }
0x3c: {  	s22 =	simm.s32 $0x13D80;
	s21 =	rddreg [dreg:$0x8]  }
0x3d: {  	[tilespmem:s22], [sflag:$0x4] =	stream.linear.gather [hbm4b:s21+s3], $0x40, $0x38;
	[tilespmem:$0x1FE00] =	vst v63  }
.Ltmp2:
0x3e: {  	_ = 	snop;
	(pc) =	sbr.rel .LBB2_2-.Ltmp2, $4  }
0x3f: {  	s28 =	simm.s32 $0x13E00  }
0x40: {  	[tilespmem:s28], [sflag:$0x5] =	stream.indirect.gather [hbm4b:s4+s29], $0x80, s24, s29, $0xb8;
	[tilespmem:$0x1FE00] =	vst v63  }
0x41: {  	s31 =	simm.s32 $0x17E00;
	s30 =	rddreg [dreg:$0x9];
	s21 =	simm.s32 $0x0  }
0x42: {  	[tilespmem:s31], [sflag:$0x5] =	stream.linear.gather [hbm4b:s30+s3], $0x2000, $0x38;
	[tilespmem:$0x1FE00] =	vst v63  }
.LBB2_9:
0x43: {  	s21 =	sadd.s32 $0x1, s21  }
0x44: {  	p0 =	sne.s32 s21, $0x4F  }
.Ltmp3:
0x45: {  	_ = 	snop;
	(pc) =	sbr.rel @!p0 .LBB2_10-.Ltmp3, $1  }
0x46: {  	_ =	sdelay $0x3  }
.LBB2_2:
0x47: {  	s9 =	sshllo.u32 s21, $0x1  }
0x48: {  	p1 =	sgt.u32 s9, $0x9C  }
0x49: {  	s10 =	simm.s32 @!p1 $0x40;
	s11 =	simm.s32 @!p1 $0x13C80;
	s16 =	simm.s32 @!p1 $0x15E00  }
0x4a: {  	[tilespmem:s16], [sflag:$0x6] =	stream.indirect.gather @!p1 [hbm4b:s4+s10], $0x80, s11, s10, $0xb8;
	[tilespmem:$0x1FE00] =	vst v63  }
0x4b: {  	s10 =	sshll.u32 @!p1 s9, $0xD  }
0x4c: {  	s10 =	sadd.s32 @!p1 s13, s10  }
0x4d: {  	p2 =	seq.s32 s21, $0x4E;
	s10 =	sshrl.u32 @!p1 s10, $0x3  }
0x4e: {  	s11 =	simm.s32 @!p1 $0x0;
	s16 =	simm.s32 @!p1 $0x19E00;
	s10 =	sadd.s32 @!p1 s5, s10  }
0x4f: {  	[tilespmem:s16], [sflag:$0x6] =	stream.linear.gather @!p1 [hbm4b:s10+s11], $0x2000, $0x38;
	[tilespmem:$0x1FE00] =	vst v63  }
0x50: {  	s10 =	sshll.u32 @!p2 s21, $0x7  }
0x51: {  	s10 =	sadd.s32 @!p2 s10, s17  }
0x52: {  	s10 =	sshrl.u32 @!p2 s10, $0x3  }
0x53: {  	s11 =	simm.s32 @!p2 $0x0;
	s16 =	simm.s32 @!p2 $0x13C00;
	s10 =	sadd.s32 @!p2 s6, s10  }
0x54: {  	[tilespmem:s16], [sflag:$0x1] =	stream.linear.gather @!p2 [hbm4b:s10+s11], $0x40, $0x38;
	[tilespmem:$0x1FE00] =	vst v63  }
0x55: {  	_ =	swait.ge [sflag:s0], $0x2000  }
0x56: {  	[sflag:s0] =	ssyncset.done $0x0  }
0x57: {  	[sflag:s0] =	ssyncadd.s32 $0xFFFFE000  }
0x58: {  	_ =	swait.ge [sflag:s0], $0x2000  }
0x59: {  	p0 =	seq.s32 s21, $0x0;
	[sflag:s0] =	ssyncset.done $0x0  }
0x5a: {  	s10 =	simm.s32 @!p0 $0x7;
	[sflag:s0] =	ssyncadd.s32 $0xFFFFE000  }
0x5b: {  	s11 =	sshll.u32 @!p0 s21, $0x7;
	_ =	swait.ge @!p0 [sflag:s10], $0x2000  }
0x5c: {  	s11 =	sadd.s32 @!p0 s8, s11;
	[sflag:s10] =	ssyncset.done @!p0 $0x0  }
0x5d: {  	[sflag:s10] =	ssyncadd.s32 @!p0 $0xFFFFE000;
	s10 =	sshrl.u32 @!p0 s11, $0x3  }
0x5e: {  	s16 =	simm.s32 @!p0 $0x13D00;
	s11 =	simm.s32 @!p0 $0x0;
	s10 =	sadd.s32 @!p0 s7, s10  }
0x5f: {  	[tilespmem:s16], [sflag:$0x3] =	stream.linear.gather @!p0 [hbm4b:s10+s11], $0x40, $0x38;
	[tilespmem:$0x1FE00] =	vst v63  }
0x60: {  	s11 =	simm.s32 $0x17F00  }
0x61: {  	s22 =	simm.s32 $0x13F00;
	v0 =	vld [tilespmem:s11+$0x80]  }
0x62: {  	v1 =	vld [tilespmem:s22+$0x80];
	_ =	sdelay $0x2  }
0x63: {  	v2 =	vld [tilespmem:s11+$0xFFFFFF80]  }
0x64: {  	v4 =	vld [tilespmem:s11+$0xFFFFFF00];
	v3 =	vshll.u32 v0, $0x10  }
0x65: {  	v5 =	vld [tilespmem:s22+$0xFFFFFF80];
	v1 =	vmul.f32 v3, v1  }
0x66: {  	s10 =	simm.s32 $0x1BF00;
	v3 =	vld [tilespmem:s22+$0xFFFFFF00]  }
0x67: {  	[tilespmem:s10+$0x80] =	vst v1  }
0x68: {  	v1 =	vld [tilespmem:s22+$0x90]  }
0x69: {  	v6 =	vld [tilespmem:s11+$0x0];
	v9 =	vshll.u32 v2, $0x10  }
0x6a: {  	v7 =	vld [tilespmem:s22+$0x0];
	v8 =	vshll.u32 v4, $0x10;
	v5 =	vmul.f32 v9, v5  }
0x6b: {  	v3 =	vmul.f32 v8, v3  }
0x6c: {  	v0 =	vand.u32 $0xFFFF0000, v0;
	[tilespmem:s10+$0xFFFFFF80] =	vst v5  }
0x6d: {  	v5 =	vld [tilespmem:s22+$0xFFFFFF90];
	[tilespmem:s10+$0xFFFFFF00] =	vst v3;
	v0 =	vmul.f32 v0, v1  }
0x6e: {  	v1 =	vshll.u32 v6, $0x10;
	v3 =	vld [tilespmem:s22+$0xFFFFFF10]  }
0x6f: {  	v1 =	vmul.f32 v1, v7;
	[tilespmem:s10+$0x90] =	vst v0  }
0x70: {  	v0 =	vld [tilespmem:s11+$0x90]  }
0x71: {  	v2 =	vand.u32 $0xFFFF0000, v2;
	[tilespmem:s10+$0x0] =	vst v1;
	v1 =	vld [tilespmem:s22+$0xA0]  }
0x72: {  	v4 =	vand.u32 $0xFFFF0000, v4;
	v2 =	vmul.f32 v2, v5  }
0x73: {  	v7 =	vld [tilespmem:s22+$0x10];
	v3 =	vmul.f32 v4, v3  }
0x74: {  	[tilespmem:s10+$0xFFFFFF90] =	vst v2  }
0x75: {  	[tilespmem:s10+$0xFFFFFF10] =	vst v3;
	v3 =	vshll.u32 v0, $0x10  }
0x76: {  	v2 =	vld [tilespmem:s11+$0xFFFFFF90];
	v1 =	vmul.f32 v3, v1  }
0x77: {  	v4 =	vand.u32 $0xFFFF0000, v6;
	v5 =	vld [tilespmem:s11+$0xFFFFFF10]  }
0x78: {  	v3 =	vmul.f32 v4, v7;
	v4 =	vld [tilespmem:s22+$0xFFFFFF20];
	[tilespmem:s10+$0xA0] =	vst v1  }
0x79: {  	v1 =	vld [tilespmem:s22+$0xB0]  }
0x7a: {  	v6 =	vld [tilespmem:s22+$0xFFFFFFA0];
	[tilespmem:s10+$0x10] =	vst v3  }
0x7b: {  	v3 =	vld [tilespmem:s11+$0x10]  }
0x7c: {  	v8 =	vld [tilespmem:s22+$0x20];
	v7 =	vshll.u32 v5, $0x10  }
0x7d: {  	v0 =	vand.u32 $0xFFFF0000, v0;
	v4 =	vmul.f32 v7, v4  }
0x7e: {  	v0 =	vmul.f32 v0, v1  }
0x7f: {  	[tilespmem:s10+$0xFFFFFF20] =	vst v4;
	v1 =	vshll.u32 v2, $0x10  }
0x80: {  	v4 =	vshll.u32 v3, $0x10;
	v7 =	vld [tilespmem:s22+$0xFFFFFF30];
	v1 =	vmul.f32 v1, v6;
	[tilespmem:s10+$0xB0] =	vst v0  }
0x81: {  	v0 =	vmul.f32 v4, v8;
	v8 =	vld [tilespmem:s11+$0xA0]  }
0x82: {  	[tilespmem:s10+$0xFFFFFFA0] =	vst v1;
	v1 =	vld [tilespmem:s22+$0xC0]  }
0x83: {  	v4 =	vld [tilespmem:s22+$0xFFFFFFB0];
	[tilespmem:s10+$0x20] =	vst v0  }
0x84: {  	v0 =	vand.u32 $0xFFFF0000, v5;
	v5 =	vld [tilespmem:s22+$0x30]  }
0x85: {  	v0 =	vmul.f32 v0, v7  }
0x86: {  	v6 =	vshll.u32 v8, $0x10  }
0x87: {  	v2 =	vand.u32 $0xFFFF0000, v2;
	[tilespmem:s10+$0xFFFFFF30] =	vst v0;
	v0 =	vmul.f32 v6, v1  }
0x88: {  	v1 =	vand.u32 $0xFFFF0000, v3;
	v6 =	vld [tilespmem:s11+$0xFFFFFF20];
	v2 =	vmul.f32 v2, v4  }
0x89: {  	v7 =	vld [tilespmem:s22+$0xFFFFFF40];
	v1 =	vmul.f32 v1, v5;
	[tilespmem:s10+$0xC0] =	vst v0  }
0x8a: {  	[tilespmem:s10+$0xFFFFFFB0] =	vst v2;
	v3 =	vld [tilespmem:s22+$0xD0]  }
0x8b: {  	v2 =	vld [tilespmem:s11+$0xFFFFFFA0];
	[tilespmem:s10+$0x30] =	vst v1  }
0x8c: {  	v1 =	vld [tilespmem:s11+$0x20]  }
0x8d: {  	s30 =	simm.s32 $0x0;
	v4 =	vld [tilespmem:s22+$0xFFFFFFC0];
	v5 =	vshll.u32 v6, $0x10  }
0x8e: {  	s31 =	simm.s32 $0x18100;
	s28 =	simm.s32 $0x13F00;
	s16 =	simm.s32 $0x1BF00;
	v0 =	vand.u32 $0xFFFF0000, v6;
	v6 =	vmul.f32 v5, v7;
	v5 =	vld [tilespmem:s22+$0x40];
	v7 =	vand.u32 $0xFFFF0000, v8  }
.LBB2_3:
0x8f: {  	v8 =	vld [tilespmem:s31+$0x80];
	s30 =	sadd.s32 $0x4, s30;
	v3 =	vmul.f32 v7, v3;
	s22 =	sadd.s32 $0x200, s22  }
0x90: {  	v7 =	vld [tilespmem:s22+$0x80];
	p3 =	slt.u32 s30, $0x3C;
	[tilespmem:s10+$0xFFFFFF40] =	vst v6;
	v6 =	vshll.u32 v2, $0x10;
	v2 =	vand.u32 $0xFFFF0000, v2  }
0x91: {  	v9 =	vld [tilespmem:s31+$0xFFFFFF80];
	v10 =	vshll.u32 v1, $0x10;
	v1 =	vand.u32 $0xFFFF0000, v1;
	[tilespmem:s10+$0xD0] =	vst v3  }
0x92: {  	v3 =	vmul.f32 v6, v4;
	v4 =	vld [tilespmem:s11+$0xB0]  }
0x93: {  	v5 =	vmul.f32 v10, v5;
	v6 =	vld [tilespmem:s28+$0xE0]  }
0x94: {  	v10 =	vld [tilespmem:s31+$0x0];
	v11 =	vshll.u32 v8, $0x10;
	[tilespmem:s10+$0xFFFFFFC0] =	vst v3  }
0x95: {  	v3 =	vld [tilespmem:s31+$0xFFFFFF00];
	v7 =	vmul.f32 v11, v7;
	[tilespmem:s10+$0x40] =	vst v5  }
0x96: {  	s10 =	sadd.s32 $0x200, s10;
	v5 =	vld [tilespmem:s22+$0xFFFFFF00];
	v11 =	vshll.u32 v9, $0x10;
	v9 =	vand.u32 $0xFFFF0000, v9  }
0x97: {  	v12 =	vld [tilespmem:s22+$0xFFFFFF80];
	[tilespmem:s10+$0x80] =	vst v7;
	v7 =	vshll.u32 v4, $0x10  }
0x98: {  	v13 =	vld [tilespmem:s22+$0x90];
	v6 =	vmul.f32 v7, v6  }
0x99: {  	v7 =	vshll.u32 v10, $0x10;
	v10 =	vand.u32 $0xFFFF0000, v10;
	v14 =	vld [tilespmem:s22+$0x0]  }
0x9a: {  	v15 =	vshll.u32 v3, $0x10;
	v3 =	vand.u32 $0xFFFF0000, v3;
	v16 =	vld [tilespmem:s28+$0xFFFFFF50];
	[tilespmem:s16+$0xE0] =	vst v6  }
0x9b: {  	v5 =	vmul.f32 v15, v5;
	v6 =	vld [tilespmem:s28+$0xF0]  }
0x9c: {  	v8 =	vand.u32 $0xFFFF0000, v8;
	v11 =	vmul.f32 v11, v12;
	v12 =	vld [tilespmem:s28+$0xFFFFFFD0]  }
0x9d: {  	[tilespmem:s10+$0xFFFFFF00] =	vst v5;
	v5 =	vmul.f32 v8, v13;
	v8 =	vld [tilespmem:s28+$0x50]  }
0x9e: {  	v13 =	vld [tilespmem:s22+$0xFFFFFF10];
	[tilespmem:s10+$0xFFFFFF80] =	vst v11;
	v7 =	vmul.f32 v7, v14  }
0x9f: {  	v4 =	vand.u32 $0xFFFF0000, v4;
	v11 =	vld [tilespmem:s22+$0xFFFFFF90];
	[tilespmem:s10+$0x90] =	vst v5;
	v0 =	vmul.f32 v0, v16  }
0xa0: {  	[tilespmem:s10+$0x0] =	vst v7;
	v5 =	vld [tilespmem:s31+$0x90];
	v4 =	vmul.f32 v4, v6  }
0xa1: {  	v6 =	vld [tilespmem:s22+$0xA0];
	[tilespmem:s16+$0xFFFFFF50] =	vst v0;
	v0 =	vmul.f32 v2, v12  }
0xa2: {  	v2 =	vld [tilespmem:s22+$0x10];
	v1 =	vmul.f32 v1, v8;
	[tilespmem:s16+$0xF0] =	vst v4  }
0xa3: {  	v3 =	vmul.f32 v3, v13;
	v4 =	vld [tilespmem:s11+$0xFFFFFF30];
	[tilespmem:s16+$0xFFFFFFD0] =	vst v0  }
0xa4: {  	v0 =	vmul.f32 v9, v11;
	v7 =	vld [tilespmem:s11+$0xFFFFFFB0];
	[tilespmem:s16+$0x50] =	vst v1  }
0xa5: {  	[tilespmem:s10+$0xFFFFFF10] =	vst v3;
	v1 =	vshll.u32 v5, $0x10;
	v3 =	vld [tilespmem:s11+$0x30];
	s11 =	smov.u32 s31  }
0xa6: {  	v8 =	vld [tilespmem:s31+$0xFFFFFF10];
	[tilespmem:s10+$0xFFFFFF90] =	vst v0;
	v0 =	vmul.f32 v1, v6  }
0xa7: {  	v1 =	vld [tilespmem:s31+$0xFFFFFF90];
	v2 =	vmul.f32 v10, v2  }
0xa8: {  	v6 =	vld [tilespmem:s22+$0xFFFFFF20];
	[tilespmem:s10+$0xA0] =	vst v0;
	v0 =	vshll.u32 v4, $0x10;
	v4 =	vand.u32 $0xFFFF0000, v4  }
0xa9: {  	[tilespmem:s10+$0x10] =	vst v2;
	v2 =	vld [tilespmem:s22+$0xB0];
	v9 =	vshll.u32 v7, $0x10;
	v7 =	vand.u32 $0xFFFF0000, v7  }
0xaa: {  	v10 =	vld [tilespmem:s31+$0x10];
	v11 =	vshll.u32 v3, $0x10;
	v12 =	vand.u32 $0xFFFF0000, v3  }
0xab: {  	v3 =	vshll.u32 v8, $0x10;
	v8 =	vand.u32 $0xFFFF0000, v8;
	v13 =	vld [tilespmem:s22+$0xFFFFFFA0]  }
0xac: {  	v14 =	vshll.u32 v1, $0x10;
	v1 =	vand.u32 $0xFFFF0000, v1;
	v15 =	vld [tilespmem:s22+$0x20]  }
0xad: {  	v5 =	vand.u32 $0xFFFF0000, v5;
	v3 =	vmul.f32 v3, v6;
	v6 =	vld [tilespmem:s28+$0xFFFFFF60]  }
0xae: {  	v2 =	vmul.f32 v5, v2;
	v5 =	vld [tilespmem:s28+$0xFFFFFFE0]  }
0xaf: {  	[tilespmem:s10+$0xFFFFFF20] =	vst v3;
	v3 =	vshll.u32 v10, $0x10;
	v10 =	vand.u32 $0xFFFF0000, v10;
	v16 =	vld [tilespmem:s28+$0x60]  }
0xb0: {  	v17 =	vld [tilespmem:s22+$0xFFFFFF30];
	v13 =	vmul.f32 v14, v13;
	[tilespmem:s10+$0xB0] =	vst v2  }
0xb1: {  	v2 =	vmul.f32 v3, v15;
	v14 =	vld [tilespmem:s31+$0xA0]  }
0xb2: {  	[tilespmem:s10+$0xFFFFFFA0] =	vst v13;
	v3 =	vld [tilespmem:s22+$0xC0];
	v0 =	vmul.f32 v0, v6  }
0xb3: {  	v6 =	vld [tilespmem:s22+$0xFFFFFFB0];
	[tilespmem:s10+$0x20] =	vst v2;
	v2 =	vmul.f32 v9, v5  }
0xb4: {  	v5 =	vld [tilespmem:s22+$0x30];
	[tilespmem:s16+$0xFFFFFF60] =	vst v0;
	v0 =	vmul.f32 v11, v16  }
0xb5: {  	v8 =	vmul.f32 v8, v17;
	v9 =	vld [tilespmem:s28+$0xFFFFFF70];
	[tilespmem:s16+$0xFFFFFFE0] =	vst v2  }
0xb6: {  	v2 =	vshll.u32 v14, $0x10;
	v11 =	vld [tilespmem:s28+$0xFFFFFFF0];
	[tilespmem:s16+$0x60] =	vst v0  }
0xb7: {  	[tilespmem:s10+$0xFFFFFF30] =	vst v8;
	v0 =	vmul.f32 v2, v3;
	v8 =	vld [tilespmem:s28+$0x70];
	s28 =	smov.u32 s22  }
0xb8: {  	v13 =	vld [tilespmem:s31+$0xFFFFFF20];
	v1 =	vmul.f32 v1, v6  }
0xb9: {  	v6 =	vld [tilespmem:s22+$0xFFFFFF40];
	v5 =	vmul.f32 v10, v5;
	[tilespmem:s10+$0xC0] =	vst v0  }
.Ltmp4:
0xba: {  	[tilespmem:s10+$0xFFFFFFB0] =	vst v1;
	v3 =	vld [tilespmem:s22+$0xD0];
	v0 =	vmul.f32 v4, v9;
	(pc) =	sbr.rel @p3 .LBB2_3-.Ltmp4, $4  }
0xbb: {  	v2 =	vld [tilespmem:s31+$0xFFFFFFA0];
	[tilespmem:s10+$0x30] =	vst v5;
	v5 =	vmul.f32 v7, v11  }
0xbc: {  	v1 =	vld [tilespmem:s31+$0x20];
	[tilespmem:s16+$0xFFFFFF70] =	vst v0;
	v8 =	vmul.f32 v12, v8  }
0xbd: {  	v7 =	vshll.u32 v13, $0x10;
	v0 =	vand.u32 $0xFFFF0000, v13;
	v4 =	vld [tilespmem:s22+$0xFFFFFFC0];
	[tilespmem:s16+$0xFFFFFFF0] =	vst v5  }
0xbe: {  	s31 =	sadd.s32 $0x200, s31;
	v6 =	vmul.f32 v7, v6;
	v5 =	vld [tilespmem:s22+$0x40];
	v7 =	vand.u32 $0xFFFF0000, v14;
	[tilespmem:s16+$0x70] =	vst v8;
	s16 =	smov.u32 s10  }
0xbf: {  	_ =	sdelay $0x1  }
0xc0: {  	v8 =	vshll.u32 v2, $0x10  }
0xc1: {  	[tilespmem:s10+$0xFFFFFF40] =	vst v6;
	v4 =	vmul.f32 v8, v4  }
0xc2: {  	v47 =	vshll.u32 v1, $0x10;
	v48 =	vld [tilespmem:s28+$0xFFFFFF50]  }
0xc3: {  	v5 =	vmul.f32 v47, v5;
	[tilespmem:s10+$0xFFFFFFC0] =	vst v4  }
0xc4: {  	v49 =	vld [tilespmem:s28+$0xFFFFFFD0]  }
0xc5: {  	v3 =	vmul.f32 v7, v3;
	[tilespmem:s10+$0x40] =	vst v5  }
0xc6: {  	v50 =	vld [tilespmem:s28+$0x50]  }
0xc7: {  	[tilespmem:s10+$0xD0] =	vst v3;
	v0 =	vmul.f32 v0, v48  }
0xc8: {  	v51 =	vand.u32 $0xFFFF0000, v2;
	v3 =	vld [tilespmem:s11+$0xB0]  }
0xc9: {  	v53 =	vld [tilespmem:s28+$0xE0];
	[tilespmem:s16+$0xFFFFFF50] =	vst v0;
	v2 =	vmul.f32 v51, v49  }
0xca: {  	v52 =	vand.u32 $0xFFFF0000, v1;
	v55 =	vld [tilespmem:s11+$0xFFFFFF30]  }
0xcb: {  	v56 =	vld [tilespmem:s28+$0xFFFFFF60];
	v54 =	vmul.f32 v52, v50;
	[tilespmem:s16+$0xFFFFFFD0] =	vst v2  }
0xcc: {  	v2 =	vld [tilespmem:s11+$0xFFFFFFB0]  }
0xcd: {  	[tilespmem:s16+$0x50] =	vst v54;
	v57 =	vld [tilespmem:s28+$0xFFFFFFE0]  }
0xce: {  	v0 =	vld [tilespmem:s11+$0x30]  }
0xcf: {  	v58 =	vld [tilespmem:s28+$0x60]  }
0xd0: {  	v59 =	vshll.u32 v3, $0x10  }
0xd1: {  	v4 =	vmul.f32 v59, v53;
	v60 =	vshll.u32 v55, $0x10  }
0xd2: {  	v5 =	vmul.f32 v60, v56;
	v61 =	vshll.u32 v2, $0x10  }
0xd3: {  	[tilespmem:s16+$0xE0] =	vst v4;
	v62 =	vshll.u32 v0, $0x10;
	v6 =	vmul.f32 v61, v57  }
0xd4: {  	v63 =	vld [tilespmem:s28+$0xF0];
	[tilespmem:s16+$0xFFFFFF60] =	vst v5;
	v4 =	vmul.f32 v62, v58  }
0xd5: {  	v5 =	vld [tilespmem:s28+$0xFFFFFF70];
	[tilespmem:s16+$0xFFFFFFE0] =	vst v6  }
0xd6: {  	v6 =	vld [tilespmem:s28+$0xFFFFFFF0];
	[tilespmem:s16+$0x60] =	vst v4  }
0xd7: {  	v4 =	vld [tilespmem:s28+$0x70]  }
0xd8: {  	v3 =	vand.u32 $0xFFFF0000, v3  }
0xd9: {  	v1 =	vand.u32 $0xFFFF0000, v55;
	v3 =	vmul.f32 v3, v63  }
0xda: {  	v2 =	vand.u32 $0xFFFF0000, v2;
	v1 =	vmul.f32 v1, v5  }
0xdb: {  	[tilespmem:s16+$0xF0] =	vst v3;
	v0 =	vand.u32 $0xFFFF0000, v0;
	v2 =	vmul.f32 v2, v6  }
0xdc: {  	[tilespmem:s16+$0xFFFFFF70] =	vst v1;
	v0 =	vmul.f32 v0, v4  }
0xdd: {  	[tilespmem:s16+$0xFFFFFFF0] =	vst v2  }
.Ltmp5:
0xde: {  	[tilespmem:s16+$0x70] =	vst v0;
	(pc) =	sbr.rel @p2 .LBB2_10-.Ltmp5, $4  }
0xdf: {  	_ =	swait.ge [sflag:s1], $0x40  }
0xe0: {  	[sflag:s1] =	ssyncset.done $0x0  }
0xe1: {  	[sflag:s1] =	ssyncadd.s32 $0xFFFFFFC0  }
0xe2: {  	[spmem:s2] =	stream.indirect.scatter.add.f32 [tilespmem:s25], [sflag:$0x7], $0x80, s26, s29, $0xb8;
	[tilespmem:$0x1FE00] =	vst v63  }
.Ltmp6:
0xe3: {  	(pc) =	sbr.rel @p1 .LBB2_9-.Ltmp6, $4  }
0xe4: {  	_ = 	snop  }
0xe5: {  	_ =	swait.ge [sflag:s12], $0x40  }
0xe6: {  	[sflag:s12] =	ssyncset.done $0x0  }
0xe7: {  	[sflag:s12] =	ssyncadd.s32 $0xFFFFFFC0  }
0xe8: {  	s10 =	simm.s32 $0x13E00;
	s31 =	sshll.u32 s21, $0xE  }
0xe9: {  	[tilespmem:s10], [sflag:$0x5] =	stream.indirect.gather [hbm4b:s4+s29], $0x80, s24, s29, $0xb8;
	[tilespmem:$0x1FE00] =	vst v63  }
0xea: {  	s10 =	sadd.s32 s31, s18  }
0xeb: {  	s10 =	sshrl.u32 s10, $0x3  }
0xec: {  	s11 =	simm.s32 $0x17E00;
	p1 =	sgt.u32 s21, $0x4C;
	s10 =	sadd.s32 s5, s10  }
0xed: {  	[tilespmem:s11], [sflag:$0x5] =	stream.linear.gather [hbm4b:s10+s3], $0x2000, $0x38;
	[tilespmem:$0x1FE00] =	vst v63  }
0xee: {  	s10 =	sshll.u32 @!p1 s21, $0x7  }
0xef: {  	s10 =	sadd.s32 @!p1 s10, s19  }
0xf0: {  	s10 =	sshrl.u32 @!p1 s10, $0x3  }
0xf1: {  	s16 =	simm.s32 @!p1 $0x13C80;
	s11 =	simm.s32 @!p1 $0x0;
	s10 =	sadd.s32 @!p1 s6, s10  }
0xf2: {  	[tilespmem:s16], [sflag:$0x2] =	stream.linear.gather @!p1 [hbm4b:s10+s11], $0x40, $0x38;
	[tilespmem:$0x1FE00] =	vst v63  }
0xf3: {  	_ =	swait.ge [sflag:s14], $0x2000  }
0xf4: {  	[sflag:s14] =	ssyncset.done $0x0  }
0xf5: {  	[sflag:s14] =	ssyncadd.s32 $0xFFFFE000  }
0xf6: {  	_ =	swait.ge [sflag:s14], $0x2000  }
0xf7: {  	s9 =	sshll.u32 @!p0 s9, $0x6;
	[sflag:s14] =	ssyncset.done $0x0  }
0xf8: {  	s9 =	sadd.s32 @!p0 s8, s9;
	s10 =	simm.s32 @!p0 $0x8;
	[sflag:s14] =	ssyncadd.s32 $0xFFFFE000  }
0xf9: {  	s9 =	sshrl.u32 @!p0 s9, $0x3;
	_ =	swait.ge @!p0 [sflag:s10], $0x2000  }
0xfa: {  	s9 =	sadd.s32 @!p0 s7, s9;
	[sflag:s10] =	ssyncset.done @!p0 $0x0  }
0xfb: {  	s11 =	simm.s32 @!p0 $0x13D80;
	[sflag:s10] =	ssyncadd.s32 @!p0 $0xFFFFE000;
	s10 =	simm.s32 @!p0 $0x0  }
0xfc: {  	[tilespmem:s11], [sflag:$0x4] =	stream.linear.gather @!p0 [hbm4b:s9+s10], $0x40, $0x38;
	[tilespmem:$0x1FE00] =	vst v63  }
0xfd: {  	s9 =	simm.s32 $0x19F00  }
0xfe: {  	s11 =	simm.s32 $0x15F00;
	v0 =	vld [tilespmem:s9+$0x80]  }
0xff: {  	v1 =	vld [tilespmem:s11+$0x80];
	_ =	sdelay $0x2  }
0x100: {  	v2 =	vld [tilespmem:s9+$0xFFFFFF80]  }
0x101: {  	v4 =	vld [tilespmem:s9+$0xFFFFFF00];
	v3 =	vshll.u32 v0, $0x10  }
0x102: {  	v5 =	vld [tilespmem:s11+$0xFFFFFF80];
	v1 =	vmul.f32 v3, v1  }
0x103: {  	s10 =	simm.s32 $0x1DF00;
	v3 =	vld [tilespmem:s11+$0xFFFFFF00]  }
0x104: {  	[tilespmem:s10+$0x80] =	vst v1  }
0x105: {  	v1 =	vld [tilespmem:s11+$0x90]  }
0x106: {  	v6 =	vld [tilespmem:s9+$0x0];
	v9 =	vshll.u32 v2, $0x10  }
0x107: {  	v7 =	vld [tilespmem:s11+$0x0];
	v8 =	vshll.u32 v4, $0x10;
	v5 =	vmul.f32 v9, v5  }
0x108: {  	v3 =	vmul.f32 v8, v3  }
0x109: {  	v0 =	vand.u32 $0xFFFF0000, v0;
	[tilespmem:s10+$0xFFFFFF80] =	vst v5  }
0x10a: {  	v5 =	vld [tilespmem:s11+$0xFFFFFF90];
	[tilespmem:s10+$0xFFFFFF00] =	vst v3;
	v0 =	vmul.f32 v0, v1  }
0x10b: {  	v1 =	vshll.u32 v6, $0x10;
	v3 =	vld [tilespmem:s11+$0xFFFFFF10]  }
0x10c: {  	v1 =	vmul.f32 v1, v7;
	[tilespmem:s10+$0x90] =	vst v0  }
0x10d: {  	v0 =	vld [tilespmem:s9+$0x90]  }
0x10e: {  	v2 =	vand.u32 $0xFFFF0000, v2;
	[tilespmem:s10+$0x0] =	vst v1;
	v1 =	vld [tilespmem:s11+$0xA0]  }
0x10f: {  	v4 =	vand.u32 $0xFFFF0000, v4;
	v2 =	vmul.f32 v2, v5  }
0x110: {  	v7 =	vld [tilespmem:s11+$0x10];
	v3 =	vmul.f32 v4, v3  }
0x111: {  	[tilespmem:s10+$0xFFFFFF90] =	vst v2  }
0x112: {  	[tilespmem:s10+$0xFFFFFF10] =	vst v3;
	v3 =	vshll.u32 v0, $0x10  }
0x113: {  	v2 =	vld [tilespmem:s9+$0xFFFFFF90];
	v1 =	vmul.f32 v3, v1  }
0x114: {  	v4 =	vand.u32 $0xFFFF0000, v6;
	v5 =	vld [tilespmem:s9+$0xFFFFFF10]  }
0x115: {  	v3 =	vmul.f32 v4, v7;
	v4 =	vld [tilespmem:s11+$0xFFFFFF20];
	[tilespmem:s10+$0xA0] =	vst v1  }
0x116: {  	v1 =	vld [tilespmem:s11+$0xB0]  }
0x117: {  	v6 =	vld [tilespmem:s11+$0xFFFFFFA0];
	[tilespmem:s10+$0x10] =	vst v3  }
0x118: {  	v3 =	vld [tilespmem:s9+$0x10]  }
0x119: {  	v8 =	vld [tilespmem:s11+$0x20];
	v7 =	vshll.u32 v5, $0x10  }
0x11a: {  	v0 =	vand.u32 $0xFFFF0000, v0;
	v4 =	vmul.f32 v7, v4  }
0x11b: {  	v0 =	vmul.f32 v0, v1  }
0x11c: {  	[tilespmem:s10+$0xFFFFFF20] =	vst v4;
	v1 =	vshll.u32 v2, $0x10  }
0x11d: {  	v4 =	vshll.u32 v3, $0x10;
	v7 =	vld [tilespmem:s11+$0xFFFFFF30];
	v1 =	vmul.f32 v1, v6;
	[tilespmem:s10+$0xB0] =	vst v0  }
0x11e: {  	v0 =	vmul.f32 v4, v8;
	v8 =	vld [tilespmem:s9+$0xA0]  }
0x11f: {  	[tilespmem:s10+$0xFFFFFFA0] =	vst v1;
	v1 =	vld [tilespmem:s11+$0xC0]  }
0x120: {  	v4 =	vld [tilespmem:s11+$0xFFFFFFB0];
	[tilespmem:s10+$0x20] =	vst v0  }
0x121: {  	v0 =	vand.u32 $0xFFFF0000, v5;
	v5 =	vld [tilespmem:s11+$0x30]  }
0x122: {  	v0 =	vmul.f32 v0, v7  }
0x123: {  	v6 =	vshll.u32 v8, $0x10  }
0x124: {  	v2 =	vand.u32 $0xFFFF0000, v2;
	[tilespmem:s10+$0xFFFFFF30] =	vst v0;
	v0 =	vmul.f32 v6, v1  }
0x125: {  	v1 =	vand.u32 $0xFFFF0000, v3;
	v6 =	vld [tilespmem:s9+$0xFFFFFF20];
	v2 =	vmul.f32 v2, v4  }
0x126: {  	v7 =	vld [tilespmem:s11+$0xFFFFFF40];
	v1 =	vmul.f32 v1, v5;
	[tilespmem:s10+$0xC0] =	vst v0  }
0x127: {  	[tilespmem:s10+$0xFFFFFFB0] =	vst v2;
	v3 =	vld [tilespmem:s11+$0xD0]  }
0x128: {  	v2 =	vld [tilespmem:s9+$0xFFFFFFA0];
	[tilespmem:s10+$0x30] =	vst v1  }
0x129: {  	v1 =	vld [tilespmem:s9+$0x20]  }
0x12a: {  	s28 =	simm.s32 $0x0;
	v4 =	vld [tilespmem:s11+$0xFFFFFFC0];
	v5 =	vshll.u32 v6, $0x10  }
0x12b: {  	s30 =	simm.s32 $0x1A100;
	s22 =	simm.s32 $0x15F00;
	s16 =	simm.s32 $0x1DF00;
	v0 =	vand.u32 $0xFFFF0000, v6;
	v6 =	vmul.f32 v5, v7;
	v5 =	vld [tilespmem:s11+$0x40];
	v7 =	vand.u32 $0xFFFF0000, v8  }
.LBB2_7:
0x12c: {  	v8 =	vld [tilespmem:s30+$0x80];
	s28 =	sadd.s32 $0x4, s28;
	v3 =	vmul.f32 v7, v3;
	s11 =	sadd.s32 $0x200, s11  }
0x12d: {  	v7 =	vld [tilespmem:s11+$0x80];
	p0 =	slt.u32 s28, $0x3C;
	[tilespmem:s10+$0xFFFFFF40] =	vst v6;
	v6 =	vshll.u32 v2, $0x10;
	v2 =	vand.u32 $0xFFFF0000, v2  }
0x12e: {  	v9 =	vld [tilespmem:s30+$0xFFFFFF80];
	v10 =	vshll.u32 v1, $0x10;
	v1 =	vand.u32 $0xFFFF0000, v1;
	[tilespmem:s10+$0xD0] =	vst v3  }
0x12f: {  	v3 =	vmul.f32 v6, v4;
	v4 =	vld [tilespmem:s9+$0xB0]  }
0x130: {  	v5 =	vmul.f32 v10, v5;
	v6 =	vld [tilespmem:s22+$0xE0]  }
0x131: {  	v10 =	vld [tilespmem:s30+$0x0];
	v11 =	vshll.u32 v8, $0x10;
	[tilespmem:s10+$0xFFFFFFC0] =	vst v3  }
0x132: {  	v3 =	vld [tilespmem:s30+$0xFFFFFF00];
	v7 =	vmul.f32 v11, v7;
	[tilespmem:s10+$0x40] =	vst v5  }
0x133: {  	s10 =	sadd.s32 $0x200, s10;
	v5 =	vld [tilespmem:s11+$0xFFFFFF00];
	v11 =	vshll.u32 v9, $0x10;
	v9 =	vand.u32 $0xFFFF0000, v9  }
0x134: {  	v12 =	vld [tilespmem:s11+$0xFFFFFF80];
	[tilespmem:s10+$0x80] =	vst v7;
	v7 =	vshll.u32 v4, $0x10  }
0x135: {  	v13 =	vld [tilespmem:s11+$0x90];
	v6 =	vmul.f32 v7, v6  }
0x136: {  	v7 =	vshll.u32 v10, $0x10;
	v10 =	vand.u32 $0xFFFF0000, v10;
	v14 =	vld [tilespmem:s11+$0x0]  }
0x137: {  	v15 =	vshll.u32 v3, $0x10;
	v3 =	vand.u32 $0xFFFF0000, v3;
	v16 =	vld [tilespmem:s22+$0xFFFFFF50];
	[tilespmem:s16+$0xE0] =	vst v6  }
0x138: {  	v5 =	vmul.f32 v15, v5;
	v6 =	vld [tilespmem:s22+$0xF0]  }
0x139: {  	v8 =	vand.u32 $0xFFFF0000, v8;
	v11 =	vmul.f32 v11, v12;
	v12 =	vld [tilespmem:s22+$0xFFFFFFD0]  }
0x13a: {  	[tilespmem:s10+$0xFFFFFF00] =	vst v5;
	v5 =	vmul.f32 v8, v13;
	v8 =	vld [tilespmem:s22+$0x50]  }
0x13b: {  	v13 =	vld [tilespmem:s11+$0xFFFFFF10];
	[tilespmem:s10+$0xFFFFFF80] =	vst v11;
	v7 =	vmul.f32 v7, v14  }
0x13c: {  	v4 =	vand.u32 $0xFFFF0000, v4;
	v11 =	vld [tilespmem:s11+$0xFFFFFF90];
	[tilespmem:s10+$0x90] =	vst v5;
	v0 =	vmul.f32 v0, v16  }
0x13d: {  	[tilespmem:s10+$0x0] =	vst v7;
	v5 =	vld [tilespmem:s30+$0x90];
	v4 =	vmul.f32 v4, v6  }
0x13e: {  	v6 =	vld [tilespmem:s11+$0xA0];
	[tilespmem:s16+$0xFFFFFF50] =	vst v0;
	v0 =	vmul.f32 v2, v12  }
0x13f: {  	v2 =	vld [tilespmem:s11+$0x10];
	v1 =	vmul.f32 v1, v8;
	[tilespmem:s16+$0xF0] =	vst v4  }
0x140: {  	v3 =	vmul.f32 v3, v13;
	v4 =	vld [tilespmem:s9+$0xFFFFFF30];
	[tilespmem:s16+$0xFFFFFFD0] =	vst v0  }
0x141: {  	v0 =	vmul.f32 v9, v11;
	v7 =	vld [tilespmem:s9+$0xFFFFFFB0];
	[tilespmem:s16+$0x50] =	vst v1  }
0x142: {  	[tilespmem:s10+$0xFFFFFF10] =	vst v3;
	v1 =	vshll.u32 v5, $0x10;
	v3 =	vld [tilespmem:s9+$0x30];
	s9 =	smov.u32 s30  }
0x143: {  	v8 =	vld [tilespmem:s30+$0xFFFFFF10];
	[tilespmem:s10+$0xFFFFFF90] =	vst v0;
	v0 =	vmul.f32 v1, v6  }
0x144: {  	v1 =	vld [tilespmem:s30+$0xFFFFFF90];
	v2 =	vmul.f32 v10, v2  }
0x145: {  	v6 =	vld [tilespmem:s11+$0xFFFFFF20];
	[tilespmem:s10+$0xA0] =	vst v0;
	v0 =	vshll.u32 v4, $0x10;
	v4 =	vand.u32 $0xFFFF0000, v4  }
0x146: {  	[tilespmem:s10+$0x10] =	vst v2;
	v2 =	vld [tilespmem:s11+$0xB0];
	v9 =	vshll.u32 v7, $0x10;
	v7 =	vand.u32 $0xFFFF0000, v7  }
0x147: {  	v10 =	vld [tilespmem:s30+$0x10];
	v11 =	vshll.u32 v3, $0x10;
	v12 =	vand.u32 $0xFFFF0000, v3  }
0x148: {  	v3 =	vshll.u32 v8, $0x10;
	v8 =	vand.u32 $0xFFFF0000, v8;
	v13 =	vld [tilespmem:s11+$0xFFFFFFA0]  }
0x149: {  	v14 =	vshll.u32 v1, $0x10;
	v1 =	vand.u32 $0xFFFF0000, v1;
	v15 =	vld [tilespmem:s11+$0x20]  }
0x14a: {  	v5 =	vand.u32 $0xFFFF0000, v5;
	v3 =	vmul.f32 v3, v6;
	v6 =	vld [tilespmem:s22+$0xFFFFFF60]  }
0x14b: {  	v2 =	vmul.f32 v5, v2;
	v5 =	vld [tilespmem:s22+$0xFFFFFFE0]  }
0x14c: {  	[tilespmem:s10+$0xFFFFFF20] =	vst v3;
	v3 =	vshll.u32 v10, $0x10;
	v10 =	vand.u32 $0xFFFF0000, v10;
	v16 =	vld [tilespmem:s22+$0x60]  }
0x14d: {  	v17 =	vld [tilespmem:s11+$0xFFFFFF30];
	v13 =	vmul.f32 v14, v13;
	[tilespmem:s10+$0xB0] =	vst v2  }
0x14e: {  	v2 =	vmul.f32 v3, v15;
	v14 =	vld [tilespmem:s30+$0xA0]  }
0x14f: {  	[tilespmem:s10+$0xFFFFFFA0] =	vst v13;
	v3 =	vld [tilespmem:s11+$0xC0];
	v0 =	vmul.f32 v0, v6  }
0x150: {  	v6 =	vld [tilespmem:s11+$0xFFFFFFB0];
	[tilespmem:s10+$0x20] =	vst v2;
	v2 =	vmul.f32 v9, v5  }
0x151: {  	v5 =	vld [tilespmem:s11+$0x30];
	[tilespmem:s16+$0xFFFFFF60] =	vst v0;
	v0 =	vmul.f32 v11, v16  }
0x152: {  	v8 =	vmul.f32 v8, v17;
	v9 =	vld [tilespmem:s22+$0xFFFFFF70];
	[tilespmem:s16+$0xFFFFFFE0] =	vst v2  }
0x153: {  	v2 =	vshll.u32 v14, $0x10;
	v11 =	vld [tilespmem:s22+$0xFFFFFFF0];
	[tilespmem:s16+$0x60] =	vst v0  }
0x154: {  	[tilespmem:s10+$0xFFFFFF30] =	vst v8;
	v0 =	vmul.f32 v2, v3;
	v8 =	vld [tilespmem:s22+$0x70];
	s22 =	smov.u32 s11  }
0x155: {  	v13 =	vld [tilespmem:s30+$0xFFFFFF20];
	v1 =	vmul.f32 v1, v6  }
0x156: {  	v6 =	vld [tilespmem:s11+$0xFFFFFF40];
	v5 =	vmul.f32 v10, v5;
	[tilespmem:s10+$0xC0] =	vst v0  }
.Ltmp7:
0x157: {  	[tilespmem:s10+$0xFFFFFFB0] =	vst v1;
	v3 =	vld [tilespmem:s11+$0xD0];
	v0 =	vmul.f32 v4, v9;
	(pc) =	sbr.rel @p0 .LBB2_7-.Ltmp7, $4  }
0x158: {  	v2 =	vld [tilespmem:s30+$0xFFFFFFA0];
	[tilespmem:s10+$0x30] =	vst v5;
	v5 =	vmul.f32 v7, v11  }
0x159: {  	v1 =	vld [tilespmem:s30+$0x20];
	[tilespmem:s16+$0xFFFFFF70] =	vst v0;
	v8 =	vmul.f32 v12, v8  }
0x15a: {  	v7 =	vshll.u32 v13, $0x10;
	v0 =	vand.u32 $0xFFFF0000, v13;
	v4 =	vld [tilespmem:s11+$0xFFFFFFC0];
	[tilespmem:s16+$0xFFFFFFF0] =	vst v5  }
0x15b: {  	s30 =	sadd.s32 $0x200, s30;
	v6 =	vmul.f32 v7, v6;
	v5 =	vld [tilespmem:s11+$0x40];
	v7 =	vand.u32 $0xFFFF0000, v14;
	[tilespmem:s16+$0x70] =	vst v8;
	s16 =	smov.u32 s10  }
0x15c: {  	_ =	sdelay $0x1  }
0x15d: {  	v8 =	vshll.u32 v2, $0x10  }
0x15e: {  	[tilespmem:s10+$0xFFFFFF40] =	vst v6;
	v4 =	vmul.f32 v8, v4  }
0x15f: {  	v47 =	vshll.u32 v1, $0x10;
	v48 =	vld [tilespmem:s22+$0xFFFFFF50]  }
0x160: {  	v5 =	vmul.f32 v47, v5;
	[tilespmem:s10+$0xFFFFFFC0] =	vst v4  }
0x161: {  	v49 =	vld [tilespmem:s22+$0xFFFFFFD0]  }
0x162: {  	v3 =	vmul.f32 v7, v3;
	[tilespmem:s10+$0x40] =	vst v5  }
0x163: {  	v50 =	vld [tilespmem:s22+$0x50]  }
0x164: {  	[tilespmem:s10+$0xD0] =	vst v3;
	v0 =	vmul.f32 v0, v48  }
0x165: {  	v51 =	vand.u32 $0xFFFF0000, v2;
	v3 =	vld [tilespmem:s9+$0xB0]  }
0x166: {  	v53 =	vld [tilespmem:s22+$0xE0];
	[tilespmem:s16+$0xFFFFFF50] =	vst v0;
	v2 =	vmul.f32 v51, v49  }
0x167: {  	v52 =	vand.u32 $0xFFFF0000, v1;
	v55 =	vld [tilespmem:s9+$0xFFFFFF30]  }
0x168: {  	v56 =	vld [tilespmem:s22+$0xFFFFFF60];
	v54 =	vmul.f32 v52, v50;
	[tilespmem:s16+$0xFFFFFFD0] =	vst v2  }
0x169: {  	v2 =	vld [tilespmem:s9+$0xFFFFFFB0]  }
0x16a: {  	[tilespmem:s16+$0x50] =	vst v54;
	v57 =	vld [tilespmem:s22+$0xFFFFFFE0]  }
0x16b: {  	v0 =	vld [tilespmem:s9+$0x30]  }
0x16c: {  	v58 =	vld [tilespmem:s22+$0x60]  }
0x16d: {  	v59 =	vshll.u32 v3, $0x10  }
0x16e: {  	v4 =	vmul.f32 v59, v53;
	v60 =	vshll.u32 v55, $0x10  }
0x16f: {  	v5 =	vmul.f32 v60, v56;
	v61 =	vshll.u32 v2, $0x10  }
0x170: {  	[tilespmem:s16+$0xE0] =	vst v4;
	v62 =	vshll.u32 v0, $0x10;
	v6 =	vmul.f32 v61, v57  }
0x171: {  	v63 =	vld [tilespmem:s22+$0xF0];
	[tilespmem:s16+$0xFFFFFF60] =	vst v5;
	v4 =	vmul.f32 v62, v58  }
0x172: {  	v5 =	vld [tilespmem:s22+$0xFFFFFF70];
	[tilespmem:s16+$0xFFFFFFE0] =	vst v6  }
0x173: {  	v6 =	vld [tilespmem:s22+$0xFFFFFFF0];
	[tilespmem:s16+$0x60] =	vst v4  }
0x174: {  	v4 =	vld [tilespmem:s22+$0x70]  }
0x175: {  	v3 =	vand.u32 $0xFFFF0000, v3  }
0x176: {  	v1 =	vand.u32 $0xFFFF0000, v55;
	v3 =	vmul.f32 v3, v63  }
0x177: {  	v2 =	vand.u32 $0xFFFF0000, v2;
	v1 =	vmul.f32 v1, v5  }
0x178: {  	[tilespmem:s16+$0xF0] =	vst v3;
	v0 =	vand.u32 $0xFFFF0000, v0;
	v2 =	vmul.f32 v2, v6  }
0x179: {  	[tilespmem:s16+$0xFFFFFF70] =	vst v1;
	v0 =	vmul.f32 v0, v4  }
0x17a: {  	[tilespmem:s16+$0xFFFFFFF0] =	vst v2  }
0x17b: {  	[tilespmem:s16+$0x70] =	vst v0  }
0x17c: {  	_ =	swait.ge [sflag:s15], $0x40  }
0x17d: {  	s30 =	simm.s32 $0x13D80;
	s31 =	simm.s32 $0x1DE00;
	[sflag:s15] =	ssyncset.done $0x0  }
.Ltmp8:
0x17e: {  	s9 =	simm.s32 @!p1 $0x2;
	[sflag:s15] =	ssyncadd.s32 $0xFFFFFFC0;
	(pc) =	sbr.rel .LBB2_9-.Ltmp8, $4  }
0x17f: {  	[spmem:s2] =	stream.indirect.scatter.add.f32 [tilespmem:s31], [sflag:$0x8], $0x80, s30, s29, $0xb8;
	[tilespmem:$0x1FE00] =	vst v63  }
0x180: {  	_ =	swait.ge @!p1 [sflag:s9], $0x40  }
0x181: {  	[sflag:s9] =	ssyncset.done @!p1 $0x0  }
0x182: {  	[sflag:s9] =	ssyncadd.s32 @!p1 $0xFFFFFFC0  }
.LBB2_11:
0x183: {  	_ =	sfence.sel $0x180000  }
0x184: {  	[bflag:$0x0] =	sbarrier.arrive $0xFFFF  }
0x185: {  	_ =	strace $0x9000004D  }
0x186: {  	s0 =	stileid.u32;
	[bflag:$0x2] =	sbarrier.arrive $0xFFFF  }
0x187: {  	p0 =	sne.s32 s0, $0x0;
	s0 =	rddreg [dreg:$0x2]  }
0x188: {  	s0 =	sadd.s32 @!p0 $0x100000, s0  }
0x189: {  	[sflag:s0] =	ssyncadd.tile.s32 @!p0 $0x1;
	_ =	shalt  }
.Lfunc_end2:
_tile_overlayer_lowered:
.L_overlay_start_2:
0x18a: {  	(tag) =	ssettag $0x2  }
0x18b: {  	s0 =	rddreg [dreg:$0x0];
	s2 =	stileid.u32  }
0x18c: {  	s1 =	rddreg [dreg:$0x1];
	p0 =	sne.s32 s2, $0x0  }
0x18d: {  	s3 =	rddreg [dreg:$0x2];
	[bflag:$0x3] =	sbarrier.arrive $0xFFFF;
	s2 =	simm.s32 @!p0 $0x1C09  }
0x18e: {  	[timem:s3], [sflag:s2] =	dma.local @!p0 [hbm:s0], s1  }
0x18f: {  	s0 =	simm.s32 @!p0 $0x9  }
0x190: {  	_ =	swait.ge @!p0 [sflag:s0], s1  }
0x191: {  	s1 =	ssub.s32 @!p0 $0x0, s1;
	[sflag:s0] =	ssyncset.done @!p0 $0x0  }
0x192: {  	[sflag:s0] =	ssyncadd.s32 @!p0 s1  }
0x193: {  	[bflag:$0x3] =	sbarrier.arrive $0xFFFF  }
0x194: {  	_ =	shalt  }

</sc_bundles>
